<compile_context>
chip_gen: v7x
topology: tpu7x:2x2x1
jax: 0.10.2.dev20260603
libtpu: 0.0.44.dev20260713+nightly
codegen_flags: <defaults>
</compile_context>

<pallas_src>
import jax
import jax.numpy as jnp
from jax import lax
from jax.experimental import pallas as pl
from jax.experimental.pallas import tpu as pltpu
from jax.experimental.pallas import tpu_sc as plsc

N = 10000
NP = 10240
EB = 128
NW = 32
RT = NP // 16
DEGW = 16

_f32 = jnp.float32




def _make_seg(D, rt, ch, eb, nb, with_deg):
    nchunk = rt // ch
    nround = ch // nb
    mesh = plsc.VectorSubcoreMesh(core_axis_name="c", subcore_axis_name="s")
    out_type = [jax.ShapeDtypeStruct((2, NP, D), _f32)]
    scratch = [
        pltpu.VMEM((ch, eb), jnp.int32),
        pltpu.VMEM((ch, eb), jnp.int32),
    ]
    scratch += [pltpu.VMEM((eb, D), _f32) for _ in range(nb)]
    scratch += [pltpu.VMEM_SHARED((NP, D), _f32)]
    scratch += [pltpu.SemaphoreType.DMA for _ in range(2 * nb)]
    if with_deg:
        out_type.append(jax.ShapeDtypeStruct((2, NP, DEGW), _f32))
        scratch += [
            pltpu.VMEM((eb, DEGW), _f32),
            pltpu.VMEM_SHARED((NP, DEGW), _f32),
        ]
        scratch += [pltpu.SemaphoreType.DMA for _ in range(nb)]

    def body(table, srci, dsti, zeros_f, *rest):
        if with_deg:
            (zeros_d, ones_h, aggp, degp, src_v, dst_v, *more) = rest
        else:
            (aggp, src_v, dst_v, *more) = rest
        fb = more[:nb]
        acc = more[nb]
        sem_g = more[nb + 1:2 * nb + 1]
        sem_s = more[2 * nb + 1:3 * nb + 1]
        if with_deg:
            ones_v, dacc = more[3 * nb + 1:3 * nb + 3]
            sem_d = more[3 * nb + 3:]
        c = lax.axis_index("c")
        s = lax.axis_index("s")
        pltpu.sync_copy(zeros_f.at[pl.ds(s * RT, RT)], acc.at[pl.ds(s * RT, RT)])
        if with_deg:
            pltpu.sync_copy(zeros_d.at[pl.ds(s * RT, RT)],
                            dacc.at[pl.ds(s * RT, RT)])
            pltpu.sync_copy(ones_h, ones_v)
        plsc.subcore_barrier()

        base = (c * 16 + s) * rt

        def wait_and_scatter(j, b):
            pltpu.make_async_copy(table.at[src_v.at[j]], fb[b], sem_g[b]).wait()
            pltpu.async_copy(fb[b], acc.at[dst_v.at[j]], sem_s[b], add=True)
            if with_deg:
                pltpu.async_copy(ones_v, dacc.at[dst_v.at[j]], sem_d[b],
                                 add=True)

        def drain(j, b):
            pltpu.make_async_copy(fb[b], acc.at[dst_v.at[j]], sem_s[b]).wait()
            if with_deg:
                pltpu.make_async_copy(ones_v, dacc.at[dst_v.at[j]],
                                      sem_d[b]).wait()

        def chunk_body(cc, carry):
            row0 = base + cc * ch
            pltpu.sync_copy(srci.at[pl.ds(row0, ch)], src_v)
            pltpu.sync_copy(dsti.at[pl.ds(row0, ch)], dst_v)
            for b in range(nb):
                pltpu.async_copy(table.at[src_v.at[b]], fb[b], sem_g[b])

            def round_body(r, carry2):
                j0 = r * nb
                for b in range(nb):
                    wait_and_scatter(j0 + b, b)
                for b in range(nb):
                    drain(j0 + b, b)
                    pltpu.async_copy(table.at[src_v.at[j0 + nb + b]],
                                     fb[b], sem_g[b])
                return carry2

            lax.fori_loop(0, nround - 1, round_body, 0)
            j0 = (nround - 1) * nb
            for b in range(nb):
                wait_and_scatter(j0 + b, b)
            for b in range(nb):
                drain(j0 + b, b)
            return carry

        lax.fori_loop(0, nchunk, chunk_body, 0)
        plsc.subcore_barrier()
        pltpu.sync_copy(acc.at[pl.ds(s * RT, RT)], aggp.at[c, pl.ds(s * RT, RT)])
        if with_deg:
            pltpu.sync_copy(dacc.at[pl.ds(s * RT, RT)],
                            degp.at[c, pl.ds(s * RT, RT)])

    return pl.kernel(body, out_type=out_type, mesh=mesh, scratch_types=scratch,
                     compiler_params=pltpu.CompilerParams(
                         use_tc_tiling_on_sc=False))


def _rows(i):
    return (i, 0)


def _rows3(i):
    return (0, i, 0)


def _full(i):
    return (0, 0)


def _deg_of(degp_ref):
    return degp_ref[0, :, 0:1] + degp_ref[1, :, 0:1]


def _stage2_body(aggp_ref, degp_ref, x_ref, wl1t_ref, wr1t_ref, bl1_ref,
                 wl2t_ref, wr2t_ref, hl2_ref, hr2_ref):
    deg = _deg_of(degp_ref)
    mean = (aggp_ref[0] + aggp_ref[1]) / jnp.maximum(deg, 1.0)
    h = jnp.dot(mean, wl1t_ref[...], preferred_element_type=_f32)
    h += jnp.dot(x_ref[...], wr1t_ref[...], preferred_element_type=_f32)
    h = jnp.maximum(h + bl1_ref[...], 0.0)
    hl2_ref[...] = jnp.dot(h, wl2t_ref[...], preferred_element_type=_f32)
    hr2_ref[...] = jnp.dot(h, wr2t_ref[...], preferred_element_type=_f32)


def _stage2(agg1p, degp, x, wl1t, wr1t, bl1, wl2t, wr2t, n):
    br = n // 10
    return pl.pallas_call(
        _stage2_body,
        grid=(10,),
        in_specs=[
            pl.BlockSpec((2, br, 128), _rows3),
            pl.BlockSpec((2, br, DEGW), _rows3),
            pl.BlockSpec((br, 128), _rows),
            pl.BlockSpec((128, 128), _full),
            pl.BlockSpec((128, 128), _full),
            pl.BlockSpec((1, 128), _full),
            pl.BlockSpec((128, 40), _full),
            pl.BlockSpec((128, 40), _full),
        ],
        out_specs=[pl.BlockSpec((br, 40), _rows)] * 2,
        out_shape=[jax.ShapeDtypeStruct((n, 40), _f32)] * 2,
    )(agg1p, degp, x, wl1t, wr1t, bl1, wl2t, wr2t)


def _stage3_body(aggp_ref, degp_ref, hr2_ref, wgt_ref, bl2_ref, y_ref):
    deg = _deg_of(degp_ref)
    mean = (aggp_ref[0] + aggp_ref[1]) / jnp.maximum(deg, 1.0)
    h2 = jnp.maximum(mean + bl2_ref[...] + hr2_ref[...], 0.0)
    dinv = lax.rsqrt(deg + 1.0)
    y_ref[...] = jnp.dot(h2, wgt_ref[...], preferred_element_type=_f32) * dinv


def _stage3(agg2p, degp, hr2, wgt, bl2, n):
    br = n // 10
    return pl.pallas_call(
        _stage3_body,
        grid=(10,),
        in_specs=[
            pl.BlockSpec((2, br, 40), _rows3),
            pl.BlockSpec((2, br, DEGW), _rows3),
            pl.BlockSpec((br, 40), _rows),
            pl.BlockSpec((40, 40), _full),
            pl.BlockSpec((1, 40), _full),
        ],
        out_specs=pl.BlockSpec((br, 40), _rows),
        out_shape=jax.ShapeDtypeStruct((n, 40), _f32),
    )(agg2p, degp, hr2, wgt, bl2)


def _stage4_body(aggp_ref, degp_ref, y_ref, bg_ref, o_ref):
    deg = _deg_of(degp_ref)
    dinv = lax.rsqrt(deg + 1.0)
    o_ref[...] = dinv * (aggp_ref[0] + aggp_ref[1] + y_ref[...]) + bg_ref[...]


def _stage4(agggp, degp, y, bg, n):
    br = n // 10
    return pl.pallas_call(
        _stage4_body,
        grid=(10,),
        in_specs=[
            pl.BlockSpec((2, br, 40), _rows3),
            pl.BlockSpec((2, br, DEGW), _rows3),
            pl.BlockSpec((br, 40), _rows),
            pl.BlockSpec((1, 40), _full),
        ],
        out_specs=pl.BlockSpec((br, 40), _rows),
        out_shape=jax.ShapeDtypeStruct((n, 40), _f32),
    )(agggp, degp, y, bg)


def kernel(x, edge_index, Wl1, bl1, Wr1, Wl2, bl2, Wr2, Wg, bg):
    n, f_in = x.shape
    e = edge_index.shape[1]
    er = -(-e // EB)
    er_pad = -(-er // (NW * 8)) * (NW * 8)
    rw = er_pad // NW
    pad_e = er_pad * EB - e

    lane = jnp.arange(pad_e, dtype=jnp.int32) % EB
    src = jnp.concatenate([edge_index[0], lane]).reshape(er_pad, EB)
    dst = jnp.concatenate([edge_index[1], lane + n]).reshape(er_pad, EB)

    zeros128 = jnp.zeros((NP, 128), _f32)
    zeros40 = jnp.zeros((NP, 40), _f32)
    zeros_d = jnp.zeros((NP, DEGW), _f32)
    ones_h32 = jnp.ones((32, DEGW), _f32)

    src32 = src.reshape(er_pad * 4, 32)
    dst32 = dst.reshape(er_pad * 4, 32)
    rt1 = (er_pad * 4) // NW
    seg128 = _make_seg(128, rt1, rt1 // 5, 32, 8, with_deg=True)
    seg40 = _make_seg(40, rw, rw, EB, 8, with_deg=False)

    agg1p, degp = seg128(x, src32, dst32, zeros128, zeros_d, ones_h32)
    hl2, hr2 = _stage2(agg1p, degp, x, Wl1.T, Wr1.T, bl1.reshape(1, 128),
                       Wl2.T, Wr2.T, n)
    (agg2p,) = seg40(hl2, src, dst, zeros40)
    y = _stage3(agg2p, degp, hr2, Wg.T, bl2.reshape(1, 40), n)
    (agggp,) = seg40(y, src, dst, zeros40)
    return _stage4(agggp, degp, y, bg.reshape(1, 40), n)

# --- scband reference (transcript-rebuilt; emitter-appended) ---
"""Pipeline reference for scband-adsage-7232724927264 (READ-ONLY COPY).

The authoritative reference and input builder live on the scoring server;
editing this copy changes nothing except your own understanding.
"""

import jax, jax.numpy as jnp
import numpy as np

N = 10000
E = 320000
F_IN = 128
HID = 128
NCLS = 40


def setup_inputs(seed: int = 0) -> dict:
    key = jax.random.key(seed)
    ks = jax.random.split(key, 12)
    x = jax.random.normal(ks[0], (N, F_IN), dtype=jnp.float32)
    edge_index = jax.random.randint(ks[1], (2, E), 0, N, dtype=jnp.int32)
    # SAGEConv layer 1: lin_l (neighbor agg, with bias), lin_r (root, no bias)
    Wl1 = jax.random.normal(ks[2], (HID, F_IN), dtype=jnp.float32) / np.sqrt(F_IN)
    bl1 = jnp.zeros((HID,), dtype=jnp.float32)
    Wr1 = jax.random.normal(ks[3], (HID, F_IN), dtype=jnp.float32) / np.sqrt(F_IN)
    # SAGEConv layer 2
    Wl2 = jax.random.normal(ks[4], (NCLS, HID), dtype=jnp.float32) / np.sqrt(HID)
    bl2 = jnp.zeros((NCLS,), dtype=jnp.float32)
    Wr2 = jax.random.normal(ks[5], (NCLS, HID), dtype=jnp.float32) / np.sqrt(HID)
    # GCNConv
    Wg = jax.random.normal(ks[6], (NCLS, NCLS), dtype=jnp.float32) / np.sqrt(NCLS)
    bg = jnp.zeros((NCLS,), dtype=jnp.float32)
    return {"x": x, "edge_index": edge_index, "Wl1": Wl1, "bl1": bl1, "Wr1": Wr1,
            "Wl2": Wl2, "bl2": bl2, "Wr2": Wr2, "Wg": Wg, "bg": bg}


def sage_conv(x, edge_index, Wl, bl, Wr):
    # PyG SAGEConv with mean aggregation: out = lin_l(mean_j x_j) + lin_r(x_i)
    src = edge_index[0]
    dst = edge_index[1]
    msg = jnp.take(x, src, axis=0)
    agg = jax.ops.segment_sum(msg, dst, num_segments=N)
    deg = jax.ops.segment_sum(jnp.ones((edge_index.shape[1],), dtype=x.dtype), dst, num_segments=N)
    mean = agg / jnp.clip(deg, 1.0)[:, None]
    return mean @ Wl.T + bl + x @ Wr.T


def gcn_conv(x, edge_index, W, b):
    # PyG GCNConv: add self-loops, symmetric normalization
    xw = x @ W.T
    src = edge_index[0]
    dst = edge_index[1]
    sl = jnp.arange(N, dtype=src.dtype)
    src2 = jnp.concatenate([src, sl])
    dst2 = jnp.concatenate([dst, sl])
    deg = jax.ops.segment_sum(jnp.ones((src2.shape[0],), dtype=x.dtype), dst2, num_segments=N)
    dinv = jnp.where(deg > 0, 1.0 / jnp.sqrt(deg), 0.0)
    norm = dinv[src2] * dinv[dst2]
    out = jax.ops.segment_sum(jnp.take(xw, src2, axis=0) * norm[:, None], dst2, num_segments=N)
    return out + b


def reference(x, edge_index, Wl1, bl1, Wr1, Wl2, bl2, Wr2, Wg, bg):
    h = jax.nn.relu(sage_conv(x, edge_index, Wl1, bl1, Wr1))
    # F.dropout(training=False) is identity at inference
    h = sage_conv(h, edge_index, Wl2, bl2, Wr2)
    h = jax.nn.relu(h)  # activate='relu'
    return gcn_conv(h, edge_index, Wg, bg)

if __name__ == "__main__":
    import jax
    _d = setup_inputs()
    print(jax.jit(kernel)(*tuple(_d.values())))

</pallas_src>

<mosaic_0001>
#map = affine_map<(d0, d1) -> (0, 0)>
#map1 = affine_map<(d0, d1) -> (0, 0, 0)>
module attributes {stable_mosaic.version = 14 : i64} {
  func.func @body(%arg0: i32, %arg1: i32, %arg2: memref<10000x128xf32, #tpu.memory_space<hbm>>, %arg3: memref<10240x32xi32, #tpu.memory_space<hbm>>, %arg4: memref<10240x32xi32, #tpu.memory_space<hbm>>, %arg5: memref<10240x128xf32, #tpu.memory_space<hbm>>, %arg6: memref<10240x16xf32, #tpu.memory_space<hbm>>, %arg7: memref<32x16xf32, #tpu.memory_space<hbm>>, %arg8: memref<2x10240x128xf32, #tpu.memory_space<hbm>>, %arg9: memref<2x10240x16xf32, #tpu.memory_space<hbm>>, %arg10: memref<64x32xi32, #tpu.memory_space<vmem>>, %arg11: memref<64x32xi32, #tpu.memory_space<vmem>>, %arg12: memref<32x128xf32, #tpu.memory_space<vmem>>, %arg13: memref<32x128xf32, #tpu.memory_space<vmem>>, %arg14: memref<32x128xf32, #tpu.memory_space<vmem>>, %arg15: memref<32x128xf32, #tpu.memory_space<vmem>>, %arg16: memref<32x128xf32, #tpu.memory_space<vmem>>, %arg17: memref<32x128xf32, #tpu.memory_space<vmem>>, %arg18: memref<32x128xf32, #tpu.memory_space<vmem>>, %arg19: memref<32x128xf32, #tpu.memory_space<vmem>>, %arg20: memref<10240x128xf32, #tpu.memory_space<vmem_shared>>, %arg21: memref<!tpu.dma_semaphore, #tpu.memory_space<semaphore_mem>>, %arg22: memref<!tpu.dma_semaphore, #tpu.memory_space<semaphore_mem>>, %arg23: memref<!tpu.dma_semaphore, #tpu.memory_space<semaphore_mem>>, %arg24: memref<!tpu.dma_semaphore, #tpu.memory_space<semaphore_mem>>, %arg25: memref<!tpu.dma_semaphore, #tpu.memory_space<semaphore_mem>>, %arg26: memref<!tpu.dma_semaphore, #tpu.memory_space<semaphore_mem>>, %arg27: memref<!tpu.dma_semaphore, #tpu.memory_space<semaphore_mem>>, %arg28: memref<!tpu.dma_semaphore, #tpu.memory_space<semaphore_mem>>, %arg29: memref<!tpu.dma_semaphore, #tpu.memory_space<semaphore_mem>>, %arg30: memref<!tpu.dma_semaphore, #tpu.memory_space<semaphore_mem>>, %arg31: memref<!tpu.dma_semaphore, #tpu.memory_space<semaphore_mem>>, %arg32: memref<!tpu.dma_semaphore, #tpu.memory_space<semaphore_mem>>, %arg33: memref<!tpu.dma_semaphore, #tpu.memory_space<semaphore_mem>>, %arg34: memref<!tpu.dma_semaphore, #tpu.memory_space<semaphore_mem>>, %arg35: memref<!tpu.dma_semaphore, #tpu.memory_space<semaphore_mem>>, %arg36: memref<!tpu.dma_semaphore, #tpu.memory_space<semaphore_mem>>, %arg37: memref<32x16xf32, #tpu.memory_space<vmem>>, %arg38: memref<10240x16xf32, #tpu.memory_space<vmem_shared>>, %arg39: memref<!tpu.dma_semaphore, #tpu.memory_space<semaphore_mem>>, %arg40: memref<!tpu.dma_semaphore, #tpu.memory_space<semaphore_mem>>, %arg41: memref<!tpu.dma_semaphore, #tpu.memory_space<semaphore_mem>>, %arg42: memref<!tpu.dma_semaphore, #tpu.memory_space<semaphore_mem>>, %arg43: memref<!tpu.dma_semaphore, #tpu.memory_space<semaphore_mem>>, %arg44: memref<!tpu.dma_semaphore, #tpu.memory_space<semaphore_mem>>, %arg45: memref<!tpu.dma_semaphore, #tpu.memory_space<semaphore_mem>>, %arg46: memref<!tpu.dma_semaphore, #tpu.memory_space<semaphore_mem>>) attributes {dimension_semantics = [#tpu.dimension_semantics<core_parallel>, #tpu.dimension_semantics<subcore_parallel>], iteration_bounds = array<i64: 2, 16>, scalar_prefetch = 0 : i64, scratch_operands = 37 : i64, tpu.core_type = #tpu.core_type<sc_vector_subcore>, window_params = [{transform_indices = #map}, {transform_indices = #map}, {transform_indices = #map}, {transform_indices = #map}, {transform_indices = #map}, {transform_indices = #map}, {transform_indices = #map1}, {transform_indices = #map1}]} {
    %mul3A = arith.constant 640 : i32
    %mul3A_0 = arith.muli %arg1, %mul3A : i32
    %mul3A_1 = arith.constant 640 : i32
    %mul3A_2 = arith.muli %arg1, %mul3A_1 : i32
    "tpu.region"() ({
      %run_scoped3A = tpu.sem_alloc : memref<!tpu.dma_semaphore, #tpu.memory_space<semaphore_mem>>
      %dma_start3A = arith.constant 0 : i32
      %dma_start3A_25 = tpu.memref_slice %arg20[%mul3A_2, %dma_start3A] : memref<10240x128xf32, #tpu.memory_space<vmem_shared>> -> memref<640x128xf32, #tpu.memory_space<vmem_shared>>
      %dma_start3A_26 = arith.constant 0 : i32
      %dma_start3A_27 = tpu.memref_slice %arg5[%mul3A_0, %dma_start3A_26] : memref<10240x128xf32, #tpu.memory_space<hbm>> -> memref<640x128xf32, #tpu.memory_space<hbm>>
      tpu.enqueue_dma source(%dma_start3A_27 : memref<640x128xf32, #tpu.memory_space<hbm>>) target(%dma_start3A_25 : memref<640x128xf32, #tpu.memory_space<vmem_shared>>) target_semaphore(%run_scoped3A : memref<!tpu.dma_semaphore, #tpu.memory_space<semaphore_mem>>)
      %dma_wait3A = arith.constant 0 : i32
      %dma_wait3A_28 = tpu.memref_slice %arg20[%mul3A_2, %dma_wait3A] : memref<10240x128xf32, #tpu.memory_space<vmem_shared>> -> memref<640x128xf32, #tpu.memory_space<vmem_shared>>
      %dma_wait3A_29 = arith.constant 0 : i32
      %dma_wait3A_30 = tpu.memref_slice %arg5[%mul3A_0, %dma_wait3A_29] : memref<10240x128xf32, #tpu.memory_space<hbm>> -> memref<640x128xf32, #tpu.memory_space<hbm>>
      tpu.wait_dma2 semaphore(%run_scoped3A : memref<!tpu.dma_semaphore, #tpu.memory_space<semaphore_mem>>) src(%dma_wait3A_30 : memref<640x128xf32, #tpu.memory_space<hbm>>) dst(%dma_wait3A_28 : memref<640x128xf32, #tpu.memory_space<vmem_shared>>)
      tpu.yield
    }) : () -> ()
    %mul3A_3 = arith.constant 640 : i32
    %mul3A_4 = arith.muli %arg1, %mul3A_3 : i32
    %mul3A_5 = arith.constant 640 : i32
    %mul3A_6 = arith.muli %arg1, %mul3A_5 : i32
    "tpu.region"() ({
      %run_scoped3A = tpu.sem_alloc : memref<!tpu.dma_semaphore, #tpu.memory_space<semaphore_mem>>
      %dma_start3A = arith.constant 0 : i32
      %dma_start3A_25 = tpu.memref_slice %arg38[%mul3A_6, %dma_start3A] : memref<10240x16xf32, #tpu.memory_space<vmem_shared>> -> memref<640x16xf32, #tpu.memory_space<vmem_shared>>
      %dma_start3A_26 = arith.constant 0 : i32
      %dma_start3A_27 = tpu.memref_slice %arg6[%mul3A_4, %dma_start3A_26] : memref<10240x16xf32, #tpu.memory_space<hbm>> -> memref<640x16xf32, #tpu.memory_space<hbm>>
      tpu.enqueue_dma source(%dma_start3A_27 : memref<640x16xf32, #tpu.memory_space<hbm>>) target(%dma_start3A_25 : memref<640x16xf32, #tpu.memory_space<vmem_shared>>) target_semaphore(%run_scoped3A : memref<!tpu.dma_semaphore, #tpu.memory_space<semaphore_mem>>)
      %dma_wait3A = arith.constant 0 : i32
      %dma_wait3A_28 = tpu.memref_slice %arg38[%mul3A_6, %dma_wait3A] : memref<10240x16xf32, #tpu.memory_space<vmem_shared>> -> memref<640x16xf32, #tpu.memory_space<vmem_shared>>
      %dma_wait3A_29 = arith.constant 0 : i32
      %dma_wait3A_30 = tpu.memref_slice %arg6[%mul3A_4, %dma_wait3A_29] : memref<10240x16xf32, #tpu.memory_space<hbm>> -> memref<640x16xf32, #tpu.memory_space<hbm>>
      tpu.wait_dma2 semaphore(%run_scoped3A : memref<!tpu.dma_semaphore, #tpu.memory_space<semaphore_mem>>) src(%dma_wait3A_30 : memref<640x16xf32, #tpu.memory_space<hbm>>) dst(%dma_wait3A_28 : memref<640x16xf32, #tpu.memory_space<vmem_shared>>)
      tpu.yield
    }) : () -> ()
    "tpu.region"() ({
      %run_scoped3A = tpu.sem_alloc : memref<!tpu.dma_semaphore, #tpu.memory_space<semaphore_mem>>
      tpu.enqueue_dma source(%arg7 : memref<32x16xf32, #tpu.memory_space<hbm>>) target(%arg37 : memref<32x16xf32, #tpu.memory_space<vmem>>) target_semaphore(%run_scoped3A : memref<!tpu.dma_semaphore, #tpu.memory_space<semaphore_mem>>)
      tpu.wait_dma2 semaphore(%run_scoped3A : memref<!tpu.dma_semaphore, #tpu.memory_space<semaphore_mem>>) src(%arg7 : memref<32x16xf32, #tpu.memory_space<hbm>>) dst(%arg37 : memref<32x16xf32, #tpu.memory_space<vmem>>)
      tpu.yield
    }) : () -> ()
    %barrier3A = arith.constant 0 : index
    tpu.barrier barrier_id(%barrier3A)
    %mul3A_7 = arith.constant 16 : i32
    %mul3A_8 = arith.muli %arg0, %mul3A_7 : i32
    %add3A = arith.addi %mul3A_8, %arg1 : i32
    %mul3A_9 = arith.constant 320 : i32
    %mul3A_10 = arith.muli %add3A, %mul3A_9 : i32
    %scan3A = arith.constant 0 : i32
    %scan3A_11 = arith.constant 0 : i32
    %scan3A_12 = arith.constant 5 : i32
    %scan3A_13 = arith.addi %scan3A_11, %scan3A_12 : i32
    %scan3A_14 = arith.constant 1 : i32
    scf.for %scan3A_25 = %scan3A_11 to %scan3A_13 step %scan3A_14  : i32 {
      %mul3A_26 = arith.constant 64 : i32
      %mul3A_27 = arith.muli %scan3A_25, %mul3A_26 : i32
      %add3A_28 = arith.addi %mul3A_10, %mul3A_27 : i32
      "tpu.region"() ({
        %run_scoped3A = tpu.sem_alloc : memref<!tpu.dma_semaphore, #tpu.memory_space<semaphore_mem>>
        %dma_start3A_369 = arith.constant 0 : i32
        %dma_start3A_370 = tpu.memref_slice %arg3[%add3A_28, %dma_start3A_369] : memref<10240x32xi32, #tpu.memory_space<hbm>> -> memref<64x32xi32, #tpu.memory_space<hbm>>
        %dma_start3A_371 = arith.constant 0 : i32
        %dma_start3A_372 = tpu.memref_slice %arg3[%add3A_28, %dma_start3A_371] : memref<10240x32xi32, #tpu.memory_space<hbm>> -> memref<64x32xi32, #tpu.memory_space<hbm>>
        tpu.enqueue_dma source(%dma_start3A_372 : memref<64x32xi32, #tpu.memory_space<hbm>>) target(%arg10 : memref<64x32xi32, #tpu.memory_space<vmem>>) target_semaphore(%run_scoped3A : memref<!tpu.dma_semaphore, #tpu.memory_space<semaphore_mem>>)
        %dma_wait3A_373 = arith.constant 0 : i32
        %dma_wait3A_374 = tpu.memref_slice %arg3[%add3A_28, %dma_wait3A_373] : memref<10240x32xi32, #tpu.memory_space<hbm>> -> memref<64x32xi32, #tpu.memory_space<hbm>>
        %dma_wait3A_375 = arith.constant 0 : i32
        %dma_wait3A_376 = tpu.memref_slice %arg3[%add3A_28, %dma_wait3A_375] : memref<10240x32xi32, #tpu.memory_space<hbm>> -> memref<64x32xi32, #tpu.memory_space<hbm>>
        tpu.wait_dma2 semaphore(%run_scoped3A : memref<!tpu.dma_semaphore, #tpu.memory_space<semaphore_mem>>) src(%dma_wait3A_376 : memref<64x32xi32, #tpu.memory_space<hbm>>) dst(%arg10 : memref<64x32xi32, #tpu.memory_space<vmem>>)
        tpu.yield
      }) : () -> ()
      "tpu.region"() ({
        %run_scoped3A = tpu.sem_alloc : memref<!tpu.dma_semaphore, #tpu.memory_space<semaphore_mem>>
        %dma_start3A_369 = arith.constant 0 : i32
        %dma_start3A_370 = tpu.memref_slice %arg4[%add3A_28, %dma_start3A_369] : memref<10240x32xi32, #tpu.memory_space<hbm>> -> memref<64x32xi32, #tpu.memory_space<hbm>>
        %dma_start3A_371 = arith.constant 0 : i32
        %dma_start3A_372 = tpu.memref_slice %arg4[%add3A_28, %dma_start3A_371] : memref<10240x32xi32, #tpu.memory_space<hbm>> -> memref<64x32xi32, #tpu.memory_space<hbm>>
        tpu.enqueue_dma source(%dma_start3A_372 : memref<64x32xi32, #tpu.memory_space<hbm>>) target(%arg11 : memref<64x32xi32, #tpu.memory_space<vmem>>) target_semaphore(%run_scoped3A : memref<!tpu.dma_semaphore, #tpu.memory_space<semaphore_mem>>)
        %dma_wait3A_373 = arith.constant 0 : i32
        %dma_wait3A_374 = tpu.memref_slice %arg4[%add3A_28, %dma_wait3A_373] : memref<10240x32xi32, #tpu.memory_space<hbm>> -> memref<64x32xi32, #tpu.memory_space<hbm>>
        %dma_wait3A_375 = arith.constant 0 : i32
        %dma_wait3A_376 = tpu.memref_slice %arg4[%add3A_28, %dma_wait3A_375] : memref<10240x32xi32, #tpu.memory_space<hbm>> -> memref<64x32xi32, #tpu.memory_space<hbm>>
        tpu.wait_dma2 semaphore(%run_scoped3A : memref<!tpu.dma_semaphore, #tpu.memory_space<semaphore_mem>>) src(%dma_wait3A_376 : memref<64x32xi32, #tpu.memory_space<hbm>>) dst(%arg11 : memref<64x32xi32, #tpu.memory_space<vmem>>)
        tpu.yield
      }) : () -> ()
      %dma_start3A = arith.constant 0 : i32
      %dma_start3A_29 = arith.constant 0 : i32
      %dma_start3A_30 = tpu.memref_slice %arg10[%dma_start3A, %dma_start3A_29] : memref<64x32xi32, #tpu.memory_space<vmem>> -> memref<1x32xi32, #tpu.memory_space<vmem>>
      %dma_start3A_31 = tpu.memref_squeeze %dma_start3A_30 : memref<1x32xi32, #tpu.memory_space<vmem>> -> memref<32xi32, #tpu.memory_space<vmem>>
      %dma_start3A_32 = arith.constant 0 : i32
      %dma_start3A_33 = arith.constant 0 : i32
      %dma_start3A_34 = tpu.memref_slice %arg2[%dma_start3A_32, %dma_start3A_33] : memref<10000x128xf32, #tpu.memory_space<hbm>> -> memref<10000x128xf32, #tpu.memory_space<hbm>>
      tpu.enqueue_indirect_dma source(%dma_start3A_34 : memref<10000x128xf32, #tpu.memory_space<hbm>>) target(%arg12 : memref<32x128xf32, #tpu.memory_space<vmem>>) offsets(%dma_start3A_31 : memref<32xi32, #tpu.memory_space<vmem>>) semaphore(%arg21 : memref<!tpu.dma_semaphore, #tpu.memory_space<semaphore_mem>>)
      %dma_start3A_35 = arith.constant 1 : i32
      %dma_start3A_36 = arith.constant 0 : i32
      %dma_start3A_37 = tpu.memref_slice %arg10[%dma_start3A_35, %dma_start3A_36] : memref<64x32xi32, #tpu.memory_space<vmem>> -> memref<1x32xi32, #tpu.memory_space<vmem>>
      %dma_start3A_38 = tpu.memref_squeeze %dma_start3A_37 : memref<1x32xi32, #tpu.memory_space<vmem>> -> memref<32xi32, #tpu.memory_space<vmem>>
      %dma_start3A_39 = arith.constant 0 : i32
      %dma_start3A_40 = arith.constant 0 : i32
      %dma_start3A_41 = tpu.memref_slice %arg2[%dma_start3A_39, %dma_start3A_40] : memref<10000x128xf32, #tpu.memory_space<hbm>> -> memref<10000x128xf32, #tpu.memory_space<hbm>>
      tpu.enqueue_indirect_dma source(%dma_start3A_41 : memref<10000x128xf32, #tpu.memory_space<hbm>>) target(%arg13 : memref<32x128xf32, #tpu.memory_space<vmem>>) offsets(%dma_start3A_38 : memref<32xi32, #tpu.memory_space<vmem>>) semaphore(%arg22 : memref<!tpu.dma_semaphore, #tpu.memory_space<semaphore_mem>>)
      %dma_start3A_42 = arith.constant 2 : i32
      %dma_start3A_43 = arith.constant 0 : i32
      %dma_start3A_44 = tpu.memref_slice %arg10[%dma_start3A_42, %dma_start3A_43] : memref<64x32xi32, #tpu.memory_space<vmem>> -> memref<1x32xi32, #tpu.memory_space<vmem>>
      %dma_start3A_45 = tpu.memref_squeeze %dma_start3A_44 : memref<1x32xi32, #tpu.memory_space<vmem>> -> memref<32xi32, #tpu.memory_space<vmem>>
      %dma_start3A_46 = arith.constant 0 : i32
      %dma_start3A_47 = arith.constant 0 : i32
      %dma_start3A_48 = tpu.memref_slice %arg2[%dma_start3A_46, %dma_start3A_47] : memref<10000x128xf32, #tpu.memory_space<hbm>> -> memref<10000x128xf32, #tpu.memory_space<hbm>>
      tpu.enqueue_indirect_dma source(%dma_start3A_48 : memref<10000x128xf32, #tpu.memory_space<hbm>>) target(%arg14 : memref<32x128xf32, #tpu.memory_space<vmem>>) offsets(%dma_start3A_45 : memref<32xi32, #tpu.memory_space<vmem>>) semaphore(%arg23 : memref<!tpu.dma_semaphore, #tpu.memory_space<semaphore_mem>>)
      %dma_start3A_49 = arith.constant 3 : i32
      %dma_start3A_50 = arith.constant 0 : i32
      %dma_start3A_51 = tpu.memref_slice %arg10[%dma_start3A_49, %dma_start3A_50] : memref<64x32xi32, #tpu.memory_space<vmem>> -> memref<1x32xi32, #tpu.memory_space<vmem>>
      %dma_start3A_52 = tpu.memref_squeeze %dma_start3A_51 : memref<1x32xi32, #tpu.memory_space<vmem>> -> memref<32xi32, #tpu.memory_space<vmem>>
      %dma_start3A_53 = arith.constant 0 : i32
      %dma_start3A_54 = arith.constant 0 : i32
      %dma_start3A_55 = tpu.memref_slice %arg2[%dma_start3A_53, %dma_start3A_54] : memref<10000x128xf32, #tpu.memory_space<hbm>> -> memref<10000x128xf32, #tpu.memory_space<hbm>>
      tpu.enqueue_indirect_dma source(%dma_start3A_55 : memref<10000x128xf32, #tpu.memory_space<hbm>>) target(%arg15 : memref<32x128xf32, #tpu.memory_space<vmem>>) offsets(%dma_start3A_52 : memref<32xi32, #tpu.memory_space<vmem>>) semaphore(%arg24 : memref<!tpu.dma_semaphore, #tpu.memory_space<semaphore_mem>>)
      %dma_start3A_56 = arith.constant 4 : i32
      %dma_start3A_57 = arith.constant 0 : i32
      %dma_start3A_58 = tpu.memref_slice %arg10[%dma_start3A_56, %dma_start3A_57] : memref<64x32xi32, #tpu.memory_space<vmem>> -> memref<1x32xi32, #tpu.memory_space<vmem>>
      %dma_start3A_59 = tpu.memref_squeeze %dma_start3A_58 : memref<1x32xi32, #tpu.memory_space<vmem>> -> memref<32xi32, #tpu.memory_space<vmem>>
      %dma_start3A_60 = arith.constant 0 : i32
      %dma_start3A_61 = arith.constant 0 : i32
      %dma_start3A_62 = tpu.memref_slice %arg2[%dma_start3A_60, %dma_start3A_61] : memref<10000x128xf32, #tpu.memory_space<hbm>> -> memref<10000x128xf32, #tpu.memory_space<hbm>>
      tpu.enqueue_indirect_dma source(%dma_start3A_62 : memref<10000x128xf32, #tpu.memory_space<hbm>>) target(%arg16 : memref<32x128xf32, #tpu.memory_space<vmem>>) offsets(%dma_start3A_59 : memref<32xi32, #tpu.memory_space<vmem>>) semaphore(%arg25 : memref<!tpu.dma_semaphore, #tpu.memory_space<semaphore_mem>>)
      %dma_start3A_63 = arith.constant 5 : i32
      %dma_start3A_64 = arith.constant 0 : i32
      %dma_start3A_65 = tpu.memref_slice %arg10[%dma_start3A_63, %dma_start3A_64] : memref<64x32xi32, #tpu.memory_space<vmem>> -> memref<1x32xi32, #tpu.memory_space<vmem>>
      %dma_start3A_66 = tpu.memref_squeeze %dma_start3A_65 : memref<1x32xi32, #tpu.memory_space<vmem>> -> memref<32xi32, #tpu.memory_space<vmem>>
      %dma_start3A_67 = arith.constant 0 : i32
      %dma_start3A_68 = arith.constant 0 : i32
      %dma_start3A_69 = tpu.memref_slice %arg2[%dma_start3A_67, %dma_start3A_68] : memref<10000x128xf32, #tpu.memory_space<hbm>> -> memref<10000x128xf32, #tpu.memory_space<hbm>>
      tpu.enqueue_indirect_dma source(%dma_start3A_69 : memref<10000x128xf32, #tpu.memory_space<hbm>>) target(%arg17 : memref<32x128xf32, #tpu.memory_space<vmem>>) offsets(%dma_start3A_66 : memref<32xi32, #tpu.memory_space<vmem>>) semaphore(%arg26 : memref<!tpu.dma_semaphore, #tpu.memory_space<semaphore_mem>>)
      %dma_start3A_70 = arith.constant 6 : i32
      %dma_start3A_71 = arith.constant 0 : i32
      %dma_start3A_72 = tpu.memref_slice %arg10[%dma_start3A_70, %dma_start3A_71] : memref<64x32xi32, #tpu.memory_space<vmem>> -> memref<1x32xi32, #tpu.memory_space<vmem>>
      %dma_start3A_73 = tpu.memref_squeeze %dma_start3A_72 : memref<1x32xi32, #tpu.memory_space<vmem>> -> memref<32xi32, #tpu.memory_space<vmem>>
      %dma_start3A_74 = arith.constant 0 : i32
      %dma_start3A_75 = arith.constant 0 : i32
      %dma_start3A_76 = tpu.memref_slice %arg2[%dma_start3A_74, %dma_start3A_75] : memref<10000x128xf32, #tpu.memory_space<hbm>> -> memref<10000x128xf32, #tpu.memory_space<hbm>>
      tpu.enqueue_indirect_dma source(%dma_start3A_76 : memref<10000x128xf32, #tpu.memory_space<hbm>>) target(%arg18 : memref<32x128xf32, #tpu.memory_space<vmem>>) offsets(%dma_start3A_73 : memref<32xi32, #tpu.memory_space<vmem>>) semaphore(%arg27 : memref<!tpu.dma_semaphore, #tpu.memory_space<semaphore_mem>>)
      %dma_start3A_77 = arith.constant 7 : i32
      %dma_start3A_78 = arith.constant 0 : i32
      %dma_start3A_79 = tpu.memref_slice %arg10[%dma_start3A_77, %dma_start3A_78] : memref<64x32xi32, #tpu.memory_space<vmem>> -> memref<1x32xi32, #tpu.memory_space<vmem>>
      %dma_start3A_80 = tpu.memref_squeeze %dma_start3A_79 : memref<1x32xi32, #tpu.memory_space<vmem>> -> memref<32xi32, #tpu.memory_space<vmem>>
      %dma_start3A_81 = arith.constant 0 : i32
      %dma_start3A_82 = arith.constant 0 : i32
      %dma_start3A_83 = tpu.memref_slice %arg2[%dma_start3A_81, %dma_start3A_82] : memref<10000x128xf32, #tpu.memory_space<hbm>> -> memref<10000x128xf32, #tpu.memory_space<hbm>>
      tpu.enqueue_indirect_dma source(%dma_start3A_83 : memref<10000x128xf32, #tpu.memory_space<hbm>>) target(%arg19 : memref<32x128xf32, #tpu.memory_space<vmem>>) offsets(%dma_start3A_80 : memref<32xi32, #tpu.memory_space<vmem>>) semaphore(%arg28 : memref<!tpu.dma_semaphore, #tpu.memory_space<semaphore_mem>>)
      %scan3A_84 = arith.constant 0 : i32
      %scan3A_85 = arith.constant 0 : i32
      %scan3A_86 = arith.constant 7 : i32
      %scan3A_87 = arith.addi %scan3A_85, %scan3A_86 : i32
      %scan3A_88 = arith.constant 1 : i32
      scf.for %scan3A_369 = %scan3A_85 to %scan3A_87 step %scan3A_88  : i32 {
        %mul3A_370 = arith.constant 8 : i32
        %mul3A_371 = arith.muli %scan3A_369, %mul3A_370 : i32
        %add3A_372 = arith.constant 0 : i32
        %add3A_373 = arith.addi %mul3A_371, %add3A_372 : i32
        %dma_wait3A_374 = arith.constant 0 : i32
        %dma_wait3A_375 = tpu.memref_slice %arg10[%add3A_373, %dma_wait3A_374] : memref<64x32xi32, #tpu.memory_space<vmem>> -> memref<1x32xi32, #tpu.memory_space<vmem>>
        %dma_wait3A_376 = tpu.memref_squeeze %dma_wait3A_375 : memref<1x32xi32, #tpu.memory_space<vmem>> -> memref<32xi32, #tpu.memory_space<vmem>>
        %dma_wait3A_377 = arith.constant 0 : i32
        %dma_wait3A_378 = arith.constant 0 : i32
        %dma_wait3A_379 = tpu.memref_slice %arg2[%dma_wait3A_377, %dma_wait3A_378] : memref<10000x128xf32, #tpu.memory_space<hbm>> -> memref<10000x128xf32, #tpu.memory_space<hbm>>
        tpu.wait_indirect_dma semaphore(%arg21 : memref<!tpu.dma_semaphore, #tpu.memory_space<semaphore_mem>>) src(%dma_wait3A_379 : memref<10000x128xf32, #tpu.memory_space<hbm>>) dst(%arg12 : memref<32x128xf32, #tpu.memory_space<vmem>>)
        %dma_start3A_380 = arith.constant 0 : i32
        %dma_start3A_381 = tpu.memref_slice %arg11[%add3A_373, %dma_start3A_380] : memref<64x32xi32, #tpu.memory_space<vmem>> -> memref<1x32xi32, #tpu.memory_space<vmem>>
        %dma_start3A_382 = tpu.memref_squeeze %dma_start3A_381 : memref<1x32xi32, #tpu.memory_space<vmem>> -> memref<32xi32, #tpu.memory_space<vmem>>
        %dma_start3A_383 = arith.constant 0 : i32
        %dma_start3A_384 = arith.constant 0 : i32
        %dma_start3A_385 = tpu.memref_slice %arg20[%dma_start3A_383, %dma_start3A_384] : memref<10240x128xf32, #tpu.memory_space<vmem_shared>> -> memref<10240x128xf32, #tpu.memory_space<vmem_shared>>
        tpu.enqueue_indirect_dma source(%arg12 : memref<32x128xf32, #tpu.memory_space<vmem>>) target(%dma_start3A_385 : memref<10240x128xf32, #tpu.memory_space<vmem_shared>>) offsets(%dma_start3A_382 : memref<32xi32, #tpu.memory_space<vmem>>) semaphore(%arg29 : memref<!tpu.dma_semaphore, #tpu.memory_space<semaphore_mem>>) {add = true}
        %dma_start3A_386 = arith.constant 0 : i32
        %dma_start3A_387 = tpu.memref_slice %arg11[%add3A_373, %dma_start3A_386] : memref<64x32xi32, #tpu.memory_space<vmem>> -> memref<1x32xi32, #tpu.memory_space<vmem>>
        %dma_start3A_388 = tpu.memref_squeeze %dma_start3A_387 : memref<1x32xi32, #tpu.memory_space<vmem>> -> memref<32xi32, #tpu.memory_space<vmem>>
        %dma_start3A_389 = arith.constant 0 : i32
        %dma_start3A_390 = arith.constant 0 : i32
        %dma_start3A_391 = tpu.memref_slice %arg38[%dma_start3A_389, %dma_start3A_390] : memref<10240x16xf32, #tpu.memory_space<vmem_shared>> -> memref<10240x16xf32, #tpu.memory_space<vmem_shared>>
        tpu.enqueue_indirect_dma source(%arg37 : memref<32x16xf32, #tpu.memory_space<vmem>>) target(%dma_start3A_391 : memref<10240x16xf32, #tpu.memory_space<vmem_shared>>) offsets(%dma_start3A_388 : memref<32xi32, #tpu.memory_space<vmem>>) semaphore(%arg39 : memref<!tpu.dma_semaphore, #tpu.memory_space<semaphore_mem>>) {add = true}
        %add3A_392 = arith.constant 1 : i32
        %add3A_393 = arith.addi %mul3A_371, %add3A_392 : i32
        %dma_wait3A_394 = arith.constant 0 : i32
        %dma_wait3A_395 = tpu.memref_slice %arg10[%add3A_393, %dma_wait3A_394] : memref<64x32xi32, #tpu.memory_space<vmem>> -> memref<1x32xi32, #tpu.memory_space<vmem>>
        %dma_wait3A_396 = tpu.memref_squeeze %dma_wait3A_395 : memref<1x32xi32, #tpu.memory_space<vmem>> -> memref<32xi32, #tpu.memory_space<vmem>>
        %dma_wait3A_397 = arith.constant 0 : i32
        %dma_wait3A_398 = arith.constant 0 : i32
        %dma_wait3A_399 = tpu.memref_slice %arg2[%dma_wait3A_397, %dma_wait3A_398] : memref<10000x128xf32, #tpu.memory_space<hbm>> -> memref<10000x128xf32, #tpu.memory_space<hbm>>
        tpu.wait_indirect_dma semaphore(%arg22 : memref<!tpu.dma_semaphore, #tpu.memory_space<semaphore_mem>>) src(%dma_wait3A_399 : memref<10000x128xf32, #tpu.memory_space<hbm>>) dst(%arg13 : memref<32x128xf32, #tpu.memory_space<vmem>>)
        %dma_start3A_400 = arith.constant 0 : i32
        %dma_start3A_401 = tpu.memref_slice %arg11[%add3A_393, %dma_start3A_400] : memref<64x32xi32, #tpu.memory_space<vmem>> -> memref<1x32xi32, #tpu.memory_space<vmem>>
        %dma_start3A_402 = tpu.memref_squeeze %dma_start3A_401 : memref<1x32xi32, #tpu.memory_space<vmem>> -> memref<32xi32, #tpu.memory_space<vmem>>
        %dma_start3A_403 = arith.constant 0 : i32
        %dma_start3A_404 = arith.constant 0 : i32
        %dma_start3A_405 = tpu.memref_slice %arg20[%dma_start3A_403, %dma_start3A_404] : memref<10240x128xf32, #tpu.memory_space<vmem_shared>> -> memref<10240x128xf32, #tpu.memory_space<vmem_shared>>
        tpu.enqueue_indirect_dma source(%arg13 : memref<32x128xf32, #tpu.memory_space<vmem>>) target(%dma_start3A_405 : memref<10240x128xf32, #tpu.memory_space<vmem_shared>>) offsets(%dma_start3A_402 : memref<32xi32, #tpu.memory_space<vmem>>) semaphore(%arg30 : memref<!tpu.dma_semaphore, #tpu.memory_space<semaphore_mem>>) {add = true}
        %dma_start3A_406 = arith.constant 0 : i32
        %dma_start3A_407 = tpu.memref_slice %arg11[%add3A_393, %dma_start3A_406] : memref<64x32xi32, #tpu.memory_space<vmem>> -> memref<1x32xi32, #tpu.memory_space<vmem>>
        %dma_start3A_408 = tpu.memref_squeeze %dma_start3A_407 : memref<1x32xi32, #tpu.memory_space<vmem>> -> memref<32xi32, #tpu.memory_space<vmem>>
        %dma_start3A_409 = arith.constant 0 : i32
        %dma_start3A_410 = arith.constant 0 : i32
        %dma_start3A_411 = tpu.memref_slice %arg38[%dma_start3A_409, %dma_start3A_410] : memref<10240x16xf32, #tpu.memory_space<vmem_shared>> -> memref<10240x16xf32, #tpu.memory_space<vmem_shared>>
        tpu.enqueue_indirect_dma source(%arg37 : memref<32x16xf32, #tpu.memory_space<vmem>>) target(%dma_start3A_411 : memref<10240x16xf32, #tpu.memory_space<vmem_shared>>) offsets(%dma_start3A_408 : memref<32xi32, #tpu.memory_space<vmem>>) semaphore(%arg40 : memref<!tpu.dma_semaphore, #tpu.memory_space<semaphore_mem>>) {add = true}
        %add3A_412 = arith.constant 2 : i32
        %add3A_413 = arith.addi %mul3A_371, %add3A_412 : i32
        %dma_wait3A_414 = arith.constant 0 : i32
        %dma_wait3A_415 = tpu.memref_slice %arg10[%add3A_413, %dma_wait3A_414] : memref<64x32xi32, #tpu.memory_space<vmem>> -> memref<1x32xi32, #tpu.memory_space<vmem>>
        %dma_wait3A_416 = tpu.memref_squeeze %dma_wait3A_415 : memref<1x32xi32, #tpu.memory_space<vmem>> -> memref<32xi32, #tpu.memory_space<vmem>>
        %dma_wait3A_417 = arith.constant 0 : i32
        %dma_wait3A_418 = arith.constant 0 : i32
        %dma_wait3A_419 = tpu.memref_slice %arg2[%dma_wait3A_417, %dma_wait3A_418] : memref<10000x128xf32, #tpu.memory_space<hbm>> -> memref<10000x128xf32, #tpu.memory_space<hbm>>
        tpu.wait_indirect_dma semaphore(%arg23 : memref<!tpu.dma_semaphore, #tpu.memory_space<semaphore_mem>>) src(%dma_wait3A_419 : memref<10000x128xf32, #tpu.memory_space<hbm>>) dst(%arg14 : memref<32x128xf32, #tpu.memory_space<vmem>>)
        %dma_start3A_420 = arith.constant 0 : i32
        %dma_start3A_421 = tpu.memref_slice %arg11[%add3A_413, %dma_start3A_420] : memref<64x32xi32, #tpu.memory_space<vmem>> -> memref<1x32xi32, #tpu.memory_space<vmem>>
        %dma_start3A_422 = tpu.memref_squeeze %dma_start3A_421 : memref<1x32xi32, #tpu.memory_space<vmem>> -> memref<32xi32, #tpu.memory_space<vmem>>
        %dma_start3A_423 = arith.constant 0 : i32
        %dma_start3A_424 = arith.constant 0 : i32
        %dma_start3A_425 = tpu.memref_slice %arg20[%dma_start3A_423, %dma_start3A_424] : memref<10240x128xf32, #tpu.memory_space<vmem_shared>> -> memref<10240x128xf32, #tpu.memory_space<vmem_shared>>
        tpu.enqueue_indirect_dma source(%arg14 : memref<32x128xf32, #tpu.memory_space<vmem>>) target(%dma_start3A_425 : memref<10240x128xf32, #tpu.memory_space<vmem_shared>>) offsets(%dma_start3A_422 : memref<32xi32, #tpu.memory_space<vmem>>) semaphore(%arg31 : memref<!tpu.dma_semaphore, #tpu.memory_space<semaphore_mem>>) {add = true}
        %dma_start3A_426 = arith.constant 0 : i32
        %dma_start3A_427 = tpu.memref_slice %arg11[%add3A_413, %dma_start3A_426] : memref<64x32xi32, #tpu.memory_space<vmem>> -> memref<1x32xi32, #tpu.memory_space<vmem>>
        %dma_start3A_428 = tpu.memref_squeeze %dma_start3A_427 : memref<1x32xi32, #tpu.memory_space<vmem>> -> memref<32xi32, #tpu.memory_space<vmem>>
        %dma_start3A_429 = arith.constant 0 : i32
        %dma_start3A_430 = arith.constant 0 : i32
        %dma_start3A_431 = tpu.memref_slice %arg38[%dma_start3A_429, %dma_start3A_430] : memref<10240x16xf32, #tpu.memory_space<vmem_shared>> -> memref<10240x16xf32, #tpu.memory_space<vmem_shared>>
        tpu.enqueue_indirect_dma source(%arg37 : memref<32x16xf32, #tpu.memory_space<vmem>>) target(%dma_start3A_431 : memref<10240x16xf32, #tpu.memory_space<vmem_shared>>) offsets(%dma_start3A_428 : memref<32xi32, #tpu.memory_space<vmem>>) semaphore(%arg41 : memref<!tpu.dma_semaphore, #tpu.memory_space<semaphore_mem>>) {add = true}
        %add3A_432 = arith.constant 3 : i32
        %add3A_433 = arith.addi %mul3A_371, %add3A_432 : i32
        %dma_wait3A_434 = arith.constant 0 : i32
        %dma_wait3A_435 = tpu.memref_slice %arg10[%add3A_433, %dma_wait3A_434] : memref<64x32xi32, #tpu.memory_space<vmem>> -> memref<1x32xi32, #tpu.memory_space<vmem>>
        %dma_wait3A_436 = tpu.memref_squeeze %dma_wait3A_435 : memref<1x32xi32, #tpu.memory_space<vmem>> -> memref<32xi32, #tpu.memory_space<vmem>>
        %dma_wait3A_437 = arith.constant 0 : i32
        %dma_wait3A_438 = arith.constant 0 : i32
        %dma_wait3A_439 = tpu.memref_slice %arg2[%dma_wait3A_437, %dma_wait3A_438] : memref<10000x128xf32, #tpu.memory_space<hbm>> -> memref<10000x128xf32, #tpu.memory_space<hbm>>
        tpu.wait_indirect_dma semaphore(%arg24 : memref<!tpu.dma_semaphore, #tpu.memory_space<semaphore_mem>>) src(%dma_wait3A_439 : memref<10000x128xf32, #tpu.memory_space<hbm>>) dst(%arg15 : memref<32x128xf32, #tpu.memory_space<vmem>>)
        %dma_start3A_440 = arith.constant 0 : i32
        %dma_start3A_441 = tpu.memref_slice %arg11[%add3A_433, %dma_start3A_440] : memref<64x32xi32, #tpu.memory_space<vmem>> -> memref<1x32xi32, #tpu.memory_space<vmem>>
        %dma_start3A_442 = tpu.memref_squeeze %dma_start3A_441 : memref<1x32xi32, #tpu.memory_space<vmem>> -> memref<32xi32, #tpu.memory_space<vmem>>
        %dma_start3A_443 = arith.constant 0 : i32
        %dma_start3A_444 = arith.constant 0 : i32
        %dma_start3A_445 = tpu.memref_slice %arg20[%dma_start3A_443, %dma_start3A_444] : memref<10240x128xf32, #tpu.memory_space<vmem_shared>> -> memref<10240x128xf32, #tpu.memory_space<vmem_shared>>
        tpu.enqueue_indirect_dma source(%arg15 : memref<32x128xf32, #tpu.memory_space<vmem>>) target(%dma_start3A_445 : memref<10240x128xf32, #tpu.memory_space<vmem_shared>>) offsets(%dma_start3A_442 : memref<32xi32, #tpu.memory_space<vmem>>) semaphore(%arg32 : memref<!tpu.dma_semaphore, #tpu.memory_space<semaphore_mem>>) {add = true}
        %dma_start3A_446 = arith.constant 0 : i32
        %dma_start3A_447 = tpu.memref_slice %arg11[%add3A_433, %dma_start3A_446] : memref<64x32xi32, #tpu.memory_space<vmem>> -> memref<1x32xi32, #tpu.memory_space<vmem>>
        %dma_start3A_448 = tpu.memref_squeeze %dma_start3A_447 : memref<1x32xi32, #tpu.memory_space<vmem>> -> memref<32xi32, #tpu.memory_space<vmem>>
        %dma_start3A_449 = arith.constant 0 : i32
        %dma_start3A_450 = arith.constant 0 : i32
        %dma_start3A_451 = tpu.memref_slice %arg38[%dma_start3A_449, %dma_start3A_450] : memref<10240x16xf32, #tpu.memory_space<vmem_shared>> -> memref<10240x16xf32, #tpu.memory_space<vmem_shared>>
        tpu.enqueue_indirect_dma source(%arg37 : memref<32x16xf32, #tpu.memory_space<vmem>>) target(%dma_start3A_451 : memref<10240x16xf32, #tpu.memory_space<vmem_shared>>) offsets(%dma_start3A_448 : memref<32xi32, #tpu.memory_space<vmem>>) semaphore(%arg42 : memref<!tpu.dma_semaphore, #tpu.memory_space<semaphore_mem>>) {add = true}
        %add3A_452 = arith.constant 4 : i32
        %add3A_453 = arith.addi %mul3A_371, %add3A_452 : i32
        %dma_wait3A_454 = arith.constant 0 : i32
        %dma_wait3A_455 = tpu.memref_slice %arg10[%add3A_453, %dma_wait3A_454] : memref<64x32xi32, #tpu.memory_space<vmem>> -> memref<1x32xi32, #tpu.memory_space<vmem>>
        %dma_wait3A_456 = tpu.memref_squeeze %dma_wait3A_455 : memref<1x32xi32, #tpu.memory_space<vmem>> -> memref<32xi32, #tpu.memory_space<vmem>>
        %dma_wait3A_457 = arith.constant 0 : i32
        %dma_wait3A_458 = arith.constant 0 : i32
        %dma_wait3A_459 = tpu.memref_slice %arg2[%dma_wait3A_457, %dma_wait3A_458] : memref<10000x128xf32, #tpu.memory_space<hbm>> -> memref<10000x128xf32, #tpu.memory_space<hbm>>
        tpu.wait_indirect_dma semaphore(%arg25 : memref<!tpu.dma_semaphore, #tpu.memory_space<semaphore_mem>>) src(%dma_wait3A_459 : memref<10000x128xf32, #tpu.memory_space<hbm>>) dst(%arg16 : memref<32x128xf32, #tpu.memory_space<vmem>>)
        %dma_start3A_460 = arith.constant 0 : i32
        %dma_start3A_461 = tpu.memref_slice %arg11[%add3A_453, %dma_start3A_460] : memref<64x32xi32, #tpu.memory_space<vmem>> -> memref<1x32xi32, #tpu.memory_space<vmem>>
        %dma_start3A_462 = tpu.memref_squeeze %dma_start3A_461 : memref<1x32xi32, #tpu.memory_space<vmem>> -> memref<32xi32, #tpu.memory_space<vmem>>
        %dma_start3A_463 = arith.constant 0 : i32
        %dma_start3A_464 = arith.constant 0 : i32
        %dma_start3A_465 = tpu.memref_slice %arg20[%dma_start3A_463, %dma_start3A_464] : memref<10240x128xf32, #tpu.memory_space<vmem_shared>> -> memref<10240x128xf32, #tpu.memory_space<vmem_shared>>
        tpu.enqueue_indirect_dma source(%arg16 : memref<32x128xf32, #tpu.memory_space<vmem>>) target(%dma_start3A_465 : memref<10240x128xf32, #tpu.memory_space<vmem_shared>>) offsets(%dma_start3A_462 : memref<32xi32, #tpu.memory_space<vmem>>) semaphore(%arg33 : memref<!tpu.dma_semaphore, #tpu.memory_space<semaphore_mem>>) {add = true}
        %dma_start3A_466 = arith.constant 0 : i32
        %dma_start3A_467 = tpu.memref_slice %arg11[%add3A_453, %dma_start3A_466] : memref<64x32xi32, #tpu.memory_space<vmem>> -> memref<1x32xi32, #tpu.memory_space<vmem>>
        %dma_start3A_468 = tpu.memref_squeeze %dma_start3A_467 : memref<1x32xi32, #tpu.memory_space<vmem>> -> memref<32xi32, #tpu.memory_space<vmem>>
        %dma_start3A_469 = arith.constant 0 : i32
        %dma_start3A_470 = arith.constant 0 : i32
        %dma_start3A_471 = tpu.memref_slice %arg38[%dma_start3A_469, %dma_start3A_470] : memref<10240x16xf32, #tpu.memory_space<vmem_shared>> -> memref<10240x16xf32, #tpu.memory_space<vmem_shared>>
        tpu.enqueue_indirect_dma source(%arg37 : memref<32x16xf32, #tpu.memory_space<vmem>>) target(%dma_start3A_471 : memref<10240x16xf32, #tpu.memory_space<vmem_shared>>) offsets(%dma_start3A_468 : memref<32xi32, #tpu.memory_space<vmem>>) semaphore(%arg43 : memref<!tpu.dma_semaphore, #tpu.memory_space<semaphore_mem>>) {add = true}
        %add3A_472 = arith.constant 5 : i32
        %add3A_473 = arith.addi %mul3A_371, %add3A_472 : i32
        %dma_wait3A_474 = arith.constant 0 : i32
        %dma_wait3A_475 = tpu.memref_slice %arg10[%add3A_473, %dma_wait3A_474] : memref<64x32xi32, #tpu.memory_space<vmem>> -> memref<1x32xi32, #tpu.memory_space<vmem>>
        %dma_wait3A_476 = tpu.memref_squeeze %dma_wait3A_475 : memref<1x32xi32, #tpu.memory_space<vmem>> -> memref<32xi32, #tpu.memory_space<vmem>>
        %dma_wait3A_477 = arith.constant 0 : i32
        %dma_wait3A_478 = arith.constant 0 : i32
        %dma_wait3A_479 = tpu.memref_slice %arg2[%dma_wait3A_477, %dma_wait3A_478] : memref<10000x128xf32, #tpu.memory_space<hbm>> -> memref<10000x128xf32, #tpu.memory_space<hbm>>
        tpu.wait_indirect_dma semaphore(%arg26 : memref<!tpu.dma_semaphore, #tpu.memory_space<semaphore_mem>>) src(%dma_wait3A_479 : memref<10000x128xf32, #tpu.memory_space<hbm>>) dst(%arg17 : memref<32x128xf32, #tpu.memory_space<vmem>>)
        %dma_start3A_480 = arith.constant 0 : i32
        %dma_start3A_481 = tpu.memref_slice %arg11[%add3A_473, %dma_start3A_480] : memref<64x32xi32, #tpu.memory_space<vmem>> -> memref<1x32xi32, #tpu.memory_space<vmem>>
        %dma_start3A_482 = tpu.memref_squeeze %dma_start3A_481 : memref<1x32xi32, #tpu.memory_space<vmem>> -> memref<32xi32, #tpu.memory_space<vmem>>
        %dma_start3A_483 = arith.constant 0 : i32
        %dma_start3A_484 = arith.constant 0 : i32
        %dma_start3A_485 = tpu.memref_slice %arg20[%dma_start3A_483, %dma_start3A_484] : memref<10240x128xf32, #tpu.memory_space<vmem_shared>> -> memref<10240x128xf32, #tpu.memory_space<vmem_shared>>
        tpu.enqueue_indirect_dma source(%arg17 : memref<32x128xf32, #tpu.memory_space<vmem>>) target(%dma_start3A_485 : memref<10240x128xf32, #tpu.memory_space<vmem_shared>>) offsets(%dma_start3A_482 : memref<32xi32, #tpu.memory_space<vmem>>) semaphore(%arg34 : memref<!tpu.dma_semaphore, #tpu.memory_space<semaphore_mem>>) {add = true}
        %dma_start3A_486 = arith.constant 0 : i32
        %dma_start3A_487 = tpu.memref_slice %arg11[%add3A_473, %dma_start3A_486] : memref<64x32xi32, #tpu.memory_space<vmem>> -> memref<1x32xi32, #tpu.memory_space<vmem>>
        %dma_start3A_488 = tpu.memref_squeeze %dma_start3A_487 : memref<1x32xi32, #tpu.memory_space<vmem>> -> memref<32xi32, #tpu.memory_space<vmem>>
        %dma_start3A_489 = arith.constant 0 : i32
        %dma_start3A_490 = arith.constant 0 : i32
        %dma_start3A_491 = tpu.memref_slice %arg38[%dma_start3A_489, %dma_start3A_490] : memref<10240x16xf32, #tpu.memory_space<vmem_shared>> -> memref<10240x16xf32, #tpu.memory_space<vmem_shared>>
        tpu.enqueue_indirect_dma source(%arg37 : memref<32x16xf32, #tpu.memory_space<vmem>>) target(%dma_start3A_491 : memref<10240x16xf32, #tpu.memory_space<vmem_shared>>) offsets(%dma_start3A_488 : memref<32xi32, #tpu.memory_space<vmem>>) semaphore(%arg44 : memref<!tpu.dma_semaphore, #tpu.memory_space<semaphore_mem>>) {add = true}
        %add3A_492 = arith.constant 6 : i32
        %add3A_493 = arith.addi %mul3A_371, %add3A_492 : i32
        %dma_wait3A_494 = arith.constant 0 : i32
        %dma_wait3A_495 = tpu.memref_slice %arg10[%add3A_493, %dma_wait3A_494] : memref<64x32xi32, #tpu.memory_space<vmem>> -> memref<1x32xi32, #tpu.memory_space<vmem>>
        %dma_wait3A_496 = tpu.memref_squeeze %dma_wait3A_495 : memref<1x32xi32, #tpu.memory_space<vmem>> -> memref<32xi32, #tpu.memory_space<vmem>>
        %dma_wait3A_497 = arith.constant 0 : i32
        %dma_wait3A_498 = arith.constant 0 : i32
        %dma_wait3A_499 = tpu.memref_slice %arg2[%dma_wait3A_497, %dma_wait3A_498] : memref<10000x128xf32, #tpu.memory_space<hbm>> -> memref<10000x128xf32, #tpu.memory_space<hbm>>
        tpu.wait_indirect_dma semaphore(%arg27 : memref<!tpu.dma_semaphore, #tpu.memory_space<semaphore_mem>>) src(%dma_wait3A_499 : memref<10000x128xf32, #tpu.memory_space<hbm>>) dst(%arg18 : memref<32x128xf32, #tpu.memory_space<vmem>>)
        %dma_start3A_500 = arith.constant 0 : i32
        %dma_start3A_501 = tpu.memref_slice %arg11[%add3A_493, %dma_start3A_500] : memref<64x32xi32, #tpu.memory_space<vmem>> -> memref<1x32xi32, #tpu.memory_space<vmem>>
        %dma_start3A_502 = tpu.memref_squeeze %dma_start3A_501 : memref<1x32xi32, #tpu.memory_space<vmem>> -> memref<32xi32, #tpu.memory_space<vmem>>
        %dma_start3A_503 = arith.constant 0 : i32
        %dma_start3A_504 = arith.constant 0 : i32
        %dma_start3A_505 = tpu.memref_slice %arg20[%dma_start3A_503, %dma_start3A_504] : memref<10240x128xf32, #tpu.memory_space<vmem_shared>> -> memref<10240x128xf32, #tpu.memory_space<vmem_shared>>
        tpu.enqueue_indirect_dma source(%arg18 : memref<32x128xf32, #tpu.memory_space<vmem>>) target(%dma_start3A_505 : memref<10240x128xf32, #tpu.memory_space<vmem_shared>>) offsets(%dma_start3A_502 : memref<32xi32, #tpu.memory_space<vmem>>) semaphore(%arg35 : memref<!tpu.dma_semaphore, #tpu.memory_space<semaphore_mem>>) {add = true}
        %dma_start3A_506 = arith.constant 0 : i32
        %dma_start3A_507 = tpu.memref_slice %arg11[%add3A_493, %dma_start3A_506] : memref<64x32xi32, #tpu.memory_space<vmem>> -> memref<1x32xi32, #tpu.memory_space<vmem>>
        %dma_start3A_508 = tpu.memref_squeeze %dma_start3A_507 : memref<1x32xi32, #tpu.memory_space<vmem>> -> memref<32xi32, #tpu.memory_space<vmem>>
        %dma_start3A_509 = arith.constant 0 : i32
        %dma_start3A_510 = arith.constant 0 : i32
        %dma_start3A_511 = tpu.memref_slice %arg38[%dma_start3A_509, %dma_start3A_510] : memref<10240x16xf32, #tpu.memory_space<vmem_shared>> -> memref<10240x16xf32, #tpu.memory_space<vmem_shared>>
        tpu.enqueue_indirect_dma source(%arg37 : memref<32x16xf32, #tpu.memory_space<vmem>>) target(%dma_start3A_511 : memref<10240x16xf32, #tpu.memory_space<vmem_shared>>) offsets(%dma_start3A_508 : memref<32xi32, #tpu.memory_space<vmem>>) semaphore(%arg45 : memref<!tpu.dma_semaphore, #tpu.memory_space<semaphore_mem>>) {add = true}
        %add3A_512 = arith.constant 7 : i32
        %add3A_513 = arith.addi %mul3A_371, %add3A_512 : i32
        %dma_wait3A_514 = arith.constant 0 : i32
        %dma_wait3A_515 = tpu.memref_slice %arg10[%add3A_513, %dma_wait3A_514] : memref<64x32xi32, #tpu.memory_space<vmem>> -> memref<1x32xi32, #tpu.memory_space<vmem>>
        %dma_wait3A_516 = tpu.memref_squeeze %dma_wait3A_515 : memref<1x32xi32, #tpu.memory_space<vmem>> -> memref<32xi32, #tpu.memory_space<vmem>>
        %dma_wait3A_517 = arith.constant 0 : i32
        %dma_wait3A_518 = arith.constant 0 : i32
        %dma_wait3A_519 = tpu.memref_slice %arg2[%dma_wait3A_517, %dma_wait3A_518] : memref<10000x128xf32, #tpu.memory_space<hbm>> -> memref<10000x128xf32, #tpu.memory_space<hbm>>
        tpu.wait_indirect_dma semaphore(%arg28 : memref<!tpu.dma_semaphore, #tpu.memory_space<semaphore_mem>>) src(%dma_wait3A_519 : memref<10000x128xf32, #tpu.memory_space<hbm>>) dst(%arg19 : memref<32x128xf32, #tpu.memory_space<vmem>>)
        %dma_start3A_520 = arith.constant 0 : i32
        %dma_start3A_521 = tpu.memref_slice %arg11[%add3A_513, %dma_start3A_520] : memref<64x32xi32, #tpu.memory_space<vmem>> -> memref<1x32xi32, #tpu.memory_space<vmem>>
        %dma_start3A_522 = tpu.memref_squeeze %dma_start3A_521 : memref<1x32xi32, #tpu.memory_space<vmem>> -> memref<32xi32, #tpu.memory_space<vmem>>
        %dma_start3A_523 = arith.constant 0 : i32
        %dma_start3A_524 = arith.constant 0 : i32
        %dma_start3A_525 = tpu.memref_slice %arg20[%dma_start3A_523, %dma_start3A_524] : memref<10240x128xf32, #tpu.memory_space<vmem_shared>> -> memref<10240x128xf32, #tpu.memory_space<vmem_shared>>
        tpu.enqueue_indirect_dma source(%arg19 : memref<32x128xf32, #tpu.memory_space<vmem>>) target(%dma_start3A_525 : memref<10240x128xf32, #tpu.memory_space<vmem_shared>>) offsets(%dma_start3A_522 : memref<32xi32, #tpu.memory_space<vmem>>) semaphore(%arg36 : memref<!tpu.dma_semaphore, #tpu.memory_space<semaphore_mem>>) {add = true}
        %dma_start3A_526 = arith.constant 0 : i32
        %dma_start3A_527 = tpu.memref_slice %arg11[%add3A_513, %dma_start3A_526] : memref<64x32xi32, #tpu.memory_space<vmem>> -> memref<1x32xi32, #tpu.memory_space<vmem>>
        %dma_start3A_528 = tpu.memref_squeeze %dma_start3A_527 : memref<1x32xi32, #tpu.memory_space<vmem>> -> memref<32xi32, #tpu.memory_space<vmem>>
        %dma_start3A_529 = arith.constant 0 : i32
        %dma_start3A_530 = arith.constant 0 : i32
        %dma_start3A_531 = tpu.memref_slice %arg38[%dma_start3A_529, %dma_start3A_530] : memref<10240x16xf32, #tpu.memory_space<vmem_shared>> -> memref<10240x16xf32, #tpu.memory_space<vmem_shared>>
        tpu.enqueue_indirect_dma source(%arg37 : memref<32x16xf32, #tpu.memory_space<vmem>>) target(%dma_start3A_531 : memref<10240x16xf32, #tpu.memory_space<vmem_shared>>) offsets(%dma_start3A_528 : memref<32xi32, #tpu.memory_space<vmem>>) semaphore(%arg46 : memref<!tpu.dma_semaphore, #tpu.memory_space<semaphore_mem>>) {add = true}
        %add3A_532 = arith.constant 0 : i32
        %add3A_533 = arith.addi %mul3A_371, %add3A_532 : i32
        %dma_wait3A_534 = arith.constant 0 : i32
        %dma_wait3A_535 = tpu.memref_slice %arg11[%add3A_533, %dma_wait3A_534] : memref<64x32xi32, #tpu.memory_space<vmem>> -> memref<1x32xi32, #tpu.memory_space<vmem>>
        %dma_wait3A_536 = tpu.memref_squeeze %dma_wait3A_535 : memref<1x32xi32, #tpu.memory_space<vmem>> -> memref<32xi32, #tpu.memory_space<vmem>>
        %dma_wait3A_537 = arith.constant 0 : i32
        %dma_wait3A_538 = arith.constant 0 : i32
        %dma_wait3A_539 = tpu.memref_slice %arg20[%dma_wait3A_537, %dma_wait3A_538] : memref<10240x128xf32, #tpu.memory_space<vmem_shared>> -> memref<10240x128xf32, #tpu.memory_space<vmem_shared>>
        tpu.wait_indirect_dma semaphore(%arg29 : memref<!tpu.dma_semaphore, #tpu.memory_space<semaphore_mem>>) src(%arg12 : memref<32x128xf32, #tpu.memory_space<vmem>>) dst(%dma_wait3A_539 : memref<10240x128xf32, #tpu.memory_space<vmem_shared>>)
        %dma_wait3A_540 = arith.constant 0 : i32
        %dma_wait3A_541 = tpu.memref_slice %arg11[%add3A_533, %dma_wait3A_540] : memref<64x32xi32, #tpu.memory_space<vmem>> -> memref<1x32xi32, #tpu.memory_space<vmem>>
        %dma_wait3A_542 = tpu.memref_squeeze %dma_wait3A_541 : memref<1x32xi32, #tpu.memory_space<vmem>> -> memref<32xi32, #tpu.memory_space<vmem>>
        %dma_wait3A_543 = arith.constant 0 : i32
        %dma_wait3A_544 = arith.constant 0 : i32
        %dma_wait3A_545 = tpu.memref_slice %arg38[%dma_wait3A_543, %dma_wait3A_544] : memref<10240x16xf32, #tpu.memory_space<vmem_shared>> -> memref<10240x16xf32, #tpu.memory_space<vmem_shared>>
        tpu.wait_indirect_dma semaphore(%arg39 : memref<!tpu.dma_semaphore, #tpu.memory_space<semaphore_mem>>) src(%arg37 : memref<32x16xf32, #tpu.memory_space<vmem>>) dst(%dma_wait3A_545 : memref<10240x16xf32, #tpu.memory_space<vmem_shared>>)
        %add3A_546 = arith.constant 8 : i32
        %add3A_547 = arith.addi %mul3A_371, %add3A_546 : i32
        %add3A_548 = arith.constant 0 : i32
        %add3A_549 = arith.addi %add3A_547, %add3A_548 : i32
        %dma_start3A_550 = arith.constant 0 : i32
        %dma_start3A_551 = tpu.memref_slice %arg10[%add3A_549, %dma_start3A_550] : memref<64x32xi32, #tpu.memory_space<vmem>> -> memref<1x32xi32, #tpu.memory_space<vmem>>
        %dma_start3A_552 = tpu.memref_squeeze %dma_start3A_551 : memref<1x32xi32, #tpu.memory_space<vmem>> -> memref<32xi32, #tpu.memory_space<vmem>>
        %dma_start3A_553 = arith.constant 0 : i32
        %dma_start3A_554 = arith.constant 0 : i32
        %dma_start3A_555 = tpu.memref_slice %arg2[%dma_start3A_553, %dma_start3A_554] : memref<10000x128xf32, #tpu.memory_space<hbm>> -> memref<10000x128xf32, #tpu.memory_space<hbm>>
        tpu.enqueue_indirect_dma source(%dma_start3A_555 : memref<10000x128xf32, #tpu.memory_space<hbm>>) target(%arg12 : memref<32x128xf32, #tpu.memory_space<vmem>>) offsets(%dma_start3A_552 : memref<32xi32, #tpu.memory_space<vmem>>) semaphore(%arg21 : memref<!tpu.dma_semaphore, #tpu.memory_space<semaphore_mem>>)
        %add3A_556 = arith.constant 1 : i32
        %add3A_557 = arith.addi %mul3A_371, %add3A_556 : i32
        %dma_wait3A_558 = arith.constant 0 : i32
        %dma_wait3A_559 = tpu.memref_slice %arg11[%add3A_557, %dma_wait3A_558] : memref<64x32xi32, #tpu.memory_space<vmem>> -> memref<1x32xi32, #tpu.memory_space<vmem>>
        %dma_wait3A_560 = tpu.memref_squeeze %dma_wait3A_559 : memref<1x32xi32, #tpu.memory_space<vmem>> -> memref<32xi32, #tpu.memory_space<vmem>>
        %dma_wait3A_561 = arith.constant 0 : i32
        %dma_wait3A_562 = arith.constant 0 : i32
        %dma_wait3A_563 = tpu.memref_slice %arg20[%dma_wait3A_561, %dma_wait3A_562] : memref<10240x128xf32, #tpu.memory_space<vmem_shared>> -> memref<10240x128xf32, #tpu.memory_space<vmem_shared>>
        tpu.wait_indirect_dma semaphore(%arg30 : memref<!tpu.dma_semaphore, #tpu.memory_space<semaphore_mem>>) src(%arg13 : memref<32x128xf32, #tpu.memory_space<vmem>>) dst(%dma_wait3A_563 : memref<10240x128xf32, #tpu.memory_space<vmem_shared>>)
        %dma_wait3A_564 = arith.constant 0 : i32
        %dma_wait3A_565 = tpu.memref_slice %arg11[%add3A_557, %dma_wait3A_564] : memref<64x32xi32, #tpu.memory_space<vmem>> -> memref<1x32xi32, #tpu.memory_space<vmem>>
        %dma_wait3A_566 = tpu.memref_squeeze %dma_wait3A_565 : memref<1x32xi32, #tpu.memory_space<vmem>> -> memref<32xi32, #tpu.memory_space<vmem>>
        %dma_wait3A_567 = arith.constant 0 : i32
        %dma_wait3A_568 = arith.constant 0 : i32
        %dma_wait3A_569 = tpu.memref_slice %arg38[%dma_wait3A_567, %dma_wait3A_568] : memref<10240x16xf32, #tpu.memory_space<vmem_shared>> -> memref<10240x16xf32, #tpu.memory_space<vmem_shared>>
        tpu.wait_indirect_dma semaphore(%arg40 : memref<!tpu.dma_semaphore, #tpu.memory_space<semaphore_mem>>) src(%arg37 : memref<32x16xf32, #tpu.memory_space<vmem>>) dst(%dma_wait3A_569 : memref<10240x16xf32, #tpu.memory_space<vmem_shared>>)
        %add3A_570 = arith.constant 8 : i32
        %add3A_571 = arith.addi %mul3A_371, %add3A_570 : i32
        %add3A_572 = arith.constant 1 : i32
        %add3A_573 = arith.addi %add3A_571, %add3A_572 : i32
        %dma_start3A_574 = arith.constant 0 : i32
        %dma_start3A_575 = tpu.memref_slice %arg10[%add3A_573, %dma_start3A_574] : memref<64x32xi32, #tpu.memory_space<vmem>> -> memref<1x32xi32, #tpu.memory_space<vmem>>
        %dma_start3A_576 = tpu.memref_squeeze %dma_start3A_575 : memref<1x32xi32, #tpu.memory_space<vmem>> -> memref<32xi32, #tpu.memory_space<vmem>>
        %dma_start3A_577 = arith.constant 0 : i32
        %dma_start3A_578 = arith.constant 0 : i32
        %dma_start3A_579 = tpu.memref_slice %arg2[%dma_start3A_577, %dma_start3A_578] : memref<10000x128xf32, #tpu.memory_space<hbm>> -> memref<10000x128xf32, #tpu.memory_space<hbm>>
        tpu.enqueue_indirect_dma source(%dma_start3A_579 : memref<10000x128xf32, #tpu.memory_space<hbm>>) target(%arg13 : memref<32x128xf32, #tpu.memory_space<vmem>>) offsets(%dma_start3A_576 : memref<32xi32, #tpu.memory_space<vmem>>) semaphore(%arg22 : memref<!tpu.dma_semaphore, #tpu.memory_space<semaphore_mem>>)
        %add3A_580 = arith.constant 2 : i32
        %add3A_581 = arith.addi %mul3A_371, %add3A_580 : i32
        %dma_wait3A_582 = arith.constant 0 : i32
        %dma_wait3A_583 = tpu.memref_slice %arg11[%add3A_581, %dma_wait3A_582] : memref<64x32xi32, #tpu.memory_space<vmem>> -> memref<1x32xi32, #tpu.memory_space<vmem>>
        %dma_wait3A_584 = tpu.memref_squeeze %dma_wait3A_583 : memref<1x32xi32, #tpu.memory_space<vmem>> -> memref<32xi32, #tpu.memory_space<vmem>>
        %dma_wait3A_585 = arith.constant 0 : i32
        %dma_wait3A_586 = arith.constant 0 : i32
        %dma_wait3A_587 = tpu.memref_slice %arg20[%dma_wait3A_585, %dma_wait3A_586] : memref<10240x128xf32, #tpu.memory_space<vmem_shared>> -> memref<10240x128xf32, #tpu.memory_space<vmem_shared>>
        tpu.wait_indirect_dma semaphore(%arg31 : memref<!tpu.dma_semaphore, #tpu.memory_space<semaphore_mem>>) src(%arg14 : memref<32x128xf32, #tpu.memory_space<vmem>>) dst(%dma_wait3A_587 : memref<10240x128xf32, #tpu.memory_space<vmem_shared>>)
        %dma_wait3A_588 = arith.constant 0 : i32
        %dma_wait3A_589 = tpu.memref_slice %arg11[%add3A_581, %dma_wait3A_588] : memref<64x32xi32, #tpu.memory_space<vmem>> -> memref<1x32xi32, #tpu.memory_space<vmem>>
        %dma_wait3A_590 = tpu.memref_squeeze %dma_wait3A_589 : memref<1x32xi32, #tpu.memory_space<vmem>> -> memref<32xi32, #tpu.memory_space<vmem>>
        %dma_wait3A_591 = arith.constant 0 : i32
        %dma_wait3A_592 = arith.constant 0 : i32
        %dma_wait3A_593 = tpu.memref_slice %arg38[%dma_wait3A_591, %dma_wait3A_592] : memref<10240x16xf32, #tpu.memory_space<vmem_shared>> -> memref<10240x16xf32, #tpu.memory_space<vmem_shared>>
        tpu.wait_indirect_dma semaphore(%arg41 : memref<!tpu.dma_semaphore, #tpu.memory_space<semaphore_mem>>) src(%arg37 : memref<32x16xf32, #tpu.memory_space<vmem>>) dst(%dma_wait3A_593 : memref<10240x16xf32, #tpu.memory_space<vmem_shared>>)
        %add3A_594 = arith.constant 8 : i32
        %add3A_595 = arith.addi %mul3A_371, %add3A_594 : i32
        %add3A_596 = arith.constant 2 : i32
        %add3A_597 = arith.addi %add3A_595, %add3A_596 : i32
        %dma_start3A_598 = arith.constant 0 : i32
        %dma_start3A_599 = tpu.memref_slice %arg10[%add3A_597, %dma_start3A_598] : memref<64x32xi32, #tpu.memory_space<vmem>> -> memref<1x32xi32, #tpu.memory_space<vmem>>
        %dma_start3A_600 = tpu.memref_squeeze %dma_start3A_599 : memref<1x32xi32, #tpu.memory_space<vmem>> -> memref<32xi32, #tpu.memory_space<vmem>>
        %dma_start3A_601 = arith.constant 0 : i32
        %dma_start3A_602 = arith.constant 0 : i32
        %dma_start3A_603 = tpu.memref_slice %arg2[%dma_start3A_601, %dma_start3A_602] : memref<10000x128xf32, #tpu.memory_space<hbm>> -> memref<10000x128xf32, #tpu.memory_space<hbm>>
        tpu.enqueue_indirect_dma source(%dma_start3A_603 : memref<10000x128xf32, #tpu.memory_space<hbm>>) target(%arg14 : memref<32x128xf32, #tpu.memory_space<vmem>>) offsets(%dma_start3A_600 : memref<32xi32, #tpu.memory_space<vmem>>) semaphore(%arg23 : memref<!tpu.dma_semaphore, #tpu.memory_space<semaphore_mem>>)
        %add3A_604 = arith.constant 3 : i32
        %add3A_605 = arith.addi %mul3A_371, %add3A_604 : i32
        %dma_wait3A_606 = arith.constant 0 : i32
        %dma_wait3A_607 = tpu.memref_slice %arg11[%add3A_605, %dma_wait3A_606] : memref<64x32xi32, #tpu.memory_space<vmem>> -> memref<1x32xi32, #tpu.memory_space<vmem>>
        %dma_wait3A_608 = tpu.memref_squeeze %dma_wait3A_607 : memref<1x32xi32, #tpu.memory_space<vmem>> -> memref<32xi32, #tpu.memory_space<vmem>>
        %dma_wait3A_609 = arith.constant 0 : i32
        %dma_wait3A_610 = arith.constant 0 : i32
        %dma_wait3A_611 = tpu.memref_slice %arg20[%dma_wait3A_609, %dma_wait3A_610] : memref<10240x128xf32, #tpu.memory_space<vmem_shared>> -> memref<10240x128xf32, #tpu.memory_space<vmem_shared>>
        tpu.wait_indirect_dma semaphore(%arg32 : memref<!tpu.dma_semaphore, #tpu.memory_space<semaphore_mem>>) src(%arg15 : memref<32x128xf32, #tpu.memory_space<vmem>>) dst(%dma_wait3A_611 : memref<10240x128xf32, #tpu.memory_space<vmem_shared>>)
        %dma_wait3A_612 = arith.constant 0 : i32
        %dma_wait3A_613 = tpu.memref_slice %arg11[%add3A_605, %dma_wait3A_612] : memref<64x32xi32, #tpu.memory_space<vmem>> -> memref<1x32xi32, #tpu.memory_space<vmem>>
        %dma_wait3A_614 = tpu.memref_squeeze %dma_wait3A_613 : memref<1x32xi32, #tpu.memory_space<vmem>> -> memref<32xi32, #tpu.memory_space<vmem>>
        %dma_wait3A_615 = arith.constant 0 : i32
        %dma_wait3A_616 = arith.constant 0 : i32
        %dma_wait3A_617 = tpu.memref_slice %arg38[%dma_wait3A_615, %dma_wait3A_616] : memref<10240x16xf32, #tpu.memory_space<vmem_shared>> -> memref<10240x16xf32, #tpu.memory_space<vmem_shared>>
        tpu.wait_indirect_dma semaphore(%arg42 : memref<!tpu.dma_semaphore, #tpu.memory_space<semaphore_mem>>) src(%arg37 : memref<32x16xf32, #tpu.memory_space<vmem>>) dst(%dma_wait3A_617 : memref<10240x16xf32, #tpu.memory_space<vmem_shared>>)
        %add3A_618 = arith.constant 8 : i32
        %add3A_619 = arith.addi %mul3A_371, %add3A_618 : i32
        %add3A_620 = arith.constant 3 : i32
        %add3A_621 = arith.addi %add3A_619, %add3A_620 : i32
        %dma_start3A_622 = arith.constant 0 : i32
        %dma_start3A_623 = tpu.memref_slice %arg10[%add3A_621, %dma_start3A_622] : memref<64x32xi32, #tpu.memory_space<vmem>> -> memref<1x32xi32, #tpu.memory_space<vmem>>
        %dma_start3A_624 = tpu.memref_squeeze %dma_start3A_623 : memref<1x32xi32, #tpu.memory_space<vmem>> -> memref<32xi32, #tpu.memory_space<vmem>>
        %dma_start3A_625 = arith.constant 0 : i32
        %dma_start3A_626 = arith.constant 0 : i32
        %dma_start3A_627 = tpu.memref_slice %arg2[%dma_start3A_625, %dma_start3A_626] : memref<10000x128xf32, #tpu.memory_space<hbm>> -> memref<10000x128xf32, #tpu.memory_space<hbm>>
        tpu.enqueue_indirect_dma source(%dma_start3A_627 : memref<10000x128xf32, #tpu.memory_space<hbm>>) target(%arg15 : memref<32x128xf32, #tpu.memory_space<vmem>>) offsets(%dma_start3A_624 : memref<32xi32, #tpu.memory_space<vmem>>) semaphore(%arg24 : memref<!tpu.dma_semaphore, #tpu.memory_space<semaphore_mem>>)
        %add3A_628 = arith.constant 4 : i32
        %add3A_629 = arith.addi %mul3A_371, %add3A_628 : i32
        %dma_wait3A_630 = arith.constant 0 : i32
        %dma_wait3A_631 = tpu.memref_slice %arg11[%add3A_629, %dma_wait3A_630] : memref<64x32xi32, #tpu.memory_space<vmem>> -> memref<1x32xi32, #tpu.memory_space<vmem>>
        %dma_wait3A_632 = tpu.memref_squeeze %dma_wait3A_631 : memref<1x32xi32, #tpu.memory_space<vmem>> -> memref<32xi32, #tpu.memory_space<vmem>>
        %dma_wait3A_633 = arith.constant 0 : i32
        %dma_wait3A_634 = arith.constant 0 : i32
        %dma_wait3A_635 = tpu.memref_slice %arg20[%dma_wait3A_633, %dma_wait3A_634] : memref<10240x128xf32, #tpu.memory_space<vmem_shared>> -> memref<10240x128xf32, #tpu.memory_space<vmem_shared>>
        tpu.wait_indirect_dma semaphore(%arg33 : memref<!tpu.dma_semaphore, #tpu.memory_space<semaphore_mem>>) src(%arg16 : memref<32x128xf32, #tpu.memory_space<vmem>>) dst(%dma_wait3A_635 : memref<10240x128xf32, #tpu.memory_space<vmem_shared>>)
        %dma_wait3A_636 = arith.constant 0 : i32
        %dma_wait3A_637 = tpu.memref_slice %arg11[%add3A_629, %dma_wait3A_636] : memref<64x32xi32, #tpu.memory_space<vmem>> -> memref<1x32xi32, #tpu.memory_space<vmem>>
        %dma_wait3A_638 = tpu.memref_squeeze %dma_wait3A_637 : memref<1x32xi32, #tpu.memory_space<vmem>> -> memref<32xi32, #tpu.memory_space<vmem>>
        %dma_wait3A_639 = arith.constant 0 : i32
        %dma_wait3A_640 = arith.constant 0 : i32
        %dma_wait3A_641 = tpu.memref_slice %arg38[%dma_wait3A_639, %dma_wait3A_640] : memref<10240x16xf32, #tpu.memory_space<vmem_shared>> -> memref<10240x16xf32, #tpu.memory_space<vmem_shared>>
        tpu.wait_indirect_dma semaphore(%arg43 : memref<!tpu.dma_semaphore, #tpu.memory_space<semaphore_mem>>) src(%arg37 : memref<32x16xf32, #tpu.memory_space<vmem>>) dst(%dma_wait3A_641 : memref<10240x16xf32, #tpu.memory_space<vmem_shared>>)
        %add3A_642 = arith.constant 8 : i32
        %add3A_643 = arith.addi %mul3A_371, %add3A_642 : i32
        %add3A_644 = arith.constant 4 : i32
        %add3A_645 = arith.addi %add3A_643, %add3A_644 : i32
        %dma_start3A_646 = arith.constant 0 : i32
        %dma_start3A_647 = tpu.memref_slice %arg10[%add3A_645, %dma_start3A_646] : memref<64x32xi32, #tpu.memory_space<vmem>> -> memref<1x32xi32, #tpu.memory_space<vmem>>
        %dma_start3A_648 = tpu.memref_squeeze %dma_start3A_647 : memref<1x32xi32, #tpu.memory_space<vmem>> -> memref<32xi32, #tpu.memory_space<vmem>>
        %dma_start3A_649 = arith.constant 0 : i32
        %dma_start3A_650 = arith.constant 0 : i32
        %dma_start3A_651 = tpu.memref_slice %arg2[%dma_start3A_649, %dma_start3A_650] : memref<10000x128xf32, #tpu.memory_space<hbm>> -> memref<10000x128xf32, #tpu.memory_space<hbm>>
        tpu.enqueue_indirect_dma source(%dma_start3A_651 : memref<10000x128xf32, #tpu.memory_space<hbm>>) target(%arg16 : memref<32x128xf32, #tpu.memory_space<vmem>>) offsets(%dma_start3A_648 : memref<32xi32, #tpu.memory_space<vmem>>) semaphore(%arg25 : memref<!tpu.dma_semaphore, #tpu.memory_space<semaphore_mem>>)
        %add3A_652 = arith.constant 5 : i32
        %add3A_653 = arith.addi %mul3A_371, %add3A_652 : i32
        %dma_wait3A_654 = arith.constant 0 : i32
        %dma_wait3A_655 = tpu.memref_slice %arg11[%add3A_653, %dma_wait3A_654] : memref<64x32xi32, #tpu.memory_space<vmem>> -> memref<1x32xi32, #tpu.memory_space<vmem>>
        %dma_wait3A_656 = tpu.memref_squeeze %dma_wait3A_655 : memref<1x32xi32, #tpu.memory_space<vmem>> -> memref<32xi32, #tpu.memory_space<vmem>>
        %dma_wait3A_657 = arith.constant 0 : i32
        %dma_wait3A_658 = arith.constant 0 : i32
        %dma_wait3A_659 = tpu.memref_slice %arg20[%dma_wait3A_657, %dma_wait3A_658] : memref<10240x128xf32, #tpu.memory_space<vmem_shared>> -> memref<10240x128xf32, #tpu.memory_space<vmem_shared>>
        tpu.wait_indirect_dma semaphore(%arg34 : memref<!tpu.dma_semaphore, #tpu.memory_space<semaphore_mem>>) src(%arg17 : memref<32x128xf32, #tpu.memory_space<vmem>>) dst(%dma_wait3A_659 : memref<10240x128xf32, #tpu.memory_space<vmem_shared>>)
        %dma_wait3A_660 = arith.constant 0 : i32
        %dma_wait3A_661 = tpu.memref_slice %arg11[%add3A_653, %dma_wait3A_660] : memref<64x32xi32, #tpu.memory_space<vmem>> -> memref<1x32xi32, #tpu.memory_space<vmem>>
        %dma_wait3A_662 = tpu.memref_squeeze %dma_wait3A_661 : memref<1x32xi32, #tpu.memory_space<vmem>> -> memref<32xi32, #tpu.memory_space<vmem>>
        %dma_wait3A_663 = arith.constant 0 : i32
        %dma_wait3A_664 = arith.constant 0 : i32
        %dma_wait3A_665 = tpu.memref_slice %arg38[%dma_wait3A_663, %dma_wait3A_664] : memref<10240x16xf32, #tpu.memory_space<vmem_shared>> -> memref<10240x16xf32, #tpu.memory_space<vmem_shared>>
        tpu.wait_indirect_dma semaphore(%arg44 : memref<!tpu.dma_semaphore, #tpu.memory_space<semaphore_mem>>) src(%arg37 : memref<32x16xf32, #tpu.memory_space<vmem>>) dst(%dma_wait3A_665 : memref<10240x16xf32, #tpu.memory_space<vmem_shared>>)
        %add3A_666 = arith.constant 8 : i32
        %add3A_667 = arith.addi %mul3A_371, %add3A_666 : i32
        %add3A_668 = arith.constant 5 : i32
        %add3A_669 = arith.addi %add3A_667, %add3A_668 : i32
        %dma_start3A_670 = arith.constant 0 : i32
        %dma_start3A_671 = tpu.memref_slice %arg10[%add3A_669, %dma_start3A_670] : memref<64x32xi32, #tpu.memory_space<vmem>> -> memref<1x32xi32, #tpu.memory_space<vmem>>
        %dma_start3A_672 = tpu.memref_squeeze %dma_start3A_671 : memref<1x32xi32, #tpu.memory_space<vmem>> -> memref<32xi32, #tpu.memory_space<vmem>>
        %dma_start3A_673 = arith.constant 0 : i32
        %dma_start3A_674 = arith.constant 0 : i32
        %dma_start3A_675 = tpu.memref_slice %arg2[%dma_start3A_673, %dma_start3A_674] : memref<10000x128xf32, #tpu.memory_space<hbm>> -> memref<10000x128xf32, #tpu.memory_space<hbm>>
        tpu.enqueue_indirect_dma source(%dma_start3A_675 : memref<10000x128xf32, #tpu.memory_space<hbm>>) target(%arg17 : memref<32x128xf32, #tpu.memory_space<vmem>>) offsets(%dma_start3A_672 : memref<32xi32, #tpu.memory_space<vmem>>) semaphore(%arg26 : memref<!tpu.dma_semaphore, #tpu.memory_space<semaphore_mem>>)
        %add3A_676 = arith.constant 6 : i32
        %add3A_677 = arith.addi %mul3A_371, %add3A_676 : i32
        %dma_wait3A_678 = arith.constant 0 : i32
        %dma_wait3A_679 = tpu.memref_slice %arg11[%add3A_677, %dma_wait3A_678] : memref<64x32xi32, #tpu.memory_space<vmem>> -> memref<1x32xi32, #tpu.memory_space<vmem>>
        %dma_wait3A_680 = tpu.memref_squeeze %dma_wait3A_679 : memref<1x32xi32, #tpu.memory_space<vmem>> -> memref<32xi32, #tpu.memory_space<vmem>>
        %dma_wait3A_681 = arith.constant 0 : i32
        %dma_wait3A_682 = arith.constant 0 : i32
        %dma_wait3A_683 = tpu.memref_slice %arg20[%dma_wait3A_681, %dma_wait3A_682] : memref<10240x128xf32, #tpu.memory_space<vmem_shared>> -> memref<10240x128xf32, #tpu.memory_space<vmem_shared>>
        tpu.wait_indirect_dma semaphore(%arg35 : memref<!tpu.dma_semaphore, #tpu.memory_space<semaphore_mem>>) src(%arg18 : memref<32x128xf32, #tpu.memory_space<vmem>>) dst(%dma_wait3A_683 : memref<10240x128xf32, #tpu.memory_space<vmem_shared>>)
        %dma_wait3A_684 = arith.constant 0 : i32
        %dma_wait3A_685 = tpu.memref_slice %arg11[%add3A_677, %dma_wait3A_684] : memref<64x32xi32, #tpu.memory_space<vmem>> -> memref<1x32xi32, #tpu.memory_space<vmem>>
        %dma_wait3A_686 = tpu.memref_squeeze %dma_wait3A_685 : memref<1x32xi32, #tpu.memory_space<vmem>> -> memref<32xi32, #tpu.memory_space<vmem>>
        %dma_wait3A_687 = arith.constant 0 : i32
        %dma_wait3A_688 = arith.constant 0 : i32
        %dma_wait3A_689 = tpu.memref_slice %arg38[%dma_wait3A_687, %dma_wait3A_688] : memref<10240x16xf32, #tpu.memory_space<vmem_shared>> -> memref<10240x16xf32, #tpu.memory_space<vmem_shared>>
        tpu.wait_indirect_dma semaphore(%arg45 : memref<!tpu.dma_semaphore, #tpu.memory_space<semaphore_mem>>) src(%arg37 : memref<32x16xf32, #tpu.memory_space<vmem>>) dst(%dma_wait3A_689 : memref<10240x16xf32, #tpu.memory_space<vmem_shared>>)
        %add3A_690 = arith.constant 8 : i32
        %add3A_691 = arith.addi %mul3A_371, %add3A_690 : i32
        %add3A_692 = arith.constant 6 : i32
        %add3A_693 = arith.addi %add3A_691, %add3A_692 : i32
        %dma_start3A_694 = arith.constant 0 : i32
        %dma_start3A_695 = tpu.memref_slice %arg10[%add3A_693, %dma_start3A_694] : memref<64x32xi32, #tpu.memory_space<vmem>> -> memref<1x32xi32, #tpu.memory_space<vmem>>
        %dma_start3A_696 = tpu.memref_squeeze %dma_start3A_695 : memref<1x32xi32, #tpu.memory_space<vmem>> -> memref<32xi32, #tpu.memory_space<vmem>>
        %dma_start3A_697 = arith.constant 0 : i32
        %dma_start3A_698 = arith.constant 0 : i32
        %dma_start3A_699 = tpu.memref_slice %arg2[%dma_start3A_697, %dma_start3A_698] : memref<10000x128xf32, #tpu.memory_space<hbm>> -> memref<10000x128xf32, #tpu.memory_space<hbm>>
        tpu.enqueue_indirect_dma source(%dma_start3A_699 : memref<10000x128xf32, #tpu.memory_space<hbm>>) target(%arg18 : memref<32x128xf32, #tpu.memory_space<vmem>>) offsets(%dma_start3A_696 : memref<32xi32, #tpu.memory_space<vmem>>) semaphore(%arg27 : memref<!tpu.dma_semaphore, #tpu.memory_space<semaphore_mem>>)
        %add3A_700 = arith.constant 7 : i32
        %add3A_701 = arith.addi %mul3A_371, %add3A_700 : i32
        %dma_wait3A_702 = arith.constant 0 : i32
        %dma_wait3A_703 = tpu.memref_slice %arg11[%add3A_701, %dma_wait3A_702] : memref<64x32xi32, #tpu.memory_space<vmem>> -> memref<1x32xi32, #tpu.memory_space<vmem>>
        %dma_wait3A_704 = tpu.memref_squeeze %dma_wait3A_703 : memref<1x32xi32, #tpu.memory_space<vmem>> -> memref<32xi32, #tpu.memory_space<vmem>>
        %dma_wait3A_705 = arith.constant 0 : i32
        %dma_wait3A_706 = arith.constant 0 : i32
        %dma_wait3A_707 = tpu.memref_slice %arg20[%dma_wait3A_705, %dma_wait3A_706] : memref<10240x128xf32, #tpu.memory_space<vmem_shared>> -> memref<10240x128xf32, #tpu.memory_space<vmem_shared>>
        tpu.wait_indirect_dma semaphore(%arg36 : memref<!tpu.dma_semaphore, #tpu.memory_space<semaphore_mem>>) src(%arg19 : memref<32x128xf32, #tpu.memory_space<vmem>>) dst(%dma_wait3A_707 : memref<10240x128xf32, #tpu.memory_space<vmem_shared>>)
        %dma_wait3A_708 = arith.constant 0 : i32
        %dma_wait3A_709 = tpu.memref_slice %arg11[%add3A_701, %dma_wait3A_708] : memref<64x32xi32, #tpu.memory_space<vmem>> -> memref<1x32xi32, #tpu.memory_space<vmem>>
        %dma_wait3A_710 = tpu.memref_squeeze %dma_wait3A_709 : memref<1x32xi32, #tpu.memory_space<vmem>> -> memref<32xi32, #tpu.memory_space<vmem>>
        %dma_wait3A_711 = arith.constant 0 : i32
        %dma_wait3A_712 = arith.constant 0 : i32
        %dma_wait3A_713 = tpu.memref_slice %arg38[%dma_wait3A_711, %dma_wait3A_712] : memref<10240x16xf32, #tpu.memory_space<vmem_shared>> -> memref<10240x16xf32, #tpu.memory_space<vmem_shared>>
        tpu.wait_indirect_dma semaphore(%arg46 : memref<!tpu.dma_semaphore, #tpu.memory_space<semaphore_mem>>) src(%arg37 : memref<32x16xf32, #tpu.memory_space<vmem>>) dst(%dma_wait3A_713 : memref<10240x16xf32, #tpu.memory_space<vmem_shared>>)
        %add3A_714 = arith.constant 8 : i32
        %add3A_715 = arith.addi %mul3A_371, %add3A_714 : i32
        %add3A_716 = arith.constant 7 : i32
        %add3A_717 = arith.addi %add3A_715, %add3A_716 : i32
        %dma_start3A_718 = arith.constant 0 : i32
        %dma_start3A_719 = tpu.memref_slice %arg10[%add3A_717, %dma_start3A_718] : memref<64x32xi32, #tpu.memory_space<vmem>> -> memref<1x32xi32, #tpu.memory_space<vmem>>
        %dma_start3A_720 = tpu.memref_squeeze %dma_start3A_719 : memref<1x32xi32, #tpu.memory_space<vmem>> -> memref<32xi32, #tpu.memory_space<vmem>>
        %dma_start3A_721 = arith.constant 0 : i32
        %dma_start3A_722 = arith.constant 0 : i32
        %dma_start3A_723 = tpu.memref_slice %arg2[%dma_start3A_721, %dma_start3A_722] : memref<10000x128xf32, #tpu.memory_space<hbm>> -> memref<10000x128xf32, #tpu.memory_space<hbm>>
        tpu.enqueue_indirect_dma source(%dma_start3A_723 : memref<10000x128xf32, #tpu.memory_space<hbm>>) target(%arg19 : memref<32x128xf32, #tpu.memory_space<vmem>>) offsets(%dma_start3A_720 : memref<32xi32, #tpu.memory_space<vmem>>) semaphore(%arg28 : memref<!tpu.dma_semaphore, #tpu.memory_space<semaphore_mem>>)
      }
      %scan3A_89 = arith.constant 7 : i32
      %dma_wait3A = arith.constant 56 : i32
      %dma_wait3A_90 = arith.constant 0 : i32
      %dma_wait3A_91 = tpu.memref_slice %arg10[%dma_wait3A, %dma_wait3A_90] : memref<64x32xi32, #tpu.memory_space<vmem>> -> memref<1x32xi32, #tpu.memory_space<vmem>>
      %dma_wait3A_92 = tpu.memref_squeeze %dma_wait3A_91 : memref<1x32xi32, #tpu.memory_space<vmem>> -> memref<32xi32, #tpu.memory_space<vmem>>
      %dma_wait3A_93 = arith.constant 0 : i32
      %dma_wait3A_94 = arith.constant 0 : i32
      %dma_wait3A_95 = tpu.memref_slice %arg2[%dma_wait3A_93, %dma_wait3A_94] : memref<10000x128xf32, #tpu.memory_space<hbm>> -> memref<10000x128xf32, #tpu.memory_space<hbm>>
      tpu.wait_indirect_dma semaphore(%arg21 : memref<!tpu.dma_semaphore, #tpu.memory_space<semaphore_mem>>) src(%dma_wait3A_95 : memref<10000x128xf32, #tpu.memory_space<hbm>>) dst(%arg12 : memref<32x128xf32, #tpu.memory_space<vmem>>)
      %dma_start3A_96 = arith.constant 56 : i32
      %dma_start3A_97 = arith.constant 0 : i32
      %dma_start3A_98 = tpu.memref_slice %arg11[%dma_start3A_96, %dma_start3A_97] : memref<64x32xi32, #tpu.memory_space<vmem>> -> memref<1x32xi32, #tpu.memory_space<vmem>>
      %dma_start3A_99 = tpu.memref_squeeze %dma_start3A_98 : memref<1x32xi32, #tpu.memory_space<vmem>> -> memref<32xi32, #tpu.memory_space<vmem>>
      %dma_start3A_100 = arith.constant 0 : i32
      %dma_start3A_101 = arith.constant 0 : i32
      %dma_start3A_102 = tpu.memref_slice %arg20[%dma_start3A_100, %dma_start3A_101] : memref<10240x128xf32, #tpu.memory_space<vmem_shared>> -> memref<10240x128xf32, #tpu.memory_space<vmem_shared>>
      tpu.enqueue_indirect_dma source(%arg12 : memref<32x128xf32, #tpu.memory_space<vmem>>) target(%dma_start3A_102 : memref<10240x128xf32, #tpu.memory_space<vmem_shared>>) offsets(%dma_start3A_99 : memref<32xi32, #tpu.memory_space<vmem>>) semaphore(%arg29 : memref<!tpu.dma_semaphore, #tpu.memory_space<semaphore_mem>>) {add = true}
      %dma_start3A_103 = arith.constant 56 : i32
      %dma_start3A_104 = arith.constant 0 : i32
      %dma_start3A_105 = tpu.memref_slice %arg11[%dma_start3A_103, %dma_start3A_104] : memref<64x32xi32, #tpu.memory_space<vmem>> -> memref<1x32xi32, #tpu.memory_space<vmem>>
      %dma_start3A_106 = tpu.memref_squeeze %dma_start3A_105 : memref<1x32xi32, #tpu.memory_space<vmem>> -> memref<32xi32, #tpu.memory_space<vmem>>
      %dma_start3A_107 = arith.constant 0 : i32
      %dma_start3A_108 = arith.constant 0 : i32
      %dma_start3A_109 = tpu.memref_slice %arg38[%dma_start3A_107, %dma_start3A_108] : memref<10240x16xf32, #tpu.memory_space<vmem_shared>> -> memref<10240x16xf32, #tpu.memory_space<vmem_shared>>
      tpu.enqueue_indirect_dma source(%arg37 : memref<32x16xf32, #tpu.memory_space<vmem>>) target(%dma_start3A_109 : memref<10240x16xf32, #tpu.memory_space<vmem_shared>>) offsets(%dma_start3A_106 : memref<32xi32, #tpu.memory_space<vmem>>) semaphore(%arg39 : memref<!tpu.dma_semaphore, #tpu.memory_space<semaphore_mem>>) {add = true}
      %dma_wait3A_110 = arith.constant 57 : i32
      %dma_wait3A_111 = arith.constant 0 : i32
      %dma_wait3A_112 = tpu.memref_slice %arg10[%dma_wait3A_110, %dma_wait3A_111] : memref<64x32xi32, #tpu.memory_space<vmem>> -> memref<1x32xi32, #tpu.memory_space<vmem>>
      %dma_wait3A_113 = tpu.memref_squeeze %dma_wait3A_112 : memref<1x32xi32, #tpu.memory_space<vmem>> -> memref<32xi32, #tpu.memory_space<vmem>>
      %dma_wait3A_114 = arith.constant 0 : i32
      %dma_wait3A_115 = arith.constant 0 : i32
      %dma_wait3A_116 = tpu.memref_slice %arg2[%dma_wait3A_114, %dma_wait3A_115] : memref<10000x128xf32, #tpu.memory_space<hbm>> -> memref<10000x128xf32, #tpu.memory_space<hbm>>
      tpu.wait_indirect_dma semaphore(%arg22 : memref<!tpu.dma_semaphore, #tpu.memory_space<semaphore_mem>>) src(%dma_wait3A_116 : memref<10000x128xf32, #tpu.memory_space<hbm>>) dst(%arg13 : memref<32x128xf32, #tpu.memory_space<vmem>>)
      %dma_start3A_117 = arith.constant 57 : i32
      %dma_start3A_118 = arith.constant 0 : i32
      %dma_start3A_119 = tpu.memref_slice %arg11[%dma_start3A_117, %dma_start3A_118] : memref<64x32xi32, #tpu.memory_space<vmem>> -> memref<1x32xi32, #tpu.memory_space<vmem>>
      %dma_start3A_120 = tpu.memref_squeeze %dma_start3A_119 : memref<1x32xi32, #tpu.memory_space<vmem>> -> memref<32xi32, #tpu.memory_space<vmem>>
      %dma_start3A_121 = arith.constant 0 : i32
      %dma_start3A_122 = arith.constant 0 : i32
      %dma_start3A_123 = tpu.memref_slice %arg20[%dma_start3A_121, %dma_start3A_122] : memref<10240x128xf32, #tpu.memory_space<vmem_shared>> -> memref<10240x128xf32, #tpu.memory_space<vmem_shared>>
      tpu.enqueue_indirect_dma source(%arg13 : memref<32x128xf32, #tpu.memory_space<vmem>>) target(%dma_start3A_123 : memref<10240x128xf32, #tpu.memory_space<vmem_shared>>) offsets(%dma_start3A_120 : memref<32xi32, #tpu.memory_space<vmem>>) semaphore(%arg30 : memref<!tpu.dma_semaphore, #tpu.memory_space<semaphore_mem>>) {add = true}
      %dma_start3A_124 = arith.constant 57 : i32
      %dma_start3A_125 = arith.constant 0 : i32
      %dma_start3A_126 = tpu.memref_slice %arg11[%dma_start3A_124, %dma_start3A_125] : memref<64x32xi32, #tpu.memory_space<vmem>> -> memref<1x32xi32, #tpu.memory_space<vmem>>
      %dma_start3A_127 = tpu.memref_squeeze %dma_start3A_126 : memref<1x32xi32, #tpu.memory_space<vmem>> -> memref<32xi32, #tpu.memory_space<vmem>>
      %dma_start3A_128 = arith.constant 0 : i32
      %dma_start3A_129 = arith.constant 0 : i32
      %dma_start3A_130 = tpu.memref_slice %arg38[%dma_start3A_128, %dma_start3A_129] : memref<10240x16xf32, #tpu.memory_space<vmem_shared>> -> memref<10240x16xf32, #tpu.memory_space<vmem_shared>>
      tpu.enqueue_indirect_dma source(%arg37 : memref<32x16xf32, #tpu.memory_space<vmem>>) target(%dma_start3A_130 : memref<10240x16xf32, #tpu.memory_space<vmem_shared>>) offsets(%dma_start3A_127 : memref<32xi32, #tpu.memory_space<vmem>>) semaphore(%arg40 : memref<!tpu.dma_semaphore, #tpu.memory_space<semaphore_mem>>) {add = true}
      %dma_wait3A_131 = arith.constant 58 : i32
      %dma_wait3A_132 = arith.constant 0 : i32
      %dma_wait3A_133 = tpu.memref_slice %arg10[%dma_wait3A_131, %dma_wait3A_132] : memref<64x32xi32, #tpu.memory_space<vmem>> -> memref<1x32xi32, #tpu.memory_space<vmem>>
      %dma_wait3A_134 = tpu.memref_squeeze %dma_wait3A_133 : memref<1x32xi32, #tpu.memory_space<vmem>> -> memref<32xi32, #tpu.memory_space<vmem>>
      %dma_wait3A_135 = arith.constant 0 : i32
      %dma_wait3A_136 = arith.constant 0 : i32
      %dma_wait3A_137 = tpu.memref_slice %arg2[%dma_wait3A_135, %dma_wait3A_136] : memref<10000x128xf32, #tpu.memory_space<hbm>> -> memref<10000x128xf32, #tpu.memory_space<hbm>>
      tpu.wait_indirect_dma semaphore(%arg23 : memref<!tpu.dma_semaphore, #tpu.memory_space<semaphore_mem>>) src(%dma_wait3A_137 : memref<10000x128xf32, #tpu.memory_space<hbm>>) dst(%arg14 : memref<32x128xf32, #tpu.memory_space<vmem>>)
      %dma_start3A_138 = arith.constant 58 : i32
      %dma_start3A_139 = arith.constant 0 : i32
      %dma_start3A_140 = tpu.memref_slice %arg11[%dma_start3A_138, %dma_start3A_139] : memref<64x32xi32, #tpu.memory_space<vmem>> -> memref<1x32xi32, #tpu.memory_space<vmem>>
      %dma_start3A_141 = tpu.memref_squeeze %dma_start3A_140 : memref<1x32xi32, #tpu.memory_space<vmem>> -> memref<32xi32, #tpu.memory_space<vmem>>
      %dma_start3A_142 = arith.constant 0 : i32
      %dma_start3A_143 = arith.constant 0 : i32
      %dma_start3A_144 = tpu.memref_slice %arg20[%dma_start3A_142, %dma_start3A_143] : memref<10240x128xf32, #tpu.memory_space<vmem_shared>> -> memref<10240x128xf32, #tpu.memory_space<vmem_shared>>
      tpu.enqueue_indirect_dma source(%arg14 : memref<32x128xf32, #tpu.memory_space<vmem>>) target(%dma_start3A_144 : memref<10240x128xf32, #tpu.memory_space<vmem_shared>>) offsets(%dma_start3A_141 : memref<32xi32, #tpu.memory_space<vmem>>) semaphore(%arg31 : memref<!tpu.dma_semaphore, #tpu.memory_space<semaphore_mem>>) {add = true}
      %dma_start3A_145 = arith.constant 58 : i32
      %dma_start3A_146 = arith.constant 0 : i32
      %dma_start3A_147 = tpu.memref_slice %arg11[%dma_start3A_145, %dma_start3A_146] : memref<64x32xi32, #tpu.memory_space<vmem>> -> memref<1x32xi32, #tpu.memory_space<vmem>>
      %dma_start3A_148 = tpu.memref_squeeze %dma_start3A_147 : memref<1x32xi32, #tpu.memory_space<vmem>> -> memref<32xi32, #tpu.memory_space<vmem>>
      %dma_start3A_149 = arith.constant 0 : i32
      %dma_start3A_150 = arith.constant 0 : i32
      %dma_start3A_151 = tpu.memref_slice %arg38[%dma_start3A_149, %dma_start3A_150] : memref<10240x16xf32, #tpu.memory_space<vmem_shared>> -> memref<10240x16xf32, #tpu.memory_space<vmem_shared>>
      tpu.enqueue_indirect_dma source(%arg37 : memref<32x16xf32, #tpu.memory_space<vmem>>) target(%dma_start3A_151 : memref<10240x16xf32, #tpu.memory_space<vmem_shared>>) offsets(%dma_start3A_148 : memref<32xi32, #tpu.memory_space<vmem>>) semaphore(%arg41 : memref<!tpu.dma_semaphore, #tpu.memory_space<semaphore_mem>>) {add = true}
      %dma_wait3A_152 = arith.constant 59 : i32
      %dma_wait3A_153 = arith.constant 0 : i32
      %dma_wait3A_154 = tpu.memref_slice %arg10[%dma_wait3A_152, %dma_wait3A_153] : memref<64x32xi32, #tpu.memory_space<vmem>> -> memref<1x32xi32, #tpu.memory_space<vmem>>
      %dma_wait3A_155 = tpu.memref_squeeze %dma_wait3A_154 : memref<1x32xi32, #tpu.memory_space<vmem>> -> memref<32xi32, #tpu.memory_space<vmem>>
      %dma_wait3A_156 = arith.constant 0 : i32
      %dma_wait3A_157 = arith.constant 0 : i32
      %dma_wait3A_158 = tpu.memref_slice %arg2[%dma_wait3A_156, %dma_wait3A_157] : memref<10000x128xf32, #tpu.memory_space<hbm>> -> memref<10000x128xf32, #tpu.memory_space<hbm>>
      tpu.wait_indirect_dma semaphore(%arg24 : memref<!tpu.dma_semaphore, #tpu.memory_space<semaphore_mem>>) src(%dma_wait3A_158 : memref<10000x128xf32, #tpu.memory_space<hbm>>) dst(%arg15 : memref<32x128xf32, #tpu.memory_space<vmem>>)
      %dma_start3A_159 = arith.constant 59 : i32
      %dma_start3A_160 = arith.constant 0 : i32
      %dma_start3A_161 = tpu.memref_slice %arg11[%dma_start3A_159, %dma_start3A_160] : memref<64x32xi32, #tpu.memory_space<vmem>> -> memref<1x32xi32, #tpu.memory_space<vmem>>
      %dma_start3A_162 = tpu.memref_squeeze %dma_start3A_161 : memref<1x32xi32, #tpu.memory_space<vmem>> -> memref<32xi32, #tpu.memory_space<vmem>>
      %dma_start3A_163 = arith.constant 0 : i32
      %dma_start3A_164 = arith.constant 0 : i32
      %dma_start3A_165 = tpu.memref_slice %arg20[%dma_start3A_163, %dma_start3A_164] : memref<10240x128xf32, #tpu.memory_space<vmem_shared>> -> memref<10240x128xf32, #tpu.memory_space<vmem_shared>>
      tpu.enqueue_indirect_dma source(%arg15 : memref<32x128xf32, #tpu.memory_space<vmem>>) target(%dma_start3A_165 : memref<10240x128xf32, #tpu.memory_space<vmem_shared>>) offsets(%dma_start3A_162 : memref<32xi32, #tpu.memory_space<vmem>>) semaphore(%arg32 : memref<!tpu.dma_semaphore, #tpu.memory_space<semaphore_mem>>) {add = true}
      %dma_start3A_166 = arith.constant 59 : i32
      %dma_start3A_167 = arith.constant 0 : i32
      %dma_start3A_168 = tpu.memref_slice %arg11[%dma_start3A_166, %dma_start3A_167] : memref<64x32xi32, #tpu.memory_space<vmem>> -> memref<1x32xi32, #tpu.memory_space<vmem>>
      %dma_start3A_169 = tpu.memref_squeeze %dma_start3A_168 : memref<1x32xi32, #tpu.memory_space<vmem>> -> memref<32xi32, #tpu.memory_space<vmem>>
      %dma_start3A_170 = arith.constant 0 : i32
      %dma_start3A_171 = arith.constant 0 : i32
      %dma_start3A_172 = tpu.memref_slice %arg38[%dma_start3A_170, %dma_start3A_171] : memref<10240x16xf32, #tpu.memory_space<vmem_shared>> -> memref<10240x16xf32, #tpu.memory_space<vmem_shared>>
      tpu.enqueue_indirect_dma source(%arg37 : memref<32x16xf32, #tpu.memory_space<vmem>>) target(%dma_start3A_172 : memref<10240x16xf32, #tpu.memory_space<vmem_shared>>) offsets(%dma_start3A_169 : memref<32xi32, #tpu.memory_space<vmem>>) semaphore(%arg42 : memref<!tpu.dma_semaphore, #tpu.memory_space<semaphore_mem>>) {add = true}
      %dma_wait3A_173 = arith.constant 60 : i32
      %dma_wait3A_174 = arith.constant 0 : i32
      %dma_wait3A_175 = tpu.memref_slice %arg10[%dma_wait3A_173, %dma_wait3A_174] : memref<64x32xi32, #tpu.memory_space<vmem>> -> memref<1x32xi32, #tpu.memory_space<vmem>>
      %dma_wait3A_176 = tpu.memref_squeeze %dma_wait3A_175 : memref<1x32xi32, #tpu.memory_space<vmem>> -> memref<32xi32, #tpu.memory_space<vmem>>
      %dma_wait3A_177 = arith.constant 0 : i32
      %dma_wait3A_178 = arith.constant 0 : i32
      %dma_wait3A_179 = tpu.memref_slice %arg2[%dma_wait3A_177, %dma_wait3A_178] : memref<10000x128xf32, #tpu.memory_space<hbm>> -> memref<10000x128xf32, #tpu.memory_space<hbm>>
      tpu.wait_indirect_dma semaphore(%arg25 : memref<!tpu.dma_semaphore, #tpu.memory_space<semaphore_mem>>) src(%dma_wait3A_179 : memref<10000x128xf32, #tpu.memory_space<hbm>>) dst(%arg16 : memref<32x128xf32, #tpu.memory_space<vmem>>)
      %dma_start3A_180 = arith.constant 60 : i32
      %dma_start3A_181 = arith.constant 0 : i32
      %dma_start3A_182 = tpu.memref_slice %arg11[%dma_start3A_180, %dma_start3A_181] : memref<64x32xi32, #tpu.memory_space<vmem>> -> memref<1x32xi32, #tpu.memory_space<vmem>>
      %dma_start3A_183 = tpu.memref_squeeze %dma_start3A_182 : memref<1x32xi32, #tpu.memory_space<vmem>> -> memref<32xi32, #tpu.memory_space<vmem>>
      %dma_start3A_184 = arith.constant 0 : i32
      %dma_start3A_185 = arith.constant 0 : i32
      %dma_start3A_186 = tpu.memref_slice %arg20[%dma_start3A_184, %dma_start3A_185] : memref<10240x128xf32, #tpu.memory_space<vmem_shared>> -> memref<10240x128xf32, #tpu.memory_space<vmem_shared>>
      tpu.enqueue_indirect_dma source(%arg16 : memref<32x128xf32, #tpu.memory_space<vmem>>) target(%dma_start3A_186 : memref<10240x128xf32, #tpu.memory_space<vmem_shared>>) offsets(%dma_start3A_183 : memref<32xi32, #tpu.memory_space<vmem>>) semaphore(%arg33 : memref<!tpu.dma_semaphore, #tpu.memory_space<semaphore_mem>>) {add = true}
      %dma_start3A_187 = arith.constant 60 : i32
      %dma_start3A_188 = arith.constant 0 : i32
      %dma_start3A_189 = tpu.memref_slice %arg11[%dma_start3A_187, %dma_start3A_188] : memref<64x32xi32, #tpu.memory_space<vmem>> -> memref<1x32xi32, #tpu.memory_space<vmem>>
      %dma_start3A_190 = tpu.memref_squeeze %dma_start3A_189 : memref<1x32xi32, #tpu.memory_space<vmem>> -> memref<32xi32, #tpu.memory_space<vmem>>
      %dma_start3A_191 = arith.constant 0 : i32
      %dma_start3A_192 = arith.constant 0 : i32
      %dma_start3A_193 = tpu.memref_slice %arg38[%dma_start3A_191, %dma_start3A_192] : memref<10240x16xf32, #tpu.memory_space<vmem_shared>> -> memref<10240x16xf32, #tpu.memory_space<vmem_shared>>
      tpu.enqueue_indirect_dma source(%arg37 : memref<32x16xf32, #tpu.memory_space<vmem>>) target(%dma_start3A_193 : memref<10240x16xf32, #tpu.memory_space<vmem_shared>>) offsets(%dma_start3A_190 : memref<32xi32, #tpu.memory_space<vmem>>) semaphore(%arg43 : memref<!tpu.dma_semaphore, #tpu.memory_space<semaphore_mem>>) {add = true}
      %dma_wait3A_194 = arith.constant 61 : i32
      %dma_wait3A_195 = arith.constant 0 : i32
      %dma_wait3A_196 = tpu.memref_slice %arg10[%dma_wait3A_194, %dma_wait3A_195] : memref<64x32xi32, #tpu.memory_space<vmem>> -> memref<1x32xi32, #tpu.memory_space<vmem>>
      %dma_wait3A_197 = tpu.memref_squeeze %dma_wait3A_196 : memref<1x32xi32, #tpu.memory_space<vmem>> -> memref<32xi32, #tpu.memory_space<vmem>>
      %dma_wait3A_198 = arith.constant 0 : i32
      %dma_wait3A_199 = arith.constant 0 : i32
      %dma_wait3A_200 = tpu.memref_slice %arg2[%dma_wait3A_198, %dma_wait3A_199] : memref<10000x128xf32, #tpu.memory_space<hbm>> -> memref<10000x128xf32, #tpu.memory_space<hbm>>
      tpu.wait_indirect_dma semaphore(%arg26 : memref<!tpu.dma_semaphore, #tpu.memory_space<semaphore_mem>>) src(%dma_wait3A_200 : memref<10000x128xf32, #tpu.memory_space<hbm>>) dst(%arg17 : memref<32x128xf32, #tpu.memory_space<vmem>>)
      %dma_start3A_201 = arith.constant 61 : i32
      %dma_start3A_202 = arith.constant 0 : i32
      %dma_start3A_203 = tpu.memref_slice %arg11[%dma_start3A_201, %dma_start3A_202] : memref<64x32xi32, #tpu.memory_space<vmem>> -> memref<1x32xi32, #tpu.memory_space<vmem>>
      %dma_start3A_204 = tpu.memref_squeeze %dma_start3A_203 : memref<1x32xi32, #tpu.memory_space<vmem>> -> memref<32xi32, #tpu.memory_space<vmem>>
      %dma_start3A_205 = arith.constant 0 : i32
      %dma_start3A_206 = arith.constant 0 : i32
      %dma_start3A_207 = tpu.memref_slice %arg20[%dma_start3A_205, %dma_start3A_206] : memref<10240x128xf32, #tpu.memory_space<vmem_shared>> -> memref<10240x128xf32, #tpu.memory_space<vmem_shared>>
      tpu.enqueue_indirect_dma source(%arg17 : memref<32x128xf32, #tpu.memory_space<vmem>>) target(%dma_start3A_207 : memref<10240x128xf32, #tpu.memory_space<vmem_shared>>) offsets(%dma_start3A_204 : memref<32xi32, #tpu.memory_space<vmem>>) semaphore(%arg34 : memref<!tpu.dma_semaphore, #tpu.memory_space<semaphore_mem>>) {add = true}
      %dma_start3A_208 = arith.constant 61 : i32
      %dma_start3A_209 = arith.constant 0 : i32
      %dma_start3A_210 = tpu.memref_slice %arg11[%dma_start3A_208, %dma_start3A_209] : memref<64x32xi32, #tpu.memory_space<vmem>> -> memref<1x32xi32, #tpu.memory_space<vmem>>
      %dma_start3A_211 = tpu.memref_squeeze %dma_start3A_210 : memref<1x32xi32, #tpu.memory_space<vmem>> -> memref<32xi32, #tpu.memory_space<vmem>>
      %dma_start3A_212 = arith.constant 0 : i32
      %dma_start3A_213 = arith.constant 0 : i32
      %dma_start3A_214 = tpu.memref_slice %arg38[%dma_start3A_212, %dma_start3A_213] : memref<10240x16xf32, #tpu.memory_space<vmem_shared>> -> memref<10240x16xf32, #tpu.memory_space<vmem_shared>>
      tpu.enqueue_indirect_dma source(%arg37 : memref<32x16xf32, #tpu.memory_space<vmem>>) target(%dma_start3A_214 : memref<10240x16xf32, #tpu.memory_space<vmem_shared>>) offsets(%dma_start3A_211 : memref<32xi32, #tpu.memory_space<vmem>>) semaphore(%arg44 : memref<!tpu.dma_semaphore, #tpu.memory_space<semaphore_mem>>) {add = true}
      %dma_wait3A_215 = arith.constant 62 : i32
      %dma_wait3A_216 = arith.constant 0 : i32
      %dma_wait3A_217 = tpu.memref_slice %arg10[%dma_wait3A_215, %dma_wait3A_216] : memref<64x32xi32, #tpu.memory_space<vmem>> -> memref<1x32xi32, #tpu.memory_space<vmem>>
      %dma_wait3A_218 = tpu.memref_squeeze %dma_wait3A_217 : memref<1x32xi32, #tpu.memory_space<vmem>> -> memref<32xi32, #tpu.memory_space<vmem>>
      %dma_wait3A_219 = arith.constant 0 : i32
      %dma_wait3A_220 = arith.constant 0 : i32
      %dma_wait3A_221 = tpu.memref_slice %arg2[%dma_wait3A_219, %dma_wait3A_220] : memref<10000x128xf32, #tpu.memory_space<hbm>> -> memref<10000x128xf32, #tpu.memory_space<hbm>>
      tpu.wait_indirect_dma semaphore(%arg27 : memref<!tpu.dma_semaphore, #tpu.memory_space<semaphore_mem>>) src(%dma_wait3A_221 : memref<10000x128xf32, #tpu.memory_space<hbm>>) dst(%arg18 : memref<32x128xf32, #tpu.memory_space<vmem>>)
      %dma_start3A_222 = arith.constant 62 : i32
      %dma_start3A_223 = arith.constant 0 : i32
      %dma_start3A_224 = tpu.memref_slice %arg11[%dma_start3A_222, %dma_start3A_223] : memref<64x32xi32, #tpu.memory_space<vmem>> -> memref<1x32xi32, #tpu.memory_space<vmem>>
      %dma_start3A_225 = tpu.memref_squeeze %dma_start3A_224 : memref<1x32xi32, #tpu.memory_space<vmem>> -> memref<32xi32, #tpu.memory_space<vmem>>
      %dma_start3A_226 = arith.constant 0 : i32
      %dma_start3A_227 = arith.constant 0 : i32
      %dma_start3A_228 = tpu.memref_slice %arg20[%dma_start3A_226, %dma_start3A_227] : memref<10240x128xf32, #tpu.memory_space<vmem_shared>> -> memref<10240x128xf32, #tpu.memory_space<vmem_shared>>
      tpu.enqueue_indirect_dma source(%arg18 : memref<32x128xf32, #tpu.memory_space<vmem>>) target(%dma_start3A_228 : memref<10240x128xf32, #tpu.memory_space<vmem_shared>>) offsets(%dma_start3A_225 : memref<32xi32, #tpu.memory_space<vmem>>) semaphore(%arg35 : memref<!tpu.dma_semaphore, #tpu.memory_space<semaphore_mem>>) {add = true}
      %dma_start3A_229 = arith.constant 62 : i32
      %dma_start3A_230 = arith.constant 0 : i32
      %dma_start3A_231 = tpu.memref_slice %arg11[%dma_start3A_229, %dma_start3A_230] : memref<64x32xi32, #tpu.memory_space<vmem>> -> memref<1x32xi32, #tpu.memory_space<vmem>>
      %dma_start3A_232 = tpu.memref_squeeze %dma_start3A_231 : memref<1x32xi32, #tpu.memory_space<vmem>> -> memref<32xi32, #tpu.memory_space<vmem>>
      %dma_start3A_233 = arith.constant 0 : i32
      %dma_start3A_234 = arith.constant 0 : i32
      %dma_start3A_235 = tpu.memref_slice %arg38[%dma_start3A_233, %dma_start3A_234] : memref<10240x16xf32, #tpu.memory_space<vmem_shared>> -> memref<10240x16xf32, #tpu.memory_space<vmem_shared>>
      tpu.enqueue_indirect_dma source(%arg37 : memref<32x16xf32, #tpu.memory_space<vmem>>) target(%dma_start3A_235 : memref<10240x16xf32, #tpu.memory_space<vmem_shared>>) offsets(%dma_start3A_232 : memref<32xi32, #tpu.memory_space<vmem>>) semaphore(%arg45 : memref<!tpu.dma_semaphore, #tpu.memory_space<semaphore_mem>>) {add = true}
      %dma_wait3A_236 = arith.constant 63 : i32
      %dma_wait3A_237 = arith.constant 0 : i32
      %dma_wait3A_238 = tpu.memref_slice %arg10[%dma_wait3A_236, %dma_wait3A_237] : memref<64x32xi32, #tpu.memory_space<vmem>> -> memref<1x32xi32, #tpu.memory_space<vmem>>
      %dma_wait3A_239 = tpu.memref_squeeze %dma_wait3A_238 : memref<1x32xi32, #tpu.memory_space<vmem>> -> memref<32xi32, #tpu.memory_space<vmem>>
      %dma_wait3A_240 = arith.constant 0 : i32
      %dma_wait3A_241 = arith.constant 0 : i32
      %dma_wait3A_242 = tpu.memref_slice %arg2[%dma_wait3A_240, %dma_wait3A_241] : memref<10000x128xf32, #tpu.memory_space<hbm>> -> memref<10000x128xf32, #tpu.memory_space<hbm>>
      tpu.wait_indirect_dma semaphore(%arg28 : memref<!tpu.dma_semaphore, #tpu.memory_space<semaphore_mem>>) src(%dma_wait3A_242 : memref<10000x128xf32, #tpu.memory_space<hbm>>) dst(%arg19 : memref<32x128xf32, #tpu.memory_space<vmem>>)
      %dma_start3A_243 = arith.constant 63 : i32
      %dma_start3A_244 = arith.constant 0 : i32
      %dma_start3A_245 = tpu.memref_slice %arg11[%dma_start3A_243, %dma_start3A_244] : memref<64x32xi32, #tpu.memory_space<vmem>> -> memref<1x32xi32, #tpu.memory_space<vmem>>
      %dma_start3A_246 = tpu.memref_squeeze %dma_start3A_245 : memref<1x32xi32, #tpu.memory_space<vmem>> -> memref<32xi32, #tpu.memory_space<vmem>>
      %dma_start3A_247 = arith.constant 0 : i32
      %dma_start3A_248 = arith.constant 0 : i32
      %dma_start3A_249 = tpu.memref_slice %arg20[%dma_start3A_247, %dma_start3A_248] : memref<10240x128xf32, #tpu.memory_space<vmem_shared>> -> memref<10240x128xf32, #tpu.memory_space<vmem_shared>>
      tpu.enqueue_indirect_dma source(%arg19 : memref<32x128xf32, #tpu.memory_space<vmem>>) target(%dma_start3A_249 : memref<10240x128xf32, #tpu.memory_space<vmem_shared>>) offsets(%dma_start3A_246 : memref<32xi32, #tpu.memory_space<vmem>>) semaphore(%arg36 : memref<!tpu.dma_semaphore, #tpu.memory_space<semaphore_mem>>) {add = true}
      %dma_start3A_250 = arith.constant 63 : i32
      %dma_start3A_251 = arith.constant 0 : i32
      %dma_start3A_252 = tpu.memref_slice %arg11[%dma_start3A_250, %dma_start3A_251] : memref<64x32xi32, #tpu.memory_space<vmem>> -> memref<1x32xi32, #tpu.memory_space<vmem>>
      %dma_start3A_253 = tpu.memref_squeeze %dma_start3A_252 : memref<1x32xi32, #tpu.memory_space<vmem>> -> memref<32xi32, #tpu.memory_space<vmem>>
      %dma_start3A_254 = arith.constant 0 : i32
      %dma_start3A_255 = arith.constant 0 : i32
      %dma_start3A_256 = tpu.memref_slice %arg38[%dma_start3A_254, %dma_start3A_255] : memref<10240x16xf32, #tpu.memory_space<vmem_shared>> -> memref<10240x16xf32, #tpu.memory_space<vmem_shared>>
      tpu.enqueue_indirect_dma source(%arg37 : memref<32x16xf32, #tpu.memory_space<vmem>>) target(%dma_start3A_256 : memref<10240x16xf32, #tpu.memory_space<vmem_shared>>) offsets(%dma_start3A_253 : memref<32xi32, #tpu.memory_space<vmem>>) semaphore(%arg46 : memref<!tpu.dma_semaphore, #tpu.memory_space<semaphore_mem>>) {add = true}
      %dma_wait3A_257 = arith.constant 56 : i32
      %dma_wait3A_258 = arith.constant 0 : i32
      %dma_wait3A_259 = tpu.memref_slice %arg11[%dma_wait3A_257, %dma_wait3A_258] : memref<64x32xi32, #tpu.memory_space<vmem>> -> memref<1x32xi32, #tpu.memory_space<vmem>>
      %dma_wait3A_260 = tpu.memref_squeeze %dma_wait3A_259 : memref<1x32xi32, #tpu.memory_space<vmem>> -> memref<32xi32, #tpu.memory_space<vmem>>
      %dma_wait3A_261 = arith.constant 0 : i32
      %dma_wait3A_262 = arith.constant 0 : i32
      %dma_wait3A_263 = tpu.memref_slice %arg20[%dma_wait3A_261, %dma_wait3A_262] : memref<10240x128xf32, #tpu.memory_space<vmem_shared>> -> memref<10240x128xf32, #tpu.memory_space<vmem_shared>>
      tpu.wait_indirect_dma semaphore(%arg29 : memref<!tpu.dma_semaphore, #tpu.memory_space<semaphore_mem>>) src(%arg12 : memref<32x128xf32, #tpu.memory_space<vmem>>) dst(%dma_wait3A_263 : memref<10240x128xf32, #tpu.memory_space<vmem_shared>>)
      %dma_wait3A_264 = arith.constant 56 : i32
      %dma_wait3A_265 = arith.constant 0 : i32
      %dma_wait3A_266 = tpu.memref_slice %arg11[%dma_wait3A_264, %dma_wait3A_265] : memref<64x32xi32, #tpu.memory_space<vmem>> -> memref<1x32xi32, #tpu.memory_space<vmem>>
      %dma_wait3A_267 = tpu.memref_squeeze %dma_wait3A_266 : memref<1x32xi32, #tpu.memory_space<vmem>> -> memref<32xi32, #tpu.memory_space<vmem>>
      %dma_wait3A_268 = arith.constant 0 : i32
      %dma_wait3A_269 = arith.constant 0 : i32
      %dma_wait3A_270 = tpu.memref_slice %arg38[%dma_wait3A_268, %dma_wait3A_269] : memref<10240x16xf32, #tpu.memory_space<vmem_shared>> -> memref<10240x16xf32, #tpu.memory_space<vmem_shared>>
      tpu.wait_indirect_dma semaphore(%arg39 : memref<!tpu.dma_semaphore, #tpu.memory_space<semaphore_mem>>) src(%arg37 : memref<32x16xf32, #tpu.memory_space<vmem>>) dst(%dma_wait3A_270 : memref<10240x16xf32, #tpu.memory_space<vmem_shared>>)
      %dma_wait3A_271 = arith.constant 57 : i32
      %dma_wait3A_272 = arith.constant 0 : i32
      %dma_wait3A_273 = tpu.memref_slice %arg11[%dma_wait3A_271, %dma_wait3A_272] : memref<64x32xi32, #tpu.memory_space<vmem>> -> memref<1x32xi32, #tpu.memory_space<vmem>>
      %dma_wait3A_274 = tpu.memref_squeeze %dma_wait3A_273 : memref<1x32xi32, #tpu.memory_space<vmem>> -> memref<32xi32, #tpu.memory_space<vmem>>
      %dma_wait3A_275 = arith.constant 0 : i32
      %dma_wait3A_276 = arith.constant 0 : i32
      %dma_wait3A_277 = tpu.memref_slice %arg20[%dma_wait3A_275, %dma_wait3A_276] : memref<10240x128xf32, #tpu.memory_space<vmem_shared>> -> memref<10240x128xf32, #tpu.memory_space<vmem_shared>>
      tpu.wait_indirect_dma semaphore(%arg30 : memref<!tpu.dma_semaphore, #tpu.memory_space<semaphore_mem>>) src(%arg13 : memref<32x128xf32, #tpu.memory_space<vmem>>) dst(%dma_wait3A_277 : memref<10240x128xf32, #tpu.memory_space<vmem_shared>>)
      %dma_wait3A_278 = arith.constant 57 : i32
      %dma_wait3A_279 = arith.constant 0 : i32
      %dma_wait3A_280 = tpu.memref_slice %arg11[%dma_wait3A_278, %dma_wait3A_279] : memref<64x32xi32, #tpu.memory_space<vmem>> -> memref<1x32xi32, #tpu.memory_space<vmem>>
      %dma_wait3A_281 = tpu.memref_squeeze %dma_wait3A_280 : memref<1x32xi32, #tpu.memory_space<vmem>> -> memref<32xi32, #tpu.memory_space<vmem>>
      %dma_wait3A_282 = arith.constant 0 : i32
      %dma_wait3A_283 = arith.constant 0 : i32
      %dma_wait3A_284 = tpu.memref_slice %arg38[%dma_wait3A_282, %dma_wait3A_283] : memref<10240x16xf32, #tpu.memory_space<vmem_shared>> -> memref<10240x16xf32, #tpu.memory_space<vmem_shared>>
      tpu.wait_indirect_dma semaphore(%arg40 : memref<!tpu.dma_semaphore, #tpu.memory_space<semaphore_mem>>) src(%arg37 : memref<32x16xf32, #tpu.memory_space<vmem>>) dst(%dma_wait3A_284 : memref<10240x16xf32, #tpu.memory_space<vmem_shared>>)
      %dma_wait3A_285 = arith.constant 58 : i32
      %dma_wait3A_286 = arith.constant 0 : i32
      %dma_wait3A_287 = tpu.memref_slice %arg11[%dma_wait3A_285, %dma_wait3A_286] : memref<64x32xi32, #tpu.memory_space<vmem>> -> memref<1x32xi32, #tpu.memory_space<vmem>>
      %dma_wait3A_288 = tpu.memref_squeeze %dma_wait3A_287 : memref<1x32xi32, #tpu.memory_space<vmem>> -> memref<32xi32, #tpu.memory_space<vmem>>
      %dma_wait3A_289 = arith.constant 0 : i32
      %dma_wait3A_290 = arith.constant 0 : i32
      %dma_wait3A_291 = tpu.memref_slice %arg20[%dma_wait3A_289, %dma_wait3A_290] : memref<10240x128xf32, #tpu.memory_space<vmem_shared>> -> memref<10240x128xf32, #tpu.memory_space<vmem_shared>>
      tpu.wait_indirect_dma semaphore(%arg31 : memref<!tpu.dma_semaphore, #tpu.memory_space<semaphore_mem>>) src(%arg14 : memref<32x128xf32, #tpu.memory_space<vmem>>) dst(%dma_wait3A_291 : memref<10240x128xf32, #tpu.memory_space<vmem_shared>>)
      %dma_wait3A_292 = arith.constant 58 : i32
      %dma_wait3A_293 = arith.constant 0 : i32
      %dma_wait3A_294 = tpu.memref_slice %arg11[%dma_wait3A_292, %dma_wait3A_293] : memref<64x32xi32, #tpu.memory_space<vmem>> -> memref<1x32xi32, #tpu.memory_space<vmem>>
      %dma_wait3A_295 = tpu.memref_squeeze %dma_wait3A_294 : memref<1x32xi32, #tpu.memory_space<vmem>> -> memref<32xi32, #tpu.memory_space<vmem>>
      %dma_wait3A_296 = arith.constant 0 : i32
      %dma_wait3A_297 = arith.constant 0 : i32
      %dma_wait3A_298 = tpu.memref_slice %arg38[%dma_wait3A_296, %dma_wait3A_297] : memref<10240x16xf32, #tpu.memory_space<vmem_shared>> -> memref<10240x16xf32, #tpu.memory_space<vmem_shared>>
      tpu.wait_indirect_dma semaphore(%arg41 : memref<!tpu.dma_semaphore, #tpu.memory_space<semaphore_mem>>) src(%arg37 : memref<32x16xf32, #tpu.memory_space<vmem>>) dst(%dma_wait3A_298 : memref<10240x16xf32, #tpu.memory_space<vmem_shared>>)
      %dma_wait3A_299 = arith.constant 59 : i32
      %dma_wait3A_300 = arith.constant 0 : i32
      %dma_wait3A_301 = tpu.memref_slice %arg11[%dma_wait3A_299, %dma_wait3A_300] : memref<64x32xi32, #tpu.memory_space<vmem>> -> memref<1x32xi32, #tpu.memory_space<vmem>>
      %dma_wait3A_302 = tpu.memref_squeeze %dma_wait3A_301 : memref<1x32xi32, #tpu.memory_space<vmem>> -> memref<32xi32, #tpu.memory_space<vmem>>
      %dma_wait3A_303 = arith.constant 0 : i32
      %dma_wait3A_304 = arith.constant 0 : i32
      %dma_wait3A_305 = tpu.memref_slice %arg20[%dma_wait3A_303, %dma_wait3A_304] : memref<10240x128xf32, #tpu.memory_space<vmem_shared>> -> memref<10240x128xf32, #tpu.memory_space<vmem_shared>>
      tpu.wait_indirect_dma semaphore(%arg32 : memref<!tpu.dma_semaphore, #tpu.memory_space<semaphore_mem>>) src(%arg15 : memref<32x128xf32, #tpu.memory_space<vmem>>) dst(%dma_wait3A_305 : memref<10240x128xf32, #tpu.memory_space<vmem_shared>>)
      %dma_wait3A_306 = arith.constant 59 : i32
      %dma_wait3A_307 = arith.constant 0 : i32
      %dma_wait3A_308 = tpu.memref_slice %arg11[%dma_wait3A_306, %dma_wait3A_307] : memref<64x32xi32, #tpu.memory_space<vmem>> -> memref<1x32xi32, #tpu.memory_space<vmem>>
      %dma_wait3A_309 = tpu.memref_squeeze %dma_wait3A_308 : memref<1x32xi32, #tpu.memory_space<vmem>> -> memref<32xi32, #tpu.memory_space<vmem>>
      %dma_wait3A_310 = arith.constant 0 : i32
      %dma_wait3A_311 = arith.constant 0 : i32
      %dma_wait3A_312 = tpu.memref_slice %arg38[%dma_wait3A_310, %dma_wait3A_311] : memref<10240x16xf32, #tpu.memory_space<vmem_shared>> -> memref<10240x16xf32, #tpu.memory_space<vmem_shared>>
      tpu.wait_indirect_dma semaphore(%arg42 : memref<!tpu.dma_semaphore, #tpu.memory_space<semaphore_mem>>) src(%arg37 : memref<32x16xf32, #tpu.memory_space<vmem>>) dst(%dma_wait3A_312 : memref<10240x16xf32, #tpu.memory_space<vmem_shared>>)
      %dma_wait3A_313 = arith.constant 60 : i32
      %dma_wait3A_314 = arith.constant 0 : i32
      %dma_wait3A_315 = tpu.memref_slice %arg11[%dma_wait3A_313, %dma_wait3A_314] : memref<64x32xi32, #tpu.memory_space<vmem>> -> memref<1x32xi32, #tpu.memory_space<vmem>>
      %dma_wait3A_316 = tpu.memref_squeeze %dma_wait3A_315 : memref<1x32xi32, #tpu.memory_space<vmem>> -> memref<32xi32, #tpu.memory_space<vmem>>
      %dma_wait3A_317 = arith.constant 0 : i32
      %dma_wait3A_318 = arith.constant 0 : i32
      %dma_wait3A_319 = tpu.memref_slice %arg20[%dma_wait3A_317, %dma_wait3A_318] : memref<10240x128xf32, #tpu.memory_space<vmem_shared>> -> memref<10240x128xf32, #tpu.memory_space<vmem_shared>>
      tpu.wait_indirect_dma semaphore(%arg33 : memref<!tpu.dma_semaphore, #tpu.memory_space<semaphore_mem>>) src(%arg16 : memref<32x128xf32, #tpu.memory_space<vmem>>) dst(%dma_wait3A_319 : memref<10240x128xf32, #tpu.memory_space<vmem_shared>>)
      %dma_wait3A_320 = arith.constant 60 : i32
      %dma_wait3A_321 = arith.constant 0 : i32
      %dma_wait3A_322 = tpu.memref_slice %arg11[%dma_wait3A_320, %dma_wait3A_321] : memref<64x32xi32, #tpu.memory_space<vmem>> -> memref<1x32xi32, #tpu.memory_space<vmem>>
      %dma_wait3A_323 = tpu.memref_squeeze %dma_wait3A_322 : memref<1x32xi32, #tpu.memory_space<vmem>> -> memref<32xi32, #tpu.memory_space<vmem>>
      %dma_wait3A_324 = arith.constant 0 : i32
      %dma_wait3A_325 = arith.constant 0 : i32
      %dma_wait3A_326 = tpu.memref_slice %arg38[%dma_wait3A_324, %dma_wait3A_325] : memref<10240x16xf32, #tpu.memory_space<vmem_shared>> -> memref<10240x16xf32, #tpu.memory_space<vmem_shared>>
      tpu.wait_indirect_dma semaphore(%arg43 : memref<!tpu.dma_semaphore, #tpu.memory_space<semaphore_mem>>) src(%arg37 : memref<32x16xf32, #tpu.memory_space<vmem>>) dst(%dma_wait3A_326 : memref<10240x16xf32, #tpu.memory_space<vmem_shared>>)
      %dma_wait3A_327 = arith.constant 61 : i32
      %dma_wait3A_328 = arith.constant 0 : i32
      %dma_wait3A_329 = tpu.memref_slice %arg11[%dma_wait3A_327, %dma_wait3A_328] : memref<64x32xi32, #tpu.memory_space<vmem>> -> memref<1x32xi32, #tpu.memory_space<vmem>>
      %dma_wait3A_330 = tpu.memref_squeeze %dma_wait3A_329 : memref<1x32xi32, #tpu.memory_space<vmem>> -> memref<32xi32, #tpu.memory_space<vmem>>
      %dma_wait3A_331 = arith.constant 0 : i32
      %dma_wait3A_332 = arith.constant 0 : i32
      %dma_wait3A_333 = tpu.memref_slice %arg20[%dma_wait3A_331, %dma_wait3A_332] : memref<10240x128xf32, #tpu.memory_space<vmem_shared>> -> memref<10240x128xf32, #tpu.memory_space<vmem_shared>>
      tpu.wait_indirect_dma semaphore(%arg34 : memref<!tpu.dma_semaphore, #tpu.memory_space<semaphore_mem>>) src(%arg17 : memref<32x128xf32, #tpu.memory_space<vmem>>) dst(%dma_wait3A_333 : memref<10240x128xf32, #tpu.memory_space<vmem_shared>>)
      %dma_wait3A_334 = arith.constant 61 : i32
      %dma_wait3A_335 = arith.constant 0 : i32
      %dma_wait3A_336 = tpu.memref_slice %arg11[%dma_wait3A_334, %dma_wait3A_335] : memref<64x32xi32, #tpu.memory_space<vmem>> -> memref<1x32xi32, #tpu.memory_space<vmem>>
      %dma_wait3A_337 = tpu.memref_squeeze %dma_wait3A_336 : memref<1x32xi32, #tpu.memory_space<vmem>> -> memref<32xi32, #tpu.memory_space<vmem>>
      %dma_wait3A_338 = arith.constant 0 : i32
      %dma_wait3A_339 = arith.constant 0 : i32
      %dma_wait3A_340 = tpu.memref_slice %arg38[%dma_wait3A_338, %dma_wait3A_339] : memref<10240x16xf32, #tpu.memory_space<vmem_shared>> -> memref<10240x16xf32, #tpu.memory_space<vmem_shared>>
      tpu.wait_indirect_dma semaphore(%arg44 : memref<!tpu.dma_semaphore, #tpu.memory_space<semaphore_mem>>) src(%arg37 : memref<32x16xf32, #tpu.memory_space<vmem>>) dst(%dma_wait3A_340 : memref<10240x16xf32, #tpu.memory_space<vmem_shared>>)
      %dma_wait3A_341 = arith.constant 62 : i32
      %dma_wait3A_342 = arith.constant 0 : i32
      %dma_wait3A_343 = tpu.memref_slice %arg11[%dma_wait3A_341, %dma_wait3A_342] : memref<64x32xi32, #tpu.memory_space<vmem>> -> memref<1x32xi32, #tpu.memory_space<vmem>>
      %dma_wait3A_344 = tpu.memref_squeeze %dma_wait3A_343 : memref<1x32xi32, #tpu.memory_space<vmem>> -> memref<32xi32, #tpu.memory_space<vmem>>
      %dma_wait3A_345 = arith.constant 0 : i32
      %dma_wait3A_346 = arith.constant 0 : i32
      %dma_wait3A_347 = tpu.memref_slice %arg20[%dma_wait3A_345, %dma_wait3A_346] : memref<10240x128xf32, #tpu.memory_space<vmem_shared>> -> memref<10240x128xf32, #tpu.memory_space<vmem_shared>>
      tpu.wait_indirect_dma semaphore(%arg35 : memref<!tpu.dma_semaphore, #tpu.memory_space<semaphore_mem>>) src(%arg18 : memref<32x128xf32, #tpu.memory_space<vmem>>) dst(%dma_wait3A_347 : memref<10240x128xf32, #tpu.memory_space<vmem_shared>>)
      %dma_wait3A_348 = arith.constant 62 : i32
      %dma_wait3A_349 = arith.constant 0 : i32
      %dma_wait3A_350 = tpu.memref_slice %arg11[%dma_wait3A_348, %dma_wait3A_349] : memref<64x32xi32, #tpu.memory_space<vmem>> -> memref<1x32xi32, #tpu.memory_space<vmem>>
      %dma_wait3A_351 = tpu.memref_squeeze %dma_wait3A_350 : memref<1x32xi32, #tpu.memory_space<vmem>> -> memref<32xi32, #tpu.memory_space<vmem>>
      %dma_wait3A_352 = arith.constant 0 : i32
      %dma_wait3A_353 = arith.constant 0 : i32
      %dma_wait3A_354 = tpu.memref_slice %arg38[%dma_wait3A_352, %dma_wait3A_353] : memref<10240x16xf32, #tpu.memory_space<vmem_shared>> -> memref<10240x16xf32, #tpu.memory_space<vmem_shared>>
      tpu.wait_indirect_dma semaphore(%arg45 : memref<!tpu.dma_semaphore, #tpu.memory_space<semaphore_mem>>) src(%arg37 : memref<32x16xf32, #tpu.memory_space<vmem>>) dst(%dma_wait3A_354 : memref<10240x16xf32, #tpu.memory_space<vmem_shared>>)
      %dma_wait3A_355 = arith.constant 63 : i32
      %dma_wait3A_356 = arith.constant 0 : i32
      %dma_wait3A_357 = tpu.memref_slice %arg11[%dma_wait3A_355, %dma_wait3A_356] : memref<64x32xi32, #tpu.memory_space<vmem>> -> memref<1x32xi32, #tpu.memory_space<vmem>>
      %dma_wait3A_358 = tpu.memref_squeeze %dma_wait3A_357 : memref<1x32xi32, #tpu.memory_space<vmem>> -> memref<32xi32, #tpu.memory_space<vmem>>
      %dma_wait3A_359 = arith.constant 0 : i32
      %dma_wait3A_360 = arith.constant 0 : i32
      %dma_wait3A_361 = tpu.memref_slice %arg20[%dma_wait3A_359, %dma_wait3A_360] : memref<10240x128xf32, #tpu.memory_space<vmem_shared>> -> memref<10240x128xf32, #tpu.memory_space<vmem_shared>>
      tpu.wait_indirect_dma semaphore(%arg36 : memref<!tpu.dma_semaphore, #tpu.memory_space<semaphore_mem>>) src(%arg19 : memref<32x128xf32, #tpu.memory_space<vmem>>) dst(%dma_wait3A_361 : memref<10240x128xf32, #tpu.memory_space<vmem_shared>>)
      %dma_wait3A_362 = arith.constant 63 : i32
      %dma_wait3A_363 = arith.constant 0 : i32
      %dma_wait3A_364 = tpu.memref_slice %arg11[%dma_wait3A_362, %dma_wait3A_363] : memref<64x32xi32, #tpu.memory_space<vmem>> -> memref<1x32xi32, #tpu.memory_space<vmem>>
      %dma_wait3A_365 = tpu.memref_squeeze %dma_wait3A_364 : memref<1x32xi32, #tpu.memory_space<vmem>> -> memref<32xi32, #tpu.memory_space<vmem>>
      %dma_wait3A_366 = arith.constant 0 : i32
      %dma_wait3A_367 = arith.constant 0 : i32
      %dma_wait3A_368 = tpu.memref_slice %arg38[%dma_wait3A_366, %dma_wait3A_367] : memref<10240x16xf32, #tpu.memory_space<vmem_shared>> -> memref<10240x16xf32, #tpu.memory_space<vmem_shared>>
      tpu.wait_indirect_dma semaphore(%arg46 : memref<!tpu.dma_semaphore, #tpu.memory_space<semaphore_mem>>) src(%arg37 : memref<32x16xf32, #tpu.memory_space<vmem>>) dst(%dma_wait3A_368 : memref<10240x16xf32, #tpu.memory_space<vmem_shared>>)
    }
    %scan3A_15 = arith.constant 5 : i32
    %barrier3A_16 = arith.constant 0 : index
    tpu.barrier barrier_id(%barrier3A_16)
    %mul3A_17 = arith.constant 640 : i32
    %mul3A_18 = arith.muli %arg1, %mul3A_17 : i32
    %mul3A_19 = arith.constant 640 : i32
    %mul3A_20 = arith.muli %arg1, %mul3A_19 : i32
    "tpu.region"() ({
      %run_scoped3A = tpu.sem_alloc : memref<!tpu.dma_semaphore, #tpu.memory_space<semaphore_mem>>
      %dma_start3A = arith.constant 0 : i32
      %dma_start3A_25 = tpu.memref_slice %arg8[%arg0, %mul3A_20, %dma_start3A] : memref<2x10240x128xf32, #tpu.memory_space<hbm>> -> memref<1x640x128xf32, #tpu.memory_space<hbm>>
      %dma_start3A_26 = tpu.memref_squeeze %dma_start3A_25 : memref<1x640x128xf32, #tpu.memory_space<hbm>> -> memref<640x128xf32, #tpu.memory_space<hbm>>
      %dma_start3A_27 = arith.constant 0 : i32
      %dma_start3A_28 = tpu.memref_slice %arg20[%mul3A_18, %dma_start3A_27] : memref<10240x128xf32, #tpu.memory_space<vmem_shared>> -> memref<640x128xf32, #tpu.memory_space<vmem_shared>>
      tpu.enqueue_dma source(%dma_start3A_28 : memref<640x128xf32, #tpu.memory_space<vmem_shared>>) target(%dma_start3A_26 : memref<640x128xf32, #tpu.memory_space<hbm>>) target_semaphore(%run_scoped3A : memref<!tpu.dma_semaphore, #tpu.memory_space<semaphore_mem>>)
      %dma_wait3A = arith.constant 0 : i32
      %dma_wait3A_29 = tpu.memref_slice %arg8[%arg0, %mul3A_20, %dma_wait3A] : memref<2x10240x128xf32, #tpu.memory_space<hbm>> -> memref<1x640x128xf32, #tpu.memory_space<hbm>>
      %dma_wait3A_30 = tpu.memref_squeeze %dma_wait3A_29 : memref<1x640x128xf32, #tpu.memory_space<hbm>> -> memref<640x128xf32, #tpu.memory_space<hbm>>
      %dma_wait3A_31 = arith.constant 0 : i32
      %dma_wait3A_32 = tpu.memref_slice %arg20[%mul3A_18, %dma_wait3A_31] : memref<10240x128xf32, #tpu.memory_space<vmem_shared>> -> memref<640x128xf32, #tpu.memory_space<vmem_shared>>
      tpu.wait_dma2 semaphore(%run_scoped3A : memref<!tpu.dma_semaphore, #tpu.memory_space<semaphore_mem>>) src(%dma_wait3A_32 : memref<640x128xf32, #tpu.memory_space<vmem_shared>>) dst(%dma_wait3A_30 : memref<640x128xf32, #tpu.memory_space<hbm>>)
      tpu.yield
    }) : () -> ()
    %mul3A_21 = arith.constant 640 : i32
    %mul3A_22 = arith.muli %arg1, %mul3A_21 : i32
    %mul3A_23 = arith.constant 640 : i32
    %mul3A_24 = arith.muli %arg1, %mul3A_23 : i32
    "tpu.region"() ({
      %run_scoped3A = tpu.sem_alloc : memref<!tpu.dma_semaphore, #tpu.memory_space<semaphore_mem>>
      %dma_start3A = arith.constant 0 : i32
      %dma_start3A_25 = tpu.memref_slice %arg9[%arg0, %mul3A_24, %dma_start3A] : memref<2x10240x16xf32, #tpu.memory_space<hbm>> -> memref<1x640x16xf32, #tpu.memory_space<hbm>>
      %dma_start3A_26 = tpu.memref_squeeze %dma_start3A_25 : memref<1x640x16xf32, #tpu.memory_space<hbm>> -> memref<640x16xf32, #tpu.memory_space<hbm>>
      %dma_start3A_27 = arith.constant 0 : i32
      %dma_start3A_28 = tpu.memref_slice %arg38[%mul3A_22, %dma_start3A_27] : memref<10240x16xf32, #tpu.memory_space<vmem_shared>> -> memref<640x16xf32, #tpu.memory_space<vmem_shared>>
      tpu.enqueue_dma source(%dma_start3A_28 : memref<640x16xf32, #tpu.memory_space<vmem_shared>>) target(%dma_start3A_26 : memref<640x16xf32, #tpu.memory_space<hbm>>) target_semaphore(%run_scoped3A : memref<!tpu.dma_semaphore, #tpu.memory_space<semaphore_mem>>)
      %dma_wait3A = arith.constant 0 : i32
      %dma_wait3A_29 = tpu.memref_slice %arg9[%arg0, %mul3A_24, %dma_wait3A] : memref<2x10240x16xf32, #tpu.memory_space<hbm>> -> memref<1x640x16xf32, #tpu.memory_space<hbm>>
      %dma_wait3A_30 = tpu.memref_squeeze %dma_wait3A_29 : memref<1x640x16xf32, #tpu.memory_space<hbm>> -> memref<640x16xf32, #tpu.memory_space<hbm>>
      %dma_wait3A_31 = arith.constant 0 : i32
      %dma_wait3A_32 = tpu.memref_slice %arg38[%mul3A_22, %dma_wait3A_31] : memref<10240x16xf32, #tpu.memory_space<vmem_shared>> -> memref<640x16xf32, #tpu.memory_space<vmem_shared>>
      tpu.wait_dma2 semaphore(%run_scoped3A : memref<!tpu.dma_semaphore, #tpu.memory_space<semaphore_mem>>) src(%dma_wait3A_32 : memref<640x16xf32, #tpu.memory_space<vmem_shared>>) dst(%dma_wait3A_30 : memref<640x16xf32, #tpu.memory_space<hbm>>)
      tpu.yield
    }) : () -> ()
    return
  }
}

#map = affine_map<(d0, d1) -> (0, 0)>
#map1 = affine_map<(d0, d1) -> (0, 0, 0)>
module attributes {stable_mosaic.version = 14 : i64} {
  func.func @body(%arg0: i32, %arg1: i32, %arg2: memref<10000x40xf32, #tpu.memory_space<hbm>>, %arg3: memref<2560x128xi32, #tpu.memory_space<hbm>>, %arg4: memref<2560x128xi32, #tpu.memory_space<hbm>>, %arg5: memref<10240x40xf32, #tpu.memory_space<hbm>>, %arg6: memref<2x10240x40xf32, #tpu.memory_space<hbm>>, %arg7: memref<80x128xi32, #tpu.memory_space<vmem>>, %arg8: memref<80x128xi32, #tpu.memory_space<vmem>>, %arg9: memref<128x40xf32, #tpu.memory_space<vmem>>, %arg10: memref<128x40xf32, #tpu.memory_space<vmem>>, %arg11: memref<128x40xf32, #tpu.memory_space<vmem>>, %arg12: memref<128x40xf32, #tpu.memory_space<vmem>>, %arg13: memref<128x40xf32, #tpu.memory_space<vmem>>, %arg14: memref<128x40xf32, #tpu.memory_space<vmem>>, %arg15: memref<128x40xf32, #tpu.memory_space<vmem>>, %arg16: memref<128x40xf32, #tpu.memory_space<vmem>>, %arg17: memref<10240x40xf32, #tpu.memory_space<vmem_shared>>, %arg18: memref<!tpu.dma_semaphore, #tpu.memory_space<semaphore_mem>>, %arg19: memref<!tpu.dma_semaphore, #tpu.memory_space<semaphore_mem>>, %arg20: memref<!tpu.dma_semaphore, #tpu.memory_space<semaphore_mem>>, %arg21: memref<!tpu.dma_semaphore, #tpu.memory_space<semaphore_mem>>, %arg22: memref<!tpu.dma_semaphore, #tpu.memory_space<semaphore_mem>>, %arg23: memref<!tpu.dma_semaphore, #tpu.memory_space<semaphore_mem>>, %arg24: memref<!tpu.dma_semaphore, #tpu.memory_space<semaphore_mem>>, %arg25: memref<!tpu.dma_semaphore, #tpu.memory_space<semaphore_mem>>, %arg26: memref<!tpu.dma_semaphore, #tpu.memory_space<semaphore_mem>>, %arg27: memref<!tpu.dma_semaphore, #tpu.memory_space<semaphore_mem>>, %arg28: memref<!tpu.dma_semaphore, #tpu.memory_space<semaphore_mem>>, %arg29: memref<!tpu.dma_semaphore, #tpu.memory_space<semaphore_mem>>, %arg30: memref<!tpu.dma_semaphore, #tpu.memory_space<semaphore_mem>>, %arg31: memref<!tpu.dma_semaphore, #tpu.memory_space<semaphore_mem>>, %arg32: memref<!tpu.dma_semaphore, #tpu.memory_space<semaphore_mem>>, %arg33: memref<!tpu.dma_semaphore, #tpu.memory_space<semaphore_mem>>) attributes {dimension_semantics = [#tpu.dimension_semantics<core_parallel>, #tpu.dimension_semantics<subcore_parallel>], iteration_bounds = array<i64: 2, 16>, scalar_prefetch = 0 : i64, scratch_operands = 27 : i64, tpu.core_type = #tpu.core_type<sc_vector_subcore>, window_params = [{transform_indices = #map}, {transform_indices = #map}, {transform_indices = #map}, {transform_indices = #map}, {transform_indices = #map1}]} {
    %mul3A = arith.constant 640 : i32
    %mul3A_0 = arith.muli %arg1, %mul3A : i32
    %mul3A_1 = arith.constant 640 : i32
    %mul3A_2 = arith.muli %arg1, %mul3A_1 : i32
    "tpu.region"() ({
      %run_scoped3A = tpu.sem_alloc : memref<!tpu.dma_semaphore, #tpu.memory_space<semaphore_mem>>
      %dma_start3A_245 = arith.constant 0 : i32
      %dma_start3A_246 = tpu.memref_slice %arg17[%mul3A_2, %dma_start3A_245] : memref<10240x40xf32, #tpu.memory_space<vmem_shared>> -> memref<640x40xf32, #tpu.memory_space<vmem_shared>>
      %dma_start3A_247 = arith.constant 0 : i32
      %dma_start3A_248 = tpu.memref_slice %arg5[%mul3A_0, %dma_start3A_247] : memref<10240x40xf32, #tpu.memory_space<hbm>> -> memref<640x40xf32, #tpu.memory_space<hbm>>
      tpu.enqueue_dma source(%dma_start3A_248 : memref<640x40xf32, #tpu.memory_space<hbm>>) target(%dma_start3A_246 : memref<640x40xf32, #tpu.memory_space<vmem_shared>>) target_semaphore(%run_scoped3A : memref<!tpu.dma_semaphore, #tpu.memory_space<semaphore_mem>>)
      %dma_wait3A_249 = arith.constant 0 : i32
      %dma_wait3A_250 = tpu.memref_slice %arg17[%mul3A_2, %dma_wait3A_249] : memref<10240x40xf32, #tpu.memory_space<vmem_shared>> -> memref<640x40xf32, #tpu.memory_space<vmem_shared>>
      %dma_wait3A_251 = arith.constant 0 : i32
      %dma_wait3A_252 = tpu.memref_slice %arg5[%mul3A_0, %dma_wait3A_251] : memref<10240x40xf32, #tpu.memory_space<hbm>> -> memref<640x40xf32, #tpu.memory_space<hbm>>
      tpu.wait_dma2 semaphore(%run_scoped3A : memref<!tpu.dma_semaphore, #tpu.memory_space<semaphore_mem>>) src(%dma_wait3A_252 : memref<640x40xf32, #tpu.memory_space<hbm>>) dst(%dma_wait3A_250 : memref<640x40xf32, #tpu.memory_space<vmem_shared>>)
      tpu.yield
    }) : () -> ()
    %barrier3A = arith.constant 0 : index
    tpu.barrier barrier_id(%barrier3A)
    %mul3A_3 = arith.constant 16 : i32
    %mul3A_4 = arith.muli %arg0, %mul3A_3 : i32
    %add3A = arith.addi %mul3A_4, %arg1 : i32
    %mul3A_5 = arith.constant 80 : i32
    %mul3A_6 = arith.muli %add3A, %mul3A_5 : i32
    %scan3A = arith.constant 0 : i32
    %scan3A_7 = arith.constant 0 : i32
    %mul3A_8 = arith.constant 80 : i32
    %mul3A_9 = arith.muli %scan3A_7, %mul3A_8 : i32
    %add3A_10 = arith.addi %mul3A_6, %mul3A_9 : i32
    "tpu.region"() ({
      %run_scoped3A = tpu.sem_alloc : memref<!tpu.dma_semaphore, #tpu.memory_space<semaphore_mem>>
      %dma_start3A_245 = arith.constant 0 : i32
      %dma_start3A_246 = tpu.memref_slice %arg3[%add3A_10, %dma_start3A_245] : memref<2560x128xi32, #tpu.memory_space<hbm>> -> memref<80x128xi32, #tpu.memory_space<hbm>>
      %dma_start3A_247 = arith.constant 0 : i32
      %dma_start3A_248 = tpu.memref_slice %arg3[%add3A_10, %dma_start3A_247] : memref<2560x128xi32, #tpu.memory_space<hbm>> -> memref<80x128xi32, #tpu.memory_space<hbm>>
      tpu.enqueue_dma source(%dma_start3A_248 : memref<80x128xi32, #tpu.memory_space<hbm>>) target(%arg7 : memref<80x128xi32, #tpu.memory_space<vmem>>) target_semaphore(%run_scoped3A : memref<!tpu.dma_semaphore, #tpu.memory_space<semaphore_mem>>)
      %dma_wait3A_249 = arith.constant 0 : i32
      %dma_wait3A_250 = tpu.memref_slice %arg3[%add3A_10, %dma_wait3A_249] : memref<2560x128xi32, #tpu.memory_space<hbm>> -> memref<80x128xi32, #tpu.memory_space<hbm>>
      %dma_wait3A_251 = arith.constant 0 : i32
      %dma_wait3A_252 = tpu.memref_slice %arg3[%add3A_10, %dma_wait3A_251] : memref<2560x128xi32, #tpu.memory_space<hbm>> -> memref<80x128xi32, #tpu.memory_space<hbm>>
      tpu.wait_dma2 semaphore(%run_scoped3A : memref<!tpu.dma_semaphore, #tpu.memory_space<semaphore_mem>>) src(%dma_wait3A_252 : memref<80x128xi32, #tpu.memory_space<hbm>>) dst(%arg7 : memref<80x128xi32, #tpu.memory_space<vmem>>)
      tpu.yield
    }) : () -> ()
    "tpu.region"() ({
      %run_scoped3A = tpu.sem_alloc : memref<!tpu.dma_semaphore, #tpu.memory_space<semaphore_mem>>
      %dma_start3A_245 = arith.constant 0 : i32
      %dma_start3A_246 = tpu.memref_slice %arg4[%add3A_10, %dma_start3A_245] : memref<2560x128xi32, #tpu.memory_space<hbm>> -> memref<80x128xi32, #tpu.memory_space<hbm>>
      %dma_start3A_247 = arith.constant 0 : i32
      %dma_start3A_248 = tpu.memref_slice %arg4[%add3A_10, %dma_start3A_247] : memref<2560x128xi32, #tpu.memory_space<hbm>> -> memref<80x128xi32, #tpu.memory_space<hbm>>
      tpu.enqueue_dma source(%dma_start3A_248 : memref<80x128xi32, #tpu.memory_space<hbm>>) target(%arg8 : memref<80x128xi32, #tpu.memory_space<vmem>>) target_semaphore(%run_scoped3A : memref<!tpu.dma_semaphore, #tpu.memory_space<semaphore_mem>>)
      %dma_wait3A_249 = arith.constant 0 : i32
      %dma_wait3A_250 = tpu.memref_slice %arg4[%add3A_10, %dma_wait3A_249] : memref<2560x128xi32, #tpu.memory_space<hbm>> -> memref<80x128xi32, #tpu.memory_space<hbm>>
      %dma_wait3A_251 = arith.constant 0 : i32
      %dma_wait3A_252 = tpu.memref_slice %arg4[%add3A_10, %dma_wait3A_251] : memref<2560x128xi32, #tpu.memory_space<hbm>> -> memref<80x128xi32, #tpu.memory_space<hbm>>
      tpu.wait_dma2 semaphore(%run_scoped3A : memref<!tpu.dma_semaphore, #tpu.memory_space<semaphore_mem>>) src(%dma_wait3A_252 : memref<80x128xi32, #tpu.memory_space<hbm>>) dst(%arg8 : memref<80x128xi32, #tpu.memory_space<vmem>>)
      tpu.yield
    }) : () -> ()
    %dma_start3A = arith.constant 0 : i32
    %dma_start3A_11 = arith.constant 0 : i32
    %dma_start3A_12 = tpu.memref_slice %arg7[%dma_start3A, %dma_start3A_11] : memref<80x128xi32, #tpu.memory_space<vmem>> -> memref<1x128xi32, #tpu.memory_space<vmem>>
    %dma_start3A_13 = tpu.memref_squeeze %dma_start3A_12 : memref<1x128xi32, #tpu.memory_space<vmem>> -> memref<128xi32, #tpu.memory_space<vmem>>
    %dma_start3A_14 = arith.constant 0 : i32
    %dma_start3A_15 = arith.constant 0 : i32
    %dma_start3A_16 = tpu.memref_slice %arg2[%dma_start3A_14, %dma_start3A_15] : memref<10000x40xf32, #tpu.memory_space<hbm>> -> memref<10000x40xf32, #tpu.memory_space<hbm>>
    tpu.enqueue_indirect_dma source(%dma_start3A_16 : memref<10000x40xf32, #tpu.memory_space<hbm>>) target(%arg9 : memref<128x40xf32, #tpu.memory_space<vmem>>) offsets(%dma_start3A_13 : memref<128xi32, #tpu.memory_space<vmem>>) semaphore(%arg18 : memref<!tpu.dma_semaphore, #tpu.memory_space<semaphore_mem>>)
    %dma_start3A_17 = arith.constant 1 : i32
    %dma_start3A_18 = arith.constant 0 : i32
    %dma_start3A_19 = tpu.memref_slice %arg7[%dma_start3A_17, %dma_start3A_18] : memref<80x128xi32, #tpu.memory_space<vmem>> -> memref<1x128xi32, #tpu.memory_space<vmem>>
    %dma_start3A_20 = tpu.memref_squeeze %dma_start3A_19 : memref<1x128xi32, #tpu.memory_space<vmem>> -> memref<128xi32, #tpu.memory_space<vmem>>
    %dma_start3A_21 = arith.constant 0 : i32
    %dma_start3A_22 = arith.constant 0 : i32
    %dma_start3A_23 = tpu.memref_slice %arg2[%dma_start3A_21, %dma_start3A_22] : memref<10000x40xf32, #tpu.memory_space<hbm>> -> memref<10000x40xf32, #tpu.memory_space<hbm>>
    tpu.enqueue_indirect_dma source(%dma_start3A_23 : memref<10000x40xf32, #tpu.memory_space<hbm>>) target(%arg10 : memref<128x40xf32, #tpu.memory_space<vmem>>) offsets(%dma_start3A_20 : memref<128xi32, #tpu.memory_space<vmem>>) semaphore(%arg19 : memref<!tpu.dma_semaphore, #tpu.memory_space<semaphore_mem>>)
    %dma_start3A_24 = arith.constant 2 : i32
    %dma_start3A_25 = arith.constant 0 : i32
    %dma_start3A_26 = tpu.memref_slice %arg7[%dma_start3A_24, %dma_start3A_25] : memref<80x128xi32, #tpu.memory_space<vmem>> -> memref<1x128xi32, #tpu.memory_space<vmem>>
    %dma_start3A_27 = tpu.memref_squeeze %dma_start3A_26 : memref<1x128xi32, #tpu.memory_space<vmem>> -> memref<128xi32, #tpu.memory_space<vmem>>
    %dma_start3A_28 = arith.constant 0 : i32
    %dma_start3A_29 = arith.constant 0 : i32
    %dma_start3A_30 = tpu.memref_slice %arg2[%dma_start3A_28, %dma_start3A_29] : memref<10000x40xf32, #tpu.memory_space<hbm>> -> memref<10000x40xf32, #tpu.memory_space<hbm>>
    tpu.enqueue_indirect_dma source(%dma_start3A_30 : memref<10000x40xf32, #tpu.memory_space<hbm>>) target(%arg11 : memref<128x40xf32, #tpu.memory_space<vmem>>) offsets(%dma_start3A_27 : memref<128xi32, #tpu.memory_space<vmem>>) semaphore(%arg20 : memref<!tpu.dma_semaphore, #tpu.memory_space<semaphore_mem>>)
    %dma_start3A_31 = arith.constant 3 : i32
    %dma_start3A_32 = arith.constant 0 : i32
    %dma_start3A_33 = tpu.memref_slice %arg7[%dma_start3A_31, %dma_start3A_32] : memref<80x128xi32, #tpu.memory_space<vmem>> -> memref<1x128xi32, #tpu.memory_space<vmem>>
    %dma_start3A_34 = tpu.memref_squeeze %dma_start3A_33 : memref<1x128xi32, #tpu.memory_space<vmem>> -> memref<128xi32, #tpu.memory_space<vmem>>
    %dma_start3A_35 = arith.constant 0 : i32
    %dma_start3A_36 = arith.constant 0 : i32
    %dma_start3A_37 = tpu.memref_slice %arg2[%dma_start3A_35, %dma_start3A_36] : memref<10000x40xf32, #tpu.memory_space<hbm>> -> memref<10000x40xf32, #tpu.memory_space<hbm>>
    tpu.enqueue_indirect_dma source(%dma_start3A_37 : memref<10000x40xf32, #tpu.memory_space<hbm>>) target(%arg12 : memref<128x40xf32, #tpu.memory_space<vmem>>) offsets(%dma_start3A_34 : memref<128xi32, #tpu.memory_space<vmem>>) semaphore(%arg21 : memref<!tpu.dma_semaphore, #tpu.memory_space<semaphore_mem>>)
    %dma_start3A_38 = arith.constant 4 : i32
    %dma_start3A_39 = arith.constant 0 : i32
    %dma_start3A_40 = tpu.memref_slice %arg7[%dma_start3A_38, %dma_start3A_39] : memref<80x128xi32, #tpu.memory_space<vmem>> -> memref<1x128xi32, #tpu.memory_space<vmem>>
    %dma_start3A_41 = tpu.memref_squeeze %dma_start3A_40 : memref<1x128xi32, #tpu.memory_space<vmem>> -> memref<128xi32, #tpu.memory_space<vmem>>
    %dma_start3A_42 = arith.constant 0 : i32
    %dma_start3A_43 = arith.constant 0 : i32
    %dma_start3A_44 = tpu.memref_slice %arg2[%dma_start3A_42, %dma_start3A_43] : memref<10000x40xf32, #tpu.memory_space<hbm>> -> memref<10000x40xf32, #tpu.memory_space<hbm>>
    tpu.enqueue_indirect_dma source(%dma_start3A_44 : memref<10000x40xf32, #tpu.memory_space<hbm>>) target(%arg13 : memref<128x40xf32, #tpu.memory_space<vmem>>) offsets(%dma_start3A_41 : memref<128xi32, #tpu.memory_space<vmem>>) semaphore(%arg22 : memref<!tpu.dma_semaphore, #tpu.memory_space<semaphore_mem>>)
    %dma_start3A_45 = arith.constant 5 : i32
    %dma_start3A_46 = arith.constant 0 : i32
    %dma_start3A_47 = tpu.memref_slice %arg7[%dma_start3A_45, %dma_start3A_46] : memref<80x128xi32, #tpu.memory_space<vmem>> -> memref<1x128xi32, #tpu.memory_space<vmem>>
    %dma_start3A_48 = tpu.memref_squeeze %dma_start3A_47 : memref<1x128xi32, #tpu.memory_space<vmem>> -> memref<128xi32, #tpu.memory_space<vmem>>
    %dma_start3A_49 = arith.constant 0 : i32
    %dma_start3A_50 = arith.constant 0 : i32
    %dma_start3A_51 = tpu.memref_slice %arg2[%dma_start3A_49, %dma_start3A_50] : memref<10000x40xf32, #tpu.memory_space<hbm>> -> memref<10000x40xf32, #tpu.memory_space<hbm>>
    tpu.enqueue_indirect_dma source(%dma_start3A_51 : memref<10000x40xf32, #tpu.memory_space<hbm>>) target(%arg14 : memref<128x40xf32, #tpu.memory_space<vmem>>) offsets(%dma_start3A_48 : memref<128xi32, #tpu.memory_space<vmem>>) semaphore(%arg23 : memref<!tpu.dma_semaphore, #tpu.memory_space<semaphore_mem>>)
    %dma_start3A_52 = arith.constant 6 : i32
    %dma_start3A_53 = arith.constant 0 : i32
    %dma_start3A_54 = tpu.memref_slice %arg7[%dma_start3A_52, %dma_start3A_53] : memref<80x128xi32, #tpu.memory_space<vmem>> -> memref<1x128xi32, #tpu.memory_space<vmem>>
    %dma_start3A_55 = tpu.memref_squeeze %dma_start3A_54 : memref<1x128xi32, #tpu.memory_space<vmem>> -> memref<128xi32, #tpu.memory_space<vmem>>
    %dma_start3A_56 = arith.constant 0 : i32
    %dma_start3A_57 = arith.constant 0 : i32
    %dma_start3A_58 = tpu.memref_slice %arg2[%dma_start3A_56, %dma_start3A_57] : memref<10000x40xf32, #tpu.memory_space<hbm>> -> memref<10000x40xf32, #tpu.memory_space<hbm>>
    tpu.enqueue_indirect_dma source(%dma_start3A_58 : memref<10000x40xf32, #tpu.memory_space<hbm>>) target(%arg15 : memref<128x40xf32, #tpu.memory_space<vmem>>) offsets(%dma_start3A_55 : memref<128xi32, #tpu.memory_space<vmem>>) semaphore(%arg24 : memref<!tpu.dma_semaphore, #tpu.memory_space<semaphore_mem>>)
    %dma_start3A_59 = arith.constant 7 : i32
    %dma_start3A_60 = arith.constant 0 : i32
    %dma_start3A_61 = tpu.memref_slice %arg7[%dma_start3A_59, %dma_start3A_60] : memref<80x128xi32, #tpu.memory_space<vmem>> -> memref<1x128xi32, #tpu.memory_space<vmem>>
    %dma_start3A_62 = tpu.memref_squeeze %dma_start3A_61 : memref<1x128xi32, #tpu.memory_space<vmem>> -> memref<128xi32, #tpu.memory_space<vmem>>
    %dma_start3A_63 = arith.constant 0 : i32
    %dma_start3A_64 = arith.constant 0 : i32
    %dma_start3A_65 = tpu.memref_slice %arg2[%dma_start3A_63, %dma_start3A_64] : memref<10000x40xf32, #tpu.memory_space<hbm>> -> memref<10000x40xf32, #tpu.memory_space<hbm>>
    tpu.enqueue_indirect_dma source(%dma_start3A_65 : memref<10000x40xf32, #tpu.memory_space<hbm>>) target(%arg16 : memref<128x40xf32, #tpu.memory_space<vmem>>) offsets(%dma_start3A_62 : memref<128xi32, #tpu.memory_space<vmem>>) semaphore(%arg25 : memref<!tpu.dma_semaphore, #tpu.memory_space<semaphore_mem>>)
    %scan3A_66 = arith.constant 0 : i32
    %scan3A_67 = arith.constant 0 : i32
    %scan3A_68 = arith.constant 9 : i32
    %scan3A_69 = arith.addi %scan3A_67, %scan3A_68 : i32
    %scan3A_70 = arith.constant 1 : i32
    scf.for %scan3A_245 = %scan3A_67 to %scan3A_69 step %scan3A_70  : i32 {
      %mul3A_246 = arith.constant 8 : i32
      %mul3A_247 = arith.muli %scan3A_245, %mul3A_246 : i32
      %add3A_248 = arith.constant 0 : i32
      %add3A_249 = arith.addi %mul3A_247, %add3A_248 : i32
      %dma_wait3A_250 = arith.constant 0 : i32
      %dma_wait3A_251 = tpu.memref_slice %arg7[%add3A_249, %dma_wait3A_250] : memref<80x128xi32, #tpu.memory_space<vmem>> -> memref<1x128xi32, #tpu.memory_space<vmem>>
      %dma_wait3A_252 = tpu.memref_squeeze %dma_wait3A_251 : memref<1x128xi32, #tpu.memory_space<vmem>> -> memref<128xi32, #tpu.memory_space<vmem>>
      %dma_wait3A_253 = arith.constant 0 : i32
      %dma_wait3A_254 = arith.constant 0 : i32
      %dma_wait3A_255 = tpu.memref_slice %arg2[%dma_wait3A_253, %dma_wait3A_254] : memref<10000x40xf32, #tpu.memory_space<hbm>> -> memref<10000x40xf32, #tpu.memory_space<hbm>>
      tpu.wait_indirect_dma semaphore(%arg18 : memref<!tpu.dma_semaphore, #tpu.memory_space<semaphore_mem>>) src(%dma_wait3A_255 : memref<10000x40xf32, #tpu.memory_space<hbm>>) dst(%arg9 : memref<128x40xf32, #tpu.memory_space<vmem>>)
      %dma_start3A_256 = arith.constant 0 : i32
      %dma_start3A_257 = tpu.memref_slice %arg8[%add3A_249, %dma_start3A_256] : memref<80x128xi32, #tpu.memory_space<vmem>> -> memref<1x128xi32, #tpu.memory_space<vmem>>
      %dma_start3A_258 = tpu.memref_squeeze %dma_start3A_257 : memref<1x128xi32, #tpu.memory_space<vmem>> -> memref<128xi32, #tpu.memory_space<vmem>>
      %dma_start3A_259 = arith.constant 0 : i32
      %dma_start3A_260 = arith.constant 0 : i32
      %dma_start3A_261 = tpu.memref_slice %arg17[%dma_start3A_259, %dma_start3A_260] : memref<10240x40xf32, #tpu.memory_space<vmem_shared>> -> memref<10240x40xf32, #tpu.memory_space<vmem_shared>>
      tpu.enqueue_indirect_dma source(%arg9 : memref<128x40xf32, #tpu.memory_space<vmem>>) target(%dma_start3A_261 : memref<10240x40xf32, #tpu.memory_space<vmem_shared>>) offsets(%dma_start3A_258 : memref<128xi32, #tpu.memory_space<vmem>>) semaphore(%arg26 : memref<!tpu.dma_semaphore, #tpu.memory_space<semaphore_mem>>) {add = true}
      %add3A_262 = arith.constant 1 : i32
      %add3A_263 = arith.addi %mul3A_247, %add3A_262 : i32
      %dma_wait3A_264 = arith.constant 0 : i32
      %dma_wait3A_265 = tpu.memref_slice %arg7[%add3A_263, %dma_wait3A_264] : memref<80x128xi32, #tpu.memory_space<vmem>> -> memref<1x128xi32, #tpu.memory_space<vmem>>
      %dma_wait3A_266 = tpu.memref_squeeze %dma_wait3A_265 : memref<1x128xi32, #tpu.memory_space<vmem>> -> memref<128xi32, #tpu.memory_space<vmem>>
      %dma_wait3A_267 = arith.constant 0 : i32
      %dma_wait3A_268 = arith.constant 0 : i32
      %dma_wait3A_269 = tpu.memref_slice %arg2[%dma_wait3A_267, %dma_wait3A_268] : memref<10000x40xf32, #tpu.memory_space<hbm>> -> memref<10000x40xf32, #tpu.memory_space<hbm>>
      tpu.wait_indirect_dma semaphore(%arg19 : memref<!tpu.dma_semaphore, #tpu.memory_space<semaphore_mem>>) src(%dma_wait3A_269 : memref<10000x40xf32, #tpu.memory_space<hbm>>) dst(%arg10 : memref<128x40xf32, #tpu.memory_space<vmem>>)
      %dma_start3A_270 = arith.constant 0 : i32
      %dma_start3A_271 = tpu.memref_slice %arg8[%add3A_263, %dma_start3A_270] : memref<80x128xi32, #tpu.memory_space<vmem>> -> memref<1x128xi32, #tpu.memory_space<vmem>>
      %dma_start3A_272 = tpu.memref_squeeze %dma_start3A_271 : memref<1x128xi32, #tpu.memory_space<vmem>> -> memref<128xi32, #tpu.memory_space<vmem>>
      %dma_start3A_273 = arith.constant 0 : i32
      %dma_start3A_274 = arith.constant 0 : i32
      %dma_start3A_275 = tpu.memref_slice %arg17[%dma_start3A_273, %dma_start3A_274] : memref<10240x40xf32, #tpu.memory_space<vmem_shared>> -> memref<10240x40xf32, #tpu.memory_space<vmem_shared>>
      tpu.enqueue_indirect_dma source(%arg10 : memref<128x40xf32, #tpu.memory_space<vmem>>) target(%dma_start3A_275 : memref<10240x40xf32, #tpu.memory_space<vmem_shared>>) offsets(%dma_start3A_272 : memref<128xi32, #tpu.memory_space<vmem>>) semaphore(%arg27 : memref<!tpu.dma_semaphore, #tpu.memory_space<semaphore_mem>>) {add = true}
      %add3A_276 = arith.constant 2 : i32
      %add3A_277 = arith.addi %mul3A_247, %add3A_276 : i32
      %dma_wait3A_278 = arith.constant 0 : i32
      %dma_wait3A_279 = tpu.memref_slice %arg7[%add3A_277, %dma_wait3A_278] : memref<80x128xi32, #tpu.memory_space<vmem>> -> memref<1x128xi32, #tpu.memory_space<vmem>>
      %dma_wait3A_280 = tpu.memref_squeeze %dma_wait3A_279 : memref<1x128xi32, #tpu.memory_space<vmem>> -> memref<128xi32, #tpu.memory_space<vmem>>
      %dma_wait3A_281 = arith.constant 0 : i32
      %dma_wait3A_282 = arith.constant 0 : i32
      %dma_wait3A_283 = tpu.memref_slice %arg2[%dma_wait3A_281, %dma_wait3A_282] : memref<10000x40xf32, #tpu.memory_space<hbm>> -> memref<10000x40xf32, #tpu.memory_space<hbm>>
      tpu.wait_indirect_dma semaphore(%arg20 : memref<!tpu.dma_semaphore, #tpu.memory_space<semaphore_mem>>) src(%dma_wait3A_283 : memref<10000x40xf32, #tpu.memory_space<hbm>>) dst(%arg11 : memref<128x40xf32, #tpu.memory_space<vmem>>)
      %dma_start3A_284 = arith.constant 0 : i32
      %dma_start3A_285 = tpu.memref_slice %arg8[%add3A_277, %dma_start3A_284] : memref<80x128xi32, #tpu.memory_space<vmem>> -> memref<1x128xi32, #tpu.memory_space<vmem>>
      %dma_start3A_286 = tpu.memref_squeeze %dma_start3A_285 : memref<1x128xi32, #tpu.memory_space<vmem>> -> memref<128xi32, #tpu.memory_space<vmem>>
      %dma_start3A_287 = arith.constant 0 : i32
      %dma_start3A_288 = arith.constant 0 : i32
      %dma_start3A_289 = tpu.memref_slice %arg17[%dma_start3A_287, %dma_start3A_288] : memref<10240x40xf32, #tpu.memory_space<vmem_shared>> -> memref<10240x40xf32, #tpu.memory_space<vmem_shared>>
      tpu.enqueue_indirect_dma source(%arg11 : memref<128x40xf32, #tpu.memory_space<vmem>>) target(%dma_start3A_289 : memref<10240x40xf32, #tpu.memory_space<vmem_shared>>) offsets(%dma_start3A_286 : memref<128xi32, #tpu.memory_space<vmem>>) semaphore(%arg28 : memref<!tpu.dma_semaphore, #tpu.memory_space<semaphore_mem>>) {add = true}
      %add3A_290 = arith.constant 3 : i32
      %add3A_291 = arith.addi %mul3A_247, %add3A_290 : i32
      %dma_wait3A_292 = arith.constant 0 : i32
      %dma_wait3A_293 = tpu.memref_slice %arg7[%add3A_291, %dma_wait3A_292] : memref<80x128xi32, #tpu.memory_space<vmem>> -> memref<1x128xi32, #tpu.memory_space<vmem>>
      %dma_wait3A_294 = tpu.memref_squeeze %dma_wait3A_293 : memref<1x128xi32, #tpu.memory_space<vmem>> -> memref<128xi32, #tpu.memory_space<vmem>>
      %dma_wait3A_295 = arith.constant 0 : i32
      %dma_wait3A_296 = arith.constant 0 : i32
      %dma_wait3A_297 = tpu.memref_slice %arg2[%dma_wait3A_295, %dma_wait3A_296] : memref<10000x40xf32, #tpu.memory_space<hbm>> -> memref<10000x40xf32, #tpu.memory_space<hbm>>
      tpu.wait_indirect_dma semaphore(%arg21 : memref<!tpu.dma_semaphore, #tpu.memory_space<semaphore_mem>>) src(%dma_wait3A_297 : memref<10000x40xf32, #tpu.memory_space<hbm>>) dst(%arg12 : memref<128x40xf32, #tpu.memory_space<vmem>>)
      %dma_start3A_298 = arith.constant 0 : i32
      %dma_start3A_299 = tpu.memref_slice %arg8[%add3A_291, %dma_start3A_298] : memref<80x128xi32, #tpu.memory_space<vmem>> -> memref<1x128xi32, #tpu.memory_space<vmem>>
      %dma_start3A_300 = tpu.memref_squeeze %dma_start3A_299 : memref<1x128xi32, #tpu.memory_space<vmem>> -> memref<128xi32, #tpu.memory_space<vmem>>
      %dma_start3A_301 = arith.constant 0 : i32
      %dma_start3A_302 = arith.constant 0 : i32
      %dma_start3A_303 = tpu.memref_slice %arg17[%dma_start3A_301, %dma_start3A_302] : memref<10240x40xf32, #tpu.memory_space<vmem_shared>> -> memref<10240x40xf32, #tpu.memory_space<vmem_shared>>
      tpu.enqueue_indirect_dma source(%arg12 : memref<128x40xf32, #tpu.memory_space<vmem>>) target(%dma_start3A_303 : memref<10240x40xf32, #tpu.memory_space<vmem_shared>>) offsets(%dma_start3A_300 : memref<128xi32, #tpu.memory_space<vmem>>) semaphore(%arg29 : memref<!tpu.dma_semaphore, #tpu.memory_space<semaphore_mem>>) {add = true}
      %add3A_304 = arith.constant 4 : i32
      %add3A_305 = arith.addi %mul3A_247, %add3A_304 : i32
      %dma_wait3A_306 = arith.constant 0 : i32
      %dma_wait3A_307 = tpu.memref_slice %arg7[%add3A_305, %dma_wait3A_306] : memref<80x128xi32, #tpu.memory_space<vmem>> -> memref<1x128xi32, #tpu.memory_space<vmem>>
      %dma_wait3A_308 = tpu.memref_squeeze %dma_wait3A_307 : memref<1x128xi32, #tpu.memory_space<vmem>> -> memref<128xi32, #tpu.memory_space<vmem>>
      %dma_wait3A_309 = arith.constant 0 : i32
      %dma_wait3A_310 = arith.constant 0 : i32
      %dma_wait3A_311 = tpu.memref_slice %arg2[%dma_wait3A_309, %dma_wait3A_310] : memref<10000x40xf32, #tpu.memory_space<hbm>> -> memref<10000x40xf32, #tpu.memory_space<hbm>>
      tpu.wait_indirect_dma semaphore(%arg22 : memref<!tpu.dma_semaphore, #tpu.memory_space<semaphore_mem>>) src(%dma_wait3A_311 : memref<10000x40xf32, #tpu.memory_space<hbm>>) dst(%arg13 : memref<128x40xf32, #tpu.memory_space<vmem>>)
      %dma_start3A_312 = arith.constant 0 : i32
      %dma_start3A_313 = tpu.memref_slice %arg8[%add3A_305, %dma_start3A_312] : memref<80x128xi32, #tpu.memory_space<vmem>> -> memref<1x128xi32, #tpu.memory_space<vmem>>
      %dma_start3A_314 = tpu.memref_squeeze %dma_start3A_313 : memref<1x128xi32, #tpu.memory_space<vmem>> -> memref<128xi32, #tpu.memory_space<vmem>>
      %dma_start3A_315 = arith.constant 0 : i32
      %dma_start3A_316 = arith.constant 0 : i32
      %dma_start3A_317 = tpu.memref_slice %arg17[%dma_start3A_315, %dma_start3A_316] : memref<10240x40xf32, #tpu.memory_space<vmem_shared>> -> memref<10240x40xf32, #tpu.memory_space<vmem_shared>>
      tpu.enqueue_indirect_dma source(%arg13 : memref<128x40xf32, #tpu.memory_space<vmem>>) target(%dma_start3A_317 : memref<10240x40xf32, #tpu.memory_space<vmem_shared>>) offsets(%dma_start3A_314 : memref<128xi32, #tpu.memory_space<vmem>>) semaphore(%arg30 : memref<!tpu.dma_semaphore, #tpu.memory_space<semaphore_mem>>) {add = true}
      %add3A_318 = arith.constant 5 : i32
      %add3A_319 = arith.addi %mul3A_247, %add3A_318 : i32
      %dma_wait3A_320 = arith.constant 0 : i32
      %dma_wait3A_321 = tpu.memref_slice %arg7[%add3A_319, %dma_wait3A_320] : memref<80x128xi32, #tpu.memory_space<vmem>> -> memref<1x128xi32, #tpu.memory_space<vmem>>
      %dma_wait3A_322 = tpu.memref_squeeze %dma_wait3A_321 : memref<1x128xi32, #tpu.memory_space<vmem>> -> memref<128xi32, #tpu.memory_space<vmem>>
      %dma_wait3A_323 = arith.constant 0 : i32
      %dma_wait3A_324 = arith.constant 0 : i32
      %dma_wait3A_325 = tpu.memref_slice %arg2[%dma_wait3A_323, %dma_wait3A_324] : memref<10000x40xf32, #tpu.memory_space<hbm>> -> memref<10000x40xf32, #tpu.memory_space<hbm>>
      tpu.wait_indirect_dma semaphore(%arg23 : memref<!tpu.dma_semaphore, #tpu.memory_space<semaphore_mem>>) src(%dma_wait3A_325 : memref<10000x40xf32, #tpu.memory_space<hbm>>) dst(%arg14 : memref<128x40xf32, #tpu.memory_space<vmem>>)
      %dma_start3A_326 = arith.constant 0 : i32
      %dma_start3A_327 = tpu.memref_slice %arg8[%add3A_319, %dma_start3A_326] : memref<80x128xi32, #tpu.memory_space<vmem>> -> memref<1x128xi32, #tpu.memory_space<vmem>>
      %dma_start3A_328 = tpu.memref_squeeze %dma_start3A_327 : memref<1x128xi32, #tpu.memory_space<vmem>> -> memref<128xi32, #tpu.memory_space<vmem>>
      %dma_start3A_329 = arith.constant 0 : i32
      %dma_start3A_330 = arith.constant 0 : i32
      %dma_start3A_331 = tpu.memref_slice %arg17[%dma_start3A_329, %dma_start3A_330] : memref<10240x40xf32, #tpu.memory_space<vmem_shared>> -> memref<10240x40xf32, #tpu.memory_space<vmem_shared>>
      tpu.enqueue_indirect_dma source(%arg14 : memref<128x40xf32, #tpu.memory_space<vmem>>) target(%dma_start3A_331 : memref<10240x40xf32, #tpu.memory_space<vmem_shared>>) offsets(%dma_start3A_328 : memref<128xi32, #tpu.memory_space<vmem>>) semaphore(%arg31 : memref<!tpu.dma_semaphore, #tpu.memory_space<semaphore_mem>>) {add = true}
      %add3A_332 = arith.constant 6 : i32
      %add3A_333 = arith.addi %mul3A_247, %add3A_332 : i32
      %dma_wait3A_334 = arith.constant 0 : i32
      %dma_wait3A_335 = tpu.memref_slice %arg7[%add3A_333, %dma_wait3A_334] : memref<80x128xi32, #tpu.memory_space<vmem>> -> memref<1x128xi32, #tpu.memory_space<vmem>>
      %dma_wait3A_336 = tpu.memref_squeeze %dma_wait3A_335 : memref<1x128xi32, #tpu.memory_space<vmem>> -> memref<128xi32, #tpu.memory_space<vmem>>
      %dma_wait3A_337 = arith.constant 0 : i32
      %dma_wait3A_338 = arith.constant 0 : i32
      %dma_wait3A_339 = tpu.memref_slice %arg2[%dma_wait3A_337, %dma_wait3A_338] : memref<10000x40xf32, #tpu.memory_space<hbm>> -> memref<10000x40xf32, #tpu.memory_space<hbm>>
      tpu.wait_indirect_dma semaphore(%arg24 : memref<!tpu.dma_semaphore, #tpu.memory_space<semaphore_mem>>) src(%dma_wait3A_339 : memref<10000x40xf32, #tpu.memory_space<hbm>>) dst(%arg15 : memref<128x40xf32, #tpu.memory_space<vmem>>)
      %dma_start3A_340 = arith.constant 0 : i32
      %dma_start3A_341 = tpu.memref_slice %arg8[%add3A_333, %dma_start3A_340] : memref<80x128xi32, #tpu.memory_space<vmem>> -> memref<1x128xi32, #tpu.memory_space<vmem>>
      %dma_start3A_342 = tpu.memref_squeeze %dma_start3A_341 : memref<1x128xi32, #tpu.memory_space<vmem>> -> memref<128xi32, #tpu.memory_space<vmem>>
      %dma_start3A_343 = arith.constant 0 : i32
      %dma_start3A_344 = arith.constant 0 : i32
      %dma_start3A_345 = tpu.memref_slice %arg17[%dma_start3A_343, %dma_start3A_344] : memref<10240x40xf32, #tpu.memory_space<vmem_shared>> -> memref<10240x40xf32, #tpu.memory_space<vmem_shared>>
      tpu.enqueue_indirect_dma source(%arg15 : memref<128x40xf32, #tpu.memory_space<vmem>>) target(%dma_start3A_345 : memref<10240x40xf32, #tpu.memory_space<vmem_shared>>) offsets(%dma_start3A_342 : memref<128xi32, #tpu.memory_space<vmem>>) semaphore(%arg32 : memref<!tpu.dma_semaphore, #tpu.memory_space<semaphore_mem>>) {add = true}
      %add3A_346 = arith.constant 7 : i32
      %add3A_347 = arith.addi %mul3A_247, %add3A_346 : i32
      %dma_wait3A_348 = arith.constant 0 : i32
      %dma_wait3A_349 = tpu.memref_slice %arg7[%add3A_347, %dma_wait3A_348] : memref<80x128xi32, #tpu.memory_space<vmem>> -> memref<1x128xi32, #tpu.memory_space<vmem>>
      %dma_wait3A_350 = tpu.memref_squeeze %dma_wait3A_349 : memref<1x128xi32, #tpu.memory_space<vmem>> -> memref<128xi32, #tpu.memory_space<vmem>>
      %dma_wait3A_351 = arith.constant 0 : i32
      %dma_wait3A_352 = arith.constant 0 : i32
      %dma_wait3A_353 = tpu.memref_slice %arg2[%dma_wait3A_351, %dma_wait3A_352] : memref<10000x40xf32, #tpu.memory_space<hbm>> -> memref<10000x40xf32, #tpu.memory_space<hbm>>
      tpu.wait_indirect_dma semaphore(%arg25 : memref<!tpu.dma_semaphore, #tpu.memory_space<semaphore_mem>>) src(%dma_wait3A_353 : memref<10000x40xf32, #tpu.memory_space<hbm>>) dst(%arg16 : memref<128x40xf32, #tpu.memory_space<vmem>>)
      %dma_start3A_354 = arith.constant 0 : i32
      %dma_start3A_355 = tpu.memref_slice %arg8[%add3A_347, %dma_start3A_354] : memref<80x128xi32, #tpu.memory_space<vmem>> -> memref<1x128xi32, #tpu.memory_space<vmem>>
      %dma_start3A_356 = tpu.memref_squeeze %dma_start3A_355 : memref<1x128xi32, #tpu.memory_space<vmem>> -> memref<128xi32, #tpu.memory_space<vmem>>
      %dma_start3A_357 = arith.constant 0 : i32
      %dma_start3A_358 = arith.constant 0 : i32
      %dma_start3A_359 = tpu.memref_slice %arg17[%dma_start3A_357, %dma_start3A_358] : memref<10240x40xf32, #tpu.memory_space<vmem_shared>> -> memref<10240x40xf32, #tpu.memory_space<vmem_shared>>
      tpu.enqueue_indirect_dma source(%arg16 : memref<128x40xf32, #tpu.memory_space<vmem>>) target(%dma_start3A_359 : memref<10240x40xf32, #tpu.memory_space<vmem_shared>>) offsets(%dma_start3A_356 : memref<128xi32, #tpu.memory_space<vmem>>) semaphore(%arg33 : memref<!tpu.dma_semaphore, #tpu.memory_space<semaphore_mem>>) {add = true}
      %add3A_360 = arith.constant 0 : i32
      %add3A_361 = arith.addi %mul3A_247, %add3A_360 : i32
      %dma_wait3A_362 = arith.constant 0 : i32
      %dma_wait3A_363 = tpu.memref_slice %arg8[%add3A_361, %dma_wait3A_362] : memref<80x128xi32, #tpu.memory_space<vmem>> -> memref<1x128xi32, #tpu.memory_space<vmem>>
      %dma_wait3A_364 = tpu.memref_squeeze %dma_wait3A_363 : memref<1x128xi32, #tpu.memory_space<vmem>> -> memref<128xi32, #tpu.memory_space<vmem>>
      %dma_wait3A_365 = arith.constant 0 : i32
      %dma_wait3A_366 = arith.constant 0 : i32
      %dma_wait3A_367 = tpu.memref_slice %arg17[%dma_wait3A_365, %dma_wait3A_366] : memref<10240x40xf32, #tpu.memory_space<vmem_shared>> -> memref<10240x40xf32, #tpu.memory_space<vmem_shared>>
      tpu.wait_indirect_dma semaphore(%arg26 : memref<!tpu.dma_semaphore, #tpu.memory_space<semaphore_mem>>) src(%arg9 : memref<128x40xf32, #tpu.memory_space<vmem>>) dst(%dma_wait3A_367 : memref<10240x40xf32, #tpu.memory_space<vmem_shared>>)
      %add3A_368 = arith.constant 8 : i32
      %add3A_369 = arith.addi %mul3A_247, %add3A_368 : i32
      %add3A_370 = arith.constant 0 : i32
      %add3A_371 = arith.addi %add3A_369, %add3A_370 : i32
      %dma_start3A_372 = arith.constant 0 : i32
      %dma_start3A_373 = tpu.memref_slice %arg7[%add3A_371, %dma_start3A_372] : memref<80x128xi32, #tpu.memory_space<vmem>> -> memref<1x128xi32, #tpu.memory_space<vmem>>
      %dma_start3A_374 = tpu.memref_squeeze %dma_start3A_373 : memref<1x128xi32, #tpu.memory_space<vmem>> -> memref<128xi32, #tpu.memory_space<vmem>>
      %dma_start3A_375 = arith.constant 0 : i32
      %dma_start3A_376 = arith.constant 0 : i32
      %dma_start3A_377 = tpu.memref_slice %arg2[%dma_start3A_375, %dma_start3A_376] : memref<10000x40xf32, #tpu.memory_space<hbm>> -> memref<10000x40xf32, #tpu.memory_space<hbm>>
      tpu.enqueue_indirect_dma source(%dma_start3A_377 : memref<10000x40xf32, #tpu.memory_space<hbm>>) target(%arg9 : memref<128x40xf32, #tpu.memory_space<vmem>>) offsets(%dma_start3A_374 : memref<128xi32, #tpu.memory_space<vmem>>) semaphore(%arg18 : memref<!tpu.dma_semaphore, #tpu.memory_space<semaphore_mem>>)
      %add3A_378 = arith.constant 1 : i32
      %add3A_379 = arith.addi %mul3A_247, %add3A_378 : i32
      %dma_wait3A_380 = arith.constant 0 : i32
      %dma_wait3A_381 = tpu.memref_slice %arg8[%add3A_379, %dma_wait3A_380] : memref<80x128xi32, #tpu.memory_space<vmem>> -> memref<1x128xi32, #tpu.memory_space<vmem>>
      %dma_wait3A_382 = tpu.memref_squeeze %dma_wait3A_381 : memref<1x128xi32, #tpu.memory_space<vmem>> -> memref<128xi32, #tpu.memory_space<vmem>>
      %dma_wait3A_383 = arith.constant 0 : i32
      %dma_wait3A_384 = arith.constant 0 : i32
      %dma_wait3A_385 = tpu.memref_slice %arg17[%dma_wait3A_383, %dma_wait3A_384] : memref<10240x40xf32, #tpu.memory_space<vmem_shared>> -> memref<10240x40xf32, #tpu.memory_space<vmem_shared>>
      tpu.wait_indirect_dma semaphore(%arg27 : memref<!tpu.dma_semaphore, #tpu.memory_space<semaphore_mem>>) src(%arg10 : memref<128x40xf32, #tpu.memory_space<vmem>>) dst(%dma_wait3A_385 : memref<10240x40xf32, #tpu.memory_space<vmem_shared>>)
      %add3A_386 = arith.constant 8 : i32
      %add3A_387 = arith.addi %mul3A_247, %add3A_386 : i32
      %add3A_388 = arith.constant 1 : i32
      %add3A_389 = arith.addi %add3A_387, %add3A_388 : i32
      %dma_start3A_390 = arith.constant 0 : i32
      %dma_start3A_391 = tpu.memref_slice %arg7[%add3A_389, %dma_start3A_390] : memref<80x128xi32, #tpu.memory_space<vmem>> -> memref<1x128xi32, #tpu.memory_space<vmem>>
      %dma_start3A_392 = tpu.memref_squeeze %dma_start3A_391 : memref<1x128xi32, #tpu.memory_space<vmem>> -> memref<128xi32, #tpu.memory_space<vmem>>
      %dma_start3A_393 = arith.constant 0 : i32
      %dma_start3A_394 = arith.constant 0 : i32
      %dma_start3A_395 = tpu.memref_slice %arg2[%dma_start3A_393, %dma_start3A_394] : memref<10000x40xf32, #tpu.memory_space<hbm>> -> memref<10000x40xf32, #tpu.memory_space<hbm>>
      tpu.enqueue_indirect_dma source(%dma_start3A_395 : memref<10000x40xf32, #tpu.memory_space<hbm>>) target(%arg10 : memref<128x40xf32, #tpu.memory_space<vmem>>) offsets(%dma_start3A_392 : memref<128xi32, #tpu.memory_space<vmem>>) semaphore(%arg19 : memref<!tpu.dma_semaphore, #tpu.memory_space<semaphore_mem>>)
      %add3A_396 = arith.constant 2 : i32
      %add3A_397 = arith.addi %mul3A_247, %add3A_396 : i32
      %dma_wait3A_398 = arith.constant 0 : i32
      %dma_wait3A_399 = tpu.memref_slice %arg8[%add3A_397, %dma_wait3A_398] : memref<80x128xi32, #tpu.memory_space<vmem>> -> memref<1x128xi32, #tpu.memory_space<vmem>>
      %dma_wait3A_400 = tpu.memref_squeeze %dma_wait3A_399 : memref<1x128xi32, #tpu.memory_space<vmem>> -> memref<128xi32, #tpu.memory_space<vmem>>
      %dma_wait3A_401 = arith.constant 0 : i32
      %dma_wait3A_402 = arith.constant 0 : i32
      %dma_wait3A_403 = tpu.memref_slice %arg17[%dma_wait3A_401, %dma_wait3A_402] : memref<10240x40xf32, #tpu.memory_space<vmem_shared>> -> memref<10240x40xf32, #tpu.memory_space<vmem_shared>>
      tpu.wait_indirect_dma semaphore(%arg28 : memref<!tpu.dma_semaphore, #tpu.memory_space<semaphore_mem>>) src(%arg11 : memref<128x40xf32, #tpu.memory_space<vmem>>) dst(%dma_wait3A_403 : memref<10240x40xf32, #tpu.memory_space<vmem_shared>>)
      %add3A_404 = arith.constant 8 : i32
      %add3A_405 = arith.addi %mul3A_247, %add3A_404 : i32
      %add3A_406 = arith.constant 2 : i32
      %add3A_407 = arith.addi %add3A_405, %add3A_406 : i32
      %dma_start3A_408 = arith.constant 0 : i32
      %dma_start3A_409 = tpu.memref_slice %arg7[%add3A_407, %dma_start3A_408] : memref<80x128xi32, #tpu.memory_space<vmem>> -> memref<1x128xi32, #tpu.memory_space<vmem>>
      %dma_start3A_410 = tpu.memref_squeeze %dma_start3A_409 : memref<1x128xi32, #tpu.memory_space<vmem>> -> memref<128xi32, #tpu.memory_space<vmem>>
      %dma_start3A_411 = arith.constant 0 : i32
      %dma_start3A_412 = arith.constant 0 : i32
      %dma_start3A_413 = tpu.memref_slice %arg2[%dma_start3A_411, %dma_start3A_412] : memref<10000x40xf32, #tpu.memory_space<hbm>> -> memref<10000x40xf32, #tpu.memory_space<hbm>>
      tpu.enqueue_indirect_dma source(%dma_start3A_413 : memref<10000x40xf32, #tpu.memory_space<hbm>>) target(%arg11 : memref<128x40xf32, #tpu.memory_space<vmem>>) offsets(%dma_start3A_410 : memref<128xi32, #tpu.memory_space<vmem>>) semaphore(%arg20 : memref<!tpu.dma_semaphore, #tpu.memory_space<semaphore_mem>>)
      %add3A_414 = arith.constant 3 : i32
      %add3A_415 = arith.addi %mul3A_247, %add3A_414 : i32
      %dma_wait3A_416 = arith.constant 0 : i32
      %dma_wait3A_417 = tpu.memref_slice %arg8[%add3A_415, %dma_wait3A_416] : memref<80x128xi32, #tpu.memory_space<vmem>> -> memref<1x128xi32, #tpu.memory_space<vmem>>
      %dma_wait3A_418 = tpu.memref_squeeze %dma_wait3A_417 : memref<1x128xi32, #tpu.memory_space<vmem>> -> memref<128xi32, #tpu.memory_space<vmem>>
      %dma_wait3A_419 = arith.constant 0 : i32
      %dma_wait3A_420 = arith.constant 0 : i32
      %dma_wait3A_421 = tpu.memref_slice %arg17[%dma_wait3A_419, %dma_wait3A_420] : memref<10240x40xf32, #tpu.memory_space<vmem_shared>> -> memref<10240x40xf32, #tpu.memory_space<vmem_shared>>
      tpu.wait_indirect_dma semaphore(%arg29 : memref<!tpu.dma_semaphore, #tpu.memory_space<semaphore_mem>>) src(%arg12 : memref<128x40xf32, #tpu.memory_space<vmem>>) dst(%dma_wait3A_421 : memref<10240x40xf32, #tpu.memory_space<vmem_shared>>)
      %add3A_422 = arith.constant 8 : i32
      %add3A_423 = arith.addi %mul3A_247, %add3A_422 : i32
      %add3A_424 = arith.constant 3 : i32
      %add3A_425 = arith.addi %add3A_423, %add3A_424 : i32
      %dma_start3A_426 = arith.constant 0 : i32
      %dma_start3A_427 = tpu.memref_slice %arg7[%add3A_425, %dma_start3A_426] : memref<80x128xi32, #tpu.memory_space<vmem>> -> memref<1x128xi32, #tpu.memory_space<vmem>>
      %dma_start3A_428 = tpu.memref_squeeze %dma_start3A_427 : memref<1x128xi32, #tpu.memory_space<vmem>> -> memref<128xi32, #tpu.memory_space<vmem>>
      %dma_start3A_429 = arith.constant 0 : i32
      %dma_start3A_430 = arith.constant 0 : i32
      %dma_start3A_431 = tpu.memref_slice %arg2[%dma_start3A_429, %dma_start3A_430] : memref<10000x40xf32, #tpu.memory_space<hbm>> -> memref<10000x40xf32, #tpu.memory_space<hbm>>
      tpu.enqueue_indirect_dma source(%dma_start3A_431 : memref<10000x40xf32, #tpu.memory_space<hbm>>) target(%arg12 : memref<128x40xf32, #tpu.memory_space<vmem>>) offsets(%dma_start3A_428 : memref<128xi32, #tpu.memory_space<vmem>>) semaphore(%arg21 : memref<!tpu.dma_semaphore, #tpu.memory_space<semaphore_mem>>)
      %add3A_432 = arith.constant 4 : i32
      %add3A_433 = arith.addi %mul3A_247, %add3A_432 : i32
      %dma_wait3A_434 = arith.constant 0 : i32
      %dma_wait3A_435 = tpu.memref_slice %arg8[%add3A_433, %dma_wait3A_434] : memref<80x128xi32, #tpu.memory_space<vmem>> -> memref<1x128xi32, #tpu.memory_space<vmem>>
      %dma_wait3A_436 = tpu.memref_squeeze %dma_wait3A_435 : memref<1x128xi32, #tpu.memory_space<vmem>> -> memref<128xi32, #tpu.memory_space<vmem>>
      %dma_wait3A_437 = arith.constant 0 : i32
      %dma_wait3A_438 = arith.constant 0 : i32
      %dma_wait3A_439 = tpu.memref_slice %arg17[%dma_wait3A_437, %dma_wait3A_438] : memref<10240x40xf32, #tpu.memory_space<vmem_shared>> -> memref<10240x40xf32, #tpu.memory_space<vmem_shared>>
      tpu.wait_indirect_dma semaphore(%arg30 : memref<!tpu.dma_semaphore, #tpu.memory_space<semaphore_mem>>) src(%arg13 : memref<128x40xf32, #tpu.memory_space<vmem>>) dst(%dma_wait3A_439 : memref<10240x40xf32, #tpu.memory_space<vmem_shared>>)
      %add3A_440 = arith.constant 8 : i32
      %add3A_441 = arith.addi %mul3A_247, %add3A_440 : i32
      %add3A_442 = arith.constant 4 : i32
      %add3A_443 = arith.addi %add3A_441, %add3A_442 : i32
      %dma_start3A_444 = arith.constant 0 : i32
      %dma_start3A_445 = tpu.memref_slice %arg7[%add3A_443, %dma_start3A_444] : memref<80x128xi32, #tpu.memory_space<vmem>> -> memref<1x128xi32, #tpu.memory_space<vmem>>
      %dma_start3A_446 = tpu.memref_squeeze %dma_start3A_445 : memref<1x128xi32, #tpu.memory_space<vmem>> -> memref<128xi32, #tpu.memory_space<vmem>>
      %dma_start3A_447 = arith.constant 0 : i32
      %dma_start3A_448 = arith.constant 0 : i32
      %dma_start3A_449 = tpu.memref_slice %arg2[%dma_start3A_447, %dma_start3A_448] : memref<10000x40xf32, #tpu.memory_space<hbm>> -> memref<10000x40xf32, #tpu.memory_space<hbm>>
      tpu.enqueue_indirect_dma source(%dma_start3A_449 : memref<10000x40xf32, #tpu.memory_space<hbm>>) target(%arg13 : memref<128x40xf32, #tpu.memory_space<vmem>>) offsets(%dma_start3A_446 : memref<128xi32, #tpu.memory_space<vmem>>) semaphore(%arg22 : memref<!tpu.dma_semaphore, #tpu.memory_space<semaphore_mem>>)
      %add3A_450 = arith.constant 5 : i32
      %add3A_451 = arith.addi %mul3A_247, %add3A_450 : i32
      %dma_wait3A_452 = arith.constant 0 : i32
      %dma_wait3A_453 = tpu.memref_slice %arg8[%add3A_451, %dma_wait3A_452] : memref<80x128xi32, #tpu.memory_space<vmem>> -> memref<1x128xi32, #tpu.memory_space<vmem>>
      %dma_wait3A_454 = tpu.memref_squeeze %dma_wait3A_453 : memref<1x128xi32, #tpu.memory_space<vmem>> -> memref<128xi32, #tpu.memory_space<vmem>>
      %dma_wait3A_455 = arith.constant 0 : i32
      %dma_wait3A_456 = arith.constant 0 : i32
      %dma_wait3A_457 = tpu.memref_slice %arg17[%dma_wait3A_455, %dma_wait3A_456] : memref<10240x40xf32, #tpu.memory_space<vmem_shared>> -> memref<10240x40xf32, #tpu.memory_space<vmem_shared>>
      tpu.wait_indirect_dma semaphore(%arg31 : memref<!tpu.dma_semaphore, #tpu.memory_space<semaphore_mem>>) src(%arg14 : memref<128x40xf32, #tpu.memory_space<vmem>>) dst(%dma_wait3A_457 : memref<10240x40xf32, #tpu.memory_space<vmem_shared>>)
      %add3A_458 = arith.constant 8 : i32
      %add3A_459 = arith.addi %mul3A_247, %add3A_458 : i32
      %add3A_460 = arith.constant 5 : i32
      %add3A_461 = arith.addi %add3A_459, %add3A_460 : i32
      %dma_start3A_462 = arith.constant 0 : i32
      %dma_start3A_463 = tpu.memref_slice %arg7[%add3A_461, %dma_start3A_462] : memref<80x128xi32, #tpu.memory_space<vmem>> -> memref<1x128xi32, #tpu.memory_space<vmem>>
      %dma_start3A_464 = tpu.memref_squeeze %dma_start3A_463 : memref<1x128xi32, #tpu.memory_space<vmem>> -> memref<128xi32, #tpu.memory_space<vmem>>
      %dma_start3A_465 = arith.constant 0 : i32
      %dma_start3A_466 = arith.constant 0 : i32
      %dma_start3A_467 = tpu.memref_slice %arg2[%dma_start3A_465, %dma_start3A_466] : memref<10000x40xf32, #tpu.memory_space<hbm>> -> memref<10000x40xf32, #tpu.memory_space<hbm>>
      tpu.enqueue_indirect_dma source(%dma_start3A_467 : memref<10000x40xf32, #tpu.memory_space<hbm>>) target(%arg14 : memref<128x40xf32, #tpu.memory_space<vmem>>) offsets(%dma_start3A_464 : memref<128xi32, #tpu.memory_space<vmem>>) semaphore(%arg23 : memref<!tpu.dma_semaphore, #tpu.memory_space<semaphore_mem>>)
      %add3A_468 = arith.constant 6 : i32
      %add3A_469 = arith.addi %mul3A_247, %add3A_468 : i32
      %dma_wait3A_470 = arith.constant 0 : i32
      %dma_wait3A_471 = tpu.memref_slice %arg8[%add3A_469, %dma_wait3A_470] : memref<80x128xi32, #tpu.memory_space<vmem>> -> memref<1x128xi32, #tpu.memory_space<vmem>>
      %dma_wait3A_472 = tpu.memref_squeeze %dma_wait3A_471 : memref<1x128xi32, #tpu.memory_space<vmem>> -> memref<128xi32, #tpu.memory_space<vmem>>
      %dma_wait3A_473 = arith.constant 0 : i32
      %dma_wait3A_474 = arith.constant 0 : i32
      %dma_wait3A_475 = tpu.memref_slice %arg17[%dma_wait3A_473, %dma_wait3A_474] : memref<10240x40xf32, #tpu.memory_space<vmem_shared>> -> memref<10240x40xf32, #tpu.memory_space<vmem_shared>>
      tpu.wait_indirect_dma semaphore(%arg32 : memref<!tpu.dma_semaphore, #tpu.memory_space<semaphore_mem>>) src(%arg15 : memref<128x40xf32, #tpu.memory_space<vmem>>) dst(%dma_wait3A_475 : memref<10240x40xf32, #tpu.memory_space<vmem_shared>>)
      %add3A_476 = arith.constant 8 : i32
      %add3A_477 = arith.addi %mul3A_247, %add3A_476 : i32
      %add3A_478 = arith.constant 6 : i32
      %add3A_479 = arith.addi %add3A_477, %add3A_478 : i32
      %dma_start3A_480 = arith.constant 0 : i32
      %dma_start3A_481 = tpu.memref_slice %arg7[%add3A_479, %dma_start3A_480] : memref<80x128xi32, #tpu.memory_space<vmem>> -> memref<1x128xi32, #tpu.memory_space<vmem>>
      %dma_start3A_482 = tpu.memref_squeeze %dma_start3A_481 : memref<1x128xi32, #tpu.memory_space<vmem>> -> memref<128xi32, #tpu.memory_space<vmem>>
      %dma_start3A_483 = arith.constant 0 : i32
      %dma_start3A_484 = arith.constant 0 : i32
      %dma_start3A_485 = tpu.memref_slice %arg2[%dma_start3A_483, %dma_start3A_484] : memref<10000x40xf32, #tpu.memory_space<hbm>> -> memref<10000x40xf32, #tpu.memory_space<hbm>>
      tpu.enqueue_indirect_dma source(%dma_start3A_485 : memref<10000x40xf32, #tpu.memory_space<hbm>>) target(%arg15 : memref<128x40xf32, #tpu.memory_space<vmem>>) offsets(%dma_start3A_482 : memref<128xi32, #tpu.memory_space<vmem>>) semaphore(%arg24 : memref<!tpu.dma_semaphore, #tpu.memory_space<semaphore_mem>>)
      %add3A_486 = arith.constant 7 : i32
      %add3A_487 = arith.addi %mul3A_247, %add3A_486 : i32
      %dma_wait3A_488 = arith.constant 0 : i32
      %dma_wait3A_489 = tpu.memref_slice %arg8[%add3A_487, %dma_wait3A_488] : memref<80x128xi32, #tpu.memory_space<vmem>> -> memref<1x128xi32, #tpu.memory_space<vmem>>
      %dma_wait3A_490 = tpu.memref_squeeze %dma_wait3A_489 : memref<1x128xi32, #tpu.memory_space<vmem>> -> memref<128xi32, #tpu.memory_space<vmem>>
      %dma_wait3A_491 = arith.constant 0 : i32
      %dma_wait3A_492 = arith.constant 0 : i32
      %dma_wait3A_493 = tpu.memref_slice %arg17[%dma_wait3A_491, %dma_wait3A_492] : memref<10240x40xf32, #tpu.memory_space<vmem_shared>> -> memref<10240x40xf32, #tpu.memory_space<vmem_shared>>
      tpu.wait_indirect_dma semaphore(%arg33 : memref<!tpu.dma_semaphore, #tpu.memory_space<semaphore_mem>>) src(%arg16 : memref<128x40xf32, #tpu.memory_space<vmem>>) dst(%dma_wait3A_493 : memref<10240x40xf32, #tpu.memory_space<vmem_shared>>)
      %add3A_494 = arith.constant 8 : i32
      %add3A_495 = arith.addi %mul3A_247, %add3A_494 : i32
      %add3A_496 = arith.constant 7 : i32
      %add3A_497 = arith.addi %add3A_495, %add3A_496 : i32
      %dma_start3A_498 = arith.constant 0 : i32
      %dma_start3A_499 = tpu.memref_slice %arg7[%add3A_497, %dma_start3A_498] : memref<80x128xi32, #tpu.memory_space<vmem>> -> memref<1x128xi32, #tpu.memory_space<vmem>>
      %dma_start3A_500 = tpu.memref_squeeze %dma_start3A_499 : memref<1x128xi32, #tpu.memory_space<vmem>> -> memref<128xi32, #tpu.memory_space<vmem>>
      %dma_start3A_501 = arith.constant 0 : i32
      %dma_start3A_502 = arith.constant 0 : i32
      %dma_start3A_503 = tpu.memref_slice %arg2[%dma_start3A_501, %dma_start3A_502] : memref<10000x40xf32, #tpu.memory_space<hbm>> -> memref<10000x40xf32, #tpu.memory_space<hbm>>
      tpu.enqueue_indirect_dma source(%dma_start3A_503 : memref<10000x40xf32, #tpu.memory_space<hbm>>) target(%arg16 : memref<128x40xf32, #tpu.memory_space<vmem>>) offsets(%dma_start3A_500 : memref<128xi32, #tpu.memory_space<vmem>>) semaphore(%arg25 : memref<!tpu.dma_semaphore, #tpu.memory_space<semaphore_mem>>)
    }
    %scan3A_71 = arith.constant 9 : i32
    %dma_wait3A = arith.constant 72 : i32
    %dma_wait3A_72 = arith.constant 0 : i32
    %dma_wait3A_73 = tpu.memref_slice %arg7[%dma_wait3A, %dma_wait3A_72] : memref<80x128xi32, #tpu.memory_space<vmem>> -> memref<1x128xi32, #tpu.memory_space<vmem>>
    %dma_wait3A_74 = tpu.memref_squeeze %dma_wait3A_73 : memref<1x128xi32, #tpu.memory_space<vmem>> -> memref<128xi32, #tpu.memory_space<vmem>>
    %dma_wait3A_75 = arith.constant 0 : i32
    %dma_wait3A_76 = arith.constant 0 : i32
    %dma_wait3A_77 = tpu.memref_slice %arg2[%dma_wait3A_75, %dma_wait3A_76] : memref<10000x40xf32, #tpu.memory_space<hbm>> -> memref<10000x40xf32, #tpu.memory_space<hbm>>
    tpu.wait_indirect_dma semaphore(%arg18 : memref<!tpu.dma_semaphore, #tpu.memory_space<semaphore_mem>>) src(%dma_wait3A_77 : memref<10000x40xf32, #tpu.memory_space<hbm>>) dst(%arg9 : memref<128x40xf32, #tpu.memory_space<vmem>>)
    %dma_start3A_78 = arith.constant 72 : i32
    %dma_start3A_79 = arith.constant 0 : i32
    %dma_start3A_80 = tpu.memref_slice %arg8[%dma_start3A_78, %dma_start3A_79] : memref<80x128xi32, #tpu.memory_space<vmem>> -> memref<1x128xi32, #tpu.memory_space<vmem>>
    %dma_start3A_81 = tpu.memref_squeeze %dma_start3A_80 : memref<1x128xi32, #tpu.memory_space<vmem>> -> memref<128xi32, #tpu.memory_space<vmem>>
    %dma_start3A_82 = arith.constant 0 : i32
    %dma_start3A_83 = arith.constant 0 : i32
    %dma_start3A_84 = tpu.memref_slice %arg17[%dma_start3A_82, %dma_start3A_83] : memref<10240x40xf32, #tpu.memory_space<vmem_shared>> -> memref<10240x40xf32, #tpu.memory_space<vmem_shared>>
    tpu.enqueue_indirect_dma source(%arg9 : memref<128x40xf32, #tpu.memory_space<vmem>>) target(%dma_start3A_84 : memref<10240x40xf32, #tpu.memory_space<vmem_shared>>) offsets(%dma_start3A_81 : memref<128xi32, #tpu.memory_space<vmem>>) semaphore(%arg26 : memref<!tpu.dma_semaphore, #tpu.memory_space<semaphore_mem>>) {add = true}
    %dma_wait3A_85 = arith.constant 73 : i32
    %dma_wait3A_86 = arith.constant 0 : i32
    %dma_wait3A_87 = tpu.memref_slice %arg7[%dma_wait3A_85, %dma_wait3A_86] : memref<80x128xi32, #tpu.memory_space<vmem>> -> memref<1x128xi32, #tpu.memory_space<vmem>>
    %dma_wait3A_88 = tpu.memref_squeeze %dma_wait3A_87 : memref<1x128xi32, #tpu.memory_space<vmem>> -> memref<128xi32, #tpu.memory_space<vmem>>
    %dma_wait3A_89 = arith.constant 0 : i32
    %dma_wait3A_90 = arith.constant 0 : i32
    %dma_wait3A_91 = tpu.memref_slice %arg2[%dma_wait3A_89, %dma_wait3A_90] : memref<10000x40xf32, #tpu.memory_space<hbm>> -> memref<10000x40xf32, #tpu.memory_space<hbm>>
    tpu.wait_indirect_dma semaphore(%arg19 : memref<!tpu.dma_semaphore, #tpu.memory_space<semaphore_mem>>) src(%dma_wait3A_91 : memref<10000x40xf32, #tpu.memory_space<hbm>>) dst(%arg10 : memref<128x40xf32, #tpu.memory_space<vmem>>)
    %dma_start3A_92 = arith.constant 73 : i32
    %dma_start3A_93 = arith.constant 0 : i32
    %dma_start3A_94 = tpu.memref_slice %arg8[%dma_start3A_92, %dma_start3A_93] : memref<80x128xi32, #tpu.memory_space<vmem>> -> memref<1x128xi32, #tpu.memory_space<vmem>>
    %dma_start3A_95 = tpu.memref_squeeze %dma_start3A_94 : memref<1x128xi32, #tpu.memory_space<vmem>> -> memref<128xi32, #tpu.memory_space<vmem>>
    %dma_start3A_96 = arith.constant 0 : i32
    %dma_start3A_97 = arith.constant 0 : i32
    %dma_start3A_98 = tpu.memref_slice %arg17[%dma_start3A_96, %dma_start3A_97] : memref<10240x40xf32, #tpu.memory_space<vmem_shared>> -> memref<10240x40xf32, #tpu.memory_space<vmem_shared>>
    tpu.enqueue_indirect_dma source(%arg10 : memref<128x40xf32, #tpu.memory_space<vmem>>) target(%dma_start3A_98 : memref<10240x40xf32, #tpu.memory_space<vmem_shared>>) offsets(%dma_start3A_95 : memref<128xi32, #tpu.memory_space<vmem>>) semaphore(%arg27 : memref<!tpu.dma_semaphore, #tpu.memory_space<semaphore_mem>>) {add = true}
    %dma_wait3A_99 = arith.constant 74 : i32
    %dma_wait3A_100 = arith.constant 0 : i32
    %dma_wait3A_101 = tpu.memref_slice %arg7[%dma_wait3A_99, %dma_wait3A_100] : memref<80x128xi32, #tpu.memory_space<vmem>> -> memref<1x128xi32, #tpu.memory_space<vmem>>
    %dma_wait3A_102 = tpu.memref_squeeze %dma_wait3A_101 : memref<1x128xi32, #tpu.memory_space<vmem>> -> memref<128xi32, #tpu.memory_space<vmem>>
    %dma_wait3A_103 = arith.constant 0 : i32
    %dma_wait3A_104 = arith.constant 0 : i32
    %dma_wait3A_105 = tpu.memref_slice %arg2[%dma_wait3A_103, %dma_wait3A_104] : memref<10000x40xf32, #tpu.memory_space<hbm>> -> memref<10000x40xf32, #tpu.memory_space<hbm>>
    tpu.wait_indirect_dma semaphore(%arg20 : memref<!tpu.dma_semaphore, #tpu.memory_space<semaphore_mem>>) src(%dma_wait3A_105 : memref<10000x40xf32, #tpu.memory_space<hbm>>) dst(%arg11 : memref<128x40xf32, #tpu.memory_space<vmem>>)
    %dma_start3A_106 = arith.constant 74 : i32
    %dma_start3A_107 = arith.constant 0 : i32
    %dma_start3A_108 = tpu.memref_slice %arg8[%dma_start3A_106, %dma_start3A_107] : memref<80x128xi32, #tpu.memory_space<vmem>> -> memref<1x128xi32, #tpu.memory_space<vmem>>
    %dma_start3A_109 = tpu.memref_squeeze %dma_start3A_108 : memref<1x128xi32, #tpu.memory_space<vmem>> -> memref<128xi32, #tpu.memory_space<vmem>>
    %dma_start3A_110 = arith.constant 0 : i32
    %dma_start3A_111 = arith.constant 0 : i32
    %dma_start3A_112 = tpu.memref_slice %arg17[%dma_start3A_110, %dma_start3A_111] : memref<10240x40xf32, #tpu.memory_space<vmem_shared>> -> memref<10240x40xf32, #tpu.memory_space<vmem_shared>>
    tpu.enqueue_indirect_dma source(%arg11 : memref<128x40xf32, #tpu.memory_space<vmem>>) target(%dma_start3A_112 : memref<10240x40xf32, #tpu.memory_space<vmem_shared>>) offsets(%dma_start3A_109 : memref<128xi32, #tpu.memory_space<vmem>>) semaphore(%arg28 : memref<!tpu.dma_semaphore, #tpu.memory_space<semaphore_mem>>) {add = true}
    %dma_wait3A_113 = arith.constant 75 : i32
    %dma_wait3A_114 = arith.constant 0 : i32
    %dma_wait3A_115 = tpu.memref_slice %arg7[%dma_wait3A_113, %dma_wait3A_114] : memref<80x128xi32, #tpu.memory_space<vmem>> -> memref<1x128xi32, #tpu.memory_space<vmem>>
    %dma_wait3A_116 = tpu.memref_squeeze %dma_wait3A_115 : memref<1x128xi32, #tpu.memory_space<vmem>> -> memref<128xi32, #tpu.memory_space<vmem>>
    %dma_wait3A_117 = arith.constant 0 : i32
    %dma_wait3A_118 = arith.constant 0 : i32
    %dma_wait3A_119 = tpu.memref_slice %arg2[%dma_wait3A_117, %dma_wait3A_118] : memref<10000x40xf32, #tpu.memory_space<hbm>> -> memref<10000x40xf32, #tpu.memory_space<hbm>>
    tpu.wait_indirect_dma semaphore(%arg21 : memref<!tpu.dma_semaphore, #tpu.memory_space<semaphore_mem>>) src(%dma_wait3A_119 : memref<10000x40xf32, #tpu.memory_space<hbm>>) dst(%arg12 : memref<128x40xf32, #tpu.memory_space<vmem>>)
    %dma_start3A_120 = arith.constant 75 : i32
    %dma_start3A_121 = arith.constant 0 : i32
    %dma_start3A_122 = tpu.memref_slice %arg8[%dma_start3A_120, %dma_start3A_121] : memref<80x128xi32, #tpu.memory_space<vmem>> -> memref<1x128xi32, #tpu.memory_space<vmem>>
    %dma_start3A_123 = tpu.memref_squeeze %dma_start3A_122 : memref<1x128xi32, #tpu.memory_space<vmem>> -> memref<128xi32, #tpu.memory_space<vmem>>
    %dma_start3A_124 = arith.constant 0 : i32
    %dma_start3A_125 = arith.constant 0 : i32
    %dma_start3A_126 = tpu.memref_slice %arg17[%dma_start3A_124, %dma_start3A_125] : memref<10240x40xf32, #tpu.memory_space<vmem_shared>> -> memref<10240x40xf32, #tpu.memory_space<vmem_shared>>
    tpu.enqueue_indirect_dma source(%arg12 : memref<128x40xf32, #tpu.memory_space<vmem>>) target(%dma_start3A_126 : memref<10240x40xf32, #tpu.memory_space<vmem_shared>>) offsets(%dma_start3A_123 : memref<128xi32, #tpu.memory_space<vmem>>) semaphore(%arg29 : memref<!tpu.dma_semaphore, #tpu.memory_space<semaphore_mem>>) {add = true}
    %dma_wait3A_127 = arith.constant 76 : i32
    %dma_wait3A_128 = arith.constant 0 : i32
    %dma_wait3A_129 = tpu.memref_slice %arg7[%dma_wait3A_127, %dma_wait3A_128] : memref<80x128xi32, #tpu.memory_space<vmem>> -> memref<1x128xi32, #tpu.memory_space<vmem>>
    %dma_wait3A_130 = tpu.memref_squeeze %dma_wait3A_129 : memref<1x128xi32, #tpu.memory_space<vmem>> -> memref<128xi32, #tpu.memory_space<vmem>>
    %dma_wait3A_131 = arith.constant 0 : i32
    %dma_wait3A_132 = arith.constant 0 : i32
    %dma_wait3A_133 = tpu.memref_slice %arg2[%dma_wait3A_131, %dma_wait3A_132] : memref<10000x40xf32, #tpu.memory_space<hbm>> -> memref<10000x40xf32, #tpu.memory_space<hbm>>
    tpu.wait_indirect_dma semaphore(%arg22 : memref<!tpu.dma_semaphore, #tpu.memory_space<semaphore_mem>>) src(%dma_wait3A_133 : memref<10000x40xf32, #tpu.memory_space<hbm>>) dst(%arg13 : memref<128x40xf32, #tpu.memory_space<vmem>>)
    %dma_start3A_134 = arith.constant 76 : i32
    %dma_start3A_135 = arith.constant 0 : i32
    %dma_start3A_136 = tpu.memref_slice %arg8[%dma_start3A_134, %dma_start3A_135] : memref<80x128xi32, #tpu.memory_space<vmem>> -> memref<1x128xi32, #tpu.memory_space<vmem>>
    %dma_start3A_137 = tpu.memref_squeeze %dma_start3A_136 : memref<1x128xi32, #tpu.memory_space<vmem>> -> memref<128xi32, #tpu.memory_space<vmem>>
    %dma_start3A_138 = arith.constant 0 : i32
    %dma_start3A_139 = arith.constant 0 : i32
    %dma_start3A_140 = tpu.memref_slice %arg17[%dma_start3A_138, %dma_start3A_139] : memref<10240x40xf32, #tpu.memory_space<vmem_shared>> -> memref<10240x40xf32, #tpu.memory_space<vmem_shared>>
    tpu.enqueue_indirect_dma source(%arg13 : memref<128x40xf32, #tpu.memory_space<vmem>>) target(%dma_start3A_140 : memref<10240x40xf32, #tpu.memory_space<vmem_shared>>) offsets(%dma_start3A_137 : memref<128xi32, #tpu.memory_space<vmem>>) semaphore(%arg30 : memref<!tpu.dma_semaphore, #tpu.memory_space<semaphore_mem>>) {add = true}
    %dma_wait3A_141 = arith.constant 77 : i32
    %dma_wait3A_142 = arith.constant 0 : i32
    %dma_wait3A_143 = tpu.memref_slice %arg7[%dma_wait3A_141, %dma_wait3A_142] : memref<80x128xi32, #tpu.memory_space<vmem>> -> memref<1x128xi32, #tpu.memory_space<vmem>>
    %dma_wait3A_144 = tpu.memref_squeeze %dma_wait3A_143 : memref<1x128xi32, #tpu.memory_space<vmem>> -> memref<128xi32, #tpu.memory_space<vmem>>
    %dma_wait3A_145 = arith.constant 0 : i32
    %dma_wait3A_146 = arith.constant 0 : i32
    %dma_wait3A_147 = tpu.memref_slice %arg2[%dma_wait3A_145, %dma_wait3A_146] : memref<10000x40xf32, #tpu.memory_space<hbm>> -> memref<10000x40xf32, #tpu.memory_space<hbm>>
    tpu.wait_indirect_dma semaphore(%arg23 : memref<!tpu.dma_semaphore, #tpu.memory_space<semaphore_mem>>) src(%dma_wait3A_147 : memref<10000x40xf32, #tpu.memory_space<hbm>>) dst(%arg14 : memref<128x40xf32, #tpu.memory_space<vmem>>)
    %dma_start3A_148 = arith.constant 77 : i32
    %dma_start3A_149 = arith.constant 0 : i32
    %dma_start3A_150 = tpu.memref_slice %arg8[%dma_start3A_148, %dma_start3A_149] : memref<80x128xi32, #tpu.memory_space<vmem>> -> memref<1x128xi32, #tpu.memory_space<vmem>>
    %dma_start3A_151 = tpu.memref_squeeze %dma_start3A_150 : memref<1x128xi32, #tpu.memory_space<vmem>> -> memref<128xi32, #tpu.memory_space<vmem>>
    %dma_start3A_152 = arith.constant 0 : i32
    %dma_start3A_153 = arith.constant 0 : i32
    %dma_start3A_154 = tpu.memref_slice %arg17[%dma_start3A_152, %dma_start3A_153] : memref<10240x40xf32, #tpu.memory_space<vmem_shared>> -> memref<10240x40xf32, #tpu.memory_space<vmem_shared>>
    tpu.enqueue_indirect_dma source(%arg14 : memref<128x40xf32, #tpu.memory_space<vmem>>) target(%dma_start3A_154 : memref<10240x40xf32, #tpu.memory_space<vmem_shared>>) offsets(%dma_start3A_151 : memref<128xi32, #tpu.memory_space<vmem>>) semaphore(%arg31 : memref<!tpu.dma_semaphore, #tpu.memory_space<semaphore_mem>>) {add = true}
    %dma_wait3A_155 = arith.constant 78 : i32
    %dma_wait3A_156 = arith.constant 0 : i32
    %dma_wait3A_157 = tpu.memref_slice %arg7[%dma_wait3A_155, %dma_wait3A_156] : memref<80x128xi32, #tpu.memory_space<vmem>> -> memref<1x128xi32, #tpu.memory_space<vmem>>
    %dma_wait3A_158 = tpu.memref_squeeze %dma_wait3A_157 : memref<1x128xi32, #tpu.memory_space<vmem>> -> memref<128xi32, #tpu.memory_space<vmem>>
    %dma_wait3A_159 = arith.constant 0 : i32
    %dma_wait3A_160 = arith.constant 0 : i32
    %dma_wait3A_161 = tpu.memref_slice %arg2[%dma_wait3A_159, %dma_wait3A_160] : memref<10000x40xf32, #tpu.memory_space<hbm>> -> memref<10000x40xf32, #tpu.memory_space<hbm>>
    tpu.wait_indirect_dma semaphore(%arg24 : memref<!tpu.dma_semaphore, #tpu.memory_space<semaphore_mem>>) src(%dma_wait3A_161 : memref<10000x40xf32, #tpu.memory_space<hbm>>) dst(%arg15 : memref<128x40xf32, #tpu.memory_space<vmem>>)
    %dma_start3A_162 = arith.constant 78 : i32
    %dma_start3A_163 = arith.constant 0 : i32
    %dma_start3A_164 = tpu.memref_slice %arg8[%dma_start3A_162, %dma_start3A_163] : memref<80x128xi32, #tpu.memory_space<vmem>> -> memref<1x128xi32, #tpu.memory_space<vmem>>
    %dma_start3A_165 = tpu.memref_squeeze %dma_start3A_164 : memref<1x128xi32, #tpu.memory_space<vmem>> -> memref<128xi32, #tpu.memory_space<vmem>>
    %dma_start3A_166 = arith.constant 0 : i32
    %dma_start3A_167 = arith.constant 0 : i32
    %dma_start3A_168 = tpu.memref_slice %arg17[%dma_start3A_166, %dma_start3A_167] : memref<10240x40xf32, #tpu.memory_space<vmem_shared>> -> memref<10240x40xf32, #tpu.memory_space<vmem_shared>>
    tpu.enqueue_indirect_dma source(%arg15 : memref<128x40xf32, #tpu.memory_space<vmem>>) target(%dma_start3A_168 : memref<10240x40xf32, #tpu.memory_space<vmem_shared>>) offsets(%dma_start3A_165 : memref<128xi32, #tpu.memory_space<vmem>>) semaphore(%arg32 : memref<!tpu.dma_semaphore, #tpu.memory_space<semaphore_mem>>) {add = true}
    %dma_wait3A_169 = arith.constant 79 : i32
    %dma_wait3A_170 = arith.constant 0 : i32
    %dma_wait3A_171 = tpu.memref_slice %arg7[%dma_wait3A_169, %dma_wait3A_170] : memref<80x128xi32, #tpu.memory_space<vmem>> -> memref<1x128xi32, #tpu.memory_space<vmem>>
    %dma_wait3A_172 = tpu.memref_squeeze %dma_wait3A_171 : memref<1x128xi32, #tpu.memory_space<vmem>> -> memref<128xi32, #tpu.memory_space<vmem>>
    %dma_wait3A_173 = arith.constant 0 : i32
    %dma_wait3A_174 = arith.constant 0 : i32
    %dma_wait3A_175 = tpu.memref_slice %arg2[%dma_wait3A_173, %dma_wait3A_174] : memref<10000x40xf32, #tpu.memory_space<hbm>> -> memref<10000x40xf32, #tpu.memory_space<hbm>>
    tpu.wait_indirect_dma semaphore(%arg25 : memref<!tpu.dma_semaphore, #tpu.memory_space<semaphore_mem>>) src(%dma_wait3A_175 : memref<10000x40xf32, #tpu.memory_space<hbm>>) dst(%arg16 : memref<128x40xf32, #tpu.memory_space<vmem>>)
    %dma_start3A_176 = arith.constant 79 : i32
    %dma_start3A_177 = arith.constant 0 : i32
    %dma_start3A_178 = tpu.memref_slice %arg8[%dma_start3A_176, %dma_start3A_177] : memref<80x128xi32, #tpu.memory_space<vmem>> -> memref<1x128xi32, #tpu.memory_space<vmem>>
    %dma_start3A_179 = tpu.memref_squeeze %dma_start3A_178 : memref<1x128xi32, #tpu.memory_space<vmem>> -> memref<128xi32, #tpu.memory_space<vmem>>
    %dma_start3A_180 = arith.constant 0 : i32
    %dma_start3A_181 = arith.constant 0 : i32
    %dma_start3A_182 = tpu.memref_slice %arg17[%dma_start3A_180, %dma_start3A_181] : memref<10240x40xf32, #tpu.memory_space<vmem_shared>> -> memref<10240x40xf32, #tpu.memory_space<vmem_shared>>
    tpu.enqueue_indirect_dma source(%arg16 : memref<128x40xf32, #tpu.memory_space<vmem>>) target(%dma_start3A_182 : memref<10240x40xf32, #tpu.memory_space<vmem_shared>>) offsets(%dma_start3A_179 : memref<128xi32, #tpu.memory_space<vmem>>) semaphore(%arg33 : memref<!tpu.dma_semaphore, #tpu.memory_space<semaphore_mem>>) {add = true}
    %dma_wait3A_183 = arith.constant 72 : i32
    %dma_wait3A_184 = arith.constant 0 : i32
    %dma_wait3A_185 = tpu.memref_slice %arg8[%dma_wait3A_183, %dma_wait3A_184] : memref<80x128xi32, #tpu.memory_space<vmem>> -> memref<1x128xi32, #tpu.memory_space<vmem>>
    %dma_wait3A_186 = tpu.memref_squeeze %dma_wait3A_185 : memref<1x128xi32, #tpu.memory_space<vmem>> -> memref<128xi32, #tpu.memory_space<vmem>>
    %dma_wait3A_187 = arith.constant 0 : i32
    %dma_wait3A_188 = arith.constant 0 : i32
    %dma_wait3A_189 = tpu.memref_slice %arg17[%dma_wait3A_187, %dma_wait3A_188] : memref<10240x40xf32, #tpu.memory_space<vmem_shared>> -> memref<10240x40xf32, #tpu.memory_space<vmem_shared>>
    tpu.wait_indirect_dma semaphore(%arg26 : memref<!tpu.dma_semaphore, #tpu.memory_space<semaphore_mem>>) src(%arg9 : memref<128x40xf32, #tpu.memory_space<vmem>>) dst(%dma_wait3A_189 : memref<10240x40xf32, #tpu.memory_space<vmem_shared>>)
    %dma_wait3A_190 = arith.constant 73 : i32
    %dma_wait3A_191 = arith.constant 0 : i32
    %dma_wait3A_192 = tpu.memref_slice %arg8[%dma_wait3A_190, %dma_wait3A_191] : memref<80x128xi32, #tpu.memory_space<vmem>> -> memref<1x128xi32, #tpu.memory_space<vmem>>
    %dma_wait3A_193 = tpu.memref_squeeze %dma_wait3A_192 : memref<1x128xi32, #tpu.memory_space<vmem>> -> memref<128xi32, #tpu.memory_space<vmem>>
    %dma_wait3A_194 = arith.constant 0 : i32
    %dma_wait3A_195 = arith.constant 0 : i32
    %dma_wait3A_196 = tpu.memref_slice %arg17[%dma_wait3A_194, %dma_wait3A_195] : memref<10240x40xf32, #tpu.memory_space<vmem_shared>> -> memref<10240x40xf32, #tpu.memory_space<vmem_shared>>
    tpu.wait_indirect_dma semaphore(%arg27 : memref<!tpu.dma_semaphore, #tpu.memory_space<semaphore_mem>>) src(%arg10 : memref<128x40xf32, #tpu.memory_space<vmem>>) dst(%dma_wait3A_196 : memref<10240x40xf32, #tpu.memory_space<vmem_shared>>)
    %dma_wait3A_197 = arith.constant 74 : i32
    %dma_wait3A_198 = arith.constant 0 : i32
    %dma_wait3A_199 = tpu.memref_slice %arg8[%dma_wait3A_197, %dma_wait3A_198] : memref<80x128xi32, #tpu.memory_space<vmem>> -> memref<1x128xi32, #tpu.memory_space<vmem>>
    %dma_wait3A_200 = tpu.memref_squeeze %dma_wait3A_199 : memref<1x128xi32, #tpu.memory_space<vmem>> -> memref<128xi32, #tpu.memory_space<vmem>>
    %dma_wait3A_201 = arith.constant 0 : i32
    %dma_wait3A_202 = arith.constant 0 : i32
    %dma_wait3A_203 = tpu.memref_slice %arg17[%dma_wait3A_201, %dma_wait3A_202] : memref<10240x40xf32, #tpu.memory_space<vmem_shared>> -> memref<10240x40xf32, #tpu.memory_space<vmem_shared>>
    tpu.wait_indirect_dma semaphore(%arg28 : memref<!tpu.dma_semaphore, #tpu.memory_space<semaphore_mem>>) src(%arg11 : memref<128x40xf32, #tpu.memory_space<vmem>>) dst(%dma_wait3A_203 : memref<10240x40xf32, #tpu.memory_space<vmem_shared>>)
    %dma_wait3A_204 = arith.constant 75 : i32
    %dma_wait3A_205 = arith.constant 0 : i32
    %dma_wait3A_206 = tpu.memref_slice %arg8[%dma_wait3A_204, %dma_wait3A_205] : memref<80x128xi32, #tpu.memory_space<vmem>> -> memref<1x128xi32, #tpu.memory_space<vmem>>
    %dma_wait3A_207 = tpu.memref_squeeze %dma_wait3A_206 : memref<1x128xi32, #tpu.memory_space<vmem>> -> memref<128xi32, #tpu.memory_space<vmem>>
    %dma_wait3A_208 = arith.constant 0 : i32
    %dma_wait3A_209 = arith.constant 0 : i32
    %dma_wait3A_210 = tpu.memref_slice %arg17[%dma_wait3A_208, %dma_wait3A_209] : memref<10240x40xf32, #tpu.memory_space<vmem_shared>> -> memref<10240x40xf32, #tpu.memory_space<vmem_shared>>
    tpu.wait_indirect_dma semaphore(%arg29 : memref<!tpu.dma_semaphore, #tpu.memory_space<semaphore_mem>>) src(%arg12 : memref<128x40xf32, #tpu.memory_space<vmem>>) dst(%dma_wait3A_210 : memref<10240x40xf32, #tpu.memory_space<vmem_shared>>)
    %dma_wait3A_211 = arith.constant 76 : i32
    %dma_wait3A_212 = arith.constant 0 : i32
    %dma_wait3A_213 = tpu.memref_slice %arg8[%dma_wait3A_211, %dma_wait3A_212] : memref<80x128xi32, #tpu.memory_space<vmem>> -> memref<1x128xi32, #tpu.memory_space<vmem>>
    %dma_wait3A_214 = tpu.memref_squeeze %dma_wait3A_213 : memref<1x128xi32, #tpu.memory_space<vmem>> -> memref<128xi32, #tpu.memory_space<vmem>>
    %dma_wait3A_215 = arith.constant 0 : i32
    %dma_wait3A_216 = arith.constant 0 : i32
    %dma_wait3A_217 = tpu.memref_slice %arg17[%dma_wait3A_215, %dma_wait3A_216] : memref<10240x40xf32, #tpu.memory_space<vmem_shared>> -> memref<10240x40xf32, #tpu.memory_space<vmem_shared>>
    tpu.wait_indirect_dma semaphore(%arg30 : memref<!tpu.dma_semaphore, #tpu.memory_space<semaphore_mem>>) src(%arg13 : memref<128x40xf32, #tpu.memory_space<vmem>>) dst(%dma_wait3A_217 : memref<10240x40xf32, #tpu.memory_space<vmem_shared>>)
    %dma_wait3A_218 = arith.constant 77 : i32
    %dma_wait3A_219 = arith.constant 0 : i32
    %dma_wait3A_220 = tpu.memref_slice %arg8[%dma_wait3A_218, %dma_wait3A_219] : memref<80x128xi32, #tpu.memory_space<vmem>> -> memref<1x128xi32, #tpu.memory_space<vmem>>
    %dma_wait3A_221 = tpu.memref_squeeze %dma_wait3A_220 : memref<1x128xi32, #tpu.memory_space<vmem>> -> memref<128xi32, #tpu.memory_space<vmem>>
    %dma_wait3A_222 = arith.constant 0 : i32
    %dma_wait3A_223 = arith.constant 0 : i32
    %dma_wait3A_224 = tpu.memref_slice %arg17[%dma_wait3A_222, %dma_wait3A_223] : memref<10240x40xf32, #tpu.memory_space<vmem_shared>> -> memref<10240x40xf32, #tpu.memory_space<vmem_shared>>
    tpu.wait_indirect_dma semaphore(%arg31 : memref<!tpu.dma_semaphore, #tpu.memory_space<semaphore_mem>>) src(%arg14 : memref<128x40xf32, #tpu.memory_space<vmem>>) dst(%dma_wait3A_224 : memref<10240x40xf32, #tpu.memory_space<vmem_shared>>)
    %dma_wait3A_225 = arith.constant 78 : i32
    %dma_wait3A_226 = arith.constant 0 : i32
    %dma_wait3A_227 = tpu.memref_slice %arg8[%dma_wait3A_225, %dma_wait3A_226] : memref<80x128xi32, #tpu.memory_space<vmem>> -> memref<1x128xi32, #tpu.memory_space<vmem>>
    %dma_wait3A_228 = tpu.memref_squeeze %dma_wait3A_227 : memref<1x128xi32, #tpu.memory_space<vmem>> -> memref<128xi32, #tpu.memory_space<vmem>>
    %dma_wait3A_229 = arith.constant 0 : i32
    %dma_wait3A_230 = arith.constant 0 : i32
    %dma_wait3A_231 = tpu.memref_slice %arg17[%dma_wait3A_229, %dma_wait3A_230] : memref<10240x40xf32, #tpu.memory_space<vmem_shared>> -> memref<10240x40xf32, #tpu.memory_space<vmem_shared>>
    tpu.wait_indirect_dma semaphore(%arg32 : memref<!tpu.dma_semaphore, #tpu.memory_space<semaphore_mem>>) src(%arg15 : memref<128x40xf32, #tpu.memory_space<vmem>>) dst(%dma_wait3A_231 : memref<10240x40xf32, #tpu.memory_space<vmem_shared>>)
    %dma_wait3A_232 = arith.constant 79 : i32
    %dma_wait3A_233 = arith.constant 0 : i32
    %dma_wait3A_234 = tpu.memref_slice %arg8[%dma_wait3A_232, %dma_wait3A_233] : memref<80x128xi32, #tpu.memory_space<vmem>> -> memref<1x128xi32, #tpu.memory_space<vmem>>
    %dma_wait3A_235 = tpu.memref_squeeze %dma_wait3A_234 : memref<1x128xi32, #tpu.memory_space<vmem>> -> memref<128xi32, #tpu.memory_space<vmem>>
    %dma_wait3A_236 = arith.constant 0 : i32
    %dma_wait3A_237 = arith.constant 0 : i32
    %dma_wait3A_238 = tpu.memref_slice %arg17[%dma_wait3A_236, %dma_wait3A_237] : memref<10240x40xf32, #tpu.memory_space<vmem_shared>> -> memref<10240x40xf32, #tpu.memory_space<vmem_shared>>
    tpu.wait_indirect_dma semaphore(%arg33 : memref<!tpu.dma_semaphore, #tpu.memory_space<semaphore_mem>>) src(%arg16 : memref<128x40xf32, #tpu.memory_space<vmem>>) dst(%dma_wait3A_238 : memref<10240x40xf32, #tpu.memory_space<vmem_shared>>)
    %scan3A_239 = arith.constant 1 : i32
    %barrier3A_240 = arith.constant 0 : index
    tpu.barrier barrier_id(%barrier3A_240)
    %mul3A_241 = arith.constant 640 : i32
    %mul3A_242 = arith.muli %arg1, %mul3A_241 : i32
    %mul3A_243 = arith.constant 640 : i32
    %mul3A_244 = arith.muli %arg1, %mul3A_243 : i32
    "tpu.region"() ({
      %run_scoped3A = tpu.sem_alloc : memref<!tpu.dma_semaphore, #tpu.memory_space<semaphore_mem>>
      %dma_start3A_245 = arith.constant 0 : i32
      %dma_start3A_246 = tpu.memref_slice %arg6[%arg0, %mul3A_244, %dma_start3A_245] : memref<2x10240x40xf32, #tpu.memory_space<hbm>> -> memref<1x640x40xf32, #tpu.memory_space<hbm>>
      %dma_start3A_247 = tpu.memref_squeeze %dma_start3A_246 : memref<1x640x40xf32, #tpu.memory_space<hbm>> -> memref<640x40xf32, #tpu.memory_space<hbm>>
      %dma_start3A_248 = arith.constant 0 : i32
      %dma_start3A_249 = tpu.memref_slice %arg17[%mul3A_242, %dma_start3A_248] : memref<10240x40xf32, #tpu.memory_space<vmem_shared>> -> memref<640x40xf32, #tpu.memory_space<vmem_shared>>
      tpu.enqueue_dma source(%dma_start3A_249 : memref<640x40xf32, #tpu.memory_space<vmem_shared>>) target(%dma_start3A_247 : memref<640x40xf32, #tpu.memory_space<hbm>>) target_semaphore(%run_scoped3A : memref<!tpu.dma_semaphore, #tpu.memory_space<semaphore_mem>>)
      %dma_wait3A_250 = arith.constant 0 : i32
      %dma_wait3A_251 = tpu.memref_slice %arg6[%arg0, %mul3A_244, %dma_wait3A_250] : memref<2x10240x40xf32, #tpu.memory_space<hbm>> -> memref<1x640x40xf32, #tpu.memory_space<hbm>>
      %dma_wait3A_252 = tpu.memref_squeeze %dma_wait3A_251 : memref<1x640x40xf32, #tpu.memory_space<hbm>> -> memref<640x40xf32, #tpu.memory_space<hbm>>
      %dma_wait3A_253 = arith.constant 0 : i32
      %dma_wait3A_254 = tpu.memref_slice %arg17[%mul3A_242, %dma_wait3A_253] : memref<10240x40xf32, #tpu.memory_space<vmem_shared>> -> memref<640x40xf32, #tpu.memory_space<vmem_shared>>
      tpu.wait_dma2 semaphore(%run_scoped3A : memref<!tpu.dma_semaphore, #tpu.memory_space<semaphore_mem>>) src(%dma_wait3A_254 : memref<640x40xf32, #tpu.memory_space<vmem_shared>>) dst(%dma_wait3A_252 : memref<640x40xf32, #tpu.memory_space<hbm>>)
      tpu.yield
    }) : () -> ()
    return
  }
}

#map = affine_map<(d0, d1) -> (0, 0)>
#map1 = affine_map<(d0, d1) -> (0, 0, 0)>
module attributes {stable_mosaic.version = 14 : i64} {
  func.func @body(%arg0: i32, %arg1: i32, %arg2: memref<10000x40xf32, #tpu.memory_space<hbm>>, %arg3: memref<2560x128xi32, #tpu.memory_space<hbm>>, %arg4: memref<2560x128xi32, #tpu.memory_space<hbm>>, %arg5: memref<10240x40xf32, #tpu.memory_space<hbm>>, %arg6: memref<2x10240x40xf32, #tpu.memory_space<hbm>>, %arg7: memref<80x128xi32, #tpu.memory_space<vmem>>, %arg8: memref<80x128xi32, #tpu.memory_space<vmem>>, %arg9: memref<128x40xf32, #tpu.memory_space<vmem>>, %arg10: memref<128x40xf32, #tpu.memory_space<vmem>>, %arg11: memref<128x40xf32, #tpu.memory_space<vmem>>, %arg12: memref<128x40xf32, #tpu.memory_space<vmem>>, %arg13: memref<128x40xf32, #tpu.memory_space<vmem>>, %arg14: memref<128x40xf32, #tpu.memory_space<vmem>>, %arg15: memref<128x40xf32, #tpu.memory_space<vmem>>, %arg16: memref<128x40xf32, #tpu.memory_space<vmem>>, %arg17: memref<10240x40xf32, #tpu.memory_space<vmem_shared>>, %arg18: memref<!tpu.dma_semaphore, #tpu.memory_space<semaphore_mem>>, %arg19: memref<!tpu.dma_semaphore, #tpu.memory_space<semaphore_mem>>, %arg20: memref<!tpu.dma_semaphore, #tpu.memory_space<semaphore_mem>>, %arg21: memref<!tpu.dma_semaphore, #tpu.memory_space<semaphore_mem>>, %arg22: memref<!tpu.dma_semaphore, #tpu.memory_space<semaphore_mem>>, %arg23: memref<!tpu.dma_semaphore, #tpu.memory_space<semaphore_mem>>, %arg24: memref<!tpu.dma_semaphore, #tpu.memory_space<semaphore_mem>>, %arg25: memref<!tpu.dma_semaphore, #tpu.memory_space<semaphore_mem>>, %arg26: memref<!tpu.dma_semaphore, #tpu.memory_space<semaphore_mem>>, %arg27: memref<!tpu.dma_semaphore, #tpu.memory_space<semaphore_mem>>, %arg28: memref<!tpu.dma_semaphore, #tpu.memory_space<semaphore_mem>>, %arg29: memref<!tpu.dma_semaphore, #tpu.memory_space<semaphore_mem>>, %arg30: memref<!tpu.dma_semaphore, #tpu.memory_space<semaphore_mem>>, %arg31: memref<!tpu.dma_semaphore, #tpu.memory_space<semaphore_mem>>, %arg32: memref<!tpu.dma_semaphore, #tpu.memory_space<semaphore_mem>>, %arg33: memref<!tpu.dma_semaphore, #tpu.memory_space<semaphore_mem>>) attributes {dimension_semantics = [#tpu.dimension_semantics<core_parallel>, #tpu.dimension_semantics<subcore_parallel>], iteration_bounds = array<i64: 2, 16>, scalar_prefetch = 0 : i64, scratch_operands = 27 : i64, tpu.core_type = #tpu.core_type<sc_vector_subcore>, window_params = [{transform_indices = #map}, {transform_indices = #map}, {transform_indices = #map}, {transform_indices = #map}, {transform_indices = #map1}]} {
    %mul3A = arith.constant 640 : i32
    %mul3A_0 = arith.muli %arg1, %mul3A : i32
    %mul3A_1 = arith.constant 640 : i32
    %mul3A_2 = arith.muli %arg1, %mul3A_1 : i32
    "tpu.region"() ({
      %run_scoped3A = tpu.sem_alloc : memref<!tpu.dma_semaphore, #tpu.memory_space<semaphore_mem>>
      %dma_start3A_245 = arith.constant 0 : i32
      %dma_start3A_246 = tpu.memref_slice %arg17[%mul3A_2, %dma_start3A_245] : memref<10240x40xf32, #tpu.memory_space<vmem_shared>> -> memref<640x40xf32, #tpu.memory_space<vmem_shared>>
      %dma_start3A_247 = arith.constant 0 : i32
      %dma_start3A_248 = tpu.memref_slice %arg5[%mul3A_0, %dma_start3A_247] : memref<10240x40xf32, #tpu.memory_space<hbm>> -> memref<640x40xf32, #tpu.memory_space<hbm>>
      tpu.enqueue_dma source(%dma_start3A_248 : memref<640x40xf32, #tpu.memory_space<hbm>>) target(%dma_start3A_246 : memref<640x40xf32, #tpu.memory_space<vmem_shared>>) target_semaphore(%run_scoped3A : memref<!tpu.dma_semaphore, #tpu.memory_space<semaphore_mem>>)
      %dma_wait3A_249 = arith.constant 0 : i32
      %dma_wait3A_250 = tpu.memref_slice %arg17[%mul3A_2, %dma_wait3A_249] : memref<10240x40xf32, #tpu.memory_space<vmem_shared>> -> memref<640x40xf32, #tpu.memory_space<vmem_shared>>
      %dma_wait3A_251 = arith.constant 0 : i32
      %dma_wait3A_252 = tpu.memref_slice %arg5[%mul3A_0, %dma_wait3A_251] : memref<10240x40xf32, #tpu.memory_space<hbm>> -> memref<640x40xf32, #tpu.memory_space<hbm>>
      tpu.wait_dma2 semaphore(%run_scoped3A : memref<!tpu.dma_semaphore, #tpu.memory_space<semaphore_mem>>) src(%dma_wait3A_252 : memref<640x40xf32, #tpu.memory_space<hbm>>) dst(%dma_wait3A_250 : memref<640x40xf32, #tpu.memory_space<vmem_shared>>)
      tpu.yield
    }) : () -> ()
    %barrier3A = arith.constant 0 : index
    tpu.barrier barrier_id(%barrier3A)
    %mul3A_3 = arith.constant 16 : i32
    %mul3A_4 = arith.muli %arg0, %mul3A_3 : i32
    %add3A = arith.addi %mul3A_4, %arg1 : i32
    %mul3A_5 = arith.constant 80 : i32
    %mul3A_6 = arith.muli %add3A, %mul3A_5 : i32
    %scan3A = arith.constant 0 : i32
    %scan3A_7 = arith.constant 0 : i32
    %mul3A_8 = arith.constant 80 : i32
    %mul3A_9 = arith.muli %scan3A_7, %mul3A_8 : i32
    %add3A_10 = arith.addi %mul3A_6, %mul3A_9 : i32
    "tpu.region"() ({
      %run_scoped3A = tpu.sem_alloc : memref<!tpu.dma_semaphore, #tpu.memory_space<semaphore_mem>>
      %dma_start3A_245 = arith.constant 0 : i32
      %dma_start3A_246 = tpu.memref_slice %arg3[%add3A_10, %dma_start3A_245] : memref<2560x128xi32, #tpu.memory_space<hbm>> -> memref<80x128xi32, #tpu.memory_space<hbm>>
      %dma_start3A_247 = arith.constant 0 : i32
      %dma_start3A_248 = tpu.memref_slice %arg3[%add3A_10, %dma_start3A_247] : memref<2560x128xi32, #tpu.memory_space<hbm>> -> memref<80x128xi32, #tpu.memory_space<hbm>>
      tpu.enqueue_dma source(%dma_start3A_248 : memref<80x128xi32, #tpu.memory_space<hbm>>) target(%arg7 : memref<80x128xi32, #tpu.memory_space<vmem>>) target_semaphore(%run_scoped3A : memref<!tpu.dma_semaphore, #tpu.memory_space<semaphore_mem>>)
      %dma_wait3A_249 = arith.constant 0 : i32
      %dma_wait3A_250 = tpu.memref_slice %arg3[%add3A_10, %dma_wait3A_249] : memref<2560x128xi32, #tpu.memory_space<hbm>> -> memref<80x128xi32, #tpu.memory_space<hbm>>
      %dma_wait3A_251 = arith.constant 0 : i32
      %dma_wait3A_252 = tpu.memref_slice %arg3[%add3A_10, %dma_wait3A_251] : memref<2560x128xi32, #tpu.memory_space<hbm>> -> memref<80x128xi32, #tpu.memory_space<hbm>>
      tpu.wait_dma2 semaphore(%run_scoped3A : memref<!tpu.dma_semaphore, #tpu.memory_space<semaphore_mem>>) src(%dma_wait3A_252 : memref<80x128xi32, #tpu.memory_space<hbm>>) dst(%arg7 : memref<80x128xi32, #tpu.memory_space<vmem>>)
      tpu.yield
    }) : () -> ()
    "tpu.region"() ({
      %run_scoped3A = tpu.sem_alloc : memref<!tpu.dma_semaphore, #tpu.memory_space<semaphore_mem>>
      %dma_start3A_245 = arith.constant 0 : i32
      %dma_start3A_246 = tpu.memref_slice %arg4[%add3A_10, %dma_start3A_245] : memref<2560x128xi32, #tpu.memory_space<hbm>> -> memref<80x128xi32, #tpu.memory_space<hbm>>
      %dma_start3A_247 = arith.constant 0 : i32
      %dma_start3A_248 = tpu.memref_slice %arg4[%add3A_10, %dma_start3A_247] : memref<2560x128xi32, #tpu.memory_space<hbm>> -> memref<80x128xi32, #tpu.memory_space<hbm>>
      tpu.enqueue_dma source(%dma_start3A_248 : memref<80x128xi32, #tpu.memory_space<hbm>>) target(%arg8 : memref<80x128xi32, #tpu.memory_space<vmem>>) target_semaphore(%run_scoped3A : memref<!tpu.dma_semaphore, #tpu.memory_space<semaphore_mem>>)
      %dma_wait3A_249 = arith.constant 0 : i32
      %dma_wait3A_250 = tpu.memref_slice %arg4[%add3A_10, %dma_wait3A_249] : memref<2560x128xi32, #tpu.memory_space<hbm>> -> memref<80x128xi32, #tpu.memory_space<hbm>>
      %dma_wait3A_251 = arith.constant 0 : i32
      %dma_wait3A_252 = tpu.memref_slice %arg4[%add3A_10, %dma_wait3A_251] : memref<2560x128xi32, #tpu.memory_space<hbm>> -> memref<80x128xi32, #tpu.memory_space<hbm>>
      tpu.wait_dma2 semaphore(%run_scoped3A : memref<!tpu.dma_semaphore, #tpu.memory_space<semaphore_mem>>) src(%dma_wait3A_252 : memref<80x128xi32, #tpu.memory_space<hbm>>) dst(%arg8 : memref<80x128xi32, #tpu.memory_space<vmem>>)
      tpu.yield
    }) : () -> ()
    %dma_start3A = arith.constant 0 : i32
    %dma_start3A_11 = arith.constant 0 : i32
    %dma_start3A_12 = tpu.memref_slice %arg7[%dma_start3A, %dma_start3A_11] : memref<80x128xi32, #tpu.memory_space<vmem>> -> memref<1x128xi32, #tpu.memory_space<vmem>>
    %dma_start3A_13 = tpu.memref_squeeze %dma_start3A_12 : memref<1x128xi32, #tpu.memory_space<vmem>> -> memref<128xi32, #tpu.memory_space<vmem>>
    %dma_start3A_14 = arith.constant 0 : i32
    %dma_start3A_15 = arith.constant 0 : i32
    %dma_start3A_16 = tpu.memref_slice %arg2[%dma_start3A_14, %dma_start3A_15] : memref<10000x40xf32, #tpu.memory_space<hbm>> -> memref<10000x40xf32, #tpu.memory_space<hbm>>
    tpu.enqueue_indirect_dma source(%dma_start3A_16 : memref<10000x40xf32, #tpu.memory_space<hbm>>) target(%arg9 : memref<128x40xf32, #tpu.memory_space<vmem>>) offsets(%dma_start3A_13 : memref<128xi32, #tpu.memory_space<vmem>>) semaphore(%arg18 : memref<!tpu.dma_semaphore, #tpu.memory_space<semaphore_mem>>)
    %dma_start3A_17 = arith.constant 1 : i32
    %dma_start3A_18 = arith.constant 0 : i32
    %dma_start3A_19 = tpu.memref_slice %arg7[%dma_start3A_17, %dma_start3A_18] : memref<80x128xi32, #tpu.memory_space<vmem>> -> memref<1x128xi32, #tpu.memory_space<vmem>>
    %dma_start3A_20 = tpu.memref_squeeze %dma_start3A_19 : memref<1x128xi32, #tpu.memory_space<vmem>> -> memref<128xi32, #tpu.memory_space<vmem>>
    %dma_start3A_21 = arith.constant 0 : i32
    %dma_start3A_22 = arith.constant 0 : i32
    %dma_start3A_23 = tpu.memref_slice %arg2[%dma_start3A_21, %dma_start3A_22] : memref<10000x40xf32, #tpu.memory_space<hbm>> -> memref<10000x40xf32, #tpu.memory_space<hbm>>
    tpu.enqueue_indirect_dma source(%dma_start3A_23 : memref<10000x40xf32, #tpu.memory_space<hbm>>) target(%arg10 : memref<128x40xf32, #tpu.memory_space<vmem>>) offsets(%dma_start3A_20 : memref<128xi32, #tpu.memory_space<vmem>>) semaphore(%arg19 : memref<!tpu.dma_semaphore, #tpu.memory_space<semaphore_mem>>)
    %dma_start3A_24 = arith.constant 2 : i32
    %dma_start3A_25 = arith.constant 0 : i32
    %dma_start3A_26 = tpu.memref_slice %arg7[%dma_start3A_24, %dma_start3A_25] : memref<80x128xi32, #tpu.memory_space<vmem>> -> memref<1x128xi32, #tpu.memory_space<vmem>>
    %dma_start3A_27 = tpu.memref_squeeze %dma_start3A_26 : memref<1x128xi32, #tpu.memory_space<vmem>> -> memref<128xi32, #tpu.memory_space<vmem>>
    %dma_start3A_28 = arith.constant 0 : i32
    %dma_start3A_29 = arith.constant 0 : i32
    %dma_start3A_30 = tpu.memref_slice %arg2[%dma_start3A_28, %dma_start3A_29] : memref<10000x40xf32, #tpu.memory_space<hbm>> -> memref<10000x40xf32, #tpu.memory_space<hbm>>
    tpu.enqueue_indirect_dma source(%dma_start3A_30 : memref<10000x40xf32, #tpu.memory_space<hbm>>) target(%arg11 : memref<128x40xf32, #tpu.memory_space<vmem>>) offsets(%dma_start3A_27 : memref<128xi32, #tpu.memory_space<vmem>>) semaphore(%arg20 : memref<!tpu.dma_semaphore, #tpu.memory_space<semaphore_mem>>)
    %dma_start3A_31 = arith.constant 3 : i32
    %dma_start3A_32 = arith.constant 0 : i32
    %dma_start3A_33 = tpu.memref_slice %arg7[%dma_start3A_31, %dma_start3A_32] : memref<80x128xi32, #tpu.memory_space<vmem>> -> memref<1x128xi32, #tpu.memory_space<vmem>>
    %dma_start3A_34 = tpu.memref_squeeze %dma_start3A_33 : memref<1x128xi32, #tpu.memory_space<vmem>> -> memref<128xi32, #tpu.memory_space<vmem>>
    %dma_start3A_35 = arith.constant 0 : i32
    %dma_start3A_36 = arith.constant 0 : i32
    %dma_start3A_37 = tpu.memref_slice %arg2[%dma_start3A_35, %dma_start3A_36] : memref<10000x40xf32, #tpu.memory_space<hbm>> -> memref<10000x40xf32, #tpu.memory_space<hbm>>
    tpu.enqueue_indirect_dma source(%dma_start3A_37 : memref<10000x40xf32, #tpu.memory_space<hbm>>) target(%arg12 : memref<128x40xf32, #tpu.memory_space<vmem>>) offsets(%dma_start3A_34 : memref<128xi32, #tpu.memory_space<vmem>>) semaphore(%arg21 : memref<!tpu.dma_semaphore, #tpu.memory_space<semaphore_mem>>)
    %dma_start3A_38 = arith.constant 4 : i32
    %dma_start3A_39 = arith.constant 0 : i32
    %dma_start3A_40 = tpu.memref_slice %arg7[%dma_start3A_38, %dma_start3A_39] : memref<80x128xi32, #tpu.memory_space<vmem>> -> memref<1x128xi32, #tpu.memory_space<vmem>>
    %dma_start3A_41 = tpu.memref_squeeze %dma_start3A_40 : memref<1x128xi32, #tpu.memory_space<vmem>> -> memref<128xi32, #tpu.memory_space<vmem>>
    %dma_start3A_42 = arith.constant 0 : i32
    %dma_start3A_43 = arith.constant 0 : i32
    %dma_start3A_44 = tpu.memref_slice %arg2[%dma_start3A_42, %dma_start3A_43] : memref<10000x40xf32, #tpu.memory_space<hbm>> -> memref<10000x40xf32, #tpu.memory_space<hbm>>
    tpu.enqueue_indirect_dma source(%dma_start3A_44 : memref<10000x40xf32, #tpu.memory_space<hbm>>) target(%arg13 : memref<128x40xf32, #tpu.memory_space<vmem>>) offsets(%dma_start3A_41 : memref<128xi32, #tpu.memory_space<vmem>>) semaphore(%arg22 : memref<!tpu.dma_semaphore, #tpu.memory_space<semaphore_mem>>)
    %dma_start3A_45 = arith.constant 5 : i32
    %dma_start3A_46 = arith.constant 0 : i32
    %dma_start3A_47 = tpu.memref_slice %arg7[%dma_start3A_45, %dma_start3A_46] : memref<80x128xi32, #tpu.memory_space<vmem>> -> memref<1x128xi32, #tpu.memory_space<vmem>>
    %dma_start3A_48 = tpu.memref_squeeze %dma_start3A_47 : memref<1x128xi32, #tpu.memory_space<vmem>> -> memref<128xi32, #tpu.memory_space<vmem>>
    %dma_start3A_49 = arith.constant 0 : i32
    %dma_start3A_50 = arith.constant 0 : i32
    %dma_start3A_51 = tpu.memref_slice %arg2[%dma_start3A_49, %dma_start3A_50] : memref<10000x40xf32, #tpu.memory_space<hbm>> -> memref<10000x40xf32, #tpu.memory_space<hbm>>
    tpu.enqueue_indirect_dma source(%dma_start3A_51 : memref<10000x40xf32, #tpu.memory_space<hbm>>) target(%arg14 : memref<128x40xf32, #tpu.memory_space<vmem>>) offsets(%dma_start3A_48 : memref<128xi32, #tpu.memory_space<vmem>>) semaphore(%arg23 : memref<!tpu.dma_semaphore, #tpu.memory_space<semaphore_mem>>)
    %dma_start3A_52 = arith.constant 6 : i32
    %dma_start3A_53 = arith.constant 0 : i32
    %dma_start3A_54 = tpu.memref_slice %arg7[%dma_start3A_52, %dma_start3A_53] : memref<80x128xi32, #tpu.memory_space<vmem>> -> memref<1x128xi32, #tpu.memory_space<vmem>>
    %dma_start3A_55 = tpu.memref_squeeze %dma_start3A_54 : memref<1x128xi32, #tpu.memory_space<vmem>> -> memref<128xi32, #tpu.memory_space<vmem>>
    %dma_start3A_56 = arith.constant 0 : i32
    %dma_start3A_57 = arith.constant 0 : i32
    %dma_start3A_58 = tpu.memref_slice %arg2[%dma_start3A_56, %dma_start3A_57] : memref<10000x40xf32, #tpu.memory_space<hbm>> -> memref<10000x40xf32, #tpu.memory_space<hbm>>
    tpu.enqueue_indirect_dma source(%dma_start3A_58 : memref<10000x40xf32, #tpu.memory_space<hbm>>) target(%arg15 : memref<128x40xf32, #tpu.memory_space<vmem>>) offsets(%dma_start3A_55 : memref<128xi32, #tpu.memory_space<vmem>>) semaphore(%arg24 : memref<!tpu.dma_semaphore, #tpu.memory_space<semaphore_mem>>)
    %dma_start3A_59 = arith.constant 7 : i32
    %dma_start3A_60 = arith.constant 0 : i32
    %dma_start3A_61 = tpu.memref_slice %arg7[%dma_start3A_59, %dma_start3A_60] : memref<80x128xi32, #tpu.memory_space<vmem>> -> memref<1x128xi32, #tpu.memory_space<vmem>>
    %dma_start3A_62 = tpu.memref_squeeze %dma_start3A_61 : memref<1x128xi32, #tpu.memory_space<vmem>> -> memref<128xi32, #tpu.memory_space<vmem>>
    %dma_start3A_63 = arith.constant 0 : i32
    %dma_start3A_64 = arith.constant 0 : i32
    %dma_start3A_65 = tpu.memref_slice %arg2[%dma_start3A_63, %dma_start3A_64] : memref<10000x40xf32, #tpu.memory_space<hbm>> -> memref<10000x40xf32, #tpu.memory_space<hbm>>
    tpu.enqueue_indirect_dma source(%dma_start3A_65 : memref<10000x40xf32, #tpu.memory_space<hbm>>) target(%arg16 : memref<128x40xf32, #tpu.memory_space<vmem>>) offsets(%dma_start3A_62 : memref<128xi32, #tpu.memory_space<vmem>>) semaphore(%arg25 : memref<!tpu.dma_semaphore, #tpu.memory_space<semaphore_mem>>)
    %scan3A_66 = arith.constant 0 : i32
    %scan3A_67 = arith.constant 0 : i32
    %scan3A_68 = arith.constant 9 : i32
    %scan3A_69 = arith.addi %scan3A_67, %scan3A_68 : i32
    %scan3A_70 = arith.constant 1 : i32
    scf.for %scan3A_245 = %scan3A_67 to %scan3A_69 step %scan3A_70  : i32 {
      %mul3A_246 = arith.constant 8 : i32
      %mul3A_247 = arith.muli %scan3A_245, %mul3A_246 : i32
      %add3A_248 = arith.constant 0 : i32
      %add3A_249 = arith.addi %mul3A_247, %add3A_248 : i32
      %dma_wait3A_250 = arith.constant 0 : i32
      %dma_wait3A_251 = tpu.memref_slice %arg7[%add3A_249, %dma_wait3A_250] : memref<80x128xi32, #tpu.memory_space<vmem>> -> memref<1x128xi32, #tpu.memory_space<vmem>>
      %dma_wait3A_252 = tpu.memref_squeeze %dma_wait3A_251 : memref<1x128xi32, #tpu.memory_space<vmem>> -> memref<128xi32, #tpu.memory_space<vmem>>
      %dma_wait3A_253 = arith.constant 0 : i32
      %dma_wait3A_254 = arith.constant 0 : i32
      %dma_wait3A_255 = tpu.memref_slice %arg2[%dma_wait3A_253, %dma_wait3A_254] : memref<10000x40xf32, #tpu.memory_space<hbm>> -> memref<10000x40xf32, #tpu.memory_space<hbm>>
      tpu.wait_indirect_dma semaphore(%arg18 : memref<!tpu.dma_semaphore, #tpu.memory_space<semaphore_mem>>) src(%dma_wait3A_255 : memref<10000x40xf32, #tpu.memory_space<hbm>>) dst(%arg9 : memref<128x40xf32, #tpu.memory_space<vmem>>)
      %dma_start3A_256 = arith.constant 0 : i32
      %dma_start3A_257 = tpu.memref_slice %arg8[%add3A_249, %dma_start3A_256] : memref<80x128xi32, #tpu.memory_space<vmem>> -> memref<1x128xi32, #tpu.memory_space<vmem>>
      %dma_start3A_258 = tpu.memref_squeeze %dma_start3A_257 : memref<1x128xi32, #tpu.memory_space<vmem>> -> memref<128xi32, #tpu.memory_space<vmem>>
      %dma_start3A_259 = arith.constant 0 : i32
      %dma_start3A_260 = arith.constant 0 : i32
      %dma_start3A_261 = tpu.memref_slice %arg17[%dma_start3A_259, %dma_start3A_260] : memref<10240x40xf32, #tpu.memory_space<vmem_shared>> -> memref<10240x40xf32, #tpu.memory_space<vmem_shared>>
      tpu.enqueue_indirect_dma source(%arg9 : memref<128x40xf32, #tpu.memory_space<vmem>>) target(%dma_start3A_261 : memref<10240x40xf32, #tpu.memory_space<vmem_shared>>) offsets(%dma_start3A_258 : memref<128xi32, #tpu.memory_space<vmem>>) semaphore(%arg26 : memref<!tpu.dma_semaphore, #tpu.memory_space<semaphore_mem>>) {add = true}
      %add3A_262 = arith.constant 1 : i32
      %add3A_263 = arith.addi %mul3A_247, %add3A_262 : i32
      %dma_wait3A_264 = arith.constant 0 : i32
      %dma_wait3A_265 = tpu.memref_slice %arg7[%add3A_263, %dma_wait3A_264] : memref<80x128xi32, #tpu.memory_space<vmem>> -> memref<1x128xi32, #tpu.memory_space<vmem>>
      %dma_wait3A_266 = tpu.memref_squeeze %dma_wait3A_265 : memref<1x128xi32, #tpu.memory_space<vmem>> -> memref<128xi32, #tpu.memory_space<vmem>>
      %dma_wait3A_267 = arith.constant 0 : i32
      %dma_wait3A_268 = arith.constant 0 : i32
      %dma_wait3A_269 = tpu.memref_slice %arg2[%dma_wait3A_267, %dma_wait3A_268] : memref<10000x40xf32, #tpu.memory_space<hbm>> -> memref<10000x40xf32, #tpu.memory_space<hbm>>
      tpu.wait_indirect_dma semaphore(%arg19 : memref<!tpu.dma_semaphore, #tpu.memory_space<semaphore_mem>>) src(%dma_wait3A_269 : memref<10000x40xf32, #tpu.memory_space<hbm>>) dst(%arg10 : memref<128x40xf32, #tpu.memory_space<vmem>>)
      %dma_start3A_270 = arith.constant 0 : i32
      %dma_start3A_271 = tpu.memref_slice %arg8[%add3A_263, %dma_start3A_270] : memref<80x128xi32, #tpu.memory_space<vmem>> -> memref<1x128xi32, #tpu.memory_space<vmem>>
      %dma_start3A_272 = tpu.memref_squeeze %dma_start3A_271 : memref<1x128xi32, #tpu.memory_space<vmem>> -> memref<128xi32, #tpu.memory_space<vmem>>
      %dma_start3A_273 = arith.constant 0 : i32
      %dma_start3A_274 = arith.constant 0 : i32
      %dma_start3A_275 = tpu.memref_slice %arg17[%dma_start3A_273, %dma_start3A_274] : memref<10240x40xf32, #tpu.memory_space<vmem_shared>> -> memref<10240x40xf32, #tpu.memory_space<vmem_shared>>
      tpu.enqueue_indirect_dma source(%arg10 : memref<128x40xf32, #tpu.memory_space<vmem>>) target(%dma_start3A_275 : memref<10240x40xf32, #tpu.memory_space<vmem_shared>>) offsets(%dma_start3A_272 : memref<128xi32, #tpu.memory_space<vmem>>) semaphore(%arg27 : memref<!tpu.dma_semaphore, #tpu.memory_space<semaphore_mem>>) {add = true}
      %add3A_276 = arith.constant 2 : i32
      %add3A_277 = arith.addi %mul3A_247, %add3A_276 : i32
      %dma_wait3A_278 = arith.constant 0 : i32
      %dma_wait3A_279 = tpu.memref_slice %arg7[%add3A_277, %dma_wait3A_278] : memref<80x128xi32, #tpu.memory_space<vmem>> -> memref<1x128xi32, #tpu.memory_space<vmem>>
      %dma_wait3A_280 = tpu.memref_squeeze %dma_wait3A_279 : memref<1x128xi32, #tpu.memory_space<vmem>> -> memref<128xi32, #tpu.memory_space<vmem>>
      %dma_wait3A_281 = arith.constant 0 : i32
      %dma_wait3A_282 = arith.constant 0 : i32
      %dma_wait3A_283 = tpu.memref_slice %arg2[%dma_wait3A_281, %dma_wait3A_282] : memref<10000x40xf32, #tpu.memory_space<hbm>> -> memref<10000x40xf32, #tpu.memory_space<hbm>>
      tpu.wait_indirect_dma semaphore(%arg20 : memref<!tpu.dma_semaphore, #tpu.memory_space<semaphore_mem>>) src(%dma_wait3A_283 : memref<10000x40xf32, #tpu.memory_space<hbm>>) dst(%arg11 : memref<128x40xf32, #tpu.memory_space<vmem>>)
      %dma_start3A_284 = arith.constant 0 : i32
      %dma_start3A_285 = tpu.memref_slice %arg8[%add3A_277, %dma_start3A_284] : memref<80x128xi32, #tpu.memory_space<vmem>> -> memref<1x128xi32, #tpu.memory_space<vmem>>
      %dma_start3A_286 = tpu.memref_squeeze %dma_start3A_285 : memref<1x128xi32, #tpu.memory_space<vmem>> -> memref<128xi32, #tpu.memory_space<vmem>>
      %dma_start3A_287 = arith.constant 0 : i32
      %dma_start3A_288 = arith.constant 0 : i32
      %dma_start3A_289 = tpu.memref_slice %arg17[%dma_start3A_287, %dma_start3A_288] : memref<10240x40xf32, #tpu.memory_space<vmem_shared>> -> memref<10240x40xf32, #tpu.memory_space<vmem_shared>>
      tpu.enqueue_indirect_dma source(%arg11 : memref<128x40xf32, #tpu.memory_space<vmem>>) target(%dma_start3A_289 : memref<10240x40xf32, #tpu.memory_space<vmem_shared>>) offsets(%dma_start3A_286 : memref<128xi32, #tpu.memory_space<vmem>>) semaphore(%arg28 : memref<!tpu.dma_semaphore, #tpu.memory_space<semaphore_mem>>) {add = true}
      %add3A_290 = arith.constant 3 : i32
      %add3A_291 = arith.addi %mul3A_247, %add3A_290 : i32
      %dma_wait3A_292 = arith.constant 0 : i32
      %dma_wait3A_293 = tpu.memref_slice %arg7[%add3A_291, %dma_wait3A_292] : memref<80x128xi32, #tpu.memory_space<vmem>> -> memref<1x128xi32, #tpu.memory_space<vmem>>
      %dma_wait3A_294 = tpu.memref_squeeze %dma_wait3A_293 : memref<1x128xi32, #tpu.memory_space<vmem>> -> memref<128xi32, #tpu.memory_space<vmem>>
      %dma_wait3A_295 = arith.constant 0 : i32
      %dma_wait3A_296 = arith.constant 0 : i32
      %dma_wait3A_297 = tpu.memref_slice %arg2[%dma_wait3A_295, %dma_wait3A_296] : memref<10000x40xf32, #tpu.memory_space<hbm>> -> memref<10000x40xf32, #tpu.memory_space<hbm>>
      tpu.wait_indirect_dma semaphore(%arg21 : memref<!tpu.dma_semaphore, #tpu.memory_space<semaphore_mem>>) src(%dma_wait3A_297 : memref<10000x40xf32, #tpu.memory_space<hbm>>) dst(%arg12 : memref<128x40xf32, #tpu.memory_space<vmem>>)
      %dma_start3A_298 = arith.constant 0 : i32
      %dma_start3A_299 = tpu.memref_slice %arg8[%add3A_291, %dma_start3A_298] : memref<80x128xi32, #tpu.memory_space<vmem>> -> memref<1x128xi32, #tpu.memory_space<vmem>>
      %dma_start3A_300 = tpu.memref_squeeze %dma_start3A_299 : memref<1x128xi32, #tpu.memory_space<vmem>> -> memref<128xi32, #tpu.memory_space<vmem>>
      %dma_start3A_301 = arith.constant 0 : i32
      %dma_start3A_302 = arith.constant 0 : i32
      %dma_start3A_303 = tpu.memref_slice %arg17[%dma_start3A_301, %dma_start3A_302] : memref<10240x40xf32, #tpu.memory_space<vmem_shared>> -> memref<10240x40xf32, #tpu.memory_space<vmem_shared>>
      tpu.enqueue_indirect_dma source(%arg12 : memref<128x40xf32, #tpu.memory_space<vmem>>) target(%dma_start3A_303 : memref<10240x40xf32, #tpu.memory_space<vmem_shared>>) offsets(%dma_start3A_300 : memref<128xi32, #tpu.memory_space<vmem>>) semaphore(%arg29 : memref<!tpu.dma_semaphore, #tpu.memory_space<semaphore_mem>>) {add = true}
      %add3A_304 = arith.constant 4 : i32
      %add3A_305 = arith.addi %mul3A_247, %add3A_304 : i32
      %dma_wait3A_306 = arith.constant 0 : i32
      %dma_wait3A_307 = tpu.memref_slice %arg7[%add3A_305, %dma_wait3A_306] : memref<80x128xi32, #tpu.memory_space<vmem>> -> memref<1x128xi32, #tpu.memory_space<vmem>>
      %dma_wait3A_308 = tpu.memref_squeeze %dma_wait3A_307 : memref<1x128xi32, #tpu.memory_space<vmem>> -> memref<128xi32, #tpu.memory_space<vmem>>
      %dma_wait3A_309 = arith.constant 0 : i32
      %dma_wait3A_310 = arith.constant 0 : i32
      %dma_wait3A_311 = tpu.memref_slice %arg2[%dma_wait3A_309, %dma_wait3A_310] : memref<10000x40xf32, #tpu.memory_space<hbm>> -> memref<10000x40xf32, #tpu.memory_space<hbm>>
      tpu.wait_indirect_dma semaphore(%arg22 : memref<!tpu.dma_semaphore, #tpu.memory_space<semaphore_mem>>) src(%dma_wait3A_311 : memref<10000x40xf32, #tpu.memory_space<hbm>>) dst(%arg13 : memref<128x40xf32, #tpu.memory_space<vmem>>)
      %dma_start3A_312 = arith.constant 0 : i32
      %dma_start3A_313 = tpu.memref_slice %arg8[%add3A_305, %dma_start3A_312] : memref<80x128xi32, #tpu.memory_space<vmem>> -> memref<1x128xi32, #tpu.memory_space<vmem>>
      %dma_start3A_314 = tpu.memref_squeeze %dma_start3A_313 : memref<1x128xi32, #tpu.memory_space<vmem>> -> memref<128xi32, #tpu.memory_space<vmem>>
      %dma_start3A_315 = arith.constant 0 : i32
      %dma_start3A_316 = arith.constant 0 : i32
      %dma_start3A_317 = tpu.memref_slice %arg17[%dma_start3A_315, %dma_start3A_316] : memref<10240x40xf32, #tpu.memory_space<vmem_shared>> -> memref<10240x40xf32, #tpu.memory_space<vmem_shared>>
      tpu.enqueue_indirect_dma source(%arg13 : memref<128x40xf32, #tpu.memory_space<vmem>>) target(%dma_start3A_317 : memref<10240x40xf32, #tpu.memory_space<vmem_shared>>) offsets(%dma_start3A_314 : memref<128xi32, #tpu.memory_space<vmem>>) semaphore(%arg30 : memref<!tpu.dma_semaphore, #tpu.memory_space<semaphore_mem>>) {add = true}
      %add3A_318 = arith.constant 5 : i32
      %add3A_319 = arith.addi %mul3A_247, %add3A_318 : i32
      %dma_wait3A_320 = arith.constant 0 : i32
      %dma_wait3A_321 = tpu.memref_slice %arg7[%add3A_319, %dma_wait3A_320] : memref<80x128xi32, #tpu.memory_space<vmem>> -> memref<1x128xi32, #tpu.memory_space<vmem>>
      %dma_wait3A_322 = tpu.memref_squeeze %dma_wait3A_321 : memref<1x128xi32, #tpu.memory_space<vmem>> -> memref<128xi32, #tpu.memory_space<vmem>>
      %dma_wait3A_323 = arith.constant 0 : i32
      %dma_wait3A_324 = arith.constant 0 : i32
      %dma_wait3A_325 = tpu.memref_slice %arg2[%dma_wait3A_323, %dma_wait3A_324] : memref<10000x40xf32, #tpu.memory_space<hbm>> -> memref<10000x40xf32, #tpu.memory_space<hbm>>
      tpu.wait_indirect_dma semaphore(%arg23 : memref<!tpu.dma_semaphore, #tpu.memory_space<semaphore_mem>>) src(%dma_wait3A_325 : memref<10000x40xf32, #tpu.memory_space<hbm>>) dst(%arg14 : memref<128x40xf32, #tpu.memory_space<vmem>>)
      %dma_start3A_326 = arith.constant 0 : i32
      %dma_start3A_327 = tpu.memref_slice %arg8[%add3A_319, %dma_start3A_326] : memref<80x128xi32, #tpu.memory_space<vmem>> -> memref<1x128xi32, #tpu.memory_space<vmem>>
      %dma_start3A_328 = tpu.memref_squeeze %dma_start3A_327 : memref<1x128xi32, #tpu.memory_space<vmem>> -> memref<128xi32, #tpu.memory_space<vmem>>
      %dma_start3A_329 = arith.constant 0 : i32
      %dma_start3A_330 = arith.constant 0 : i32
      %dma_start3A_331 = tpu.memref_slice %arg17[%dma_start3A_329, %dma_start3A_330] : memref<10240x40xf32, #tpu.memory_space<vmem_shared>> -> memref<10240x40xf32, #tpu.memory_space<vmem_shared>>
      tpu.enqueue_indirect_dma source(%arg14 : memref<128x40xf32, #tpu.memory_space<vmem>>) target(%dma_start3A_331 : memref<10240x40xf32, #tpu.memory_space<vmem_shared>>) offsets(%dma_start3A_328 : memref<128xi32, #tpu.memory_space<vmem>>) semaphore(%arg31 : memref<!tpu.dma_semaphore, #tpu.memory_space<semaphore_mem>>) {add = true}
      %add3A_332 = arith.constant 6 : i32
      %add3A_333 = arith.addi %mul3A_247, %add3A_332 : i32
      %dma_wait3A_334 = arith.constant 0 : i32
      %dma_wait3A_335 = tpu.memref_slice %arg7[%add3A_333, %dma_wait3A_334] : memref<80x128xi32, #tpu.memory_space<vmem>> -> memref<1x128xi32, #tpu.memory_space<vmem>>
      %dma_wait3A_336 = tpu.memref_squeeze %dma_wait3A_335 : memref<1x128xi32, #tpu.memory_space<vmem>> -> memref<128xi32, #tpu.memory_space<vmem>>
      %dma_wait3A_337 = arith.constant 0 : i32
      %dma_wait3A_338 = arith.constant 0 : i32
      %dma_wait3A_339 = tpu.memref_slice %arg2[%dma_wait3A_337, %dma_wait3A_338] : memref<10000x40xf32, #tpu.memory_space<hbm>> -> memref<10000x40xf32, #tpu.memory_space<hbm>>
      tpu.wait_indirect_dma semaphore(%arg24 : memref<!tpu.dma_semaphore, #tpu.memory_space<semaphore_mem>>) src(%dma_wait3A_339 : memref<10000x40xf32, #tpu.memory_space<hbm>>) dst(%arg15 : memref<128x40xf32, #tpu.memory_space<vmem>>)
      %dma_start3A_340 = arith.constant 0 : i32
      %dma_start3A_341 = tpu.memref_slice %arg8[%add3A_333, %dma_start3A_340] : memref<80x128xi32, #tpu.memory_space<vmem>> -> memref<1x128xi32, #tpu.memory_space<vmem>>
      %dma_start3A_342 = tpu.memref_squeeze %dma_start3A_341 : memref<1x128xi32, #tpu.memory_space<vmem>> -> memref<128xi32, #tpu.memory_space<vmem>>
      %dma_start3A_343 = arith.constant 0 : i32
      %dma_start3A_344 = arith.constant 0 : i32
      %dma_start3A_345 = tpu.memref_slice %arg17[%dma_start3A_343, %dma_start3A_344] : memref<10240x40xf32, #tpu.memory_space<vmem_shared>> -> memref<10240x40xf32, #tpu.memory_space<vmem_shared>>
      tpu.enqueue_indirect_dma source(%arg15 : memref<128x40xf32, #tpu.memory_space<vmem>>) target(%dma_start3A_345 : memref<10240x40xf32, #tpu.memory_space<vmem_shared>>) offsets(%dma_start3A_342 : memref<128xi32, #tpu.memory_space<vmem>>) semaphore(%arg32 : memref<!tpu.dma_semaphore, #tpu.memory_space<semaphore_mem>>) {add = true}
      %add3A_346 = arith.constant 7 : i32
      %add3A_347 = arith.addi %mul3A_247, %add3A_346 : i32
      %dma_wait3A_348 = arith.constant 0 : i32
      %dma_wait3A_349 = tpu.memref_slice %arg7[%add3A_347, %dma_wait3A_348] : memref<80x128xi32, #tpu.memory_space<vmem>> -> memref<1x128xi32, #tpu.memory_space<vmem>>
      %dma_wait3A_350 = tpu.memref_squeeze %dma_wait3A_349 : memref<1x128xi32, #tpu.memory_space<vmem>> -> memref<128xi32, #tpu.memory_space<vmem>>
      %dma_wait3A_351 = arith.constant 0 : i32
      %dma_wait3A_352 = arith.constant 0 : i32
      %dma_wait3A_353 = tpu.memref_slice %arg2[%dma_wait3A_351, %dma_wait3A_352] : memref<10000x40xf32, #tpu.memory_space<hbm>> -> memref<10000x40xf32, #tpu.memory_space<hbm>>
      tpu.wait_indirect_dma semaphore(%arg25 : memref<!tpu.dma_semaphore, #tpu.memory_space<semaphore_mem>>) src(%dma_wait3A_353 : memref<10000x40xf32, #tpu.memory_space<hbm>>) dst(%arg16 : memref<128x40xf32, #tpu.memory_space<vmem>>)
      %dma_start3A_354 = arith.constant 0 : i32
      %dma_start3A_355 = tpu.memref_slice %arg8[%add3A_347, %dma_start3A_354] : memref<80x128xi32, #tpu.memory_space<vmem>> -> memref<1x128xi32, #tpu.memory_space<vmem>>
      %dma_start3A_356 = tpu.memref_squeeze %dma_start3A_355 : memref<1x128xi32, #tpu.memory_space<vmem>> -> memref<128xi32, #tpu.memory_space<vmem>>
      %dma_start3A_357 = arith.constant 0 : i32
      %dma_start3A_358 = arith.constant 0 : i32
      %dma_start3A_359 = tpu.memref_slice %arg17[%dma_start3A_357, %dma_start3A_358] : memref<10240x40xf32, #tpu.memory_space<vmem_shared>> -> memref<10240x40xf32, #tpu.memory_space<vmem_shared>>
      tpu.enqueue_indirect_dma source(%arg16 : memref<128x40xf32, #tpu.memory_space<vmem>>) target(%dma_start3A_359 : memref<10240x40xf32, #tpu.memory_space<vmem_shared>>) offsets(%dma_start3A_356 : memref<128xi32, #tpu.memory_space<vmem>>) semaphore(%arg33 : memref<!tpu.dma_semaphore, #tpu.memory_space<semaphore_mem>>) {add = true}
      %add3A_360 = arith.constant 0 : i32
      %add3A_361 = arith.addi %mul3A_247, %add3A_360 : i32
      %dma_wait3A_362 = arith.constant 0 : i32
      %dma_wait3A_363 = tpu.memref_slice %arg8[%add3A_361, %dma_wait3A_362] : memref<80x128xi32, #tpu.memory_space<vmem>> -> memref<1x128xi32, #tpu.memory_space<vmem>>
      %dma_wait3A_364 = tpu.memref_squeeze %dma_wait3A_363 : memref<1x128xi32, #tpu.memory_space<vmem>> -> memref<128xi32, #tpu.memory_space<vmem>>
      %dma_wait3A_365 = arith.constant 0 : i32
      %dma_wait3A_366 = arith.constant 0 : i32
      %dma_wait3A_367 = tpu.memref_slice %arg17[%dma_wait3A_365, %dma_wait3A_366] : memref<10240x40xf32, #tpu.memory_space<vmem_shared>> -> memref<10240x40xf32, #tpu.memory_space<vmem_shared>>
      tpu.wait_indirect_dma semaphore(%arg26 : memref<!tpu.dma_semaphore, #tpu.memory_space<semaphore_mem>>) src(%arg9 : memref<128x40xf32, #tpu.memory_space<vmem>>) dst(%dma_wait3A_367 : memref<10240x40xf32, #tpu.memory_space<vmem_shared>>)
      %add3A_368 = arith.constant 8 : i32
      %add3A_369 = arith.addi %mul3A_247, %add3A_368 : i32
      %add3A_370 = arith.constant 0 : i32
      %add3A_371 = arith.addi %add3A_369, %add3A_370 : i32
      %dma_start3A_372 = arith.constant 0 : i32
      %dma_start3A_373 = tpu.memref_slice %arg7[%add3A_371, %dma_start3A_372] : memref<80x128xi32, #tpu.memory_space<vmem>> -> memref<1x128xi32, #tpu.memory_space<vmem>>
      %dma_start3A_374 = tpu.memref_squeeze %dma_start3A_373 : memref<1x128xi32, #tpu.memory_space<vmem>> -> memref<128xi32, #tpu.memory_space<vmem>>
      %dma_start3A_375 = arith.constant 0 : i32
      %dma_start3A_376 = arith.constant 0 : i32
      %dma_start3A_377 = tpu.memref_slice %arg2[%dma_start3A_375, %dma_start3A_376] : memref<10000x40xf32, #tpu.memory_space<hbm>> -> memref<10000x40xf32, #tpu.memory_space<hbm>>
      tpu.enqueue_indirect_dma source(%dma_start3A_377 : memref<10000x40xf32, #tpu.memory_space<hbm>>) target(%arg9 : memref<128x40xf32, #tpu.memory_space<vmem>>) offsets(%dma_start3A_374 : memref<128xi32, #tpu.memory_space<vmem>>) semaphore(%arg18 : memref<!tpu.dma_semaphore, #tpu.memory_space<semaphore_mem>>)
      %add3A_378 = arith.constant 1 : i32
      %add3A_379 = arith.addi %mul3A_247, %add3A_378 : i32
      %dma_wait3A_380 = arith.constant 0 : i32
      %dma_wait3A_381 = tpu.memref_slice %arg8[%add3A_379, %dma_wait3A_380] : memref<80x128xi32, #tpu.memory_space<vmem>> -> memref<1x128xi32, #tpu.memory_space<vmem>>
      %dma_wait3A_382 = tpu.memref_squeeze %dma_wait3A_381 : memref<1x128xi32, #tpu.memory_space<vmem>> -> memref<128xi32, #tpu.memory_space<vmem>>
      %dma_wait3A_383 = arith.constant 0 : i32
      %dma_wait3A_384 = arith.constant 0 : i32
      %dma_wait3A_385 = tpu.memref_slice %arg17[%dma_wait3A_383, %dma_wait3A_384] : memref<10240x40xf32, #tpu.memory_space<vmem_shared>> -> memref<10240x40xf32, #tpu.memory_space<vmem_shared>>
      tpu.wait_indirect_dma semaphore(%arg27 : memref<!tpu.dma_semaphore, #tpu.memory_space<semaphore_mem>>) src(%arg10 : memref<128x40xf32, #tpu.memory_space<vmem>>) dst(%dma_wait3A_385 : memref<10240x40xf32, #tpu.memory_space<vmem_shared>>)
      %add3A_386 = arith.constant 8 : i32
      %add3A_387 = arith.addi %mul3A_247, %add3A_386 : i32
      %add3A_388 = arith.constant 1 : i32
      %add3A_389 = arith.addi %add3A_387, %add3A_388 : i32
      %dma_start3A_390 = arith.constant 0 : i32
      %dma_start3A_391 = tpu.memref_slice %arg7[%add3A_389, %dma_start3A_390] : memref<80x128xi32, #tpu.memory_space<vmem>> -> memref<1x128xi32, #tpu.memory_space<vmem>>
      %dma_start3A_392 = tpu.memref_squeeze %dma_start3A_391 : memref<1x128xi32, #tpu.memory_space<vmem>> -> memref<128xi32, #tpu.memory_space<vmem>>
      %dma_start3A_393 = arith.constant 0 : i32
      %dma_start3A_394 = arith.constant 0 : i32
      %dma_start3A_395 = tpu.memref_slice %arg2[%dma_start3A_393, %dma_start3A_394] : memref<10000x40xf32, #tpu.memory_space<hbm>> -> memref<10000x40xf32, #tpu.memory_space<hbm>>
      tpu.enqueue_indirect_dma source(%dma_start3A_395 : memref<10000x40xf32, #tpu.memory_space<hbm>>) target(%arg10 : memref<128x40xf32, #tpu.memory_space<vmem>>) offsets(%dma_start3A_392 : memref<128xi32, #tpu.memory_space<vmem>>) semaphore(%arg19 : memref<!tpu.dma_semaphore, #tpu.memory_space<semaphore_mem>>)
      %add3A_396 = arith.constant 2 : i32
      %add3A_397 = arith.addi %mul3A_247, %add3A_396 : i32
      %dma_wait3A_398 = arith.constant 0 : i32
      %dma_wait3A_399 = tpu.memref_slice %arg8[%add3A_397, %dma_wait3A_398] : memref<80x128xi32, #tpu.memory_space<vmem>> -> memref<1x128xi32, #tpu.memory_space<vmem>>
      %dma_wait3A_400 = tpu.memref_squeeze %dma_wait3A_399 : memref<1x128xi32, #tpu.memory_space<vmem>> -> memref<128xi32, #tpu.memory_space<vmem>>
      %dma_wait3A_401 = arith.constant 0 : i32
      %dma_wait3A_402 = arith.constant 0 : i32
      %dma_wait3A_403 = tpu.memref_slice %arg17[%dma_wait3A_401, %dma_wait3A_402] : memref<10240x40xf32, #tpu.memory_space<vmem_shared>> -> memref<10240x40xf32, #tpu.memory_space<vmem_shared>>
      tpu.wait_indirect_dma semaphore(%arg28 : memref<!tpu.dma_semaphore, #tpu.memory_space<semaphore_mem>>) src(%arg11 : memref<128x40xf32, #tpu.memory_space<vmem>>) dst(%dma_wait3A_403 : memref<10240x40xf32, #tpu.memory_space<vmem_shared>>)
      %add3A_404 = arith.constant 8 : i32
      %add3A_405 = arith.addi %mul3A_247, %add3A_404 : i32
      %add3A_406 = arith.constant 2 : i32
      %add3A_407 = arith.addi %add3A_405, %add3A_406 : i32
      %dma_start3A_408 = arith.constant 0 : i32
      %dma_start3A_409 = tpu.memref_slice %arg7[%add3A_407, %dma_start3A_408] : memref<80x128xi32, #tpu.memory_space<vmem>> -> memref<1x128xi32, #tpu.memory_space<vmem>>
      %dma_start3A_410 = tpu.memref_squeeze %dma_start3A_409 : memref<1x128xi32, #tpu.memory_space<vmem>> -> memref<128xi32, #tpu.memory_space<vmem>>
      %dma_start3A_411 = arith.constant 0 : i32
      %dma_start3A_412 = arith.constant 0 : i32
      %dma_start3A_413 = tpu.memref_slice %arg2[%dma_start3A_411, %dma_start3A_412] : memref<10000x40xf32, #tpu.memory_space<hbm>> -> memref<10000x40xf32, #tpu.memory_space<hbm>>
      tpu.enqueue_indirect_dma source(%dma_start3A_413 : memref<10000x40xf32, #tpu.memory_space<hbm>>) target(%arg11 : memref<128x40xf32, #tpu.memory_space<vmem>>) offsets(%dma_start3A_410 : memref<128xi32, #tpu.memory_space<vmem>>) semaphore(%arg20 : memref<!tpu.dma_semaphore, #tpu.memory_space<semaphore_mem>>)
      %add3A_414 = arith.constant 3 : i32
      %add3A_415 = arith.addi %mul3A_247, %add3A_414 : i32
      %dma_wait3A_416 = arith.constant 0 : i32
      %dma_wait3A_417 = tpu.memref_slice %arg8[%add3A_415, %dma_wait3A_416] : memref<80x128xi32, #tpu.memory_space<vmem>> -> memref<1x128xi32, #tpu.memory_space<vmem>>
      %dma_wait3A_418 = tpu.memref_squeeze %dma_wait3A_417 : memref<1x128xi32, #tpu.memory_space<vmem>> -> memref<128xi32, #tpu.memory_space<vmem>>
      %dma_wait3A_419 = arith.constant 0 : i32
      %dma_wait3A_420 = arith.constant 0 : i32
      %dma_wait3A_421 = tpu.memref_slice %arg17[%dma_wait3A_419, %dma_wait3A_420] : memref<10240x40xf32, #tpu.memory_space<vmem_shared>> -> memref<10240x40xf32, #tpu.memory_space<vmem_shared>>
      tpu.wait_indirect_dma semaphore(%arg29 : memref<!tpu.dma_semaphore, #tpu.memory_space<semaphore_mem>>) src(%arg12 : memref<128x40xf32, #tpu.memory_space<vmem>>) dst(%dma_wait3A_421 : memref<10240x40xf32, #tpu.memory_space<vmem_shared>>)
      %add3A_422 = arith.constant 8 : i32
      %add3A_423 = arith.addi %mul3A_247, %add3A_422 : i32
      %add3A_424 = arith.constant 3 : i32
      %add3A_425 = arith.addi %add3A_423, %add3A_424 : i32
      %dma_start3A_426 = arith.constant 0 : i32
      %dma_start3A_427 = tpu.memref_slice %arg7[%add3A_425, %dma_start3A_426] : memref<80x128xi32, #tpu.memory_space<vmem>> -> memref<1x128xi32, #tpu.memory_space<vmem>>
      %dma_start3A_428 = tpu.memref_squeeze %dma_start3A_427 : memref<1x128xi32, #tpu.memory_space<vmem>> -> memref<128xi32, #tpu.memory_space<vmem>>
      %dma_start3A_429 = arith.constant 0 : i32
      %dma_start3A_430 = arith.constant 0 : i32
      %dma_start3A_431 = tpu.memref_slice %arg2[%dma_start3A_429, %dma_start3A_430] : memref<10000x40xf32, #tpu.memory_space<hbm>> -> memref<10000x40xf32, #tpu.memory_space<hbm>>
      tpu.enqueue_indirect_dma source(%dma_start3A_431 : memref<10000x40xf32, #tpu.memory_space<hbm>>) target(%arg12 : memref<128x40xf32, #tpu.memory_space<vmem>>) offsets(%dma_start3A_428 : memref<128xi32, #tpu.memory_space<vmem>>) semaphore(%arg21 : memref<!tpu.dma_semaphore, #tpu.memory_space<semaphore_mem>>)
      %add3A_432 = arith.constant 4 : i32
      %add3A_433 = arith.addi %mul3A_247, %add3A_432 : i32
      %dma_wait3A_434 = arith.constant 0 : i32
      %dma_wait3A_435 = tpu.memref_slice %arg8[%add3A_433, %dma_wait3A_434] : memref<80x128xi32, #tpu.memory_space<vmem>> -> memref<1x128xi32, #tpu.memory_space<vmem>>
      %dma_wait3A_436 = tpu.memref_squeeze %dma_wait3A_435 : memref<1x128xi32, #tpu.memory_space<vmem>> -> memref<128xi32, #tpu.memory_space<vmem>>
      %dma_wait3A_437 = arith.constant 0 : i32
      %dma_wait3A_438 = arith.constant 0 : i32
      %dma_wait3A_439 = tpu.memref_slice %arg17[%dma_wait3A_437, %dma_wait3A_438] : memref<10240x40xf32, #tpu.memory_space<vmem_shared>> -> memref<10240x40xf32, #tpu.memory_space<vmem_shared>>
      tpu.wait_indirect_dma semaphore(%arg30 : memref<!tpu.dma_semaphore, #tpu.memory_space<semaphore_mem>>) src(%arg13 : memref<128x40xf32, #tpu.memory_space<vmem>>) dst(%dma_wait3A_439 : memref<10240x40xf32, #tpu.memory_space<vmem_shared>>)
      %add3A_440 = arith.constant 8 : i32
      %add3A_441 = arith.addi %mul3A_247, %add3A_440 : i32
      %add3A_442 = arith.constant 4 : i32
      %add3A_443 = arith.addi %add3A_441, %add3A_442 : i32
      %dma_start3A_444 = arith.constant 0 : i32
      %dma_start3A_445 = tpu.memref_slice %arg7[%add3A_443, %dma_start3A_444] : memref<80x128xi32, #tpu.memory_space<vmem>> -> memref<1x128xi32, #tpu.memory_space<vmem>>
      %dma_start3A_446 = tpu.memref_squeeze %dma_start3A_445 : memref<1x128xi32, #tpu.memory_space<vmem>> -> memref<128xi32, #tpu.memory_space<vmem>>
      %dma_start3A_447 = arith.constant 0 : i32
      %dma_start3A_448 = arith.constant 0 : i32
      %dma_start3A_449 = tpu.memref_slice %arg2[%dma_start3A_447, %dma_start3A_448] : memref<10000x40xf32, #tpu.memory_space<hbm>> -> memref<10000x40xf32, #tpu.memory_space<hbm>>
      tpu.enqueue_indirect_dma source(%dma_start3A_449 : memref<10000x40xf32, #tpu.memory_space<hbm>>) target(%arg13 : memref<128x40xf32, #tpu.memory_space<vmem>>) offsets(%dma_start3A_446 : memref<128xi32, #tpu.memory_space<vmem>>) semaphore(%arg22 : memref<!tpu.dma_semaphore, #tpu.memory_space<semaphore_mem>>)
      %add3A_450 = arith.constant 5 : i32
      %add3A_451 = arith.addi %mul3A_247, %add3A_450 : i32
      %dma_wait3A_452 = arith.constant 0 : i32
      %dma_wait3A_453 = tpu.memref_slice %arg8[%add3A_451, %dma_wait3A_452] : memref<80x128xi32, #tpu.memory_space<vmem>> -> memref<1x128xi32, #tpu.memory_space<vmem>>
      %dma_wait3A_454 = tpu.memref_squeeze %dma_wait3A_453 : memref<1x128xi32, #tpu.memory_space<vmem>> -> memref<128xi32, #tpu.memory_space<vmem>>
      %dma_wait3A_455 = arith.constant 0 : i32
      %dma_wait3A_456 = arith.constant 0 : i32
      %dma_wait3A_457 = tpu.memref_slice %arg17[%dma_wait3A_455, %dma_wait3A_456] : memref<10240x40xf32, #tpu.memory_space<vmem_shared>> -> memref<10240x40xf32, #tpu.memory_space<vmem_shared>>
      tpu.wait_indirect_dma semaphore(%arg31 : memref<!tpu.dma_semaphore, #tpu.memory_space<semaphore_mem>>) src(%arg14 : memref<128x40xf32, #tpu.memory_space<vmem>>) dst(%dma_wait3A_457 : memref<10240x40xf32, #tpu.memory_space<vmem_shared>>)
      %add3A_458 = arith.constant 8 : i32
      %add3A_459 = arith.addi %mul3A_247, %add3A_458 : i32
      %add3A_460 = arith.constant 5 : i32
      %add3A_461 = arith.addi %add3A_459, %add3A_460 : i32
      %dma_start3A_462 = arith.constant 0 : i32
      %dma_start3A_463 = tpu.memref_slice %arg7[%add3A_461, %dma_start3A_462] : memref<80x128xi32, #tpu.memory_space<vmem>> -> memref<1x128xi32, #tpu.memory_space<vmem>>
      %dma_start3A_464 = tpu.memref_squeeze %dma_start3A_463 : memref<1x128xi32, #tpu.memory_space<vmem>> -> memref<128xi32, #tpu.memory_space<vmem>>
      %dma_start3A_465 = arith.constant 0 : i32
      %dma_start3A_466 = arith.constant 0 : i32
      %dma_start3A_467 = tpu.memref_slice %arg2[%dma_start3A_465, %dma_start3A_466] : memref<10000x40xf32, #tpu.memory_space<hbm>> -> memref<10000x40xf32, #tpu.memory_space<hbm>>
      tpu.enqueue_indirect_dma source(%dma_start3A_467 : memref<10000x40xf32, #tpu.memory_space<hbm>>) target(%arg14 : memref<128x40xf32, #tpu.memory_space<vmem>>) offsets(%dma_start3A_464 : memref<128xi32, #tpu.memory_space<vmem>>) semaphore(%arg23 : memref<!tpu.dma_semaphore, #tpu.memory_space<semaphore_mem>>)
      %add3A_468 = arith.constant 6 : i32
      %add3A_469 = arith.addi %mul3A_247, %add3A_468 : i32
      %dma_wait3A_470 = arith.constant 0 : i32
      %dma_wait3A_471 = tpu.memref_slice %arg8[%add3A_469, %dma_wait3A_470] : memref<80x128xi32, #tpu.memory_space<vmem>> -> memref<1x128xi32, #tpu.memory_space<vmem>>
      %dma_wait3A_472 = tpu.memref_squeeze %dma_wait3A_471 : memref<1x128xi32, #tpu.memory_space<vmem>> -> memref<128xi32, #tpu.memory_space<vmem>>
      %dma_wait3A_473 = arith.constant 0 : i32
      %dma_wait3A_474 = arith.constant 0 : i32
      %dma_wait3A_475 = tpu.memref_slice %arg17[%dma_wait3A_473, %dma_wait3A_474] : memref<10240x40xf32, #tpu.memory_space<vmem_shared>> -> memref<10240x40xf32, #tpu.memory_space<vmem_shared>>
      tpu.wait_indirect_dma semaphore(%arg32 : memref<!tpu.dma_semaphore, #tpu.memory_space<semaphore_mem>>) src(%arg15 : memref<128x40xf32, #tpu.memory_space<vmem>>) dst(%dma_wait3A_475 : memref<10240x40xf32, #tpu.memory_space<vmem_shared>>)
      %add3A_476 = arith.constant 8 : i32
      %add3A_477 = arith.addi %mul3A_247, %add3A_476 : i32
      %add3A_478 = arith.constant 6 : i32
      %add3A_479 = arith.addi %add3A_477, %add3A_478 : i32
      %dma_start3A_480 = arith.constant 0 : i32
      %dma_start3A_481 = tpu.memref_slice %arg7[%add3A_479, %dma_start3A_480] : memref<80x128xi32, #tpu.memory_space<vmem>> -> memref<1x128xi32, #tpu.memory_space<vmem>>
      %dma_start3A_482 = tpu.memref_squeeze %dma_start3A_481 : memref<1x128xi32, #tpu.memory_space<vmem>> -> memref<128xi32, #tpu.memory_space<vmem>>
      %dma_start3A_483 = arith.constant 0 : i32
      %dma_start3A_484 = arith.constant 0 : i32
      %dma_start3A_485 = tpu.memref_slice %arg2[%dma_start3A_483, %dma_start3A_484] : memref<10000x40xf32, #tpu.memory_space<hbm>> -> memref<10000x40xf32, #tpu.memory_space<hbm>>
      tpu.enqueue_indirect_dma source(%dma_start3A_485 : memref<10000x40xf32, #tpu.memory_space<hbm>>) target(%arg15 : memref<128x40xf32, #tpu.memory_space<vmem>>) offsets(%dma_start3A_482 : memref<128xi32, #tpu.memory_space<vmem>>) semaphore(%arg24 : memref<!tpu.dma_semaphore, #tpu.memory_space<semaphore_mem>>)
      %add3A_486 = arith.constant 7 : i32
      %add3A_487 = arith.addi %mul3A_247, %add3A_486 : i32
      %dma_wait3A_488 = arith.constant 0 : i32
      %dma_wait3A_489 = tpu.memref_slice %arg8[%add3A_487, %dma_wait3A_488] : memref<80x128xi32, #tpu.memory_space<vmem>> -> memref<1x128xi32, #tpu.memory_space<vmem>>
      %dma_wait3A_490 = tpu.memref_squeeze %dma_wait3A_489 : memref<1x128xi32, #tpu.memory_space<vmem>> -> memref<128xi32, #tpu.memory_space<vmem>>
      %dma_wait3A_491 = arith.constant 0 : i32
      %dma_wait3A_492 = arith.constant 0 : i32
      %dma_wait3A_493 = tpu.memref_slice %arg17[%dma_wait3A_491, %dma_wait3A_492] : memref<10240x40xf32, #tpu.memory_space<vmem_shared>> -> memref<10240x40xf32, #tpu.memory_space<vmem_shared>>
      tpu.wait_indirect_dma semaphore(%arg33 : memref<!tpu.dma_semaphore, #tpu.memory_space<semaphore_mem>>) src(%arg16 : memref<128x40xf32, #tpu.memory_space<vmem>>) dst(%dma_wait3A_493 : memref<10240x40xf32, #tpu.memory_space<vmem_shared>>)
      %add3A_494 = arith.constant 8 : i32
      %add3A_495 = arith.addi %mul3A_247, %add3A_494 : i32
      %add3A_496 = arith.constant 7 : i32
      %add3A_497 = arith.addi %add3A_495, %add3A_496 : i32
      %dma_start3A_498 = arith.constant 0 : i32
      %dma_start3A_499 = tpu.memref_slice %arg7[%add3A_497, %dma_start3A_498] : memref<80x128xi32, #tpu.memory_space<vmem>> -> memref<1x128xi32, #tpu.memory_space<vmem>>
      %dma_start3A_500 = tpu.memref_squeeze %dma_start3A_499 : memref<1x128xi32, #tpu.memory_space<vmem>> -> memref<128xi32, #tpu.memory_space<vmem>>
      %dma_start3A_501 = arith.constant 0 : i32
      %dma_start3A_502 = arith.constant 0 : i32
      %dma_start3A_503 = tpu.memref_slice %arg2[%dma_start3A_501, %dma_start3A_502] : memref<10000x40xf32, #tpu.memory_space<hbm>> -> memref<10000x40xf32, #tpu.memory_space<hbm>>
      tpu.enqueue_indirect_dma source(%dma_start3A_503 : memref<10000x40xf32, #tpu.memory_space<hbm>>) target(%arg16 : memref<128x40xf32, #tpu.memory_space<vmem>>) offsets(%dma_start3A_500 : memref<128xi32, #tpu.memory_space<vmem>>) semaphore(%arg25 : memref<!tpu.dma_semaphore, #tpu.memory_space<semaphore_mem>>)
    }
    %scan3A_71 = arith.constant 9 : i32
    %dma_wait3A = arith.constant 72 : i32
    %dma_wait3A_72 = arith.constant 0 : i32
    %dma_wait3A_73 = tpu.memref_slice %arg7[%dma_wait3A, %dma_wait3A_72] : memref<80x128xi32, #tpu.memory_space<vmem>> -> memref<1x128xi32, #tpu.memory_space<vmem>>
    %dma_wait3A_74 = tpu.memref_squeeze %dma_wait3A_73 : memref<1x128xi32, #tpu.memory_space<vmem>> -> memref<128xi32, #tpu.memory_space<vmem>>
    %dma_wait3A_75 = arith.constant 0 : i32
    %dma_wait3A_76 = arith.constant 0 : i32
    %dma_wait3A_77 = tpu.memref_slice %arg2[%dma_wait3A_75, %dma_wait3A_76] : memref<10000x40xf32, #tpu.memory_space<hbm>> -> memref<10000x40xf32, #tpu.memory_space<hbm>>
    tpu.wait_indirect_dma semaphore(%arg18 : memref<!tpu.dma_semaphore, #tpu.memory_space<semaphore_mem>>) src(%dma_wait3A_77 : memref<10000x40xf32, #tpu.memory_space<hbm>>) dst(%arg9 : memref<128x40xf32, #tpu.memory_space<vmem>>)
    %dma_start3A_78 = arith.constant 72 : i32
    %dma_start3A_79 = arith.constant 0 : i32
    %dma_start3A_80 = tpu.memref_slice %arg8[%dma_start3A_78, %dma_start3A_79] : memref<80x128xi32, #tpu.memory_space<vmem>> -> memref<1x128xi32, #tpu.memory_space<vmem>>
    %dma_start3A_81 = tpu.memref_squeeze %dma_start3A_80 : memref<1x128xi32, #tpu.memory_space<vmem>> -> memref<128xi32, #tpu.memory_space<vmem>>
    %dma_start3A_82 = arith.constant 0 : i32
    %dma_start3A_83 = arith.constant 0 : i32
    %dma_start3A_84 = tpu.memref_slice %arg17[%dma_start3A_82, %dma_start3A_83] : memref<10240x40xf32, #tpu.memory_space<vmem_shared>> -> memref<10240x40xf32, #tpu.memory_space<vmem_shared>>
    tpu.enqueue_indirect_dma source(%arg9 : memref<128x40xf32, #tpu.memory_space<vmem>>) target(%dma_start3A_84 : memref<10240x40xf32, #tpu.memory_space<vmem_shared>>) offsets(%dma_start3A_81 : memref<128xi32, #tpu.memory_space<vmem>>) semaphore(%arg26 : memref<!tpu.dma_semaphore, #tpu.memory_space<semaphore_mem>>) {add = true}
    %dma_wait3A_85 = arith.constant 73 : i32
    %dma_wait3A_86 = arith.constant 0 : i32
    %dma_wait3A_87 = tpu.memref_slice %arg7[%dma_wait3A_85, %dma_wait3A_86] : memref<80x128xi32, #tpu.memory_space<vmem>> -> memref<1x128xi32, #tpu.memory_space<vmem>>
    %dma_wait3A_88 = tpu.memref_squeeze %dma_wait3A_87 : memref<1x128xi32, #tpu.memory_space<vmem>> -> memref<128xi32, #tpu.memory_space<vmem>>
    %dma_wait3A_89 = arith.constant 0 : i32
    %dma_wait3A_90 = arith.constant 0 : i32
    %dma_wait3A_91 = tpu.memref_slice %arg2[%dma_wait3A_89, %dma_wait3A_90] : memref<10000x40xf32, #tpu.memory_space<hbm>> -> memref<10000x40xf32, #tpu.memory_space<hbm>>
    tpu.wait_indirect_dma semaphore(%arg19 : memref<!tpu.dma_semaphore, #tpu.memory_space<semaphore_mem>>) src(%dma_wait3A_91 : memref<10000x40xf32, #tpu.memory_space<hbm>>) dst(%arg10 : memref<128x40xf32, #tpu.memory_space<vmem>>)
    %dma_start3A_92 = arith.constant 73 : i32
    %dma_start3A_93 = arith.constant 0 : i32
    %dma_start3A_94 = tpu.memref_slice %arg8[%dma_start3A_92, %dma_start3A_93] : memref<80x128xi32, #tpu.memory_space<vmem>> -> memref<1x128xi32, #tpu.memory_space<vmem>>
    %dma_start3A_95 = tpu.memref_squeeze %dma_start3A_94 : memref<1x128xi32, #tpu.memory_space<vmem>> -> memref<128xi32, #tpu.memory_space<vmem>>
    %dma_start3A_96 = arith.constant 0 : i32
    %dma_start3A_97 = arith.constant 0 : i32
    %dma_start3A_98 = tpu.memref_slice %arg17[%dma_start3A_96, %dma_start3A_97] : memref<10240x40xf32, #tpu.memory_space<vmem_shared>> -> memref<10240x40xf32, #tpu.memory_space<vmem_shared>>
    tpu.enqueue_indirect_dma source(%arg10 : memref<128x40xf32, #tpu.memory_space<vmem>>) target(%dma_start3A_98 : memref<10240x40xf32, #tpu.memory_space<vmem_shared>>) offsets(%dma_start3A_95 : memref<128xi32, #tpu.memory_space<vmem>>) semaphore(%arg27 : memref<!tpu.dma_semaphore, #tpu.memory_space<semaphore_mem>>) {add = true}
    %dma_wait3A_99 = arith.constant 74 : i32
    %dma_wait3A_100 = arith.constant 0 : i32
    %dma_wait3A_101 = tpu.memref_slice %arg7[%dma_wait3A_99, %dma_wait3A_100] : memref<80x128xi32, #tpu.memory_space<vmem>> -> memref<1x128xi32, #tpu.memory_space<vmem>>
    %dma_wait3A_102 = tpu.memref_squeeze %dma_wait3A_101 : memref<1x128xi32, #tpu.memory_space<vmem>> -> memref<128xi32, #tpu.memory_space<vmem>>
    %dma_wait3A_103 = arith.constant 0 : i32
    %dma_wait3A_104 = arith.constant 0 : i32
    %dma_wait3A_105 = tpu.memref_slice %arg2[%dma_wait3A_103, %dma_wait3A_104] : memref<10000x40xf32, #tpu.memory_space<hbm>> -> memref<10000x40xf32, #tpu.memory_space<hbm>>
    tpu.wait_indirect_dma semaphore(%arg20 : memref<!tpu.dma_semaphore, #tpu.memory_space<semaphore_mem>>) src(%dma_wait3A_105 : memref<10000x40xf32, #tpu.memory_space<hbm>>) dst(%arg11 : memref<128x40xf32, #tpu.memory_space<vmem>>)
    %dma_start3A_106 = arith.constant 74 : i32
    %dma_start3A_107 = arith.constant 0 : i32
    %dma_start3A_108 = tpu.memref_slice %arg8[%dma_start3A_106, %dma_start3A_107] : memref<80x128xi32, #tpu.memory_space<vmem>> -> memref<1x128xi32, #tpu.memory_space<vmem>>
    %dma_start3A_109 = tpu.memref_squeeze %dma_start3A_108 : memref<1x128xi32, #tpu.memory_space<vmem>> -> memref<128xi32, #tpu.memory_space<vmem>>
    %dma_start3A_110 = arith.constant 0 : i32
    %dma_start3A_111 = arith.constant 0 : i32
    %dma_start3A_112 = tpu.memref_slice %arg17[%dma_start3A_110, %dma_start3A_111] : memref<10240x40xf32, #tpu.memory_space<vmem_shared>> -> memref<10240x40xf32, #tpu.memory_space<vmem_shared>>
    tpu.enqueue_indirect_dma source(%arg11 : memref<128x40xf32, #tpu.memory_space<vmem>>) target(%dma_start3A_112 : memref<10240x40xf32, #tpu.memory_space<vmem_shared>>) offsets(%dma_start3A_109 : memref<128xi32, #tpu.memory_space<vmem>>) semaphore(%arg28 : memref<!tpu.dma_semaphore, #tpu.memory_space<semaphore_mem>>) {add = true}
    %dma_wait3A_113 = arith.constant 75 : i32
    %dma_wait3A_114 = arith.constant 0 : i32
    %dma_wait3A_115 = tpu.memref_slice %arg7[%dma_wait3A_113, %dma_wait3A_114] : memref<80x128xi32, #tpu.memory_space<vmem>> -> memref<1x128xi32, #tpu.memory_space<vmem>>
    %dma_wait3A_116 = tpu.memref_squeeze %dma_wait3A_115 : memref<1x128xi32, #tpu.memory_space<vmem>> -> memref<128xi32, #tpu.memory_space<vmem>>
    %dma_wait3A_117 = arith.constant 0 : i32
    %dma_wait3A_118 = arith.constant 0 : i32
    %dma_wait3A_119 = tpu.memref_slice %arg2[%dma_wait3A_117, %dma_wait3A_118] : memref<10000x40xf32, #tpu.memory_space<hbm>> -> memref<10000x40xf32, #tpu.memory_space<hbm>>
    tpu.wait_indirect_dma semaphore(%arg21 : memref<!tpu.dma_semaphore, #tpu.memory_space<semaphore_mem>>) src(%dma_wait3A_119 : memref<10000x40xf32, #tpu.memory_space<hbm>>) dst(%arg12 : memref<128x40xf32, #tpu.memory_space<vmem>>)
    %dma_start3A_120 = arith.constant 75 : i32
    %dma_start3A_121 = arith.constant 0 : i32
    %dma_start3A_122 = tpu.memref_slice %arg8[%dma_start3A_120, %dma_start3A_121] : memref<80x128xi32, #tpu.memory_space<vmem>> -> memref<1x128xi32, #tpu.memory_space<vmem>>
    %dma_start3A_123 = tpu.memref_squeeze %dma_start3A_122 : memref<1x128xi32, #tpu.memory_space<vmem>> -> memref<128xi32, #tpu.memory_space<vmem>>
    %dma_start3A_124 = arith.constant 0 : i32
    %dma_start3A_125 = arith.constant 0 : i32
    %dma_start3A_126 = tpu.memref_slice %arg17[%dma_start3A_124, %dma_start3A_125] : memref<10240x40xf32, #tpu.memory_space<vmem_shared>> -> memref<10240x40xf32, #tpu.memory_space<vmem_shared>>
    tpu.enqueue_indirect_dma source(%arg12 : memref<128x40xf32, #tpu.memory_space<vmem>>) target(%dma_start3A_126 : memref<10240x40xf32, #tpu.memory_space<vmem_shared>>) offsets(%dma_start3A_123 : memref<128xi32, #tpu.memory_space<vmem>>) semaphore(%arg29 : memref<!tpu.dma_semaphore, #tpu.memory_space<semaphore_mem>>) {add = true}
    %dma_wait3A_127 = arith.constant 76 : i32
    %dma_wait3A_128 = arith.constant 0 : i32
    %dma_wait3A_129 = tpu.memref_slice %arg7[%dma_wait3A_127, %dma_wait3A_128] : memref<80x128xi32, #tpu.memory_space<vmem>> -> memref<1x128xi32, #tpu.memory_space<vmem>>
    %dma_wait3A_130 = tpu.memref_squeeze %dma_wait3A_129 : memref<1x128xi32, #tpu.memory_space<vmem>> -> memref<128xi32, #tpu.memory_space<vmem>>
    %dma_wait3A_131 = arith.constant 0 : i32
    %dma_wait3A_132 = arith.constant 0 : i32
    %dma_wait3A_133 = tpu.memref_slice %arg2[%dma_wait3A_131, %dma_wait3A_132] : memref<10000x40xf32, #tpu.memory_space<hbm>> -> memref<10000x40xf32, #tpu.memory_space<hbm>>
    tpu.wait_indirect_dma semaphore(%arg22 : memref<!tpu.dma_semaphore, #tpu.memory_space<semaphore_mem>>) src(%dma_wait3A_133 : memref<10000x40xf32, #tpu.memory_space<hbm>>) dst(%arg13 : memref<128x40xf32, #tpu.memory_space<vmem>>)
    %dma_start3A_134 = arith.constant 76 : i32
    %dma_start3A_135 = arith.constant 0 : i32
    %dma_start3A_136 = tpu.memref_slice %arg8[%dma_start3A_134, %dma_start3A_135] : memref<80x128xi32, #tpu.memory_space<vmem>> -> memref<1x128xi32, #tpu.memory_space<vmem>>
    %dma_start3A_137 = tpu.memref_squeeze %dma_start3A_136 : memref<1x128xi32, #tpu.memory_space<vmem>> -> memref<128xi32, #tpu.memory_space<vmem>>
    %dma_start3A_138 = arith.constant 0 : i32
    %dma_start3A_139 = arith.constant 0 : i32
    %dma_start3A_140 = tpu.memref_slice %arg17[%dma_start3A_138, %dma_start3A_139] : memref<10240x40xf32, #tpu.memory_space<vmem_shared>> -> memref<10240x40xf32, #tpu.memory_space<vmem_shared>>
    tpu.enqueue_indirect_dma source(%arg13 : memref<128x40xf32, #tpu.memory_space<vmem>>) target(%dma_start3A_140 : memref<10240x40xf32, #tpu.memory_space<vmem_shared>>) offsets(%dma_start3A_137 : memref<128xi32, #tpu.memory_space<vmem>>) semaphore(%arg30 : memref<!tpu.dma_semaphore, #tpu.memory_space<semaphore_mem>>) {add = true}
    %dma_wait3A_141 = arith.constant 77 : i32
    %dma_wait3A_142 = arith.constant 0 : i32
    %dma_wait3A_143 = tpu.memref_slice %arg7[%dma_wait3A_141, %dma_wait3A_142] : memref<80x128xi32, #tpu.memory_space<vmem>> -> memref<1x128xi32, #tpu.memory_space<vmem>>
    %dma_wait3A_144 = tpu.memref_squeeze %dma_wait3A_143 : memref<1x128xi32, #tpu.memory_space<vmem>> -> memref<128xi32, #tpu.memory_space<vmem>>
    %dma_wait3A_145 = arith.constant 0 : i32
    %dma_wait3A_146 = arith.constant 0 : i32
    %dma_wait3A_147 = tpu.memref_slice %arg2[%dma_wait3A_145, %dma_wait3A_146] : memref<10000x40xf32, #tpu.memory_space<hbm>> -> memref<10000x40xf32, #tpu.memory_space<hbm>>
    tpu.wait_indirect_dma semaphore(%arg23 : memref<!tpu.dma_semaphore, #tpu.memory_space<semaphore_mem>>) src(%dma_wait3A_147 : memref<10000x40xf32, #tpu.memory_space<hbm>>) dst(%arg14 : memref<128x40xf32, #tpu.memory_space<vmem>>)
    %dma_start3A_148 = arith.constant 77 : i32
    %dma_start3A_149 = arith.constant 0 : i32
    %dma_start3A_150 = tpu.memref_slice %arg8[%dma_start3A_148, %dma_start3A_149] : memref<80x128xi32, #tpu.memory_space<vmem>> -> memref<1x128xi32, #tpu.memory_space<vmem>>
    %dma_start3A_151 = tpu.memref_squeeze %dma_start3A_150 : memref<1x128xi32, #tpu.memory_space<vmem>> -> memref<128xi32, #tpu.memory_space<vmem>>
    %dma_start3A_152 = arith.constant 0 : i32
    %dma_start3A_153 = arith.constant 0 : i32
    %dma_start3A_154 = tpu.memref_slice %arg17[%dma_start3A_152, %dma_start3A_153] : memref<10240x40xf32, #tpu.memory_space<vmem_shared>> -> memref<10240x40xf32, #tpu.memory_space<vmem_shared>>
    tpu.enqueue_indirect_dma source(%arg14 : memref<128x40xf32, #tpu.memory_space<vmem>>) target(%dma_start3A_154 : memref<10240x40xf32, #tpu.memory_space<vmem_shared>>) offsets(%dma_start3A_151 : memref<128xi32, #tpu.memory_space<vmem>>) semaphore(%arg31 : memref<!tpu.dma_semaphore, #tpu.memory_space<semaphore_mem>>) {add = true}
    %dma_wait3A_155 = arith.constant 78 : i32
    %dma_wait3A_156 = arith.constant 0 : i32
    %dma_wait3A_157 = tpu.memref_slice %arg7[%dma_wait3A_155, %dma_wait3A_156] : memref<80x128xi32, #tpu.memory_space<vmem>> -> memref<1x128xi32, #tpu.memory_space<vmem>>
    %dma_wait3A_158 = tpu.memref_squeeze %dma_wait3A_157 : memref<1x128xi32, #tpu.memory_space<vmem>> -> memref<128xi32, #tpu.memory_space<vmem>>
    %dma_wait3A_159 = arith.constant 0 : i32
    %dma_wait3A_160 = arith.constant 0 : i32
    %dma_wait3A_161 = tpu.memref_slice %arg2[%dma_wait3A_159, %dma_wait3A_160] : memref<10000x40xf32, #tpu.memory_space<hbm>> -> memref<10000x40xf32, #tpu.memory_space<hbm>>
    tpu.wait_indirect_dma semaphore(%arg24 : memref<!tpu.dma_semaphore, #tpu.memory_space<semaphore_mem>>) src(%dma_wait3A_161 : memref<10000x40xf32, #tpu.memory_space<hbm>>) dst(%arg15 : memref<128x40xf32, #tpu.memory_space<vmem>>)
    %dma_start3A_162 = arith.constant 78 : i32
    %dma_start3A_163 = arith.constant 0 : i32
    %dma_start3A_164 = tpu.memref_slice %arg8[%dma_start3A_162, %dma_start3A_163] : memref<80x128xi32, #tpu.memory_space<vmem>> -> memref<1x128xi32, #tpu.memory_space<vmem>>
    %dma_start3A_165 = tpu.memref_squeeze %dma_start3A_164 : memref<1x128xi32, #tpu.memory_space<vmem>> -> memref<128xi32, #tpu.memory_space<vmem>>
    %dma_start3A_166 = arith.constant 0 : i32
    %dma_start3A_167 = arith.constant 0 : i32
    %dma_start3A_168 = tpu.memref_slice %arg17[%dma_start3A_166, %dma_start3A_167] : memref<10240x40xf32, #tpu.memory_space<vmem_shared>> -> memref<10240x40xf32, #tpu.memory_space<vmem_shared>>
    tpu.enqueue_indirect_dma source(%arg15 : memref<128x40xf32, #tpu.memory_space<vmem>>) target(%dma_start3A_168 : memref<10240x40xf32, #tpu.memory_space<vmem_shared>>) offsets(%dma_start3A_165 : memref<128xi32, #tpu.memory_space<vmem>>) semaphore(%arg32 : memref<!tpu.dma_semaphore, #tpu.memory_space<semaphore_mem>>) {add = true}
    %dma_wait3A_169 = arith.constant 79 : i32
    %dma_wait3A_170 = arith.constant 0 : i32
    %dma_wait3A_171 = tpu.memref_slice %arg7[%dma_wait3A_169, %dma_wait3A_170] : memref<80x128xi32, #tpu.memory_space<vmem>> -> memref<1x128xi32, #tpu.memory_space<vmem>>
    %dma_wait3A_172 = tpu.memref_squeeze %dma_wait3A_171 : memref<1x128xi32, #tpu.memory_space<vmem>> -> memref<128xi32, #tpu.memory_space<vmem>>
    %dma_wait3A_173 = arith.constant 0 : i32
    %dma_wait3A_174 = arith.constant 0 : i32
    %dma_wait3A_175 = tpu.memref_slice %arg2[%dma_wait3A_173, %dma_wait3A_174] : memref<10000x40xf32, #tpu.memory_space<hbm>> -> memref<10000x40xf32, #tpu.memory_space<hbm>>
    tpu.wait_indirect_dma semaphore(%arg25 : memref<!tpu.dma_semaphore, #tpu.memory_space<semaphore_mem>>) src(%dma_wait3A_175 : memref<10000x40xf32, #tpu.memory_space<hbm>>) dst(%arg16 : memref<128x40xf32, #tpu.memory_space<vmem>>)
    %dma_start3A_176 = arith.constant 79 : i32
    %dma_start3A_177 = arith.constant 0 : i32
    %dma_start3A_178 = tpu.memref_slice %arg8[%dma_start3A_176, %dma_start3A_177] : memref<80x128xi32, #tpu.memory_space<vmem>> -> memref<1x128xi32, #tpu.memory_space<vmem>>
    %dma_start3A_179 = tpu.memref_squeeze %dma_start3A_178 : memref<1x128xi32, #tpu.memory_space<vmem>> -> memref<128xi32, #tpu.memory_space<vmem>>
    %dma_start3A_180 = arith.constant 0 : i32
    %dma_start3A_181 = arith.constant 0 : i32
    %dma_start3A_182 = tpu.memref_slice %arg17[%dma_start3A_180, %dma_start3A_181] : memref<10240x40xf32, #tpu.memory_space<vmem_shared>> -> memref<10240x40xf32, #tpu.memory_space<vmem_shared>>
    tpu.enqueue_indirect_dma source(%arg16 : memref<128x40xf32, #tpu.memory_space<vmem>>) target(%dma_start3A_182 : memref<10240x40xf32, #tpu.memory_space<vmem_shared>>) offsets(%dma_start3A_179 : memref<128xi32, #tpu.memory_space<vmem>>) semaphore(%arg33 : memref<!tpu.dma_semaphore, #tpu.memory_space<semaphore_mem>>) {add = true}
    %dma_wait3A_183 = arith.constant 72 : i32
    %dma_wait3A_184 = arith.constant 0 : i32
    %dma_wait3A_185 = tpu.memref_slice %arg8[%dma_wait3A_183, %dma_wait3A_184] : memref<80x128xi32, #tpu.memory_space<vmem>> -> memref<1x128xi32, #tpu.memory_space<vmem>>
    %dma_wait3A_186 = tpu.memref_squeeze %dma_wait3A_185 : memref<1x128xi32, #tpu.memory_space<vmem>> -> memref<128xi32, #tpu.memory_space<vmem>>
    %dma_wait3A_187 = arith.constant 0 : i32
    %dma_wait3A_188 = arith.constant 0 : i32
    %dma_wait3A_189 = tpu.memref_slice %arg17[%dma_wait3A_187, %dma_wait3A_188] : memref<10240x40xf32, #tpu.memory_space<vmem_shared>> -> memref<10240x40xf32, #tpu.memory_space<vmem_shared>>
    tpu.wait_indirect_dma semaphore(%arg26 : memref<!tpu.dma_semaphore, #tpu.memory_space<semaphore_mem>>) src(%arg9 : memref<128x40xf32, #tpu.memory_space<vmem>>) dst(%dma_wait3A_189 : memref<10240x40xf32, #tpu.memory_space<vmem_shared>>)
    %dma_wait3A_190 = arith.constant 73 : i32
    %dma_wait3A_191 = arith.constant 0 : i32
    %dma_wait3A_192 = tpu.memref_slice %arg8[%dma_wait3A_190, %dma_wait3A_191] : memref<80x128xi32, #tpu.memory_space<vmem>> -> memref<1x128xi32, #tpu.memory_space<vmem>>
    %dma_wait3A_193 = tpu.memref_squeeze %dma_wait3A_192 : memref<1x128xi32, #tpu.memory_space<vmem>> -> memref<128xi32, #tpu.memory_space<vmem>>
    %dma_wait3A_194 = arith.constant 0 : i32
    %dma_wait3A_195 = arith.constant 0 : i32
    %dma_wait3A_196 = tpu.memref_slice %arg17[%dma_wait3A_194, %dma_wait3A_195] : memref<10240x40xf32, #tpu.memory_space<vmem_shared>> -> memref<10240x40xf32, #tpu.memory_space<vmem_shared>>
    tpu.wait_indirect_dma semaphore(%arg27 : memref<!tpu.dma_semaphore, #tpu.memory_space<semaphore_mem>>) src(%arg10 : memref<128x40xf32, #tpu.memory_space<vmem>>) dst(%dma_wait3A_196 : memref<10240x40xf32, #tpu.memory_space<vmem_shared>>)
    %dma_wait3A_197 = arith.constant 74 : i32
    %dma_wait3A_198 = arith.constant 0 : i32
    %dma_wait3A_199 = tpu.memref_slice %arg8[%dma_wait3A_197, %dma_wait3A_198] : memref<80x128xi32, #tpu.memory_space<vmem>> -> memref<1x128xi32, #tpu.memory_space<vmem>>
    %dma_wait3A_200 = tpu.memref_squeeze %dma_wait3A_199 : memref<1x128xi32, #tpu.memory_space<vmem>> -> memref<128xi32, #tpu.memory_space<vmem>>
    %dma_wait3A_201 = arith.constant 0 : i32
    %dma_wait3A_202 = arith.constant 0 : i32
    %dma_wait3A_203 = tpu.memref_slice %arg17[%dma_wait3A_201, %dma_wait3A_202] : memref<10240x40xf32, #tpu.memory_space<vmem_shared>> -> memref<10240x40xf32, #tpu.memory_space<vmem_shared>>
    tpu.wait_indirect_dma semaphore(%arg28 : memref<!tpu.dma_semaphore, #tpu.memory_space<semaphore_mem>>) src(%arg11 : memref<128x40xf32, #tpu.memory_space<vmem>>) dst(%dma_wait3A_203 : memref<10240x40xf32, #tpu.memory_space<vmem_shared>>)
    %dma_wait3A_204 = arith.constant 75 : i32
    %dma_wait3A_205 = arith.constant 0 : i32
    %dma_wait3A_206 = tpu.memref_slice %arg8[%dma_wait3A_204, %dma_wait3A_205] : memref<80x128xi32, #tpu.memory_space<vmem>> -> memref<1x128xi32, #tpu.memory_space<vmem>>
    %dma_wait3A_207 = tpu.memref_squeeze %dma_wait3A_206 : memref<1x128xi32, #tpu.memory_space<vmem>> -> memref<128xi32, #tpu.memory_space<vmem>>
    %dma_wait3A_208 = arith.constant 0 : i32
    %dma_wait3A_209 = arith.constant 0 : i32
    %dma_wait3A_210 = tpu.memref_slice %arg17[%dma_wait3A_208, %dma_wait3A_209] : memref<10240x40xf32, #tpu.memory_space<vmem_shared>> -> memref<10240x40xf32, #tpu.memory_space<vmem_shared>>
    tpu.wait_indirect_dma semaphore(%arg29 : memref<!tpu.dma_semaphore, #tpu.memory_space<semaphore_mem>>) src(%arg12 : memref<128x40xf32, #tpu.memory_space<vmem>>) dst(%dma_wait3A_210 : memref<10240x40xf32, #tpu.memory_space<vmem_shared>>)
    %dma_wait3A_211 = arith.constant 76 : i32
    %dma_wait3A_212 = arith.constant 0 : i32
    %dma_wait3A_213 = tpu.memref_slice %arg8[%dma_wait3A_211, %dma_wait3A_212] : memref<80x128xi32, #tpu.memory_space<vmem>> -> memref<1x128xi32, #tpu.memory_space<vmem>>
    %dma_wait3A_214 = tpu.memref_squeeze %dma_wait3A_213 : memref<1x128xi32, #tpu.memory_space<vmem>> -> memref<128xi32, #tpu.memory_space<vmem>>
    %dma_wait3A_215 = arith.constant 0 : i32
    %dma_wait3A_216 = arith.constant 0 : i32
    %dma_wait3A_217 = tpu.memref_slice %arg17[%dma_wait3A_215, %dma_wait3A_216] : memref<10240x40xf32, #tpu.memory_space<vmem_shared>> -> memref<10240x40xf32, #tpu.memory_space<vmem_shared>>
    tpu.wait_indirect_dma semaphore(%arg30 : memref<!tpu.dma_semaphore, #tpu.memory_space<semaphore_mem>>) src(%arg13 : memref<128x40xf32, #tpu.memory_space<vmem>>) dst(%dma_wait3A_217 : memref<10240x40xf32, #tpu.memory_space<vmem_shared>>)
    %dma_wait3A_218 = arith.constant 77 : i32
    %dma_wait3A_219 = arith.constant 0 : i32
    %dma_wait3A_220 = tpu.memref_slice %arg8[%dma_wait3A_218, %dma_wait3A_219] : memref<80x128xi32, #tpu.memory_space<vmem>> -> memref<1x128xi32, #tpu.memory_space<vmem>>
    %dma_wait3A_221 = tpu.memref_squeeze %dma_wait3A_220 : memref<1x128xi32, #tpu.memory_space<vmem>> -> memref<128xi32, #tpu.memory_space<vmem>>
    %dma_wait3A_222 = arith.constant 0 : i32
    %dma_wait3A_223 = arith.constant 0 : i32
    %dma_wait3A_224 = tpu.memref_slice %arg17[%dma_wait3A_222, %dma_wait3A_223] : memref<10240x40xf32, #tpu.memory_space<vmem_shared>> -> memref<10240x40xf32, #tpu.memory_space<vmem_shared>>
    tpu.wait_indirect_dma semaphore(%arg31 : memref<!tpu.dma_semaphore, #tpu.memory_space<semaphore_mem>>) src(%arg14 : memref<128x40xf32, #tpu.memory_space<vmem>>) dst(%dma_wait3A_224 : memref<10240x40xf32, #tpu.memory_space<vmem_shared>>)
    %dma_wait3A_225 = arith.constant 78 : i32
    %dma_wait3A_226 = arith.constant 0 : i32
    %dma_wait3A_227 = tpu.memref_slice %arg8[%dma_wait3A_225, %dma_wait3A_226] : memref<80x128xi32, #tpu.memory_space<vmem>> -> memref<1x128xi32, #tpu.memory_space<vmem>>
    %dma_wait3A_228 = tpu.memref_squeeze %dma_wait3A_227 : memref<1x128xi32, #tpu.memory_space<vmem>> -> memref<128xi32, #tpu.memory_space<vmem>>
    %dma_wait3A_229 = arith.constant 0 : i32
    %dma_wait3A_230 = arith.constant 0 : i32
    %dma_wait3A_231 = tpu.memref_slice %arg17[%dma_wait3A_229, %dma_wait3A_230] : memref<10240x40xf32, #tpu.memory_space<vmem_shared>> -> memref<10240x40xf32, #tpu.memory_space<vmem_shared>>
    tpu.wait_indirect_dma semaphore(%arg32 : memref<!tpu.dma_semaphore, #tpu.memory_space<semaphore_mem>>) src(%arg15 : memref<128x40xf32, #tpu.memory_space<vmem>>) dst(%dma_wait3A_231 : memref<10240x40xf32, #tpu.memory_space<vmem_shared>>)
    %dma_wait3A_232 = arith.constant 79 : i32
    %dma_wait3A_233 = arith.constant 0 : i32
    %dma_wait3A_234 = tpu.memref_slice %arg8[%dma_wait3A_232, %dma_wait3A_233] : memref<80x128xi32, #tpu.memory_space<vmem>> -> memref<1x128xi32, #tpu.memory_space<vmem>>
    %dma_wait3A_235 = tpu.memref_squeeze %dma_wait3A_234 : memref<1x128xi32, #tpu.memory_space<vmem>> -> memref<128xi32, #tpu.memory_space<vmem>>
    %dma_wait3A_236 = arith.constant 0 : i32
    %dma_wait3A_237 = arith.constant 0 : i32
    %dma_wait3A_238 = tpu.memref_slice %arg17[%dma_wait3A_236, %dma_wait3A_237] : memref<10240x40xf32, #tpu.memory_space<vmem_shared>> -> memref<10240x40xf32, #tpu.memory_space<vmem_shared>>
    tpu.wait_indirect_dma semaphore(%arg33 : memref<!tpu.dma_semaphore, #tpu.memory_space<semaphore_mem>>) src(%arg16 : memref<128x40xf32, #tpu.memory_space<vmem>>) dst(%dma_wait3A_238 : memref<10240x40xf32, #tpu.memory_space<vmem_shared>>)
    %scan3A_239 = arith.constant 1 : i32
    %barrier3A_240 = arith.constant 0 : index
    tpu.barrier barrier_id(%barrier3A_240)
    %mul3A_241 = arith.constant 640 : i32
    %mul3A_242 = arith.muli %arg1, %mul3A_241 : i32
    %mul3A_243 = arith.constant 640 : i32
    %mul3A_244 = arith.muli %arg1, %mul3A_243 : i32
    "tpu.region"() ({
      %run_scoped3A = tpu.sem_alloc : memref<!tpu.dma_semaphore, #tpu.memory_space<semaphore_mem>>
      %dma_start3A_245 = arith.constant 0 : i32
      %dma_start3A_246 = tpu.memref_slice %arg6[%arg0, %mul3A_244, %dma_start3A_245] : memref<2x10240x40xf32, #tpu.memory_space<hbm>> -> memref<1x640x40xf32, #tpu.memory_space<hbm>>
      %dma_start3A_247 = tpu.memref_squeeze %dma_start3A_246 : memref<1x640x40xf32, #tpu.memory_space<hbm>> -> memref<640x40xf32, #tpu.memory_space<hbm>>
      %dma_start3A_248 = arith.constant 0 : i32
      %dma_start3A_249 = tpu.memref_slice %arg17[%mul3A_242, %dma_start3A_248] : memref<10240x40xf32, #tpu.memory_space<vmem_shared>> -> memref<640x40xf32, #tpu.memory_space<vmem_shared>>
      tpu.enqueue_dma source(%dma_start3A_249 : memref<640x40xf32, #tpu.memory_space<vmem_shared>>) target(%dma_start3A_247 : memref<640x40xf32, #tpu.memory_space<hbm>>) target_semaphore(%run_scoped3A : memref<!tpu.dma_semaphore, #tpu.memory_space<semaphore_mem>>)
      %dma_wait3A_250 = arith.constant 0 : i32
      %dma_wait3A_251 = tpu.memref_slice %arg6[%arg0, %mul3A_244, %dma_wait3A_250] : memref<2x10240x40xf32, #tpu.memory_space<hbm>> -> memref<1x640x40xf32, #tpu.memory_space<hbm>>
      %dma_wait3A_252 = tpu.memref_squeeze %dma_wait3A_251 : memref<1x640x40xf32, #tpu.memory_space<hbm>> -> memref<640x40xf32, #tpu.memory_space<hbm>>
      %dma_wait3A_253 = arith.constant 0 : i32
      %dma_wait3A_254 = tpu.memref_slice %arg17[%mul3A_242, %dma_wait3A_253] : memref<10240x40xf32, #tpu.memory_space<vmem_shared>> -> memref<640x40xf32, #tpu.memory_space<vmem_shared>>
      tpu.wait_dma2 semaphore(%run_scoped3A : memref<!tpu.dma_semaphore, #tpu.memory_space<semaphore_mem>>) src(%dma_wait3A_254 : memref<640x40xf32, #tpu.memory_space<vmem_shared>>) dst(%dma_wait3A_252 : memref<640x40xf32, #tpu.memory_space<hbm>>)
      tpu.yield
    }) : () -> ()
    return
  }
}

module attributes {stable_mosaic.version = 14 : i64} {
  func.func @_stage2_body(%arg0: i32, %arg1: memref<2x1000x128xf32, #tpu.memory_space<vmem>>, %arg2: memref<2x1000x16xf32, #tpu.memory_space<vmem>>, %arg3: memref<1000x128xf32, #tpu.memory_space<vmem>>, %arg4: memref<128x128xf32, #tpu.memory_space<vmem>>, %arg5: memref<128x128xf32, #tpu.memory_space<vmem>>, %arg6: memref<1x128xf32, #tpu.memory_space<vmem>>, %arg7: memref<128x40xf32, #tpu.memory_space<vmem>>, %arg8: memref<128x40xf32, #tpu.memory_space<vmem>>, %arg9: memref<1000x40xf32, #tpu.memory_space<vmem>>, %arg10: memref<1000x40xf32, #tpu.memory_space<vmem>>) attributes {dimension_semantics = [#tpu.dimension_semantics<arbitrary>], iteration_bounds = array<i64: 10>, scalar_prefetch = 0 : i64, scratch_operands = 0 : i64, tpu.core_type = #tpu.core_type<tc>, window_params = [{transform_indices = @transform_0, window_bounds = array<i64: 2, 1000, 128>}, {transform_indices = @transform_1, window_bounds = array<i64: 2, 1000, 16>}, {transform_indices = @transform_2, window_bounds = array<i64: 1000, 128>}, {pipeline_mode = #tpu.pipeline_mode<synchronous>, transform_indices = @transform_3, window_bounds = array<i64: 128, 128>}, {pipeline_mode = #tpu.pipeline_mode<synchronous>, transform_indices = @transform_4, window_bounds = array<i64: 128, 128>}, {pipeline_mode = #tpu.pipeline_mode<synchronous>, transform_indices = @transform_5, window_bounds = array<i64: 1, 128>}, {pipeline_mode = #tpu.pipeline_mode<synchronous>, transform_indices = @transform_6, window_bounds = array<i64: 128, 40>}, {pipeline_mode = #tpu.pipeline_mode<synchronous>, transform_indices = @transform_7, window_bounds = array<i64: 128, 40>}, {transform_indices = @transform_8, window_bounds = array<i64: 1000, 40>}, {transform_indices = @transform_9, window_bounds = array<i64: 1000, 40>}]} {
    %get3A = arith.constant 0 : index
    %get3A_0 = arith.constant 0 : index
    %get3A_1 = arith.constant 0 : index
    %get3A_2 = vector.load %arg2[%get3A, %get3A_0, %get3A_1] : memref<2x1000x16xf32, #tpu.memory_space<vmem>>, vector<1x1000x1xf32>
    %get3A_3 = vector.shape_cast %get3A_2 : vector<1x1000x1xf32> to vector<1000x1xf32>
    %get3A_4 = arith.constant 1 : index
    %get3A_5 = arith.constant 0 : index
    %get3A_6 = arith.constant 0 : index
    %get3A_7 = vector.load %arg2[%get3A_4, %get3A_5, %get3A_6] : memref<2x1000x16xf32, #tpu.memory_space<vmem>>, vector<1x1000x1xf32>
    %get3A_8 = vector.shape_cast %get3A_7 : vector<1x1000x1xf32> to vector<1000x1xf32>
    %add3A = arith.addf %get3A_3, %get3A_8 : vector<1000x1xf32>
    %get3A_9 = arith.constant 0 : index
    %get3A_10 = arith.constant 0 : index
    %get3A_11 = arith.constant 0 : index
    %get3A_12 = vector.load %arg1[%get3A_9, %get3A_10, %get3A_11] : memref<2x1000x128xf32, #tpu.memory_space<vmem>>, vector<1x1000x128xf32>
    %get3A_13 = vector.shape_cast %get3A_12 : vector<1x1000x128xf32> to vector<1000x128xf32>
    %get3A_14 = arith.constant 1 : index
    %get3A_15 = arith.constant 0 : index
    %get3A_16 = arith.constant 0 : index
    %get3A_17 = vector.load %arg1[%get3A_14, %get3A_15, %get3A_16] : memref<2x1000x128xf32, #tpu.memory_space<vmem>>, vector<1x1000x128xf32>
    %get3A_18 = vector.shape_cast %get3A_17 : vector<1x1000x128xf32> to vector<1000x128xf32>
    %add3A_19 = arith.addf %get3A_13, %get3A_18 : vector<1000x128xf32>
    %max3A = arith.constant 1.000000e+00 : f32
    %max3A_20 = vector.broadcast %max3A : f32 to vector<1000x1xf32>
    %max3A_21 = arith.maximumf %add3A, %max3A_20 : vector<1000x1xf32>
    %div3A = vector.broadcast %max3A_21 : vector<1000x1xf32> to vector<1000x128xf32>
    %div3A_22 = arith.divf %add3A_19, %div3A : vector<1000x128xf32>
    %get3A_23 = arith.constant 0 : index
    %get3A_24 = arith.constant 0 : index
    %get3A_25 = vector.load %arg4[%get3A_23, %get3A_24] : memref<128x128xf32, #tpu.memory_space<vmem>>, vector<128x128xf32>
    %dot_general3A = arith.constant dense<0.000000e+00> : vector<1000x128xf32>
    %dot_general3A_26 = tpu.matmul %div3A_22, %get3A_25, %dot_general3A {dimension_numbers = #tpu.dot_dimension_numbers<[1], [0], [0], [1], [0, 0, 1, 1], [], []>, transpose_lhs_hint = false} : vector<1000x128xf32>, vector<128x128xf32>, vector<1000x128xf32> -> vector<1000x128xf32>
    %get3A_27 = arith.constant 0 : index
    %get3A_28 = arith.constant 0 : index
    %get3A_29 = vector.load %arg3[%get3A_27, %get3A_28] : memref<1000x128xf32, #tpu.memory_space<vmem>>, vector<1000x128xf32>
    %get3A_30 = arith.constant 0 : index
    %get3A_31 = arith.constant 0 : index
    %get3A_32 = vector.load %arg5[%get3A_30, %get3A_31] : memref<128x128xf32, #tpu.memory_space<vmem>>, vector<128x128xf32>
    %dot_general3A_33 = arith.constant dense<0.000000e+00> : vector<1000x128xf32>
    %dot_general3A_34 = tpu.matmul %get3A_29, %get3A_32, %dot_general3A_33 {dimension_numbers = #tpu.dot_dimension_numbers<[1], [0], [0], [1], [0, 0, 1, 1], [], []>, transpose_lhs_hint = false} : vector<1000x128xf32>, vector<128x128xf32>, vector<1000x128xf32> -> vector<1000x128xf32>
    %add3A_35 = arith.addf %dot_general3A_26, %dot_general3A_34 : vector<1000x128xf32>
    %get3A_36 = arith.constant 0 : index
    %get3A_37 = arith.constant 0 : index
    %get3A_38 = vector.load %arg6[%get3A_36, %get3A_37] : memref<1x128xf32, #tpu.memory_space<vmem>>, vector<1x128xf32>
    %add3A_39 = vector.broadcast %get3A_38 : vector<1x128xf32> to vector<1000x128xf32>
    %add3A_40 = arith.addf %add3A_35, %add3A_39 : vector<1000x128xf32>
    %max3A_41 = arith.constant 0.000000e+00 : f32
    %max3A_42 = vector.broadcast %max3A_41 : f32 to vector<1000x128xf32>
    %max3A_43 = arith.maximumf %add3A_40, %max3A_42 : vector<1000x128xf32>
    %get3A_44 = arith.constant 0 : index
    %get3A_45 = arith.constant 0 : index
    %get3A_46 = vector.load %arg7[%get3A_44, %get3A_45] : memref<128x40xf32, #tpu.memory_space<vmem>>, vector<128x40xf32>
    %dot_general3A_47 = arith.constant dense<0.000000e+00> : vector<1000x40xf32>
    %dot_general3A_48 = tpu.matmul %max3A_43, %get3A_46, %dot_general3A_47 {dimension_numbers = #tpu.dot_dimension_numbers<[1], [0], [0], [1], [0, 0, 1, 1], [], []>, transpose_lhs_hint = false} : vector<1000x128xf32>, vector<128x40xf32>, vector<1000x40xf32> -> vector<1000x40xf32>
    %swap3A = arith.constant 0 : index
    %swap3A_49 = arith.constant 0 : index
    %swap3A_50 = vector.load %arg9[%swap3A, %swap3A_49] : memref<1000x40xf32, #tpu.memory_space<vmem>>, vector<1000x40xf32>
    tpu.vector_store %arg9[%swap3A, %swap3A_49], %dot_general3A_48 {strides = array<i32>} : memref<1000x40xf32, #tpu.memory_space<vmem>>, vector<1000x40xf32>,
    %get3A_51 = arith.constant 0 : index
    %get3A_52 = arith.constant 0 : index
    %get3A_53 = vector.load %arg8[%get3A_51, %get3A_52] : memref<128x40xf32, #tpu.memory_space<vmem>>, vector<128x40xf32>
    %dot_general3A_54 = arith.constant dense<0.000000e+00> : vector<1000x40xf32>
    %dot_general3A_55 = tpu.matmul %max3A_43, %get3A_53, %dot_general3A_54 {dimension_numbers = #tpu.dot_dimension_numbers<[1], [0], [0], [1], [0, 0, 1, 1], [], []>, transpose_lhs_hint = false} : vector<1000x128xf32>, vector<128x40xf32>, vector<1000x40xf32> -> vector<1000x40xf32>
    %swap3A_56 = arith.constant 0 : index
    %swap3A_57 = arith.constant 0 : index
    %swap3A_58 = vector.load %arg10[%swap3A_56, %swap3A_57] : memref<1000x40xf32, #tpu.memory_space<vmem>>, vector<1000x40xf32>
    tpu.vector_store %arg10[%swap3A_56, %swap3A_57], %dot_general3A_55 {strides = array<i32>} : memref<1000x40xf32, #tpu.memory_space<vmem>>, vector<1000x40xf32>,
    return
  }
  func.func @transform_0(%arg0: i32) -> (i32, i32, i32) {
    %c0_i32 = arith.constant 0 : i32
    %c0_i32_0 = arith.constant 0 : i32
    %c0_i32_1 = arith.constant 0 : i32
    return %c0_i32, %arg0, %c0_i32_0 : i32, i32, i32
  }
  func.func @transform_1(%arg0: i32) -> (i32, i32, i32) {
    %c0_i32 = arith.constant 0 : i32
    %c0_i32_0 = arith.constant 0 : i32
    %c0_i32_1 = arith.constant 0 : i32
    return %c0_i32, %arg0, %c0_i32_0 : i32, i32, i32
  }
  func.func @transform_2(%arg0: i32) -> (i32, i32) {
    %c0_i32 = arith.constant 0 : i32
    %c0_i32_0 = arith.constant 0 : i32
    return %arg0, %c0_i32 : i32, i32
  }
  func.func @transform_3(%arg0: i32) -> (i32, i32) {
    %c0_i32 = arith.constant 0 : i32
    %c0_i32_0 = arith.constant 0 : i32
    %c0_i32_1 = arith.constant 0 : i32
    return %c0_i32, %c0_i32_0 : i32, i32
  }
  func.func @transform_4(%arg0: i32) -> (i32, i32) {
    %c0_i32 = arith.constant 0 : i32
    %c0_i32_0 = arith.constant 0 : i32
    %c0_i32_1 = arith.constant 0 : i32
    return %c0_i32, %c0_i32_0 : i32, i32
  }
  func.func @transform_5(%arg0: i32) -> (i32, i32) {
    %c0_i32 = arith.constant 0 : i32
    %c0_i32_0 = arith.constant 0 : i32
    %c0_i32_1 = arith.constant 0 : i32
    return %c0_i32, %c0_i32_0 : i32, i32
  }
  func.func @transform_6(%arg0: i32) -> (i32, i32) {
    %c0_i32 = arith.constant 0 : i32
    %c0_i32_0 = arith.constant 0 : i32
    %c0_i32_1 = arith.constant 0 : i32
    return %c0_i32, %c0_i32_0 : i32, i32
  }
  func.func @transform_7(%arg0: i32) -> (i32, i32) {
    %c0_i32 = arith.constant 0 : i32
    %c0_i32_0 = arith.constant 0 : i32
    %c0_i32_1 = arith.constant 0 : i32
    return %c0_i32, %c0_i32_0 : i32, i32
  }
  func.func @transform_8(%arg0: i32) -> (i32, i32) {
    %c0_i32 = arith.constant 0 : i32
    %c0_i32_0 = arith.constant 0 : i32
    return %arg0, %c0_i32 : i32, i32
  }
  func.func @transform_9(%arg0: i32) -> (i32, i32) {
    %c0_i32 = arith.constant 0 : i32
    %c0_i32_0 = arith.constant 0 : i32
    return %arg0, %c0_i32 : i32, i32
  }
}

module attributes {stable_mosaic.version = 14 : i64} {
  func.func @_stage3_body(%arg0: i32, %arg1: memref<2x1000x40xf32, #tpu.memory_space<vmem>>, %arg2: memref<2x1000x16xf32, #tpu.memory_space<vmem>>, %arg3: memref<1000x40xf32, #tpu.memory_space<vmem>>, %arg4: memref<40x40xf32, #tpu.memory_space<vmem>>, %arg5: memref<1x40xf32, #tpu.memory_space<vmem>>, %arg6: memref<1000x40xf32, #tpu.memory_space<vmem>>) attributes {dimension_semantics = [#tpu.dimension_semantics<arbitrary>], iteration_bounds = array<i64: 10>, scalar_prefetch = 0 : i64, scratch_operands = 0 : i64, tpu.core_type = #tpu.core_type<tc>, window_params = [{transform_indices = @transform_0, window_bounds = array<i64: 2, 1000, 40>}, {transform_indices = @transform_1, window_bounds = array<i64: 2, 1000, 16>}, {transform_indices = @transform_2, window_bounds = array<i64: 1000, 40>}, {pipeline_mode = #tpu.pipeline_mode<synchronous>, transform_indices = @transform_3, window_bounds = array<i64: 40, 40>}, {pipeline_mode = #tpu.pipeline_mode<synchronous>, transform_indices = @transform_4, window_bounds = array<i64: 1, 40>}, {transform_indices = @transform_5, window_bounds = array<i64: 1000, 40>}]} {
    %get3A = arith.constant 0 : index
    %get3A_0 = arith.constant 0 : index
    %get3A_1 = arith.constant 0 : index
    %get3A_2 = vector.load %arg2[%get3A, %get3A_0, %get3A_1] : memref<2x1000x16xf32, #tpu.memory_space<vmem>>, vector<1x1000x1xf32>
    %get3A_3 = vector.shape_cast %get3A_2 : vector<1x1000x1xf32> to vector<1000x1xf32>
    %get3A_4 = arith.constant 1 : index
    %get3A_5 = arith.constant 0 : index
    %get3A_6 = arith.constant 0 : index
    %get3A_7 = vector.load %arg2[%get3A_4, %get3A_5, %get3A_6] : memref<2x1000x16xf32, #tpu.memory_space<vmem>>, vector<1x1000x1xf32>
    %get3A_8 = vector.shape_cast %get3A_7 : vector<1x1000x1xf32> to vector<1000x1xf32>
    %add3A = arith.addf %get3A_3, %get3A_8 : vector<1000x1xf32>
    %get3A_9 = arith.constant 0 : index
    %get3A_10 = arith.constant 0 : index
    %get3A_11 = arith.constant 0 : index
    %get3A_12 = vector.load %arg1[%get3A_9, %get3A_10, %get3A_11] : memref<2x1000x40xf32, #tpu.memory_space<vmem>>, vector<1x1000x40xf32>
    %get3A_13 = vector.shape_cast %get3A_12 : vector<1x1000x40xf32> to vector<1000x40xf32>
    %get3A_14 = arith.constant 1 : index
    %get3A_15 = arith.constant 0 : index
    %get3A_16 = arith.constant 0 : index
    %get3A_17 = vector.load %arg1[%get3A_14, %get3A_15, %get3A_16] : memref<2x1000x40xf32, #tpu.memory_space<vmem>>, vector<1x1000x40xf32>
    %get3A_18 = vector.shape_cast %get3A_17 : vector<1x1000x40xf32> to vector<1000x40xf32>
    %add3A_19 = arith.addf %get3A_13, %get3A_18 : vector<1000x40xf32>
    %max3A = arith.constant 1.000000e+00 : f32
    %max3A_20 = vector.broadcast %max3A : f32 to vector<1000x1xf32>
    %max3A_21 = arith.maximumf %add3A, %max3A_20 : vector<1000x1xf32>
    %div3A = vector.broadcast %max3A_21 : vector<1000x1xf32> to vector<1000x40xf32>
    %div3A_22 = arith.divf %add3A_19, %div3A : vector<1000x40xf32>
    %get3A_23 = arith.constant 0 : index
    %get3A_24 = arith.constant 0 : index
    %get3A_25 = vector.load %arg5[%get3A_23, %get3A_24] : memref<1x40xf32, #tpu.memory_space<vmem>>, vector<1x40xf32>
    %add3A_26 = vector.broadcast %get3A_25 : vector<1x40xf32> to vector<1000x40xf32>
    %add3A_27 = arith.addf %div3A_22, %add3A_26 : vector<1000x40xf32>
    %get3A_28 = arith.constant 0 : index
    %get3A_29 = arith.constant 0 : index
    %get3A_30 = vector.load %arg3[%get3A_28, %get3A_29] : memref<1000x40xf32, #tpu.memory_space<vmem>>, vector<1000x40xf32>
    %add3A_31 = arith.addf %add3A_27, %get3A_30 : vector<1000x40xf32>
    %max3A_32 = arith.constant 0.000000e+00 : f32
    %max3A_33 = vector.broadcast %max3A_32 : f32 to vector<1000x40xf32>
    %max3A_34 = arith.maximumf %add3A_31, %max3A_33 : vector<1000x40xf32>
    %add3A_35 = arith.constant 1.000000e+00 : f32
    %add3A_36 = vector.broadcast %add3A_35 : f32 to vector<1000x1xf32>
    %add3A_37 = arith.addf %add3A, %add3A_36 : vector<1000x1xf32>
    %rsqrt3A = math.rsqrt %add3A_37 : vector<1000x1xf32>
    %get3A_38 = arith.constant 0 : index
    %get3A_39 = arith.constant 0 : index
    %get3A_40 = vector.load %arg4[%get3A_38, %get3A_39] : memref<40x40xf32, #tpu.memory_space<vmem>>, vector<40x40xf32>
    %dot_general3A = arith.constant dense<0.000000e+00> : vector<1000x40xf32>
    %dot_general3A_41 = tpu.matmul %max3A_34, %get3A_40, %dot_general3A {dimension_numbers = #tpu.dot_dimension_numbers<[1], [0], [0], [1], [0, 0, 1, 1], [], []>, transpose_lhs_hint = false} : vector<1000x40xf32>, vector<40x40xf32>, vector<1000x40xf32> -> vector<1000x40xf32>
    %mul3A = vector.broadcast %rsqrt3A : vector<1000x1xf32> to vector<1000x40xf32>
    %mul3A_42 = arith.mulf %dot_general3A_41, %mul3A : vector<1000x40xf32>
    %swap3A = arith.constant 0 : index
    %swap3A_43 = arith.constant 0 : index
    %swap3A_44 = vector.load %arg6[%swap3A, %swap3A_43] : memref<1000x40xf32, #tpu.memory_space<vmem>>, vector<1000x40xf32>
    tpu.vector_store %arg6[%swap3A, %swap3A_43], %mul3A_42 {strides = array<i32>} : memref<1000x40xf32, #tpu.memory_space<vmem>>, vector<1000x40xf32>,
    return
  }
  func.func @transform_0(%arg0: i32) -> (i32, i32, i32) {
    %c0_i32 = arith.constant 0 : i32
    %c0_i32_0 = arith.constant 0 : i32
    %c0_i32_1 = arith.constant 0 : i32
    return %c0_i32, %arg0, %c0_i32_0 : i32, i32, i32
  }
  func.func @transform_1(%arg0: i32) -> (i32, i32, i32) {
    %c0_i32 = arith.constant 0 : i32
    %c0_i32_0 = arith.constant 0 : i32
    %c0_i32_1 = arith.constant 0 : i32
    return %c0_i32, %arg0, %c0_i32_0 : i32, i32, i32
  }
  func.func @transform_2(%arg0: i32) -> (i32, i32) {
    %c0_i32 = arith.constant 0 : i32
    %c0_i32_0 = arith.constant 0 : i32
    return %arg0, %c0_i32 : i32, i32
  }
  func.func @transform_3(%arg0: i32) -> (i32, i32) {
    %c0_i32 = arith.constant 0 : i32
    %c0_i32_0 = arith.constant 0 : i32
    %c0_i32_1 = arith.constant 0 : i32
    return %c0_i32, %c0_i32_0 : i32, i32
  }
  func.func @transform_4(%arg0: i32) -> (i32, i32) {
    %c0_i32 = arith.constant 0 : i32
    %c0_i32_0 = arith.constant 0 : i32
    %c0_i32_1 = arith.constant 0 : i32
    return %c0_i32, %c0_i32_0 : i32, i32
  }
  func.func @transform_5(%arg0: i32) -> (i32, i32) {
    %c0_i32 = arith.constant 0 : i32
    %c0_i32_0 = arith.constant 0 : i32
    return %arg0, %c0_i32 : i32, i32
  }
}

module attributes {stable_mosaic.version = 14 : i64} {
  func.func @_stage4_body(%arg0: i32, %arg1: memref<2x1000x40xf32, #tpu.memory_space<vmem>>, %arg2: memref<2x1000x16xf32, #tpu.memory_space<vmem>>, %arg3: memref<1000x40xf32, #tpu.memory_space<vmem>>, %arg4: memref<1x40xf32, #tpu.memory_space<vmem>>, %arg5: memref<1000x40xf32, #tpu.memory_space<vmem>>) attributes {dimension_semantics = [#tpu.dimension_semantics<arbitrary>], iteration_bounds = array<i64: 10>, scalar_prefetch = 0 : i64, scratch_operands = 0 : i64, tpu.core_type = #tpu.core_type<tc>, window_params = [{transform_indices = @transform_0, window_bounds = array<i64: 2, 1000, 40>}, {transform_indices = @transform_1, window_bounds = array<i64: 2, 1000, 16>}, {transform_indices = @transform_2, window_bounds = array<i64: 1000, 40>}, {pipeline_mode = #tpu.pipeline_mode<synchronous>, transform_indices = @transform_3, window_bounds = array<i64: 1, 40>}, {transform_indices = @transform_4, window_bounds = array<i64: 1000, 40>}]} {
    %get3A = arith.constant 0 : index
    %get3A_0 = arith.constant 0 : index
    %get3A_1 = arith.constant 0 : index
    %get3A_2 = vector.load %arg2[%get3A, %get3A_0, %get3A_1] : memref<2x1000x16xf32, #tpu.memory_space<vmem>>, vector<1x1000x1xf32>
    %get3A_3 = vector.shape_cast %get3A_2 : vector<1x1000x1xf32> to vector<1000x1xf32>
    %get3A_4 = arith.constant 1 : index
    %get3A_5 = arith.constant 0 : index
    %get3A_6 = arith.constant 0 : index
    %get3A_7 = vector.load %arg2[%get3A_4, %get3A_5, %get3A_6] : memref<2x1000x16xf32, #tpu.memory_space<vmem>>, vector<1x1000x1xf32>
    %get3A_8 = vector.shape_cast %get3A_7 : vector<1x1000x1xf32> to vector<1000x1xf32>
    %add3A = arith.addf %get3A_3, %get3A_8 : vector<1000x1xf32>
    %add3A_9 = arith.constant 1.000000e+00 : f32
    %add3A_10 = vector.broadcast %add3A_9 : f32 to vector<1000x1xf32>
    %add3A_11 = arith.addf %add3A, %add3A_10 : vector<1000x1xf32>
    %rsqrt3A = math.rsqrt %add3A_11 : vector<1000x1xf32>
    %get3A_12 = arith.constant 0 : index
    %get3A_13 = arith.constant 0 : index
    %get3A_14 = arith.constant 0 : index
    %get3A_15 = vector.load %arg1[%get3A_12, %get3A_13, %get3A_14] : memref<2x1000x40xf32, #tpu.memory_space<vmem>>, vector<1x1000x40xf32>
    %get3A_16 = vector.shape_cast %get3A_15 : vector<1x1000x40xf32> to vector<1000x40xf32>
    %get3A_17 = arith.constant 1 : index
    %get3A_18 = arith.constant 0 : index
    %get3A_19 = arith.constant 0 : index
    %get3A_20 = vector.load %arg1[%get3A_17, %get3A_18, %get3A_19] : memref<2x1000x40xf32, #tpu.memory_space<vmem>>, vector<1x1000x40xf32>
    %get3A_21 = vector.shape_cast %get3A_20 : vector<1x1000x40xf32> to vector<1000x40xf32>
    %add3A_22 = arith.addf %get3A_16, %get3A_21 : vector<1000x40xf32>
    %get3A_23 = arith.constant 0 : index
    %get3A_24 = arith.constant 0 : index
    %get3A_25 = vector.load %arg3[%get3A_23, %get3A_24] : memref<1000x40xf32, #tpu.memory_space<vmem>>, vector<1000x40xf32>
    %add3A_26 = arith.addf %add3A_22, %get3A_25 : vector<1000x40xf32>
    %mul3A = vector.broadcast %rsqrt3A : vector<1000x1xf32> to vector<1000x40xf32>
    %mul3A_27 = arith.mulf %mul3A, %add3A_26 : vector<1000x40xf32>
    %get3A_28 = arith.constant 0 : index
    %get3A_29 = arith.constant 0 : index
    %get3A_30 = vector.load %arg4[%get3A_28, %get3A_29] : memref<1x40xf32, #tpu.memory_space<vmem>>, vector<1x40xf32>
    %add3A_31 = vector.broadcast %get3A_30 : vector<1x40xf32> to vector<1000x40xf32>
    %add3A_32 = arith.addf %mul3A_27, %add3A_31 : vector<1000x40xf32>
    %swap3A = arith.constant 0 : index
    %swap3A_33 = arith.constant 0 : index
    %swap3A_34 = vector.load %arg5[%swap3A, %swap3A_33] : memref<1000x40xf32, #tpu.memory_space<vmem>>, vector<1000x40xf32>
    tpu.vector_store %arg5[%swap3A, %swap3A_33], %add3A_32 {strides = array<i32>} : memref<1000x40xf32, #tpu.memory_space<vmem>>, vector<1000x40xf32>,
    return
  }
  func.func @transform_0(%arg0: i32) -> (i32, i32, i32) {
    %c0_i32 = arith.constant 0 : i32
    %c0_i32_0 = arith.constant 0 : i32
    %c0_i32_1 = arith.constant 0 : i32
    return %c0_i32, %arg0, %c0_i32_0 : i32, i32, i32
  }
  func.func @transform_1(%arg0: i32) -> (i32, i32, i32) {
    %c0_i32 = arith.constant 0 : i32
    %c0_i32_0 = arith.constant 0 : i32
    %c0_i32_1 = arith.constant 0 : i32
    return %c0_i32, %arg0, %c0_i32_0 : i32, i32, i32
  }
  func.func @transform_2(%arg0: i32) -> (i32, i32) {
    %c0_i32 = arith.constant 0 : i32
    %c0_i32_0 = arith.constant 0 : i32
    return %arg0, %c0_i32 : i32, i32
  }
  func.func @transform_3(%arg0: i32) -> (i32, i32) {
    %c0_i32 = arith.constant 0 : i32
    %c0_i32_0 = arith.constant 0 : i32
    %c0_i32_1 = arith.constant 0 : i32
    return %c0_i32, %c0_i32_0 : i32, i32
  }
  func.func @transform_4(%arg0: i32) -> (i32, i32) {
    %c0_i32 = arith.constant 0 : i32
    %c0_i32_0 = arith.constant 0 : i32
    return %arg0, %c0_i32 : i32, i32
  }
}

</mosaic_0001>

<sc_bundles>
// kernel: kernel.11.cloned.1.call-start
scs
__scs_entry_jumppad:
0x0: {  	(pc) =	sbr.rel $0x88, $3  }
0x1: {  	(tag) =	ssettag $0x0;
	lr =	simm.s32 $0x1  }
0x2: {  	[smem:$0x3F97] =	sst lr;
	_ =	strace $0xD0000000  }
0x3: {  	_ = 	snop  }
0x4: {  	_ = 	snop  }
0x5: {  	_ = 	snop  }
0x6: {  	_ = 	snop  }
0x7: {  	_ = 	snop  }
__scs_overlays_trampoline_lowered:
0x8: {  	[smem:$0x3FA6] =	sst s0  }
0x9: {  	[smem:$0x3FA7] =	sst s1  }
0xa: {  	[smem:$0x3FA8] =	sst s2  }
0xb: {  	[smem:$0x3FA9] =	sst s3  }
0xc: {  	[smem:$0x3FAA] =	sst s4  }
0xd: {  	[smem:$0x3FAB] =	sst s5  }
0xe: {  	[smem:$0x3FAC] =	sst s6  }
0xf: {  	[smem:$0x3FAD] =	sst s7  }
0x10: {  	[smem:$0x3FAE] =	sst s8  }
0x11: {  	[smem:$0x3FAF] =	sst s9;
	s0 =	simm.s32 @!p0 $0x0  }
0x12: {  	s1 =	sld [smem:$0x3F95];
	s0 =	simm.s32 @p0 $0x1  }
0x13: {  	[smem:$0x3FB0] =	sst s0;
	s0 =	simm.s32 @!p1 $0x0  }
0x14: {  	s2 =	sld [smem:$0x3F94];
	s0 =	simm.s32 @p1 $0x1  }
0x15: {  	[smem:$0x3FB1] =	sst s0;
	s0 =	simm.s32 @!p2 $0x0  }
0x16: {  	s3 =	sld [smem:$0x3FDB];
	s0 =	simm.s32 @p2 $0x1  }
0x17: {  	s4 =	simm.s32 $0x1BF5;
	[smem:$0x3FB3] =	sst s0  }
0x18: {  	s0 =	sld [smem:$0x3F96];
	_ =	swait.ge [sflag:s4], $0x0  }
0x19: {  	s7 =	sld [smem:$0x3F97]  }
0x1a: {  	s8 =	sadd.s32 $0xFFFFE003, lr  }
0x1b: {  	s9 =	sadd.s32 $0xFFFFFEF7, lr;
	s5 =	simm.s32 $0xFFFFFFFF;
	p2 =	slt.u32 s8, $0xFFFFF086  }
0x1c: {  	p1 =	slt.u32 s9, $0xF7A;
	s5 =	simm.s32 @!p2 $0x0  }
0x1d: {  	s5 =	simm.s32 @p1 $0x1;
	p0 =	seq.s32 s7, s2  }
0x1e: {  	s7 =	smul.u32 @!p0 $0xF7A, s2;
	p2 =	seq.s32 @!p0 s5, $0x0  }
0x1f: {  	s9 =	smul.u32 $0xF7A, s1;
	s8 =	simm.s32 @!p0 $0x1BF5;
	p2 =	por !p2, p0  }
0x20: {  	[sflag:s8] =	ssyncset.s32 @!p0 $0xFFFFF086;
	s6 =	sadd.s32 @!p0 s3, s7;
	s7 =	simm.s32 @!p0 $0x108  }
0x21: {  	s3 =	sadd.s32 s3, s9;
	s6 =	sadd.s32 @!p0 $0x88, s6;
	s7 =	simm.s32 @p2 $0x1082  }
0x22: {  	[simem:s7], [sflag:s8] =	dma.local @!p0 [hbm:s6], $0xF7A  }
0x23: {  	s9 =	sor.u32 $0xD0000000, s2;
	s6 =	simm.s32 $0x108;
	_ =	swait.ge @!p0 [sflag:s8], $0x0  }
0x24: {  	s3 =	sadd.s32 $0x88, s3;
	s6 =	simm.s32 @!p1 $0x1082;
	[sflag:s4] =	ssyncset.s32 $0xFFFFF086  }
0x25: {  	[simem:s6], [sflag:s4] =	dma.local [hbm:s3], $0xF7A  }
0x26: {  	[smem:$0x3F97] =	sst s1;
	(tag) =	ssettag s2;
	_ =	strace s9  }
0x27: {  	s1 =	sld [smem:$0x3FA7]  }
0x28: {  	s2 =	sld [smem:$0x3FA8]  }
0x29: {  	s4 =	sld [smem:$0x3FAA]  }
0x2a: {  	p0 =	seq.s32 s5, $0x0;
	s5 =	sld [smem:$0x3FAB]  }
0x2b: {  	s6 =	sld [smem:$0x3FAC]  }
0x2c: {  	s7 =	sld [smem:$0x3FAD]  }
0x2d: {  	s3 =	simm.s32 $0x108;
	s8 =	sld [smem:$0x3FAE]  }
0x2e: {  	s3 =	simm.s32 @!p0 $0x1082;
	s9 =	sld [smem:$0x3FAF]  }
0x2f: {  	lr =	sadd.s32 s0, s3;
	s0 =	sld [smem:$0x3FA6]  }
0x30: {  	s3 =	sld [smem:$0x3FA9]  }
0x31: {  	[smem:$0x3FB2] =	sst s10  }
0x32: {  	s10 =	sld [smem:$0x3FB0];
	_ =	sdelay $0x3  }
0x33: {  	p0 =	seq.s32 s10, $0x1;
	s10 =	sld [smem:$0x3FB2];
	_ =	sdelay $0x3  }
0x34: {  	[smem:$0x3FB2] =	sst s10  }
0x35: {  	s10 =	sld [smem:$0x3FB1];
	_ =	sdelay $0x3  }
0x36: {  	p1 =	seq.s32 s10, $0x1;
	s10 =	sld [smem:$0x3FB2];
	_ =	sdelay $0x3  }
0x37: {  	[smem:$0x3FB2] =	sst s10  }
0x38: {  	s10 =	sld [smem:$0x3FB3]  }
0x39: {  	_ = 	snop;
	(pc) =	sbr.ind lr, $3  }
0x3a: {  	_ = 	snop  }
0x3b: {  	_ = 	snop  }
0x3c: {  	p2 =	seq.s32 s10, $0x1;
	s10 =	sld [smem:$0x3FB2]  }
0x3d: {  	_ =	shalt  }
0x3e: {  	_ =	shalt  }
0x3f: {  	_ =	shalt  }
0x40: {  	_ =	shalt  }
0x41: {  	_ =	shalt  }
0x42: {  	_ =	shalt  }
0x43: {  	_ =	shalt  }
0x44: {  	_ =	shalt  }
0x45: {  	_ =	shalt  }
0x46: {  	_ =	shalt  }
0x47: {  	_ =	shalt  }
0x48: {  	_ =	shalt  }
0x49: {  	_ =	shalt  }
0x4a: {  	_ =	shalt  }
0x4b: {  	_ =	shalt  }
0x4c: {  	_ =	shalt  }
0x4d: {  	_ =	shalt  }
0x4e: {  	_ =	shalt  }
0x4f: {  	_ =	shalt  }
0x50: {  	_ =	shalt  }
0x51: {  	_ =	shalt  }
0x52: {  	_ =	shalt  }
0x53: {  	_ =	shalt  }
0x54: {  	_ =	shalt  }
0x55: {  	_ =	shalt  }
0x56: {  	_ =	shalt  }
0x57: {  	_ =	shalt  }
0x58: {  	_ =	shalt  }
0x59: {  	_ =	shalt  }
0x5a: {  	_ =	shalt  }
0x5b: {  	_ =	shalt  }
0x5c: {  	_ =	shalt  }
0x5d: {  	_ =	shalt  }
0x5e: {  	_ =	shalt  }
0x5f: {  	_ =	shalt  }
0x60: {  	_ =	shalt  }
0x61: {  	_ =	shalt  }
0x62: {  	_ =	shalt  }
0x63: {  	_ =	shalt  }
0x64: {  	_ =	shalt  }
0x65: {  	_ =	shalt  }
0x66: {  	_ =	shalt  }
0x67: {  	_ =	shalt  }
0x68: {  	_ =	shalt  }
0x69: {  	_ =	shalt  }
0x6a: {  	_ =	shalt  }
0x6b: {  	_ =	shalt  }
0x6c: {  	_ =	shalt  }
0x6d: {  	_ =	shalt  }
0x6e: {  	_ =	shalt  }
0x6f: {  	_ =	shalt  }
0x70: {  	_ =	shalt  }
0x71: {  	_ =	shalt  }
0x72: {  	_ =	shalt  }
0x73: {  	_ =	shalt  }
0x74: {  	_ =	shalt  }
0x75: {  	_ =	shalt  }
0x76: {  	_ =	shalt  }
0x77: {  	_ =	shalt  }
0x78: {  	_ =	shalt  }
0x79: {  	_ =	shalt  }
0x7a: {  	_ =	shalt  }
0x7b: {  	_ =	shalt  }
0x7c: {  	_ =	shalt  }
0x7d: {  	_ =	shalt  }
0x7e: {  	_ =	shalt  }
0x7f: {  	_ =	shalt  }
0x80: {  	_ =	shalt  }
0x81: {  	_ =	shalt  }
0x82: {  	_ =	shalt  }
0x83: {  	_ =	shalt  }
0x84: {  	_ =	shalt  }
0x85: {  	_ =	shalt  }
0x86: {  	_ =	shalt  }
0x87: {  	_ =	shalt  }
.Lfunc_end0:
.L_simem_size_0:
called_computation.1_lowered:
.L_overlay_start_0:
0x88: {  	s2 =	sld [smem:$0x3FD9]  }
0x89: {  	s3 =	sld [smem:$0x3FFE];
	_ =	sdelay $0x1  }
0x8a: {  	s1 =	srdreg.scid  }
0x8b: {  	s0 =	sand.u32 $0x1, s1  }
0x8c: {  	s17 =	sshll.u32 s0, $0xA;
	s2 =	sadd.s32 s3, s2  }
0x8d: {  	s2 =	sadd.s32 s2, s17  }
0x8e: {  	[smem:$0x3FBE] =	sst s2  }
0x8f: {  	_ = 	snop  }
0x90: {  	s2 =	sld [smem:$0x3FD0];
	(tm) =	ssettm $0x1  }
0x91: {  	s18 =	sld [smem:$0x3FFB];
	_ =	sdelay $0x3  }
0x92: {  	_ =	strace s18  }
0x93: {  	s3 =	sld [smem:$0x3FFC];
	_ =	sdelay $0x3  }
0x94: {  	_ =	strace s3  }
0x95: {  	s3 =	sld [smem:$0x3FFD];
	_ =	sdelay $0x3  }
0x96: {  	_ =	strace s3  }
0x97: {  	_ =	strace $0x8FFFFFFF  }
0x98: {  	s19 =	sld [smem:$0x3FDB];
	_ =	sdelay $0x1  }
0x99: {  	s4 =	simm.s32 $_scs_section_size  }
0x9a: {  	s5 =	simm.s32 $_size__tile_overlayer_lowered;
	s6 =	simm.s32 $_tile_overlayer_lowered  }
0x9b: {  	s22 =	simm.s32 $0x1BFF;
	s21 =	sshll.u32 s6, $0x1;
	s3 =	sadd.s32 s4, s19  }
0x9c: {  	s7 =	simm.s32 $0x0;
	s20 =	sshll.u32 s5, $0x1;
	s5 =	sadd.s32 s21, s3  }
0x9d: {  	[timem:s7], [sflag:s22] =	dma.local [hbm:s5], s20  }
0x9e: {  	_ =	swait.ge [sflag:s22], s20  }
0x9f: {  	s4 =	ssub.s32 $0x0, s20;
	[sflag:s22] =	ssyncset.done $0x0  }
0xa0: {  	[sflag:s22] =	ssyncadd.s32 s4;
	_ =	sdelay $0x1  }
0xa1: {  	s23 =	simm.s32 $0x1B8B  }
0xa2: {  	_ =	swait.ge [sflag:s23], $0x1  }
0xa3: {  	[sflag:s23] =	ssyncset.done $0x0  }
0xa4: {  	s25 =	simm.s32 $0x1B8E;
	s24 =	sld [smem:$0x3FFE];
	[sflag:s23] =	ssyncadd.s32 $0xFFFFFFFF  }
0xa5: {  	s26 =	simm.s32 $execute0_lowered;
	[smem:$0x3FD2] =	sst s25  }
0xa6: {  	s5 =	sshll.u32 s26, $0x1;
	_ =	strace $0x80000049;
	[dreg:$0x1] =	wrdreg $0xFFFFFFFF  }
0xa7: {  	s28 =	simm.s32 $_size_execute0_lowered;
	s3 =	sadd.s32 s3, s5;
	[dreg:$0x0] =	wrdreg $0x0  }
0xa8: {  	s5 =	sshll.u32 s28, $0x1;
	[dreg:$0x2] =	wrdreg s3  }
0xa9: {  	[dreg:$0x3] =	wrdreg s5  }
0xaa: {  	[dreg:$0x4] =	wrdreg $0xC0  }
0xab: {  	_ =	task [dreg:s7], $0x5FFFF  }
0xac: {  	[dreg:$0x1] =	wrdreg $0xFFFFFFFF  }
0xad: {  	[dreg:$0x0] =	wrdreg $0x60  }
0xae: {  	[dreg:$0x2] =	wrdreg s2  }
0xaf: {  	[dreg:$0x3] =	wrdreg s24  }
0xb0: {  	[dreg:$0x4] =	wrdreg $0xF0000  }
0xb1: {  	[dreg:$0x5] =	wrdreg $0x9  }
0xb2: {  	_ =	task.clear_ibuf [dreg:s7], $0x6FFFF;
	_ =	strace $0x90000049  }
0xb3: {  	s29 =	simm.s32 $0x9;
	_ =	strace $0x8000004B  }
0xb4: {  	_ =	swait.ge [sflag:s29], $0x1  }
0xb5: {  	[sflag:s29] =	ssyncadd.s32 $0xFFFFFFFF  }
0xb6: {  	_ =	strace $0x9000004B  }
0xb7: {  	_ =	sfence  }
0xb8: {  	s30 =	sld [smem:$0x0];
	_ =	sdelay $0x2  }
0xb9: {  	s31 =	sshll.u32 s1, $0xD;
	s1 =	sshrl.u32 s1, $0x2  }
0xba: {  	s3 =	sand.u32 $0x4000, s31;
	s1 =	sadd.s32 s1, s30  }
0xbb: {  	s0 =	sor.u32 s3, s0;
	s1 =	sshll.u32 s1, $0x11  }
0xbc: {  	s0 =	sor.u32 s1, s0  }
0xbd: {  	s0 =	sadd.s32 $0x8F2B, s0  }
0xbe: {  	[sflag:s0] =	ssyncadd.remote.s32 $0x1  }
0xbf: {  	_ =	sfence.sel $0xFFFF  }
0xc0: {  	[dreg:$0x0] =	wrdreg $0xFFFFFFFF;
	(pc) =	sbr.abs _section_cstart, $3  }
0xc1: {  	[dreg:$0x1] =	wrdreg $0xFFFFFFFF  }
0xc2: {  	_ =	task.clear_ibuf [dreg:s7], $0x2FFFF;
	_ =	strace $0x9FFFFFFF  }
0xc3: {  	(tm) =	ssettm $0x7FFFFFFF  }
tec
execute0_lowered:
.L_overlay_start_1:
0x0: {  	(tag) =	ssettag $0x1  }
0x1: {  	s1 =	rddreg [dreg:$0x0]  }
0x2: {  	s0 =	srdreg.scid;
	s4 =	rddreg [dreg:$0x1]  }
0x3: {  	s9 =	stileid.u32;
	s3 =	rddreg [dreg:$0x2];
	s6 =	simm.s32 $0x0  }
0x4: {  	s14 =	simm.s32 $0x80;
	s15 =	simm.s32 $0x5000;
	s16 =	simm.s32 $0x6400  }
0x5: {  	s18 =	simm.s32 $0x7800;
	s20 =	simm.s32 $0x8C00;
	s22 =	simm.s32 $0xA000  }
0x6: {  	s29 =	simm.s32 $0xDC00;
	s30 =	simm.s32 $0x1;
	s31 =	simm.s32 $0x2  }
0x7: {  	s13 =	simm.s32 $0x5;
	s17 =	simm.s32 $0x6;
	s19 =	simm.s32 $0x7  }
0x8: {  	s21 =	simm.s32 $0x8;
	s28 =	simm.s32 $0xB;
	s10 =	simm.s32 $0x10  }
0x9: {  	s0 =	sand.u32 $0x1, s0;
	s5 =	smul.u32 $0x6400, s9;
	[smem:$0x7FF] =	sst s6  }
0xa: {  	s25 =	sshll.u32 s9, $0x6;
	s2 =	sshll.u32 s0, $0x4;
	s23 =	smul.u32 $0x64000, s0  }
0xb: {  	_ =	strace $0x8000004A;
	s0 =	ssub.s32 $0x2, s0;
	s11 =	sor.u32 $0x1C11, s25  }
0xc: {  	s25 =	simm.s32 $0xA;
	s2 =	sor.u32 s9, s2;
	s7 =	sshrl.u32 s5, $0x3  }
0xd: {  	s8 =	sshrl.u32 s0, $0x1;
	s9 =	simm.s32 $0xF;
	[dreg:$0x5] =	wrdreg s11  }
0xe: {  	s2 =	smul.u32 $0x500, s2;
	s6 =	sadd.s32 s5, s23;
	s7 =	sadd.s32 s7, s4  }
0xf: {  	s0 =	ssub.s32 s0, s8;
	s5 =	sadd.s32 s5, s3;
	s23 =	simm.s32 $0x9  }
0x10: {  	s8 =	simm.s32 $0xE;
	s6 =	sshrl.u32 s6, $0x3;
	s24 =	sadd.s32 $0x16400, s7  }
0x11: {  	s0 =	smax.u32 s0, $0x1;
	s12 =	sshrl.u32 s5, $0x3;
	[dreg:$0x4] =	wrdreg s24  }
0x12: {  	s5 =	simm.s32 $0xC;
	s2 =	sadd.s32 s2, s4;
	[dreg:$0x9] =	wrdreg s0  }
0x13: {  	s4 =	sadd.s32 s6, s4;
	s6 =	simm.s32 $0x0;
	[dreg:$0xa] =	wrdreg s12  }
0x14: {  	s7 =	simm.s32 $0xD;
	s26 =	sadd.s32 $0x2400, s2;
	[dreg:$0xb] =	wrdreg s6  }
0x15: {  	s24 =	simm.s32 $0xB400;
	s2 =	sadd.s32 $0xC400, s2;
	[dreg:$0x6] =	wrdreg s26  }
0x16: {  	s0 =	simm.s32 $0x4;
	s4 =	sadd.s32 $0x22C00, s4;
	[dreg:$0x7] =	wrdreg s2  }
0x17: {  	[dreg:$0x8] =	wrdreg s4;
	s26 =	simm.s32 $0xC800;
	s2 =	simm.s32 $0x3  }
.LBB2_1:
0x18: {  	s4 =	simm.s32 $0x11;
	s6 =	rddreg [dreg:$0x4]  }
0x19: {  	[spmem:s12], [sflag:s11] =	dma.local [hbm:s6], $0xC80  }
0x1a: {  	_ =	swait.ge [sflag:s4], $0xC80  }
0x1b: {  	[sflag:s4] =	ssyncset.done $0x0  }
0x1c: {  	[sflag:s4] =	ssyncadd.s32 $0xFFFFF380  }
0x1d: {  	[bflag:$0x0] =	sbarrier.arrive $0xFFFF  }
0x1e: {  	s6 =	simm.s32 $0x0;
	s12 =	rddreg [dreg:$0x6]  }
0x1f: {  	[tilespmem:s6], [sflag:$0x11] =	stream.linear.gather [hbm4b:s12+s6], $0x2800, $0x38;
	[tilespmem:$0x15400] =	vst v63  }
0x20: {  	_ =	swait.ge [sflag:s4], $0x2800  }
0x21: {  	[sflag:s4] =	ssyncset.done $0x0  }
0x22: {  	s12 =	simm.s32 $0x2800;
	s11 =	rddreg [dreg:$0x7];
	[sflag:s4] =	ssyncadd.s32 $0xFFFFD800  }
0x23: {  	[tilespmem:s12], [sflag:$0x11] =	stream.linear.gather [hbm4b:s11+s6], $0x2800, $0x38;
	[tilespmem:$0x15400] =	vst v63  }
0x24: {  	_ =	swait.ge [sflag:s4], $0x2800  }
0x25: {  	[sflag:s4] =	ssyncset.done $0x0  }
0x26: {  	[sflag:s4] =	ssyncadd.s32 $0xFFFFD800  }
0x27: {  	[tilespmem:s15], [sflag:$0x1] =	stream.indirect.gather [hbm4b:s1+s14], $0x28, s6, s14, $0xb8;
	[tilespmem:$0x15400] =	vst v63  }
0x28: {  	_ = 	snop  }
0x29: {  	[tilespmem:s16], [sflag:$0x2] =	stream.indirect.gather [hbm4b:s1+s14], $0x28, s14, s14, $0xb8;
	[tilespmem:$0x15400] =	vst v63  }
0x2a: {  	s6 =	simm.s32 $0x100  }
0x2b: {  	[tilespmem:s18], [sflag:$0x3] =	stream.indirect.gather [hbm4b:s1+s14], $0x28, s6, s14, $0xb8;
	[tilespmem:$0x15400] =	vst v63  }
0x2c: {  	s11 =	simm.s32 $0x180  }
0x2d: {  	[tilespmem:s20], [sflag:$0x4] =	stream.indirect.gather [hbm4b:s1+s14], $0x28, s11, s14, $0xb8;
	[tilespmem:$0x15400] =	vst v63  }
0x2e: {  	s12 =	simm.s32 $0x200  }
0x2f: {  	[tilespmem:s22], [sflag:$0x5] =	stream.indirect.gather [hbm4b:s1+s14], $0x28, s12, s14, $0xb8;
	[tilespmem:$0x15400] =	vst v63  }
0x30: {  	s6 =	simm.s32 $0x280  }
0x31: {  	[tilespmem:s24], [sflag:$0x6] =	stream.indirect.gather [hbm4b:s1+s14], $0x28, s6, s14, $0xb8;
	[tilespmem:$0x15400] =	vst v63  }
0x32: {  	s11 =	simm.s32 $0x300  }
0x33: {  	[tilespmem:s26], [sflag:$0x7] =	stream.indirect.gather [hbm4b:s1+s14], $0x28, s11, s14, $0xb8;
	[tilespmem:$0x15400] =	vst v63  }
0x34: {  	s12 =	simm.s32 $0x380  }
0x35: {  	[tilespmem:s29], [sflag:$0x8] =	stream.indirect.gather [hbm4b:s1+s14], $0x28, s12, s14, $0xb8;
	[tilespmem:$0x15400] =	vst v63  }
0x36: {  	_ =	swait.ge [sflag:s30], $0x1400  }
0x37: {  	[sflag:s30] =	ssyncset.done $0x0  }
0x38: {  	s4 =	simm.s32 $0x2800;
	[sflag:s30] =	ssyncadd.s32 $0xFFFFEC00  }
0x39: {  	[spmem:s3] =	stream.indirect.scatter.add.f32 [tilespmem:s15], [sflag:$0x9], $0x28, s4, s14, $0xb8;
	[tilespmem:$0x15400] =	vst v63  }
0x3a: {  	_ =	swait.ge [sflag:s31], $0x1400  }
0x3b: {  	[sflag:s31] =	ssyncset.done $0x0  }
0x3c: {  	s11 =	simm.s32 $0x2880;
	[sflag:s31] =	ssyncadd.s32 $0xFFFFEC00  }
0x3d: {  	[spmem:s3] =	stream.indirect.scatter.add.f32 [tilespmem:s16], [sflag:$0xA], $0x28, s11, s14, $0xb8;
	[tilespmem:$0x15400] =	vst v63  }
0x3e: {  	_ =	swait.ge [sflag:s2], $0x1400  }
0x3f: {  	[sflag:s2] =	ssyncset.done $0x0  }
0x40: {  	s12 =	simm.s32 $0x2900;
	[sflag:s2] =	ssyncadd.s32 $0xFFFFEC00  }
0x41: {  	[spmem:s3] =	stream.indirect.scatter.add.f32 [tilespmem:s18], [sflag:$0xB], $0x28, s12, s14, $0xb8;
	[tilespmem:$0x15400] =	vst v63  }
0x42: {  	_ =	swait.ge [sflag:s0], $0x1400  }
0x43: {  	[sflag:s0] =	ssyncset.done $0x0  }
0x44: {  	s4 =	simm.s32 $0x2980;
	[sflag:s0] =	ssyncadd.s32 $0xFFFFEC00  }
0x45: {  	[spmem:s3] =	stream.indirect.scatter.add.f32 [tilespmem:s20], [sflag:$0xC], $0x28, s4, s14, $0xb8;
	[tilespmem:$0x15400] =	vst v63  }
0x46: {  	_ =	swait.ge [sflag:s13], $0x1400  }
0x47: {  	[sflag:s13] =	ssyncset.done $0x0  }
0x48: {  	s11 =	simm.s32 $0x2A00;
	[sflag:s13] =	ssyncadd.s32 $0xFFFFEC00  }
0x49: {  	[spmem:s3] =	stream.indirect.scatter.add.f32 [tilespmem:s22], [sflag:$0xD], $0x28, s11, s14, $0xb8;
	[tilespmem:$0x15400] =	vst v63  }
0x4a: {  	_ =	swait.ge [sflag:s17], $0x1400  }
0x4b: {  	[sflag:s17] =	ssyncset.done $0x0  }
0x4c: {  	s12 =	simm.s32 $0x2A80;
	[sflag:s17] =	ssyncadd.s32 $0xFFFFEC00  }
0x4d: {  	[spmem:s3] =	stream.indirect.scatter.add.f32 [tilespmem:s24], [sflag:$0xE], $0x28, s12, s14, $0xb8;
	[tilespmem:$0x15400] =	vst v63  }
0x4e: {  	_ =	swait.ge [sflag:s19], $0x1400  }
0x4f: {  	[sflag:s19] =	ssyncset.done $0x0  }
0x50: {  	s4 =	simm.s32 $0x2B00;
	[sflag:s19] =	ssyncadd.s32 $0xFFFFEC00  }
0x51: {  	[spmem:s3] =	stream.indirect.scatter.add.f32 [tilespmem:s26], [sflag:$0xF], $0x28, s4, s14, $0xb8;
	[tilespmem:$0x15400] =	vst v63  }
0x52: {  	_ =	swait.ge [sflag:s21], $0x1400  }
0x53: {  	[sflag:s21] =	ssyncset.done $0x0  }
0x54: {  	s11 =	simm.s32 $0x2B80;
	[sflag:s21] =	ssyncadd.s32 $0xFFFFEC00  }
0x55: {  	[spmem:s3] =	stream.indirect.scatter.add.f32 [tilespmem:s29], [sflag:$0x10], $0x28, s11, s14, $0xb8;
	[tilespmem:$0x15400] =	vst v63  }
0x56: {  	_ =	swait.ge [sflag:s23], $0x1400  }
0x57: {  	[sflag:s23] =	ssyncset.done $0x0  }
0x58: {  	s12 =	simm.s32 $0x400;
	[sflag:s23] =	ssyncadd.s32 $0xFFFFEC00  }
0x59: {  	[tilespmem:s15], [sflag:$0x1] =	stream.indirect.gather [hbm4b:s1+s14], $0x28, s12, s14, $0xb8;
	[tilespmem:$0x15400] =	vst v63  }
0x5a: {  	_ =	swait.ge [sflag:s25], $0x1400  }
0x5b: {  	[sflag:s25] =	ssyncset.done $0x0  }
0x5c: {  	s4 =	simm.s32 $0x480;
	[sflag:s25] =	ssyncadd.s32 $0xFFFFEC00  }
0x5d: {  	[tilespmem:s16], [sflag:$0x2] =	stream.indirect.gather [hbm4b:s1+s14], $0x28, s4, s14, $0xb8;
	[tilespmem:$0x15400] =	vst v63  }
0x5e: {  	_ =	swait.ge [sflag:s28], $0x1400  }
0x5f: {  	[sflag:s28] =	ssyncset.done $0x0  }
0x60: {  	s11 =	simm.s32 $0x500;
	[sflag:s28] =	ssyncadd.s32 $0xFFFFEC00  }
0x61: {  	[tilespmem:s18], [sflag:$0x3] =	stream.indirect.gather [hbm4b:s1+s14], $0x28, s11, s14, $0xb8;
	[tilespmem:$0x15400] =	vst v63  }
0x62: {  	_ =	swait.ge [sflag:s5], $0x1400  }
0x63: {  	[sflag:s5] =	ssyncset.done $0x0  }
0x64: {  	s12 =	simm.s32 $0x580;
	[sflag:s5] =	ssyncadd.s32 $0xFFFFEC00  }
0x65: {  	[tilespmem:s20], [sflag:$0x4] =	stream.indirect.gather [hbm4b:s1+s14], $0x28, s12, s14, $0xb8;
	[tilespmem:$0x15400] =	vst v63  }
0x66: {  	_ =	swait.ge [sflag:s7], $0x1400  }
0x67: {  	[sflag:s7] =	ssyncset.done $0x0  }
0x68: {  	s4 =	simm.s32 $0x600;
	[sflag:s7] =	ssyncadd.s32 $0xFFFFEC00  }
0x69: {  	[tilespmem:s22], [sflag:$0x5] =	stream.indirect.gather [hbm4b:s1+s14], $0x28, s4, s14, $0xb8;
	[tilespmem:$0x15400] =	vst v63  }
0x6a: {  	_ =	swait.ge [sflag:s8], $0x1400  }
0x6b: {  	[sflag:s8] =	ssyncset.done $0x0  }
0x6c: {  	s11 =	simm.s32 $0x680;
	[sflag:s8] =	ssyncadd.s32 $0xFFFFEC00  }
0x6d: {  	[tilespmem:s24], [sflag:$0x6] =	stream.indirect.gather [hbm4b:s1+s14], $0x28, s11, s14, $0xb8;
	[tilespmem:$0x15400] =	vst v63  }
0x6e: {  	_ =	swait.ge [sflag:s9], $0x1400  }
0x6f: {  	[sflag:s9] =	ssyncset.done $0x0  }
0x70: {  	s12 =	simm.s32 $0x700;
	[sflag:s9] =	ssyncadd.s32 $0xFFFFEC00  }
0x71: {  	[tilespmem:s26], [sflag:$0x7] =	stream.indirect.gather [hbm4b:s1+s14], $0x28, s12, s14, $0xb8;
	[tilespmem:$0x15400] =	vst v63  }
0x72: {  	_ =	swait.ge [sflag:s10], $0x1400  }
0x73: {  	[sflag:s10] =	ssyncset.done $0x0  }
0x74: {  	s6 =	simm.s32 $0x1000;
	s11 =	simm.s32 $0x780;
	[sflag:s10] =	ssyncadd.s32 $0xFFFFEC00  }
.LBB2_2:
0x75: {  	[tilespmem:s29], [sflag:$0x8] =	stream.indirect.gather [hbm4b:s1+s14], $0x28, s11, s14, $0xb8;
	[tilespmem:$0x15400] =	vst v63  }
0x76: {  	s11 =	smov.u32 s6  }
0x77: {  	p0 =	sne.s32 s6, $0x8000;
	s6 =	sadd.s32 $0x1000, s6;
	_ =	swait.ge [sflag:s30], $0x1400  }
0x78: {  	s11 =	sshra.s32 s11, $0x2;
	[sflag:s30] =	ssyncset.done $0x0  }
0x79: {  	s12 =	sadd.s32 $0x2800, s11;
	[sflag:s30] =	ssyncadd.s32 $0xFFFFEC00  }
0x7a: {  	[spmem:s3] =	stream.indirect.scatter.add.f32 [tilespmem:s15], [sflag:$0x9], $0x28, s12, s14, $0xb8;
	[tilespmem:$0x15400] =	vst v63  }
0x7b: {  	_ =	swait.ge [sflag:s31], $0x1400  }
0x7c: {  	[sflag:s31] =	ssyncset.done $0x0  }
0x7d: {  	s12 =	sadd.s32 $0x2880, s11;
	[sflag:s31] =	ssyncadd.s32 $0xFFFFEC00  }
0x7e: {  	[spmem:s3] =	stream.indirect.scatter.add.f32 [tilespmem:s16], [sflag:$0xA], $0x28, s12, s14, $0xb8;
	[tilespmem:$0x15400] =	vst v63  }
0x7f: {  	_ =	swait.ge [sflag:s2], $0x1400  }
0x80: {  	[sflag:s2] =	ssyncset.done $0x0  }
0x81: {  	s12 =	sadd.s32 $0x2900, s11;
	[sflag:s2] =	ssyncadd.s32 $0xFFFFEC00  }
0x82: {  	[spmem:s3] =	stream.indirect.scatter.add.f32 [tilespmem:s18], [sflag:$0xB], $0x28, s12, s14, $0xb8;
	[tilespmem:$0x15400] =	vst v63  }
0x83: {  	_ =	swait.ge [sflag:s0], $0x1400  }
0x84: {  	[sflag:s0] =	ssyncset.done $0x0  }
0x85: {  	s12 =	sadd.s32 $0x2980, s11;
	[sflag:s0] =	ssyncadd.s32 $0xFFFFEC00  }
0x86: {  	[spmem:s3] =	stream.indirect.scatter.add.f32 [tilespmem:s20], [sflag:$0xC], $0x28, s12, s14, $0xb8;
	[tilespmem:$0x15400] =	vst v63  }
0x87: {  	_ =	swait.ge [sflag:s13], $0x1400  }
0x88: {  	[sflag:s13] =	ssyncset.done $0x0  }
0x89: {  	s12 =	sadd.s32 $0x2A00, s11;
	[sflag:s13] =	ssyncadd.s32 $0xFFFFEC00  }
0x8a: {  	[spmem:s3] =	stream.indirect.scatter.add.f32 [tilespmem:s22], [sflag:$0xD], $0x28, s12, s14, $0xb8;
	[tilespmem:$0x15400] =	vst v63  }
0x8b: {  	_ =	swait.ge [sflag:s17], $0x1400  }
0x8c: {  	[sflag:s17] =	ssyncset.done $0x0  }
0x8d: {  	s12 =	sadd.s32 $0x2A80, s11;
	[sflag:s17] =	ssyncadd.s32 $0xFFFFEC00  }
0x8e: {  	[spmem:s3] =	stream.indirect.scatter.add.f32 [tilespmem:s24], [sflag:$0xE], $0x28, s12, s14, $0xb8;
	[tilespmem:$0x15400] =	vst v63  }
0x8f: {  	_ =	swait.ge [sflag:s19], $0x1400  }
0x90: {  	[sflag:s19] =	ssyncset.done $0x0  }
0x91: {  	s12 =	sadd.s32 $0x2B00, s11;
	[sflag:s19] =	ssyncadd.s32 $0xFFFFEC00  }
0x92: {  	[spmem:s3] =	stream.indirect.scatter.add.f32 [tilespmem:s26], [sflag:$0xF], $0x28, s12, s14, $0xb8;
	[tilespmem:$0x15400] =	vst v63  }
0x93: {  	_ =	swait.ge [sflag:s21], $0x1400  }
0x94: {  	[sflag:s21] =	ssyncset.done $0x0  }
0x95: {  	s12 =	sadd.s32 $0x2B80, s11;
	[sflag:s21] =	ssyncadd.s32 $0xFFFFEC00  }
0x96: {  	[spmem:s3] =	stream.indirect.scatter.add.f32 [tilespmem:s29], [sflag:$0x10], $0x28, s12, s14, $0xb8;
	[tilespmem:$0x15400] =	vst v63  }
0x97: {  	_ =	swait.ge [sflag:s23], $0x1400  }
0x98: {  	[sflag:s23] =	ssyncset.done $0x0  }
0x99: {  	s12 =	sadd.s32 $0x400, s11;
	[sflag:s23] =	ssyncadd.s32 $0xFFFFEC00  }
0x9a: {  	[tilespmem:s15], [sflag:$0x1] =	stream.indirect.gather [hbm4b:s1+s14], $0x28, s12, s14, $0xb8;
	[tilespmem:$0x15400] =	vst v63  }
0x9b: {  	_ =	swait.ge [sflag:s25], $0x1400  }
0x9c: {  	[sflag:s25] =	ssyncset.done $0x0  }
0x9d: {  	s12 =	sadd.s32 $0x480, s11;
	[sflag:s25] =	ssyncadd.s32 $0xFFFFEC00  }
0x9e: {  	[tilespmem:s16], [sflag:$0x2] =	stream.indirect.gather [hbm4b:s1+s14], $0x28, s12, s14, $0xb8;
	[tilespmem:$0x15400] =	vst v63  }
0x9f: {  	_ =	swait.ge [sflag:s28], $0x1400  }
0xa0: {  	[sflag:s28] =	ssyncset.done $0x0  }
0xa1: {  	s12 =	sadd.s32 $0x500, s11;
	[sflag:s28] =	ssyncadd.s32 $0xFFFFEC00  }
0xa2: {  	[tilespmem:s18], [sflag:$0x3] =	stream.indirect.gather [hbm4b:s1+s14], $0x28, s12, s14, $0xb8;
	[tilespmem:$0x15400] =	vst v63  }
0xa3: {  	_ =	swait.ge [sflag:s5], $0x1400  }
0xa4: {  	[sflag:s5] =	ssyncset.done $0x0  }
0xa5: {  	s12 =	sadd.s32 $0x580, s11;
	[sflag:s5] =	ssyncadd.s32 $0xFFFFEC00  }
0xa6: {  	[tilespmem:s20], [sflag:$0x4] =	stream.indirect.gather [hbm4b:s1+s14], $0x28, s12, s14, $0xb8;
	[tilespmem:$0x15400] =	vst v63  }
0xa7: {  	_ =	swait.ge [sflag:s7], $0x1400  }
0xa8: {  	[sflag:s7] =	ssyncset.done $0x0  }
0xa9: {  	s12 =	sadd.s32 $0x600, s11;
	[sflag:s7] =	ssyncadd.s32 $0xFFFFEC00  }
0xaa: {  	[tilespmem:s22], [sflag:$0x5] =	stream.indirect.gather [hbm4b:s1+s14], $0x28, s12, s14, $0xb8;
	[tilespmem:$0x15400] =	vst v63  }
0xab: {  	_ =	swait.ge [sflag:s8], $0x1400  }
0xac: {  	[sflag:s8] =	ssyncset.done $0x0  }
0xad: {  	s12 =	sadd.s32 $0x680, s11;
	[sflag:s8] =	ssyncadd.s32 $0xFFFFEC00  }
0xae: {  	[tilespmem:s24], [sflag:$0x6] =	stream.indirect.gather [hbm4b:s1+s14], $0x28, s12, s14, $0xb8;
	[tilespmem:$0x15400] =	vst v63  }
0xaf: {  	_ =	swait.ge [sflag:s9], $0x1400  }
0xb0: {  	[sflag:s9] =	ssyncset.done $0x0  }
.Ltmp0:
0xb1: {  	s12 =	sadd.s32 $0x700, s11;
	[sflag:s9] =	ssyncadd.s32 $0xFFFFEC00;
	(pc) =	sbr.rel @p0 .LBB2_2-.Ltmp0, $4  }
0xb2: {  	[tilespmem:s26], [sflag:$0x7] =	stream.indirect.gather [hbm4b:s1+s14], $0x28, s12, s14, $0xb8;
	[tilespmem:$0x15400] =	vst v63  }
0xb3: {  	_ =	swait.ge [sflag:s10], $0x1400  }
0xb4: {  	[sflag:s10] =	ssyncset.done $0x0  }
0xb5: {  	s11 =	sadd.s32 $0x780, s11;
	[sflag:s10] =	ssyncadd.s32 $0xFFFFEC00  }
0xb6: {  	[tilespmem:s29], [sflag:$0x8] =	stream.indirect.gather [hbm4b:s1+s14], $0x28, s11, s14, $0xb8;
	[tilespmem:$0x15400] =	vst v63  }
0xb7: {  	_ =	swait.ge [sflag:s30], $0x1400  }
0xb8: {  	[sflag:s30] =	ssyncset.done $0x0  }
0xb9: {  	s4 =	simm.s32 $0x4C00;
	[sflag:s30] =	ssyncadd.s32 $0xFFFFEC00  }
0xba: {  	[spmem:s3] =	stream.indirect.scatter.add.f32 [tilespmem:s15], [sflag:$0x9], $0x28, s4, s14, $0xb8;
	[tilespmem:$0x15400] =	vst v63  }
0xbb: {  	_ =	swait.ge [sflag:s31], $0x1400  }
0xbc: {  	[sflag:s31] =	ssyncset.done $0x0  }
0xbd: {  	s12 =	simm.s32 $0x4C80;
	[sflag:s31] =	ssyncadd.s32 $0xFFFFEC00  }
0xbe: {  	[spmem:s3] =	stream.indirect.scatter.add.f32 [tilespmem:s16], [sflag:$0xA], $0x28, s12, s14, $0xb8;
	[tilespmem:$0x15400] =	vst v63  }
0xbf: {  	_ =	swait.ge [sflag:s2], $0x1400  }
0xc0: {  	[sflag:s2] =	ssyncset.done $0x0  }
0xc1: {  	s6 =	simm.s32 $0x4D00;
	[sflag:s2] =	ssyncadd.s32 $0xFFFFEC00  }
0xc2: {  	[spmem:s3] =	stream.indirect.scatter.add.f32 [tilespmem:s18], [sflag:$0xB], $0x28, s6, s14, $0xb8;
	[tilespmem:$0x15400] =	vst v63  }
0xc3: {  	_ =	swait.ge [sflag:s0], $0x1400  }
0xc4: {  	[sflag:s0] =	ssyncset.done $0x0  }
0xc5: {  	s11 =	simm.s32 $0x4D80;
	[sflag:s0] =	ssyncadd.s32 $0xFFFFEC00  }
0xc6: {  	[spmem:s3] =	stream.indirect.scatter.add.f32 [tilespmem:s20], [sflag:$0xC], $0x28, s11, s14, $0xb8;
	[tilespmem:$0x15400] =	vst v63  }
0xc7: {  	_ =	swait.ge [sflag:s13], $0x1400  }
0xc8: {  	[sflag:s13] =	ssyncset.done $0x0  }
0xc9: {  	s12 =	simm.s32 $0x4E00;
	[sflag:s13] =	ssyncadd.s32 $0xFFFFEC00  }
0xca: {  	[spmem:s3] =	stream.indirect.scatter.add.f32 [tilespmem:s22], [sflag:$0xD], $0x28, s12, s14, $0xb8;
	[tilespmem:$0x15400] =	vst v63  }
0xcb: {  	_ =	swait.ge [sflag:s17], $0x1400  }
0xcc: {  	[sflag:s17] =	ssyncset.done $0x0  }
0xcd: {  	s6 =	simm.s32 $0x4E80;
	[sflag:s17] =	ssyncadd.s32 $0xFFFFEC00  }
0xce: {  	[spmem:s3] =	stream.indirect.scatter.add.f32 [tilespmem:s24], [sflag:$0xE], $0x28, s6, s14, $0xb8;
	[tilespmem:$0x15400] =	vst v63  }
0xcf: {  	_ =	swait.ge [sflag:s19], $0x1400  }
0xd0: {  	[sflag:s19] =	ssyncset.done $0x0  }
0xd1: {  	s11 =	simm.s32 $0x4F00;
	[sflag:s19] =	ssyncadd.s32 $0xFFFFEC00  }
0xd2: {  	[spmem:s3] =	stream.indirect.scatter.add.f32 [tilespmem:s26], [sflag:$0xF], $0x28, s11, s14, $0xb8;
	[tilespmem:$0x15400] =	vst v63  }
0xd3: {  	_ =	swait.ge [sflag:s21], $0x1400  }
0xd4: {  	[sflag:s21] =	ssyncset.done $0x0  }
0xd5: {  	s12 =	simm.s32 $0x4F80;
	[sflag:s21] =	ssyncadd.s32 $0xFFFFEC00  }
0xd6: {  	[spmem:s3] =	stream.indirect.scatter.add.f32 [tilespmem:s29], [sflag:$0x10], $0x28, s12, s14, $0xb8;
	[tilespmem:$0x15400] =	vst v63  }
0xd7: {  	_ =	swait.ge [sflag:s23], $0x1400  }
0xd8: {  	[sflag:s23] =	ssyncset.done $0x0  }
0xd9: {  	[sflag:s23] =	ssyncadd.s32 $0xFFFFEC00  }
0xda: {  	_ =	swait.ge [sflag:s25], $0x1400  }
0xdb: {  	[sflag:s25] =	ssyncset.done $0x0  }
0xdc: {  	[sflag:s25] =	ssyncadd.s32 $0xFFFFEC00  }
0xdd: {  	_ =	swait.ge [sflag:s28], $0x1400  }
0xde: {  	[sflag:s28] =	ssyncset.done $0x0  }
0xdf: {  	[sflag:s28] =	ssyncadd.s32 $0xFFFFEC00  }
0xe0: {  	_ =	swait.ge [sflag:s5], $0x1400  }
0xe1: {  	[sflag:s5] =	ssyncset.done $0x0  }
0xe2: {  	[sflag:s5] =	ssyncadd.s32 $0xFFFFEC00  }
0xe3: {  	_ =	swait.ge [sflag:s7], $0x1400  }
0xe4: {  	[sflag:s7] =	ssyncset.done $0x0  }
0xe5: {  	[sflag:s7] =	ssyncadd.s32 $0xFFFFEC00  }
0xe6: {  	_ =	swait.ge [sflag:s8], $0x1400  }
0xe7: {  	[sflag:s8] =	ssyncset.done $0x0  }
0xe8: {  	[sflag:s8] =	ssyncadd.s32 $0xFFFFEC00  }
0xe9: {  	_ =	swait.ge [sflag:s9], $0x1400  }
0xea: {  	[sflag:s9] =	ssyncset.done $0x0  }
0xeb: {  	[sflag:s9] =	ssyncadd.s32 $0xFFFFEC00  }
0xec: {  	_ =	swait.ge [sflag:s10], $0x1400  }
0xed: {  	[sflag:s10] =	ssyncset.done $0x0  }
0xee: {  	[sflag:s10] =	ssyncadd.s32 $0xFFFFEC00  }
0xef: {  	[bflag:$0x0] =	sbarrier.arrive $0xFFFF  }
0xf0: {  	s11 =	rddreg [dreg:$0x5]  }
0xf1: {  	s6 =	rddreg [dreg:$0x8]  }
0xf2: {  	s12 =	rddreg [dreg:$0xa]  }
0xf3: {  	[hbm:s6], [sflag:s11] =	dma.local [spmem:s12], $0xC80  }
0xf4: {  	s6 =	simm.s32 $0x11  }
0xf5: {  	_ =	swait.ge [sflag:s6], $0xC80  }
0xf6: {  	s4 =	rddreg [dreg:$0xb]  }
0xf7: {  	[sflag:s6] =	ssyncset.done $0x0;
	s6 =	rddreg [dreg:$0x9];
	s4 =	sadd.s32 $0x1, s4  }
0xf8: {  	p0 =	sne.s32 s4, s6  }
.Ltmp1:
0xf9: {  	_ = 	snop;
	(pc) =	sbr.rel @p0 .LBB2_1-.Ltmp1, $3  }
0xfa: {  	_ =	sdelay $0x1  }
0xfb: {  	s6 =	simm.s32 $0x11  }
0xfc: {  	[dreg:$0xb] =	wrdreg s4;
	[sflag:s6] =	ssyncadd.s32 $0xFFFFF380  }
0xfd: {  	_ =	sfence.sel $0x180000  }
0xfe: {  	[bflag:$0x0] =	sbarrier.arrive $0xFFFF  }
0xff: {  	_ =	strace $0x9000004A  }
0x100: {  	s0 =	stileid.u32;
	[bflag:$0x2] =	sbarrier.arrive $0xFFFF  }
0x101: {  	p0 =	sne.s32 s0, $0x0;
	s0 =	rddreg [dreg:$0x3]  }
0x102: {  	s0 =	sadd.s32 @!p0 $0x100000, s0  }
0x103: {  	[sflag:s0] =	ssyncadd.tile.s32 @!p0 $0x1;
	_ =	shalt  }
.Lfunc_end2:
_tile_overlayer_lowered:
.L_overlay_start_2:
0x104: {  	(tag) =	ssettag $0x2  }
0x105: {  	s0 =	rddreg [dreg:$0x0];
	s2 =	stileid.u32  }
0x106: {  	s1 =	rddreg [dreg:$0x1];
	p0 =	sne.s32 s2, $0x0  }
0x107: {  	s3 =	rddreg [dreg:$0x2];
	[bflag:$0x3] =	sbarrier.arrive $0xFFFF;
	s2 =	simm.s32 @!p0 $0x1C11  }
0x108: {  	[timem:s3], [sflag:s2] =	dma.local @!p0 [hbm:s0], s1  }
0x109: {  	s0 =	simm.s32 @!p0 $0x11  }
0x10a: {  	_ =	swait.ge @!p0 [sflag:s0], s1  }
0x10b: {  	s1 =	ssub.s32 @!p0 $0x0, s1;
	[sflag:s0] =	ssyncset.done @!p0 $0x0  }
0x10c: {  	[sflag:s0] =	ssyncadd.s32 @!p0 s1  }
0x10d: {  	[bflag:$0x3] =	sbarrier.arrive $0xFFFF  }
0x10e: {  	_ =	shalt  }

// kernel: kernel.14.cloned.1.call-start
scs
__scs_entry_jumppad:
0x0: {  	(pc) =	sbr.rel $0x88, $3  }
0x1: {  	(tag) =	ssettag $0x0;
	lr =	simm.s32 $0x1  }
0x2: {  	[smem:$0x3F97] =	sst lr;
	_ =	strace $0xD0000000  }
0x3: {  	_ = 	snop  }
0x4: {  	_ = 	snop  }
0x5: {  	_ = 	snop  }
0x6: {  	_ = 	snop  }
0x7: {  	_ = 	snop  }
__scs_overlays_trampoline_lowered:
0x8: {  	[smem:$0x3FA6] =	sst s0  }
0x9: {  	[smem:$0x3FA7] =	sst s1  }
0xa: {  	[smem:$0x3FA8] =	sst s2  }
0xb: {  	[smem:$0x3FA9] =	sst s3  }
0xc: {  	[smem:$0x3FAA] =	sst s4  }
0xd: {  	[smem:$0x3FAB] =	sst s5  }
0xe: {  	[smem:$0x3FAC] =	sst s6  }
0xf: {  	[smem:$0x3FAD] =	sst s7  }
0x10: {  	[smem:$0x3FAE] =	sst s8  }
0x11: {  	[smem:$0x3FAF] =	sst s9;
	s0 =	simm.s32 @!p0 $0x0  }
0x12: {  	s1 =	sld [smem:$0x3F95];
	s0 =	simm.s32 @p0 $0x1  }
0x13: {  	[smem:$0x3FB0] =	sst s0;
	s0 =	simm.s32 @!p1 $0x0  }
0x14: {  	s2 =	sld [smem:$0x3F94];
	s0 =	simm.s32 @p1 $0x1  }
0x15: {  	[smem:$0x3FB1] =	sst s0;
	s0 =	simm.s32 @!p2 $0x0  }
0x16: {  	s3 =	sld [smem:$0x3FDB];
	s0 =	simm.s32 @p2 $0x1  }
0x17: {  	s4 =	simm.s32 $0x1BF5;
	[smem:$0x3FB3] =	sst s0  }
0x18: {  	s0 =	sld [smem:$0x3F96];
	_ =	swait.ge [sflag:s4], $0x0  }
0x19: {  	s7 =	sld [smem:$0x3F97]  }
0x1a: {  	s8 =	sadd.s32 $0xFFFFE003, lr  }
0x1b: {  	s9 =	sadd.s32 $0xFFFFFEF7, lr;
	s5 =	simm.s32 $0xFFFFFFFF;
	p2 =	slt.u32 s8, $0xFFFFF086  }
0x1c: {  	p1 =	slt.u32 s9, $0xF7A;
	s5 =	simm.s32 @!p2 $0x0  }
0x1d: {  	s5 =	simm.s32 @p1 $0x1;
	p0 =	seq.s32 s7, s2  }
0x1e: {  	s7 =	smul.u32 @!p0 $0xF7A, s2;
	p2 =	seq.s32 @!p0 s5, $0x0  }
0x1f: {  	s9 =	smul.u32 $0xF7A, s1;
	s8 =	simm.s32 @!p0 $0x1BF5;
	p2 =	por !p2, p0  }
0x20: {  	[sflag:s8] =	ssyncset.s32 @!p0 $0xFFFFF086;
	s6 =	sadd.s32 @!p0 s3, s7;
	s7 =	simm.s32 @!p0 $0x108  }
0x21: {  	s3 =	sadd.s32 s3, s9;
	s6 =	sadd.s32 @!p0 $0x88, s6;
	s7 =	simm.s32 @p2 $0x1082  }
0x22: {  	[simem:s7], [sflag:s8] =	dma.local @!p0 [hbm:s6], $0xF7A  }
0x23: {  	s9 =	sor.u32 $0xD0000000, s2;
	s6 =	simm.s32 $0x108;
	_ =	swait.ge @!p0 [sflag:s8], $0x0  }
0x24: {  	s3 =	sadd.s32 $0x88, s3;
	s6 =	simm.s32 @!p1 $0x1082;
	[sflag:s4] =	ssyncset.s32 $0xFFFFF086  }
0x25: {  	[simem:s6], [sflag:s4] =	dma.local [hbm:s3], $0xF7A  }
0x26: {  	[smem:$0x3F97] =	sst s1;
	(tag) =	ssettag s2;
	_ =	strace s9  }
0x27: {  	s1 =	sld [smem:$0x3FA7]  }
0x28: {  	s2 =	sld [smem:$0x3FA8]  }
0x29: {  	s4 =	sld [smem:$0x3FAA]  }
0x2a: {  	p0 =	seq.s32 s5, $0x0;
	s5 =	sld [smem:$0x3FAB]  }
0x2b: {  	s6 =	sld [smem:$0x3FAC]  }
0x2c: {  	s7 =	sld [smem:$0x3FAD]  }
0x2d: {  	s3 =	simm.s32 $0x108;
	s8 =	sld [smem:$0x3FAE]  }
0x2e: {  	s3 =	simm.s32 @!p0 $0x1082;
	s9 =	sld [smem:$0x3FAF]  }
0x2f: {  	lr =	sadd.s32 s0, s3;
	s0 =	sld [smem:$0x3FA6]  }
0x30: {  	s3 =	sld [smem:$0x3FA9]  }
0x31: {  	[smem:$0x3FB2] =	sst s10  }
0x32: {  	s10 =	sld [smem:$0x3FB0];
	_ =	sdelay $0x3  }
0x33: {  	p0 =	seq.s32 s10, $0x1;
	s10 =	sld [smem:$0x3FB2];
	_ =	sdelay $0x3  }
0x34: {  	[smem:$0x3FB2] =	sst s10  }
0x35: {  	s10 =	sld [smem:$0x3FB1];
	_ =	sdelay $0x3  }
0x36: {  	p1 =	seq.s32 s10, $0x1;
	s10 =	sld [smem:$0x3FB2];
	_ =	sdelay $0x3  }
0x37: {  	[smem:$0x3FB2] =	sst s10  }
0x38: {  	s10 =	sld [smem:$0x3FB3]  }
0x39: {  	_ = 	snop;
	(pc) =	sbr.ind lr, $3  }
0x3a: {  	_ = 	snop  }
0x3b: {  	_ = 	snop  }
0x3c: {  	p2 =	seq.s32 s10, $0x1;
	s10 =	sld [smem:$0x3FB2]  }
0x3d: {  	_ =	shalt  }
0x3e: {  	_ =	shalt  }
0x3f: {  	_ =	shalt  }
0x40: {  	_ =	shalt  }
0x41: {  	_ =	shalt  }
0x42: {  	_ =	shalt  }
0x43: {  	_ =	shalt  }
0x44: {  	_ =	shalt  }
0x45: {  	_ =	shalt  }
0x46: {  	_ =	shalt  }
0x47: {  	_ =	shalt  }
0x48: {  	_ =	shalt  }
0x49: {  	_ =	shalt  }
0x4a: {  	_ =	shalt  }
0x4b: {  	_ =	shalt  }
0x4c: {  	_ =	shalt  }
0x4d: {  	_ =	shalt  }
0x4e: {  	_ =	shalt  }
0x4f: {  	_ =	shalt  }
0x50: {  	_ =	shalt  }
0x51: {  	_ =	shalt  }
0x52: {  	_ =	shalt  }
0x53: {  	_ =	shalt  }
0x54: {  	_ =	shalt  }
0x55: {  	_ =	shalt  }
0x56: {  	_ =	shalt  }
0x57: {  	_ =	shalt  }
0x58: {  	_ =	shalt  }
0x59: {  	_ =	shalt  }
0x5a: {  	_ =	shalt  }
0x5b: {  	_ =	shalt  }
0x5c: {  	_ =	shalt  }
0x5d: {  	_ =	shalt  }
0x5e: {  	_ =	shalt  }
0x5f: {  	_ =	shalt  }
0x60: {  	_ =	shalt  }
0x61: {  	_ =	shalt  }
0x62: {  	_ =	shalt  }
0x63: {  	_ =	shalt  }
0x64: {  	_ =	shalt  }
0x65: {  	_ =	shalt  }
0x66: {  	_ =	shalt  }
0x67: {  	_ =	shalt  }
0x68: {  	_ =	shalt  }
0x69: {  	_ =	shalt  }
0x6a: {  	_ =	shalt  }
0x6b: {  	_ =	shalt  }
0x6c: {  	_ =	shalt  }
0x6d: {  	_ =	shalt  }
0x6e: {  	_ =	shalt  }
0x6f: {  	_ =	shalt  }
0x70: {  	_ =	shalt  }
0x71: {  	_ =	shalt  }
0x72: {  	_ =	shalt  }
0x73: {  	_ =	shalt  }
0x74: {  	_ =	shalt  }
0x75: {  	_ =	shalt  }
0x76: {  	_ =	shalt  }
0x77: {  	_ =	shalt  }
0x78: {  	_ =	shalt  }
0x79: {  	_ =	shalt  }
0x7a: {  	_ =	shalt  }
0x7b: {  	_ =	shalt  }
0x7c: {  	_ =	shalt  }
0x7d: {  	_ =	shalt  }
0x7e: {  	_ =	shalt  }
0x7f: {  	_ =	shalt  }
0x80: {  	_ =	shalt  }
0x81: {  	_ =	shalt  }
0x82: {  	_ =	shalt  }
0x83: {  	_ =	shalt  }
0x84: {  	_ =	shalt  }
0x85: {  	_ =	shalt  }
0x86: {  	_ =	shalt  }
0x87: {  	_ =	shalt  }
.Lfunc_end0:
.L_simem_size_0:
called_computation.2_lowered:
.L_overlay_start_0:
0x88: {  	s2 =	sld [smem:$0x3FD9]  }
0x89: {  	s3 =	sld [smem:$0x3FFE];
	_ =	sdelay $0x1  }
0x8a: {  	s1 =	srdreg.scid  }
0x8b: {  	s0 =	sand.u32 $0x1, s1  }
0x8c: {  	s17 =	sshll.u32 s0, $0xA;
	s2 =	sadd.s32 s3, s2  }
0x8d: {  	s2 =	sadd.s32 s2, s17  }
0x8e: {  	[smem:$0x3FBE] =	sst s2  }
0x8f: {  	_ = 	snop  }
0x90: {  	s2 =	sld [smem:$0x3FD0];
	(tm) =	ssettm $0x1  }
0x91: {  	s18 =	sld [smem:$0x3FFB];
	_ =	sdelay $0x3  }
0x92: {  	_ =	strace s18  }
0x93: {  	s3 =	sld [smem:$0x3FFC];
	_ =	sdelay $0x3  }
0x94: {  	_ =	strace s3  }
0x95: {  	s3 =	sld [smem:$0x3FFD];
	_ =	sdelay $0x3  }
0x96: {  	_ =	strace s3  }
0x97: {  	_ =	strace $0x8FFFFFFF  }
0x98: {  	s19 =	sld [smem:$0x3FDB];
	_ =	sdelay $0x1  }
0x99: {  	s4 =	simm.s32 $_scs_section_size  }
0x9a: {  	s5 =	simm.s32 $_size__tile_overlayer_lowered;
	s6 =	simm.s32 $_tile_overlayer_lowered  }
0x9b: {  	s22 =	simm.s32 $0x1BFF;
	s21 =	sshll.u32 s6, $0x1;
	s3 =	sadd.s32 s4, s19  }
0x9c: {  	s7 =	simm.s32 $0x0;
	s20 =	sshll.u32 s5, $0x1;
	s5 =	sadd.s32 s21, s3  }
0x9d: {  	[timem:s7], [sflag:s22] =	dma.local [hbm:s5], s20  }
0x9e: {  	_ =	swait.ge [sflag:s22], s20  }
0x9f: {  	s4 =	ssub.s32 $0x0, s20;
	[sflag:s22] =	ssyncset.done $0x0  }
0xa0: {  	[sflag:s22] =	ssyncadd.s32 s4;
	_ =	sdelay $0x1  }
0xa1: {  	s23 =	simm.s32 $0x1B8B  }
0xa2: {  	_ =	swait.ge [sflag:s23], $0x1  }
0xa3: {  	[sflag:s23] =	ssyncset.done $0x0  }
0xa4: {  	s25 =	simm.s32 $0x1B8E;
	s24 =	sld [smem:$0x3FFE];
	[sflag:s23] =	ssyncadd.s32 $0xFFFFFFFF  }
0xa5: {  	s26 =	simm.s32 $execute0_lowered;
	[smem:$0x3FD2] =	sst s25  }
0xa6: {  	s5 =	sshll.u32 s26, $0x1;
	_ =	strace $0x8000004C;
	[dreg:$0x1] =	wrdreg $0xFFFFFFFF  }
0xa7: {  	s28 =	simm.s32 $_size_execute0_lowered;
	s3 =	sadd.s32 s3, s5;
	[dreg:$0x0] =	wrdreg $0x0  }
0xa8: {  	s5 =	sshll.u32 s28, $0x1;
	[dreg:$0x2] =	wrdreg s3  }
0xa9: {  	[dreg:$0x3] =	wrdreg s5  }
0xaa: {  	[dreg:$0x4] =	wrdreg $0xC0  }
0xab: {  	_ =	task [dreg:s7], $0x5FFFF  }
0xac: {  	[dreg:$0x1] =	wrdreg $0xFFFFFFFF  }
0xad: {  	[dreg:$0x0] =	wrdreg $0x60  }
0xae: {  	[dreg:$0x2] =	wrdreg s2  }
0xaf: {  	[dreg:$0x3] =	wrdreg s24  }
0xb0: {  	[dreg:$0x4] =	wrdreg $0xF0000  }
0xb1: {  	[dreg:$0x5] =	wrdreg $0x9  }
0xb2: {  	_ =	task.clear_ibuf [dreg:s7], $0x6FFFF;
	_ =	strace $0x9000004C  }
0xb3: {  	s29 =	simm.s32 $0x9;
	_ =	strace $0x8000004E  }
0xb4: {  	_ =	swait.ge [sflag:s29], $0x1  }
0xb5: {  	[sflag:s29] =	ssyncadd.s32 $0xFFFFFFFF  }
0xb6: {  	_ =	strace $0x9000004E  }
0xb7: {  	_ =	sfence  }
0xb8: {  	s30 =	sld [smem:$0x0];
	_ =	sdelay $0x2  }
0xb9: {  	s31 =	sshll.u32 s1, $0xD;
	s1 =	sshrl.u32 s1, $0x2  }
0xba: {  	s3 =	sand.u32 $0x4000, s31;
	s1 =	sadd.s32 s1, s30  }
0xbb: {  	s0 =	sor.u32 s3, s0;
	s1 =	sshll.u32 s1, $0x11  }
0xbc: {  	s0 =	sor.u32 s1, s0  }
0xbd: {  	s0 =	sadd.s32 $0x8F2B, s0  }
0xbe: {  	[sflag:s0] =	ssyncadd.remote.s32 $0x1  }
0xbf: {  	_ =	sfence.sel $0xFFFF  }
0xc0: {  	[dreg:$0x0] =	wrdreg $0xFFFFFFFF;
	(pc) =	sbr.abs _section_cstart, $3  }
0xc1: {  	[dreg:$0x1] =	wrdreg $0xFFFFFFFF  }
0xc2: {  	_ =	task.clear_ibuf [dreg:s7], $0x2FFFF;
	_ =	strace $0x9FFFFFFF  }
0xc3: {  	(tm) =	ssettm $0x7FFFFFFF  }
tec
execute0_lowered:
.L_overlay_start_1:
0x0: {  	(tag) =	ssettag $0x1  }
0x1: {  	s1 =	rddreg [dreg:$0x0]  }
0x2: {  	s0 =	srdreg.scid;
	s4 =	rddreg [dreg:$0x1]  }
0x3: {  	s9 =	stileid.u32;
	s3 =	rddreg [dreg:$0x2];
	s6 =	simm.s32 $0x0  }
0x4: {  	s14 =	simm.s32 $0x80;
	s15 =	simm.s32 $0x5000;
	s16 =	simm.s32 $0x6400  }
0x5: {  	s18 =	simm.s32 $0x7800;
	s20 =	simm.s32 $0x8C00;
	s22 =	simm.s32 $0xA000  }
0x6: {  	s29 =	simm.s32 $0xDC00;
	s30 =	simm.s32 $0x1;
	s31 =	simm.s32 $0x2  }
0x7: {  	s13 =	simm.s32 $0x5;
	s17 =	simm.s32 $0x6;
	s19 =	simm.s32 $0x7  }
0x8: {  	s21 =	simm.s32 $0x8;
	s28 =	simm.s32 $0xB;
	s10 =	simm.s32 $0x10  }
0x9: {  	s0 =	sand.u32 $0x1, s0;
	s5 =	smul.u32 $0x6400, s9;
	[smem:$0x7FF] =	sst s6  }
0xa: {  	s25 =	sshll.u32 s9, $0x6;
	s2 =	sshll.u32 s0, $0x4;
	s23 =	smul.u32 $0x64000, s0  }
0xb: {  	_ =	strace $0x8000004D;
	s0 =	ssub.s32 $0x2, s0;
	s11 =	sor.u32 $0x1C11, s25  }
0xc: {  	s25 =	simm.s32 $0xA;
	s2 =	sor.u32 s9, s2;
	s7 =	sshrl.u32 s5, $0x3  }
0xd: {  	s8 =	sshrl.u32 s0, $0x1;
	s9 =	simm.s32 $0xF;
	[dreg:$0x5] =	wrdreg s11  }
0xe: {  	s2 =	smul.u32 $0x500, s2;
	s6 =	sadd.s32 s5, s23;
	s7 =	sadd.s32 s7, s4  }
0xf: {  	s0 =	ssub.s32 s0, s8;
	s5 =	sadd.s32 s5, s3;
	s23 =	simm.s32 $0x9  }
0x10: {  	s8 =	simm.s32 $0xE;
	s6 =	sshrl.u32 s6, $0x3;
	s24 =	sadd.s32 $0x16400, s7  }
0x11: {  	s0 =	smax.u32 s0, $0x1;
	s12 =	sshrl.u32 s5, $0x3;
	[dreg:$0x4] =	wrdreg s24  }
0x12: {  	s5 =	simm.s32 $0xC;
	s2 =	sadd.s32 s2, s4;
	[dreg:$0x9] =	wrdreg s0  }
0x13: {  	s4 =	sadd.s32 s6, s4;
	s6 =	simm.s32 $0x0;
	[dreg:$0xa] =	wrdreg s12  }
0x14: {  	s7 =	simm.s32 $0xD;
	s26 =	sadd.s32 $0x2400, s2;
	[dreg:$0xb] =	wrdreg s6  }
0x15: {  	s24 =	simm.s32 $0xB400;
	s2 =	sadd.s32 $0xC400, s2;
	[dreg:$0x6] =	wrdreg s26  }
0x16: {  	s0 =	simm.s32 $0x4;
	s4 =	sadd.s32 $0x22C00, s4;
	[dreg:$0x7] =	wrdreg s2  }
0x17: {  	[dreg:$0x8] =	wrdreg s4;
	s26 =	simm.s32 $0xC800;
	s2 =	simm.s32 $0x3  }
.LBB2_1:
0x18: {  	s4 =	simm.s32 $0x11;
	s6 =	rddreg [dreg:$0x4]  }
0x19: {  	[spmem:s12], [sflag:s11] =	dma.local [hbm:s6], $0xC80  }
0x1a: {  	_ =	swait.ge [sflag:s4], $0xC80  }
0x1b: {  	[sflag:s4] =	ssyncset.done $0x0  }
0x1c: {  	[sflag:s4] =	ssyncadd.s32 $0xFFFFF380  }
0x1d: {  	[bflag:$0x0] =	sbarrier.arrive $0xFFFF  }
0x1e: {  	s6 =	simm.s32 $0x0;
	s12 =	rddreg [dreg:$0x6]  }
0x1f: {  	[tilespmem:s6], [sflag:$0x11] =	stream.linear.gather [hbm4b:s12+s6], $0x2800, $0x38;
	[tilespmem:$0x15400] =	vst v63  }
0x20: {  	_ =	swait.ge [sflag:s4], $0x2800  }
0x21: {  	[sflag:s4] =	ssyncset.done $0x0  }
0x22: {  	s12 =	simm.s32 $0x2800;
	s11 =	rddreg [dreg:$0x7];
	[sflag:s4] =	ssyncadd.s32 $0xFFFFD800  }
0x23: {  	[tilespmem:s12], [sflag:$0x11] =	stream.linear.gather [hbm4b:s11+s6], $0x2800, $0x38;
	[tilespmem:$0x15400] =	vst v63  }
0x24: {  	_ =	swait.ge [sflag:s4], $0x2800  }
0x25: {  	[sflag:s4] =	ssyncset.done $0x0  }
0x26: {  	[sflag:s4] =	ssyncadd.s32 $0xFFFFD800  }
0x27: {  	[tilespmem:s15], [sflag:$0x1] =	stream.indirect.gather [hbm4b:s1+s14], $0x28, s6, s14, $0xb8;
	[tilespmem:$0x15400] =	vst v63  }
0x28: {  	_ = 	snop  }
0x29: {  	[tilespmem:s16], [sflag:$0x2] =	stream.indirect.gather [hbm4b:s1+s14], $0x28, s14, s14, $0xb8;
	[tilespmem:$0x15400] =	vst v63  }
0x2a: {  	s6 =	simm.s32 $0x100  }
0x2b: {  	[tilespmem:s18], [sflag:$0x3] =	stream.indirect.gather [hbm4b:s1+s14], $0x28, s6, s14, $0xb8;
	[tilespmem:$0x15400] =	vst v63  }
0x2c: {  	s11 =	simm.s32 $0x180  }
0x2d: {  	[tilespmem:s20], [sflag:$0x4] =	stream.indirect.gather [hbm4b:s1+s14], $0x28, s11, s14, $0xb8;
	[tilespmem:$0x15400] =	vst v63  }
0x2e: {  	s12 =	simm.s32 $0x200  }
0x2f: {  	[tilespmem:s22], [sflag:$0x5] =	stream.indirect.gather [hbm4b:s1+s14], $0x28, s12, s14, $0xb8;
	[tilespmem:$0x15400] =	vst v63  }
0x30: {  	s6 =	simm.s32 $0x280  }
0x31: {  	[tilespmem:s24], [sflag:$0x6] =	stream.indirect.gather [hbm4b:s1+s14], $0x28, s6, s14, $0xb8;
	[tilespmem:$0x15400] =	vst v63  }
0x32: {  	s11 =	simm.s32 $0x300  }
0x33: {  	[tilespmem:s26], [sflag:$0x7] =	stream.indirect.gather [hbm4b:s1+s14], $0x28, s11, s14, $0xb8;
	[tilespmem:$0x15400] =	vst v63  }
0x34: {  	s12 =	simm.s32 $0x380  }
0x35: {  	[tilespmem:s29], [sflag:$0x8] =	stream.indirect.gather [hbm4b:s1+s14], $0x28, s12, s14, $0xb8;
	[tilespmem:$0x15400] =	vst v63  }
0x36: {  	_ =	swait.ge [sflag:s30], $0x1400  }
0x37: {  	[sflag:s30] =	ssyncset.done $0x0  }
0x38: {  	s4 =	simm.s32 $0x2800;
	[sflag:s30] =	ssyncadd.s32 $0xFFFFEC00  }
0x39: {  	[spmem:s3] =	stream.indirect.scatter.add.f32 [tilespmem:s15], [sflag:$0x9], $0x28, s4, s14, $0xb8;
	[tilespmem:$0x15400] =	vst v63  }
0x3a: {  	_ =	swait.ge [sflag:s31], $0x1400  }
0x3b: {  	[sflag:s31] =	ssyncset.done $0x0  }
0x3c: {  	s11 =	simm.s32 $0x2880;
	[sflag:s31] =	ssyncadd.s32 $0xFFFFEC00  }
0x3d: {  	[spmem:s3] =	stream.indirect.scatter.add.f32 [tilespmem:s16], [sflag:$0xA], $0x28, s11, s14, $0xb8;
	[tilespmem:$0x15400] =	vst v63  }
0x3e: {  	_ =	swait.ge [sflag:s2], $0x1400  }
0x3f: {  	[sflag:s2] =	ssyncset.done $0x0  }
0x40: {  	s12 =	simm.s32 $0x2900;
	[sflag:s2] =	ssyncadd.s32 $0xFFFFEC00  }
0x41: {  	[spmem:s3] =	stream.indirect.scatter.add.f32 [tilespmem:s18], [sflag:$0xB], $0x28, s12, s14, $0xb8;
	[tilespmem:$0x15400] =	vst v63  }
0x42: {  	_ =	swait.ge [sflag:s0], $0x1400  }
0x43: {  	[sflag:s0] =	ssyncset.done $0x0  }
0x44: {  	s4 =	simm.s32 $0x2980;
	[sflag:s0] =	ssyncadd.s32 $0xFFFFEC00  }
0x45: {  	[spmem:s3] =	stream.indirect.scatter.add.f32 [tilespmem:s20], [sflag:$0xC], $0x28, s4, s14, $0xb8;
	[tilespmem:$0x15400] =	vst v63  }
0x46: {  	_ =	swait.ge [sflag:s13], $0x1400  }
0x47: {  	[sflag:s13] =	ssyncset.done $0x0  }
0x48: {  	s11 =	simm.s32 $0x2A00;
	[sflag:s13] =	ssyncadd.s32 $0xFFFFEC00  }
0x49: {  	[spmem:s3] =	stream.indirect.scatter.add.f32 [tilespmem:s22], [sflag:$0xD], $0x28, s11, s14, $0xb8;
	[tilespmem:$0x15400] =	vst v63  }
0x4a: {  	_ =	swait.ge [sflag:s17], $0x1400  }
0x4b: {  	[sflag:s17] =	ssyncset.done $0x0  }
0x4c: {  	s12 =	simm.s32 $0x2A80;
	[sflag:s17] =	ssyncadd.s32 $0xFFFFEC00  }
0x4d: {  	[spmem:s3] =	stream.indirect.scatter.add.f32 [tilespmem:s24], [sflag:$0xE], $0x28, s12, s14, $0xb8;
	[tilespmem:$0x15400] =	vst v63  }
0x4e: {  	_ =	swait.ge [sflag:s19], $0x1400  }
0x4f: {  	[sflag:s19] =	ssyncset.done $0x0  }
0x50: {  	s4 =	simm.s32 $0x2B00;
	[sflag:s19] =	ssyncadd.s32 $0xFFFFEC00  }
0x51: {  	[spmem:s3] =	stream.indirect.scatter.add.f32 [tilespmem:s26], [sflag:$0xF], $0x28, s4, s14, $0xb8;
	[tilespmem:$0x15400] =	vst v63  }
0x52: {  	_ =	swait.ge [sflag:s21], $0x1400  }
0x53: {  	[sflag:s21] =	ssyncset.done $0x0  }
0x54: {  	s11 =	simm.s32 $0x2B80;
	[sflag:s21] =	ssyncadd.s32 $0xFFFFEC00  }
0x55: {  	[spmem:s3] =	stream.indirect.scatter.add.f32 [tilespmem:s29], [sflag:$0x10], $0x28, s11, s14, $0xb8;
	[tilespmem:$0x15400] =	vst v63  }
0x56: {  	_ =	swait.ge [sflag:s23], $0x1400  }
0x57: {  	[sflag:s23] =	ssyncset.done $0x0  }
0x58: {  	s12 =	simm.s32 $0x400;
	[sflag:s23] =	ssyncadd.s32 $0xFFFFEC00  }
0x59: {  	[tilespmem:s15], [sflag:$0x1] =	stream.indirect.gather [hbm4b:s1+s14], $0x28, s12, s14, $0xb8;
	[tilespmem:$0x15400] =	vst v63  }
0x5a: {  	_ =	swait.ge [sflag:s25], $0x1400  }
0x5b: {  	[sflag:s25] =	ssyncset.done $0x0  }
0x5c: {  	s4 =	simm.s32 $0x480;
	[sflag:s25] =	ssyncadd.s32 $0xFFFFEC00  }
0x5d: {  	[tilespmem:s16], [sflag:$0x2] =	stream.indirect.gather [hbm4b:s1+s14], $0x28, s4, s14, $0xb8;
	[tilespmem:$0x15400] =	vst v63  }
0x5e: {  	_ =	swait.ge [sflag:s28], $0x1400  }
0x5f: {  	[sflag:s28] =	ssyncset.done $0x0  }
0x60: {  	s11 =	simm.s32 $0x500;
	[sflag:s28] =	ssyncadd.s32 $0xFFFFEC00  }
0x61: {  	[tilespmem:s18], [sflag:$0x3] =	stream.indirect.gather [hbm4b:s1+s14], $0x28, s11, s14, $0xb8;
	[tilespmem:$0x15400] =	vst v63  }
0x62: {  	_ =	swait.ge [sflag:s5], $0x1400  }
0x63: {  	[sflag:s5] =	ssyncset.done $0x0  }
0x64: {  	s12 =	simm.s32 $0x580;
	[sflag:s5] =	ssyncadd.s32 $0xFFFFEC00  }
0x65: {  	[tilespmem:s20], [sflag:$0x4] =	stream.indirect.gather [hbm4b:s1+s14], $0x28, s12, s14, $0xb8;
	[tilespmem:$0x15400] =	vst v63  }
0x66: {  	_ =	swait.ge [sflag:s7], $0x1400  }
0x67: {  	[sflag:s7] =	ssyncset.done $0x0  }
0x68: {  	s4 =	simm.s32 $0x600;
	[sflag:s7] =	ssyncadd.s32 $0xFFFFEC00  }
0x69: {  	[tilespmem:s22], [sflag:$0x5] =	stream.indirect.gather [hbm4b:s1+s14], $0x28, s4, s14, $0xb8;
	[tilespmem:$0x15400] =	vst v63  }
0x6a: {  	_ =	swait.ge [sflag:s8], $0x1400  }
0x6b: {  	[sflag:s8] =	ssyncset.done $0x0  }
0x6c: {  	s11 =	simm.s32 $0x680;
	[sflag:s8] =	ssyncadd.s32 $0xFFFFEC00  }
0x6d: {  	[tilespmem:s24], [sflag:$0x6] =	stream.indirect.gather [hbm4b:s1+s14], $0x28, s11, s14, $0xb8;
	[tilespmem:$0x15400] =	vst v63  }
0x6e: {  	_ =	swait.ge [sflag:s9], $0x1400  }
0x6f: {  	[sflag:s9] =	ssyncset.done $0x0  }
0x70: {  	s12 =	simm.s32 $0x700;
	[sflag:s9] =	ssyncadd.s32 $0xFFFFEC00  }
0x71: {  	[tilespmem:s26], [sflag:$0x7] =	stream.indirect.gather [hbm4b:s1+s14], $0x28, s12, s14, $0xb8;
	[tilespmem:$0x15400] =	vst v63  }
0x72: {  	_ =	swait.ge [sflag:s10], $0x1400  }
0x73: {  	[sflag:s10] =	ssyncset.done $0x0  }
0x74: {  	s6 =	simm.s32 $0x1000;
	s11 =	simm.s32 $0x780;
	[sflag:s10] =	ssyncadd.s32 $0xFFFFEC00  }
.LBB2_2:
0x75: {  	[tilespmem:s29], [sflag:$0x8] =	stream.indirect.gather [hbm4b:s1+s14], $0x28, s11, s14, $0xb8;
	[tilespmem:$0x15400] =	vst v63  }
0x76: {  	s11 =	smov.u32 s6  }
0x77: {  	p0 =	sne.s32 s6, $0x8000;
	s6 =	sadd.s32 $0x1000, s6;
	_ =	swait.ge [sflag:s30], $0x1400  }
0x78: {  	s11 =	sshra.s32 s11, $0x2;
	[sflag:s30] =	ssyncset.done $0x0  }
0x79: {  	s12 =	sadd.s32 $0x2800, s11;
	[sflag:s30] =	ssyncadd.s32 $0xFFFFEC00  }
0x7a: {  	[spmem:s3] =	stream.indirect.scatter.add.f32 [tilespmem:s15], [sflag:$0x9], $0x28, s12, s14, $0xb8;
	[tilespmem:$0x15400] =	vst v63  }
0x7b: {  	_ =	swait.ge [sflag:s31], $0x1400  }
0x7c: {  	[sflag:s31] =	ssyncset.done $0x0  }
0x7d: {  	s12 =	sadd.s32 $0x2880, s11;
	[sflag:s31] =	ssyncadd.s32 $0xFFFFEC00  }
0x7e: {  	[spmem:s3] =	stream.indirect.scatter.add.f32 [tilespmem:s16], [sflag:$0xA], $0x28, s12, s14, $0xb8;
	[tilespmem:$0x15400] =	vst v63  }
0x7f: {  	_ =	swait.ge [sflag:s2], $0x1400  }
0x80: {  	[sflag:s2] =	ssyncset.done $0x0  }
0x81: {  	s12 =	sadd.s32 $0x2900, s11;
	[sflag:s2] =	ssyncadd.s32 $0xFFFFEC00  }
0x82: {  	[spmem:s3] =	stream.indirect.scatter.add.f32 [tilespmem:s18], [sflag:$0xB], $0x28, s12, s14, $0xb8;
	[tilespmem:$0x15400] =	vst v63  }
0x83: {  	_ =	swait.ge [sflag:s0], $0x1400  }
0x84: {  	[sflag:s0] =	ssyncset.done $0x0  }
0x85: {  	s12 =	sadd.s32 $0x2980, s11;
	[sflag:s0] =	ssyncadd.s32 $0xFFFFEC00  }
0x86: {  	[spmem:s3] =	stream.indirect.scatter.add.f32 [tilespmem:s20], [sflag:$0xC], $0x28, s12, s14, $0xb8;
	[tilespmem:$0x15400] =	vst v63  }
0x87: {  	_ =	swait.ge [sflag:s13], $0x1400  }
0x88: {  	[sflag:s13] =	ssyncset.done $0x0  }
0x89: {  	s12 =	sadd.s32 $0x2A00, s11;
	[sflag:s13] =	ssyncadd.s32 $0xFFFFEC00  }
0x8a: {  	[spmem:s3] =	stream.indirect.scatter.add.f32 [tilespmem:s22], [sflag:$0xD], $0x28, s12, s14, $0xb8;
	[tilespmem:$0x15400] =	vst v63  }
0x8b: {  	_ =	swait.ge [sflag:s17], $0x1400  }
0x8c: {  	[sflag:s17] =	ssyncset.done $0x0  }
0x8d: {  	s12 =	sadd.s32 $0x2A80, s11;
	[sflag:s17] =	ssyncadd.s32 $0xFFFFEC00  }
0x8e: {  	[spmem:s3] =	stream.indirect.scatter.add.f32 [tilespmem:s24], [sflag:$0xE], $0x28, s12, s14, $0xb8;
	[tilespmem:$0x15400] =	vst v63  }
0x8f: {  	_ =	swait.ge [sflag:s19], $0x1400  }
0x90: {  	[sflag:s19] =	ssyncset.done $0x0  }
0x91: {  	s12 =	sadd.s32 $0x2B00, s11;
	[sflag:s19] =	ssyncadd.s32 $0xFFFFEC00  }
0x92: {  	[spmem:s3] =	stream.indirect.scatter.add.f32 [tilespmem:s26], [sflag:$0xF], $0x28, s12, s14, $0xb8;
	[tilespmem:$0x15400] =	vst v63  }
0x93: {  	_ =	swait.ge [sflag:s21], $0x1400  }
0x94: {  	[sflag:s21] =	ssyncset.done $0x0  }
0x95: {  	s12 =	sadd.s32 $0x2B80, s11;
	[sflag:s21] =	ssyncadd.s32 $0xFFFFEC00  }
0x96: {  	[spmem:s3] =	stream.indirect.scatter.add.f32 [tilespmem:s29], [sflag:$0x10], $0x28, s12, s14, $0xb8;
	[tilespmem:$0x15400] =	vst v63  }
0x97: {  	_ =	swait.ge [sflag:s23], $0x1400  }
0x98: {  	[sflag:s23] =	ssyncset.done $0x0  }
0x99: {  	s12 =	sadd.s32 $0x400, s11;
	[sflag:s23] =	ssyncadd.s32 $0xFFFFEC00  }
0x9a: {  	[tilespmem:s15], [sflag:$0x1] =	stream.indirect.gather [hbm4b:s1+s14], $0x28, s12, s14, $0xb8;
	[tilespmem:$0x15400] =	vst v63  }
0x9b: {  	_ =	swait.ge [sflag:s25], $0x1400  }
0x9c: {  	[sflag:s25] =	ssyncset.done $0x0  }
0x9d: {  	s12 =	sadd.s32 $0x480, s11;
	[sflag:s25] =	ssyncadd.s32 $0xFFFFEC00  }
0x9e: {  	[tilespmem:s16], [sflag:$0x2] =	stream.indirect.gather [hbm4b:s1+s14], $0x28, s12, s14, $0xb8;
	[tilespmem:$0x15400] =	vst v63  }
0x9f: {  	_ =	swait.ge [sflag:s28], $0x1400  }
0xa0: {  	[sflag:s28] =	ssyncset.done $0x0  }
0xa1: {  	s12 =	sadd.s32 $0x500, s11;
	[sflag:s28] =	ssyncadd.s32 $0xFFFFEC00  }
0xa2: {  	[tilespmem:s18], [sflag:$0x3] =	stream.indirect.gather [hbm4b:s1+s14], $0x28, s12, s14, $0xb8;
	[tilespmem:$0x15400] =	vst v63  }
0xa3: {  	_ =	swait.ge [sflag:s5], $0x1400  }
0xa4: {  	[sflag:s5] =	ssyncset.done $0x0  }
0xa5: {  	s12 =	sadd.s32 $0x580, s11;
	[sflag:s5] =	ssyncadd.s32 $0xFFFFEC00  }
0xa6: {  	[tilespmem:s20], [sflag:$0x4] =	stream.indirect.gather [hbm4b:s1+s14], $0x28, s12, s14, $0xb8;
	[tilespmem:$0x15400] =	vst v63  }
0xa7: {  	_ =	swait.ge [sflag:s7], $0x1400  }
0xa8: {  	[sflag:s7] =	ssyncset.done $0x0  }
0xa9: {  	s12 =	sadd.s32 $0x600, s11;
	[sflag:s7] =	ssyncadd.s32 $0xFFFFEC00  }
0xaa: {  	[tilespmem:s22], [sflag:$0x5] =	stream.indirect.gather [hbm4b:s1+s14], $0x28, s12, s14, $0xb8;
	[tilespmem:$0x15400] =	vst v63  }
0xab: {  	_ =	swait.ge [sflag:s8], $0x1400  }
0xac: {  	[sflag:s8] =	ssyncset.done $0x0  }
0xad: {  	s12 =	sadd.s32 $0x680, s11;
	[sflag:s8] =	ssyncadd.s32 $0xFFFFEC00  }
0xae: {  	[tilespmem:s24], [sflag:$0x6] =	stream.indirect.gather [hbm4b:s1+s14], $0x28, s12, s14, $0xb8;
	[tilespmem:$0x15400] =	vst v63  }
0xaf: {  	_ =	swait.ge [sflag:s9], $0x1400  }
0xb0: {  	[sflag:s9] =	ssyncset.done $0x0  }
.Ltmp0:
0xb1: {  	s12 =	sadd.s32 $0x700, s11;
	[sflag:s9] =	ssyncadd.s32 $0xFFFFEC00;
	(pc) =	sbr.rel @p0 .LBB2_2-.Ltmp0, $4  }
0xb2: {  	[tilespmem:s26], [sflag:$0x7] =	stream.indirect.gather [hbm4b:s1+s14], $0x28, s12, s14, $0xb8;
	[tilespmem:$0x15400] =	vst v63  }
0xb3: {  	_ =	swait.ge [sflag:s10], $0x1400  }
0xb4: {  	[sflag:s10] =	ssyncset.done $0x0  }
0xb5: {  	s11 =	sadd.s32 $0x780, s11;
	[sflag:s10] =	ssyncadd.s32 $0xFFFFEC00  }
0xb6: {  	[tilespmem:s29], [sflag:$0x8] =	stream.indirect.gather [hbm4b:s1+s14], $0x28, s11, s14, $0xb8;
	[tilespmem:$0x15400] =	vst v63  }
0xb7: {  	_ =	swait.ge [sflag:s30], $0x1400  }
0xb8: {  	[sflag:s30] =	ssyncset.done $0x0  }
0xb9: {  	s4 =	simm.s32 $0x4C00;
	[sflag:s30] =	ssyncadd.s32 $0xFFFFEC00  }
0xba: {  	[spmem:s3] =	stream.indirect.scatter.add.f32 [tilespmem:s15], [sflag:$0x9], $0x28, s4, s14, $0xb8;
	[tilespmem:$0x15400] =	vst v63  }
0xbb: {  	_ =	swait.ge [sflag:s31], $0x1400  }
0xbc: {  	[sflag:s31] =	ssyncset.done $0x0  }
0xbd: {  	s12 =	simm.s32 $0x4C80;
	[sflag:s31] =	ssyncadd.s32 $0xFFFFEC00  }
0xbe: {  	[spmem:s3] =	stream.indirect.scatter.add.f32 [tilespmem:s16], [sflag:$0xA], $0x28, s12, s14, $0xb8;
	[tilespmem:$0x15400] =	vst v63  }
0xbf: {  	_ =	swait.ge [sflag:s2], $0x1400  }
0xc0: {  	[sflag:s2] =	ssyncset.done $0x0  }
0xc1: {  	s6 =	simm.s32 $0x4D00;
	[sflag:s2] =	ssyncadd.s32 $0xFFFFEC00  }
0xc2: {  	[spmem:s3] =	stream.indirect.scatter.add.f32 [tilespmem:s18], [sflag:$0xB], $0x28, s6, s14, $0xb8;
	[tilespmem:$0x15400] =	vst v63  }
0xc3: {  	_ =	swait.ge [sflag:s0], $0x1400  }
0xc4: {  	[sflag:s0] =	ssyncset.done $0x0  }
0xc5: {  	s11 =	simm.s32 $0x4D80;
	[sflag:s0] =	ssyncadd.s32 $0xFFFFEC00  }
0xc6: {  	[spmem:s3] =	stream.indirect.scatter.add.f32 [tilespmem:s20], [sflag:$0xC], $0x28, s11, s14, $0xb8;
	[tilespmem:$0x15400] =	vst v63  }
0xc7: {  	_ =	swait.ge [sflag:s13], $0x1400  }
0xc8: {  	[sflag:s13] =	ssyncset.done $0x0  }
0xc9: {  	s12 =	simm.s32 $0x4E00;
	[sflag:s13] =	ssyncadd.s32 $0xFFFFEC00  }
0xca: {  	[spmem:s3] =	stream.indirect.scatter.add.f32 [tilespmem:s22], [sflag:$0xD], $0x28, s12, s14, $0xb8;
	[tilespmem:$0x15400] =	vst v63  }
0xcb: {  	_ =	swait.ge [sflag:s17], $0x1400  }
0xcc: {  	[sflag:s17] =	ssyncset.done $0x0  }
0xcd: {  	s6 =	simm.s32 $0x4E80;
	[sflag:s17] =	ssyncadd.s32 $0xFFFFEC00  }
0xce: {  	[spmem:s3] =	stream.indirect.scatter.add.f32 [tilespmem:s24], [sflag:$0xE], $0x28, s6, s14, $0xb8;
	[tilespmem:$0x15400] =	vst v63  }
0xcf: {  	_ =	swait.ge [sflag:s19], $0x1400  }
0xd0: {  	[sflag:s19] =	ssyncset.done $0x0  }
0xd1: {  	s11 =	simm.s32 $0x4F00;
	[sflag:s19] =	ssyncadd.s32 $0xFFFFEC00  }
0xd2: {  	[spmem:s3] =	stream.indirect.scatter.add.f32 [tilespmem:s26], [sflag:$0xF], $0x28, s11, s14, $0xb8;
	[tilespmem:$0x15400] =	vst v63  }
0xd3: {  	_ =	swait.ge [sflag:s21], $0x1400  }
0xd4: {  	[sflag:s21] =	ssyncset.done $0x0  }
0xd5: {  	s12 =	simm.s32 $0x4F80;
	[sflag:s21] =	ssyncadd.s32 $0xFFFFEC00  }
0xd6: {  	[spmem:s3] =	stream.indirect.scatter.add.f32 [tilespmem:s29], [sflag:$0x10], $0x28, s12, s14, $0xb8;
	[tilespmem:$0x15400] =	vst v63  }
0xd7: {  	_ =	swait.ge [sflag:s23], $0x1400  }
0xd8: {  	[sflag:s23] =	ssyncset.done $0x0  }
0xd9: {  	[sflag:s23] =	ssyncadd.s32 $0xFFFFEC00  }
0xda: {  	_ =	swait.ge [sflag:s25], $0x1400  }
0xdb: {  	[sflag:s25] =	ssyncset.done $0x0  }
0xdc: {  	[sflag:s25] =	ssyncadd.s32 $0xFFFFEC00  }
0xdd: {  	_ =	swait.ge [sflag:s28], $0x1400  }
0xde: {  	[sflag:s28] =	ssyncset.done $0x0  }
0xdf: {  	[sflag:s28] =	ssyncadd.s32 $0xFFFFEC00  }
0xe0: {  	_ =	swait.ge [sflag:s5], $0x1400  }
0xe1: {  	[sflag:s5] =	ssyncset.done $0x0  }
0xe2: {  	[sflag:s5] =	ssyncadd.s32 $0xFFFFEC00  }
0xe3: {  	_ =	swait.ge [sflag:s7], $0x1400  }
0xe4: {  	[sflag:s7] =	ssyncset.done $0x0  }
0xe5: {  	[sflag:s7] =	ssyncadd.s32 $0xFFFFEC00  }
0xe6: {  	_ =	swait.ge [sflag:s8], $0x1400  }
0xe7: {  	[sflag:s8] =	ssyncset.done $0x0  }
0xe8: {  	[sflag:s8] =	ssyncadd.s32 $0xFFFFEC00  }
0xe9: {  	_ =	swait.ge [sflag:s9], $0x1400  }
0xea: {  	[sflag:s9] =	ssyncset.done $0x0  }
0xeb: {  	[sflag:s9] =	ssyncadd.s32 $0xFFFFEC00  }
0xec: {  	_ =	swait.ge [sflag:s10], $0x1400  }
0xed: {  	[sflag:s10] =	ssyncset.done $0x0  }
0xee: {  	[sflag:s10] =	ssyncadd.s32 $0xFFFFEC00  }
0xef: {  	[bflag:$0x0] =	sbarrier.arrive $0xFFFF  }
0xf0: {  	s11 =	rddreg [dreg:$0x5]  }
0xf1: {  	s6 =	rddreg [dreg:$0x8]  }
0xf2: {  	s12 =	rddreg [dreg:$0xa]  }
0xf3: {  	[hbm:s6], [sflag:s11] =	dma.local [spmem:s12], $0xC80  }
0xf4: {  	s6 =	simm.s32 $0x11  }
0xf5: {  	_ =	swait.ge [sflag:s6], $0xC80  }
0xf6: {  	s4 =	rddreg [dreg:$0xb]  }
0xf7: {  	[sflag:s6] =	ssyncset.done $0x0;
	s6 =	rddreg [dreg:$0x9];
	s4 =	sadd.s32 $0x1, s4  }
0xf8: {  	p0 =	sne.s32 s4, s6  }
.Ltmp1:
0xf9: {  	_ = 	snop;
	(pc) =	sbr.rel @p0 .LBB2_1-.Ltmp1, $3  }
0xfa: {  	_ =	sdelay $0x1  }
0xfb: {  	s6 =	simm.s32 $0x11  }
0xfc: {  	[dreg:$0xb] =	wrdreg s4;
	[sflag:s6] =	ssyncadd.s32 $0xFFFFF380  }
0xfd: {  	_ =	sfence.sel $0x180000  }
0xfe: {  	[bflag:$0x0] =	sbarrier.arrive $0xFFFF  }
0xff: {  	_ =	strace $0x9000004D  }
0x100: {  	s0 =	stileid.u32;
	[bflag:$0x2] =	sbarrier.arrive $0xFFFF  }
0x101: {  	p0 =	sne.s32 s0, $0x0;
	s0 =	rddreg [dreg:$0x3]  }
0x102: {  	s0 =	sadd.s32 @!p0 $0x100000, s0  }
0x103: {  	[sflag:s0] =	ssyncadd.tile.s32 @!p0 $0x1;
	_ =	shalt  }
.Lfunc_end2:
_tile_overlayer_lowered:
.L_overlay_start_2:
0x104: {  	(tag) =	ssettag $0x2  }
0x105: {  	s0 =	rddreg [dreg:$0x0];
	s2 =	stileid.u32  }
0x106: {  	s1 =	rddreg [dreg:$0x1];
	p0 =	sne.s32 s2, $0x0  }
0x107: {  	s3 =	rddreg [dreg:$0x2];
	[bflag:$0x3] =	sbarrier.arrive $0xFFFF;
	s2 =	simm.s32 @!p0 $0x1C11  }
0x108: {  	[timem:s3], [sflag:s2] =	dma.local @!p0 [hbm:s0], s1  }
0x109: {  	s0 =	simm.s32 @!p0 $0x11  }
0x10a: {  	_ =	swait.ge @!p0 [sflag:s0], s1  }
0x10b: {  	s1 =	ssub.s32 @!p0 $0x0, s1;
	[sflag:s0] =	ssyncset.done @!p0 $0x0  }
0x10c: {  	[sflag:s0] =	ssyncadd.s32 @!p0 s1  }
0x10d: {  	[bflag:$0x3] =	sbarrier.arrive $0xFFFF  }
0x10e: {  	_ =	shalt  }

// kernel: kernel.8.cloned.1.call-start
scs
__scs_entry_jumppad:
0x0: {  	(pc) =	sbr.rel $0x88, $3  }
0x1: {  	(tag) =	ssettag $0x0;
	lr =	simm.s32 $0x1  }
0x2: {  	[smem:$0x3F97] =	sst lr;
	_ =	strace $0xD0000000  }
0x3: {  	_ = 	snop  }
0x4: {  	_ = 	snop  }
0x5: {  	_ = 	snop  }
0x6: {  	_ = 	snop  }
0x7: {  	_ = 	snop  }
__scs_overlays_trampoline_lowered:
0x8: {  	[smem:$0x3FA6] =	sst s0  }
0x9: {  	[smem:$0x3FA7] =	sst s1  }
0xa: {  	[smem:$0x3FA8] =	sst s2  }
0xb: {  	[smem:$0x3FA9] =	sst s3  }
0xc: {  	[smem:$0x3FAA] =	sst s4  }
0xd: {  	[smem:$0x3FAB] =	sst s5  }
0xe: {  	[smem:$0x3FAC] =	sst s6  }
0xf: {  	[smem:$0x3FAD] =	sst s7  }
0x10: {  	[smem:$0x3FAE] =	sst s8  }
0x11: {  	[smem:$0x3FAF] =	sst s9;
	s0 =	simm.s32 @!p0 $0x0  }
0x12: {  	s1 =	sld [smem:$0x3F95];
	s0 =	simm.s32 @p0 $0x1  }
0x13: {  	[smem:$0x3FB0] =	sst s0;
	s0 =	simm.s32 @!p1 $0x0  }
0x14: {  	s2 =	sld [smem:$0x3F94];
	s0 =	simm.s32 @p1 $0x1  }
0x15: {  	[smem:$0x3FB1] =	sst s0;
	s0 =	simm.s32 @!p2 $0x0  }
0x16: {  	s3 =	sld [smem:$0x3FDB];
	s0 =	simm.s32 @p2 $0x1  }
0x17: {  	s4 =	simm.s32 $0x1BF5;
	[smem:$0x3FB3] =	sst s0  }
0x18: {  	s0 =	sld [smem:$0x3F96];
	_ =	swait.ge [sflag:s4], $0x0  }
0x19: {  	s7 =	sld [smem:$0x3F97]  }
0x1a: {  	s8 =	sadd.s32 $0xFFFFE003, lr  }
0x1b: {  	s9 =	sadd.s32 $0xFFFFFEF7, lr;
	s5 =	simm.s32 $0xFFFFFFFF;
	p2 =	slt.u32 s8, $0xFFFFF086  }
0x1c: {  	p1 =	slt.u32 s9, $0xF7A;
	s5 =	simm.s32 @!p2 $0x0  }
0x1d: {  	s5 =	simm.s32 @p1 $0x1;
	p0 =	seq.s32 s7, s2  }
0x1e: {  	s7 =	smul.u32 @!p0 $0xF7A, s2;
	p2 =	seq.s32 @!p0 s5, $0x0  }
0x1f: {  	s9 =	smul.u32 $0xF7A, s1;
	s8 =	simm.s32 @!p0 $0x1BF5;
	p2 =	por !p2, p0  }
0x20: {  	[sflag:s8] =	ssyncset.s32 @!p0 $0xFFFFF086;
	s6 =	sadd.s32 @!p0 s3, s7;
	s7 =	simm.s32 @!p0 $0x108  }
0x21: {  	s3 =	sadd.s32 s3, s9;
	s6 =	sadd.s32 @!p0 $0x88, s6;
	s7 =	simm.s32 @p2 $0x1082  }
0x22: {  	[simem:s7], [sflag:s8] =	dma.local @!p0 [hbm:s6], $0xF7A  }
0x23: {  	s9 =	sor.u32 $0xD0000000, s2;
	s6 =	simm.s32 $0x108;
	_ =	swait.ge @!p0 [sflag:s8], $0x0  }
0x24: {  	s3 =	sadd.s32 $0x88, s3;
	s6 =	simm.s32 @!p1 $0x1082;
	[sflag:s4] =	ssyncset.s32 $0xFFFFF086  }
0x25: {  	[simem:s6], [sflag:s4] =	dma.local [hbm:s3], $0xF7A  }
0x26: {  	[smem:$0x3F97] =	sst s1;
	(tag) =	ssettag s2;
	_ =	strace s9  }
0x27: {  	s1 =	sld [smem:$0x3FA7]  }
0x28: {  	s2 =	sld [smem:$0x3FA8]  }
0x29: {  	s4 =	sld [smem:$0x3FAA]  }
0x2a: {  	p0 =	seq.s32 s5, $0x0;
	s5 =	sld [smem:$0x3FAB]  }
0x2b: {  	s6 =	sld [smem:$0x3FAC]  }
0x2c: {  	s7 =	sld [smem:$0x3FAD]  }
0x2d: {  	s3 =	simm.s32 $0x108;
	s8 =	sld [smem:$0x3FAE]  }
0x2e: {  	s3 =	simm.s32 @!p0 $0x1082;
	s9 =	sld [smem:$0x3FAF]  }
0x2f: {  	lr =	sadd.s32 s0, s3;
	s0 =	sld [smem:$0x3FA6]  }
0x30: {  	s3 =	sld [smem:$0x3FA9]  }
0x31: {  	[smem:$0x3FB2] =	sst s10  }
0x32: {  	s10 =	sld [smem:$0x3FB0];
	_ =	sdelay $0x3  }
0x33: {  	p0 =	seq.s32 s10, $0x1;
	s10 =	sld [smem:$0x3FB2];
	_ =	sdelay $0x3  }
0x34: {  	[smem:$0x3FB2] =	sst s10  }
0x35: {  	s10 =	sld [smem:$0x3FB1];
	_ =	sdelay $0x3  }
0x36: {  	p1 =	seq.s32 s10, $0x1;
	s10 =	sld [smem:$0x3FB2];
	_ =	sdelay $0x3  }
0x37: {  	[smem:$0x3FB2] =	sst s10  }
0x38: {  	s10 =	sld [smem:$0x3FB3]  }
0x39: {  	_ = 	snop;
	(pc) =	sbr.ind lr, $3  }
0x3a: {  	_ = 	snop  }
0x3b: {  	_ = 	snop  }
0x3c: {  	p2 =	seq.s32 s10, $0x1;
	s10 =	sld [smem:$0x3FB2]  }
0x3d: {  	_ =	shalt  }
0x3e: {  	_ =	shalt  }
0x3f: {  	_ =	shalt  }
0x40: {  	_ =	shalt  }
0x41: {  	_ =	shalt  }
0x42: {  	_ =	shalt  }
0x43: {  	_ =	shalt  }
0x44: {  	_ =	shalt  }
0x45: {  	_ =	shalt  }
0x46: {  	_ =	shalt  }
0x47: {  	_ =	shalt  }
0x48: {  	_ =	shalt  }
0x49: {  	_ =	shalt  }
0x4a: {  	_ =	shalt  }
0x4b: {  	_ =	shalt  }
0x4c: {  	_ =	shalt  }
0x4d: {  	_ =	shalt  }
0x4e: {  	_ =	shalt  }
0x4f: {  	_ =	shalt  }
0x50: {  	_ =	shalt  }
0x51: {  	_ =	shalt  }
0x52: {  	_ =	shalt  }
0x53: {  	_ =	shalt  }
0x54: {  	_ =	shalt  }
0x55: {  	_ =	shalt  }
0x56: {  	_ =	shalt  }
0x57: {  	_ =	shalt  }
0x58: {  	_ =	shalt  }
0x59: {  	_ =	shalt  }
0x5a: {  	_ =	shalt  }
0x5b: {  	_ =	shalt  }
0x5c: {  	_ =	shalt  }
0x5d: {  	_ =	shalt  }
0x5e: {  	_ =	shalt  }
0x5f: {  	_ =	shalt  }
0x60: {  	_ =	shalt  }
0x61: {  	_ =	shalt  }
0x62: {  	_ =	shalt  }
0x63: {  	_ =	shalt  }
0x64: {  	_ =	shalt  }
0x65: {  	_ =	shalt  }
0x66: {  	_ =	shalt  }
0x67: {  	_ =	shalt  }
0x68: {  	_ =	shalt  }
0x69: {  	_ =	shalt  }
0x6a: {  	_ =	shalt  }
0x6b: {  	_ =	shalt  }
0x6c: {  	_ =	shalt  }
0x6d: {  	_ =	shalt  }
0x6e: {  	_ =	shalt  }
0x6f: {  	_ =	shalt  }
0x70: {  	_ =	shalt  }
0x71: {  	_ =	shalt  }
0x72: {  	_ =	shalt  }
0x73: {  	_ =	shalt  }
0x74: {  	_ =	shalt  }
0x75: {  	_ =	shalt  }
0x76: {  	_ =	shalt  }
0x77: {  	_ =	shalt  }
0x78: {  	_ =	shalt  }
0x79: {  	_ =	shalt  }
0x7a: {  	_ =	shalt  }
0x7b: {  	_ =	shalt  }
0x7c: {  	_ =	shalt  }
0x7d: {  	_ =	shalt  }
0x7e: {  	_ =	shalt  }
0x7f: {  	_ =	shalt  }
0x80: {  	_ =	shalt  }
0x81: {  	_ =	shalt  }
0x82: {  	_ =	shalt  }
0x83: {  	_ =	shalt  }
0x84: {  	_ =	shalt  }
0x85: {  	_ =	shalt  }
0x86: {  	_ =	shalt  }
0x87: {  	_ =	shalt  }
.Lfunc_end0:
.L_simem_size_0:
called_computation_lowered:
.L_overlay_start_0:
0x88: {  	s2 =	sld [smem:$0x3FD9]  }
0x89: {  	s3 =	sld [smem:$0x3FFE];
	_ =	sdelay $0x1  }
0x8a: {  	s1 =	srdreg.scid  }
0x8b: {  	s0 =	sand.u32 $0x1, s1  }
0x8c: {  	s17 =	sshll.u32 s0, $0xA;
	s2 =	sadd.s32 s3, s2  }
0x8d: {  	s2 =	sadd.s32 s2, s17  }
0x8e: {  	[smem:$0x3FBE] =	sst s2  }
0x8f: {  	_ = 	snop  }
0x90: {  	s2 =	sld [smem:$0x3FC9]  }
0x91: {  	s18 =	sld [smem:$0x3FD0];
	(tm) =	ssettm $0x1  }
0x92: {  	s4 =	sld [smem:$0x3FFB];
	_ =	sdelay $0x3  }
0x93: {  	_ =	strace s4  }
0x94: {  	s4 =	sld [smem:$0x3FFC];
	_ =	sdelay $0x3  }
0x95: {  	_ =	strace s4  }
0x96: {  	s4 =	sld [smem:$0x3FFD];
	_ =	sdelay $0x3  }
0x97: {  	_ =	strace s4  }
0x98: {  	_ =	strace $0x8FFFFFFF  }
0x99: {  	s19 =	sld [smem:$0x3FDB];
	_ =	sdelay $0x1  }
0x9a: {  	s5 =	simm.s32 $_scs_section_size  }
0x9b: {  	s6 =	simm.s32 $_size__tile_overlayer_lowered;
	s7 =	simm.s32 $_tile_overlayer_lowered  }
0x9c: {  	s22 =	simm.s32 $0x1BFF;
	s21 =	sshll.u32 s7, $0x1;
	s4 =	sadd.s32 s5, s19  }
0x9d: {  	s8 =	simm.s32 $0x0;
	s20 =	sshll.u32 s6, $0x1;
	s6 =	sadd.s32 s21, s4  }
0x9e: {  	[timem:s8], [sflag:s22] =	dma.local [hbm:s6], s20  }
0x9f: {  	_ =	swait.ge [sflag:s22], s20  }
0xa0: {  	s5 =	ssub.s32 $0x0, s20;
	[sflag:s22] =	ssyncset.done $0x0  }
0xa1: {  	[sflag:s22] =	ssyncadd.s32 s5;
	_ =	sdelay $0x1  }
0xa2: {  	s23 =	simm.s32 $0x1B8B  }
0xa3: {  	_ =	swait.ge [sflag:s23], $0x1  }
0xa4: {  	[sflag:s23] =	ssyncset.done $0x0  }
0xa5: {  	s25 =	simm.s32 $0x1B8E;
	s24 =	sld [smem:$0x3FFE];
	[sflag:s23] =	ssyncadd.s32 $0xFFFFFFFF  }
0xa6: {  	s26 =	simm.s32 $execute0_lowered;
	[smem:$0x3FD2] =	sst s25  }
0xa7: {  	s6 =	sshll.u32 s26, $0x1;
	_ =	strace $0x80000046;
	[dreg:$0x1] =	wrdreg $0xFFFFFFFF  }
0xa8: {  	s28 =	simm.s32 $_size_execute0_lowered;
	s4 =	sadd.s32 s4, s6;
	[dreg:$0x0] =	wrdreg $0x0  }
0xa9: {  	s6 =	sshll.u32 s28, $0x1;
	[dreg:$0x2] =	wrdreg s4  }
0xaa: {  	[dreg:$0x3] =	wrdreg s6  }
0xab: {  	[dreg:$0x4] =	wrdreg $0xC0  }
0xac: {  	_ =	task [dreg:s8], $0x5FFFF  }
0xad: {  	[dreg:$0x1] =	wrdreg $0xFFFFFFFF  }
0xae: {  	[dreg:$0x0] =	wrdreg $0x60  }
0xaf: {  	[dreg:$0x2] =	wrdreg s2  }
0xb0: {  	[dreg:$0x3] =	wrdreg s24  }
0xb1: {  	[dreg:$0x4] =	wrdreg s18  }
0xb2: {  	[dreg:$0x5] =	wrdreg $0x90000  }
0xb3: {  	[dreg:$0x6] =	wrdreg $0x1D2000  }
0xb4: {  	[dreg:$0x7] =	wrdreg $0x9  }
0xb5: {  	_ =	task.clear_ibuf [dreg:s8], $0x8FFFF;
	_ =	strace $0x90000046  }
0xb6: {  	s29 =	simm.s32 $0x9;
	_ =	strace $0x80000048  }
0xb7: {  	_ =	swait.ge [sflag:s29], $0x1  }
0xb8: {  	[sflag:s29] =	ssyncadd.s32 $0xFFFFFFFF  }
0xb9: {  	_ =	strace $0x90000048  }
0xba: {  	_ =	sfence  }
0xbb: {  	s30 =	sld [smem:$0x0];
	_ =	sdelay $0x2  }
0xbc: {  	s31 =	sshll.u32 s1, $0xD;
	s1 =	sshrl.u32 s1, $0x2  }
0xbd: {  	s3 =	sand.u32 $0x4000, s31;
	s1 =	sadd.s32 s1, s30  }
0xbe: {  	s0 =	sor.u32 s3, s0;
	s1 =	sshll.u32 s1, $0x11  }
0xbf: {  	s0 =	sor.u32 s1, s0  }
0xc0: {  	s0 =	sadd.s32 $0x8F2B, s0  }
0xc1: {  	[sflag:s0] =	ssyncadd.remote.s32 $0x1  }
0xc2: {  	_ =	sfence.sel $0xFFFF  }
0xc3: {  	[dreg:$0x0] =	wrdreg $0xFFFFFFFF;
	(pc) =	sbr.abs _section_cstart, $3  }
0xc4: {  	[dreg:$0x1] =	wrdreg $0xFFFFFFFF  }
0xc5: {  	_ =	task.clear_ibuf [dreg:s8], $0x2FFFF;
	_ =	strace $0x9FFFFFFF  }
0xc6: {  	(tm) =	ssettm $0x7FFFFFFF  }
0xc7: {  	_ =	shalt  }
tec
execute0_lowered:
.L_overlay_start_1:
0x0: {  	(tag) =	ssettag $0x1  }
0x1: {  	s1 =	rddreg [dreg:$0x0]  }
0x2: {  	s0 =	rddreg [dreg:$0x1]  }
0x3: {  	s2 =	rddreg [dreg:$0x2]  }
0x4: {  	s3 =	rddreg [dreg:$0x3]  }
0x5: {  	s4 =	rddreg [dreg:$0x4]  }
0x6: {  	s13 =	stileid.u32;
	s7 =	simm.s32 $0x0;
	s6 =	srdreg.scid  }
0x7: {  	s29 =	simm.s32 $0x9;
	s31 =	simm.s32 $0x11;
	s17 =	simm.s32 $0x14  }
0x8: {  	s28 =	simm.s32 $0x16;
	s30 =	simm.s32 $0xF;
	s5 =	smul.u32 $0x14000, s13  }
0x9: {  	s14 =	simm.s32 $0x18;
	[smem:$0x7FF] =	sst s7;
	s18 =	smul.u32 $0x2800, s13  }
0xa: {  	s6 =	sand.u32 $0x1, s6;
	s9 =	sadd.s32 $0x2400, s0;
	s19 =	sadd.s32 $0xC400, s0  }
0xb: {  	s12 =	sadd.s32 $0x43400, s0;
	_ =	strace $0x80000047;
	[dreg:$0x6] =	wrdreg s9  }
0xc: {  	s22 =	sshll.u32 s13, $0x6;
	s8 =	smul.u32 $0x140000, s6;
	[dreg:$0x7] =	wrdreg s19  }
0xd: {  	s11 =	ssub.s32 $0x2, s6;
	[dreg:$0x8] =	wrdreg s12;
	s23 =	smul.u32 $0x28000, s6  }
0xe: {  	s6 =	sshll.u32 s6, $0x4;
	s19 =	simm.s32 $0x1D000;
	s12 =	simm.s32 $0xC  }
0xf: {  	s20 =	sshrl.u32 s5, $0x3;
	s10 =	sshrl.u32 s18, $0x3;
	s21 =	sshrl.u32 s11, $0x1  }
0x10: {  	s24 =	sadd.s32 s18, s4;
	s6 =	sor.u32 s13, s6;
	s9 =	sadd.s32 s20, s0  }
0x11: {  	s8 =	sadd.s32 s5, s8;
	s10 =	sadd.s32 s10, s0;
	s5 =	sadd.s32 s5, s3  }
0x12: {  	s7 =	sadd.s32 s18, s23;
	s6 =	smul.u32 $0x2800, s6;
	s9 =	sadd.s32 $0x16400, s9  }
0x13: {  	s23 =	simm.s32 $0x15;
	s10 =	sadd.s32 $0x3E400, s10;
	[dreg:$0x9] =	wrdreg s9  }
0x14: {  	s8 =	sshrl.u32 s8, $0x3;
	s7 =	sshrl.u32 s7, $0x3;
	[dreg:$0xb] =	wrdreg s10  }
0x15: {  	s0 =	sadd.s32 s8, s0;
	[dreg:$0xc] =	wrdreg s6;
	s25 =	sadd.s32 s2, s7  }
0x16: {  	s8 =	ssub.s32 s11, s21;
	s9 =	sor.u32 $0x1C19, s22;
	[dreg:$0xe] =	wrdreg s25  }
0x17: {  	s6 =	sshrl.u32 s5, $0x3;
	s2 =	sshrl.u32 s24, $0x3;
	[dreg:$0xa] =	wrdreg s9  }
0x18: {  	s21 =	simm.s32 $0x20;
	s7 =	simm.s32 $0x13;
	[dreg:$0x10] =	wrdreg s6  }
0x19: {  	s22 =	simm.s32 $0xD;
	s0 =	sadd.s32 $0x43600, s0;
	[dreg:$0x11] =	wrdreg s2  }
0x1a: {  	s26 =	smax.u32 s8, $0x1;
	s8 =	simm.s32 $0x12;
	[dreg:$0xd] =	wrdreg s0  }
0x1b: {  	s25 =	simm.s32 $0xE;
	[dreg:$0xf] =	wrdreg s26;
	s0 =	simm.s32 $0x0  }
.LBB2_1:
0x1c: {  	[dreg:$0x12] =	wrdreg s0  }
0x1d: {  	s11 =	simm.s32 $0x19;
	s5 =	rddreg [dreg:$0x9]  }
0x1e: {  	[spmem:s6], [sflag:s9] =	dma.local [hbm:s5], $0x2800  }
0x1f: {  	_ =	swait.ge [sflag:s11], $0x2800  }
0x20: {  	[sflag:s11] =	ssyncset.done $0x0  }
0x21: {  	s20 =	rddreg [dreg:$0xb];
	[sflag:s11] =	ssyncadd.s32 $0xFFFFD800  }
0x22: {  	[spmem:s2], [sflag:s9] =	dma.local [hbm:s20], $0x500  }
0x23: {  	_ =	swait.ge [sflag:s11], $0x500  }
0x24: {  	[sflag:s11] =	ssyncset.done $0x0  }
0x25: {  	s24 =	simm.s32 $0x0;
	s26 =	rddreg [dreg:$0x8];
	[sflag:s11] =	ssyncadd.s32 $0xFFFFFB00  }
0x26: {  	[tilespmem:s19], [sflag:$0x19] =	stream.linear.gather [hbm4b:s26+s24], $0x200, $0x38;
	[tilespmem:$0x1FA00] =	vst v63  }
0x27: {  	_ =	swait.ge [sflag:s11], $0x200  }
0x28: {  	s0 =	simm.s32 $0x17;
	s13 =	simm.s32 $0x10;
	[sflag:s11] =	ssyncset.done $0x0  }
0x29: {  	s5 =	simm.s32 $0x0;
	s6 =	simm.s32 $0xB;
	[sflag:s11] =	ssyncadd.s32 $0xFFFFFE00  }
0x2a: {  	s2 =	simm.s32 $0xA;
	s24 =	simm.s32 $0x7000;
	[bflag:$0x0] =	sbarrier.arrive $0xFFFF  }
.LBB2_2:
0x2b: {  	s18 =	sshll.u32 s5, $0xB;
	s9 =	rddreg [dreg:$0xc]  }
0x2c: {  	[dreg:$0x13] =	wrdreg s5;
	s5 =	sadd.s32 s9, s18  }
0x2d: {  	s20 =	rddreg [dreg:$0x6];
	s5 =	sshrl.u32 s5, $0x3  }
0x2e: {  	s10 =	simm.s32 $0x0;
	s11 =	simm.s32 $0x19;
	s9 =	sadd.s32 s20, s5  }
0x2f: {  	[tilespmem:s10], [sflag:$0x19] =	stream.linear.gather [hbm4b:s9+s10], $0x800, $0x38;
	[tilespmem:$0x1FA00] =	vst v63  }
0x30: {  	_ =	swait.ge [sflag:s11], $0x800  }
0x31: {  	[sflag:s11] =	ssyncset.done $0x0;
	s26 =	rddreg [dreg:$0x7]  }
0x32: {  	s15 =	simm.s32 $0x800;
	[sflag:s11] =	ssyncadd.s32 $0xFFFFF800;
	s5 =	sadd.s32 s26, s5  }
0x33: {  	[tilespmem:s15], [sflag:$0x19] =	stream.linear.gather [hbm4b:s5+s10], $0x800, $0x38;
	[tilespmem:$0x1FA00] =	vst v63  }
0x34: {  	_ =	swait.ge [sflag:s11], $0x800  }
0x35: {  	[sflag:s11] =	ssyncset.done $0x0  }
0x36: {  	s9 =	simm.s32 $0x1000;
	[sflag:s11] =	ssyncadd.s32 $0xFFFFF800  }
0x37: {  	[tilespmem:s9], [sflag:$0x1] =	stream.indirect.gather [hbm4b:s1+s21], $0x80, s10, s21, $0xb8;
	[tilespmem:$0x1FA00] =	vst v63  }
0x38: {  	s11 =	simm.s32 $0x2000  }
0x39: {  	[tilespmem:s11], [sflag:$0x2] =	stream.indirect.gather [hbm4b:s1+s21], $0x80, s21, s21, $0xb8;
	[tilespmem:$0x1FA00] =	vst v63  }
0x3a: {  	s16 =	simm.s32 $0x40;
	s10 =	simm.s32 $0x3000  }
0x3b: {  	[tilespmem:s10], [sflag:$0x3] =	stream.indirect.gather [hbm4b:s1+s21], $0x80, s16, s21, $0xb8;
	[tilespmem:$0x1FA00] =	vst v63  }
0x3c: {  	s18 =	simm.s32 $0x60;
	s15 =	simm.s32 $0x4000  }
0x3d: {  	[tilespmem:s15], [sflag:$0x4] =	stream.indirect.gather [hbm4b:s1+s21], $0x80, s18, s21, $0xb8;
	[tilespmem:$0x1FA00] =	vst v63  }
0x3e: {  	s20 =	simm.s32 $0x80;
	s16 =	simm.s32 $0x5000  }
0x3f: {  	[tilespmem:s16], [sflag:$0x5] =	stream.indirect.gather [hbm4b:s1+s21], $0x80, s20, s21, $0xb8;
	[tilespmem:$0x1FA00] =	vst v63  }
0x40: {  	s26 =	simm.s32 $0xA0;
	s18 =	simm.s32 $0x6000  }
0x41: {  	[tilespmem:s18], [sflag:$0x6] =	stream.indirect.gather [hbm4b:s1+s21], $0x80, s26, s21, $0xb8;
	[tilespmem:$0x1FA00] =	vst v63  }
0x42: {  	s20 =	simm.s32 $0xC0  }
0x43: {  	[tilespmem:s24], [sflag:$0x7] =	stream.indirect.gather [hbm4b:s1+s21], $0x80, s20, s21, $0xb8;
	[tilespmem:$0x1FA00] =	vst v63  }
0x44: {  	s26 =	simm.s32 $0xE0;
	s20 =	simm.s32 $0x8000  }
0x45: {  	[tilespmem:s20], [sflag:$0x8] =	stream.indirect.gather [hbm4b:s1+s21], $0x80, s26, s21, $0xb8;
	[tilespmem:$0x1FA00] =	vst v63  }
0x46: {  	s26 =	simm.s32 $0x1  }
0x47: {  	_ =	swait.ge [sflag:s26], $0x1000  }
0x48: {  	[sflag:s26] =	ssyncset.done $0x0  }
0x49: {  	[sflag:s26] =	ssyncadd.s32 $0xFFFFF000;
	s26 =	simm.s32 $0x800  }
0x4a: {  	[spmem:s3] =	stream.indirect.scatter.add.f32 [tilespmem:s9], [sflag:$0x9], $0x80, s26, s21, $0xb8;
	[tilespmem:$0x1FA00] =	vst v63  }
0x4b: {  	_ = 	snop  }
0x4c: {  	[spmem:s4] =	stream.indirect.scatter.add.f32 [tilespmem:s19], [sflag:$0x11], $0x10, s26, s21, $0xb8;
	[tilespmem:$0x1FA00] =	vst v63  }
0x4d: {  	s26 =	simm.s32 $0x2  }
0x4e: {  	_ =	swait.ge [sflag:s26], $0x1000  }
0x4f: {  	[sflag:s26] =	ssyncset.done $0x0  }
0x50: {  	[sflag:s26] =	ssyncadd.s32 $0xFFFFF000;
	s26 =	simm.s32 $0x820  }
0x51: {  	[spmem:s3] =	stream.indirect.scatter.add.f32 [tilespmem:s11], [sflag:$0xA], $0x80, s26, s21, $0xb8;
	[tilespmem:$0x1FA00] =	vst v63  }
0x52: {  	_ = 	snop  }
0x53: {  	[spmem:s4] =	stream.indirect.scatter.add.f32 [tilespmem:s19], [sflag:$0x12], $0x10, s26, s21, $0xb8;
	[tilespmem:$0x1FA00] =	vst v63  }
0x54: {  	s26 =	simm.s32 $0x3  }
0x55: {  	_ =	swait.ge [sflag:s26], $0x1000  }
0x56: {  	[sflag:s26] =	ssyncset.done $0x0  }
0x57: {  	[sflag:s26] =	ssyncadd.s32 $0xFFFFF000;
	s26 =	simm.s32 $0x840  }
0x58: {  	[spmem:s3] =	stream.indirect.scatter.add.f32 [tilespmem:s10], [sflag:$0xB], $0x80, s26, s21, $0xb8;
	[tilespmem:$0x1FA00] =	vst v63  }
0x59: {  	_ = 	snop  }
0x5a: {  	[spmem:s4] =	stream.indirect.scatter.add.f32 [tilespmem:s19], [sflag:$0x13], $0x10, s26, s21, $0xb8;
	[tilespmem:$0x1FA00] =	vst v63  }
0x5b: {  	s26 =	simm.s32 $0x4  }
0x5c: {  	_ =	swait.ge [sflag:s26], $0x1000  }
0x5d: {  	[sflag:s26] =	ssyncset.done $0x0  }
0x5e: {  	[sflag:s26] =	ssyncadd.s32 $0xFFFFF000;
	s26 =	simm.s32 $0x860  }
0x5f: {  	[spmem:s3] =	stream.indirect.scatter.add.f32 [tilespmem:s15], [sflag:$0xC], $0x80, s26, s21, $0xb8;
	[tilespmem:$0x1FA00] =	vst v63  }
0x60: {  	_ = 	snop  }
0x61: {  	[spmem:s4] =	stream.indirect.scatter.add.f32 [tilespmem:s19], [sflag:$0x14], $0x10, s26, s21, $0xb8;
	[tilespmem:$0x1FA00] =	vst v63  }
0x62: {  	s26 =	simm.s32 $0x5  }
0x63: {  	_ =	swait.ge [sflag:s26], $0x1000  }
0x64: {  	[sflag:s26] =	ssyncset.done $0x0  }
0x65: {  	[sflag:s26] =	ssyncadd.s32 $0xFFFFF000;
	s26 =	simm.s32 $0x880  }
0x66: {  	[spmem:s3] =	stream.indirect.scatter.add.f32 [tilespmem:s16], [sflag:$0xD], $0x80, s26, s21, $0xb8;
	[tilespmem:$0x1FA00] =	vst v63  }
0x67: {  	_ = 	snop  }
0x68: {  	[spmem:s4] =	stream.indirect.scatter.add.f32 [tilespmem:s19], [sflag:$0x15], $0x10, s26, s21, $0xb8;
	[tilespmem:$0x1FA00] =	vst v63  }
0x69: {  	s26 =	simm.s32 $0x6  }
0x6a: {  	_ =	swait.ge [sflag:s26], $0x1000  }
0x6b: {  	[sflag:s26] =	ssyncset.done $0x0  }
0x6c: {  	[sflag:s26] =	ssyncadd.s32 $0xFFFFF000;
	s26 =	simm.s32 $0x8A0  }
0x6d: {  	[spmem:s3] =	stream.indirect.scatter.add.f32 [tilespmem:s18], [sflag:$0xE], $0x80, s26, s21, $0xb8;
	[tilespmem:$0x1FA00] =	vst v63  }
0x6e: {  	_ = 	snop  }
0x6f: {  	[spmem:s4] =	stream.indirect.scatter.add.f32 [tilespmem:s19], [sflag:$0x16], $0x10, s26, s21, $0xb8;
	[tilespmem:$0x1FA00] =	vst v63  }
0x70: {  	s26 =	simm.s32 $0x7  }
0x71: {  	_ =	swait.ge [sflag:s26], $0x1000  }
0x72: {  	[sflag:s26] =	ssyncset.done $0x0  }
0x73: {  	[sflag:s26] =	ssyncadd.s32 $0xFFFFF000;
	s26 =	simm.s32 $0x8C0  }
0x74: {  	[spmem:s3] =	stream.indirect.scatter.add.f32 [tilespmem:s24], [sflag:$0xF], $0x80, s26, s21, $0xb8;
	[tilespmem:$0x1FA00] =	vst v63  }
0x75: {  	_ = 	snop  }
0x76: {  	[spmem:s4] =	stream.indirect.scatter.add.f32 [tilespmem:s19], [sflag:$0x17], $0x10, s26, s21, $0xb8;
	[tilespmem:$0x1FA00] =	vst v63  }
0x77: {  	s26 =	simm.s32 $0x8  }
0x78: {  	_ =	swait.ge [sflag:s26], $0x1000  }
0x79: {  	[sflag:s26] =	ssyncset.done $0x0  }
0x7a: {  	[sflag:s26] =	ssyncadd.s32 $0xFFFFF000;
	s26 =	simm.s32 $0x8E0  }
0x7b: {  	[spmem:s3] =	stream.indirect.scatter.add.f32 [tilespmem:s20], [sflag:$0x10], $0x80, s26, s21, $0xb8;
	[tilespmem:$0x1FA00] =	vst v63  }
0x7c: {  	_ = 	snop  }
0x7d: {  	[spmem:s4] =	stream.indirect.scatter.add.f32 [tilespmem:s19], [sflag:$0x18], $0x10, s26, s21, $0xb8;
	[tilespmem:$0x1FA00] =	vst v63  }
0x7e: {  	_ =	swait.ge [sflag:s29], $0x1000  }
0x7f: {  	[sflag:s29] =	ssyncset.done $0x0  }
0x80: {  	[sflag:s29] =	ssyncadd.s32 $0xFFFFF000  }
0x81: {  	_ =	swait.ge [sflag:s31], $0x200  }
0x82: {  	[sflag:s31] =	ssyncset.done $0x0  }
0x83: {  	s20 =	simm.s32 $0x100;
	[sflag:s31] =	ssyncadd.s32 $0xFFFFFE00  }
0x84: {  	[tilespmem:s9], [sflag:$0x1] =	stream.indirect.gather [hbm4b:s1+s21], $0x80, s20, s21, $0xb8;
	[tilespmem:$0x1FA00] =	vst v63  }
0x85: {  	_ =	swait.ge [sflag:s2], $0x1000  }
0x86: {  	[sflag:s2] =	ssyncset.done $0x0  }
0x87: {  	[sflag:s2] =	ssyncadd.s32 $0xFFFFF000  }
0x88: {  	_ =	swait.ge [sflag:s8], $0x200  }
0x89: {  	[sflag:s8] =	ssyncset.done $0x0  }
0x8a: {  	s26 =	simm.s32 $0x120;
	[sflag:s8] =	ssyncadd.s32 $0xFFFFFE00  }
0x8b: {  	[tilespmem:s11], [sflag:$0x2] =	stream.indirect.gather [hbm4b:s1+s21], $0x80, s26, s21, $0xb8;
	[tilespmem:$0x1FA00] =	vst v63  }
0x8c: {  	_ =	swait.ge [sflag:s6], $0x1000  }
0x8d: {  	[sflag:s6] =	ssyncset.done $0x0  }
0x8e: {  	[sflag:s6] =	ssyncadd.s32 $0xFFFFF000  }
0x8f: {  	_ =	swait.ge [sflag:s7], $0x200  }
0x90: {  	[sflag:s7] =	ssyncset.done $0x0  }
0x91: {  	s9 =	simm.s32 $0x140;
	[sflag:s7] =	ssyncadd.s32 $0xFFFFFE00  }
0x92: {  	[tilespmem:s10], [sflag:$0x3] =	stream.indirect.gather [hbm4b:s1+s21], $0x80, s9, s21, $0xb8;
	[tilespmem:$0x1FA00] =	vst v63  }
0x93: {  	_ =	swait.ge [sflag:s12], $0x1000  }
0x94: {  	[sflag:s12] =	ssyncset.done $0x0  }
0x95: {  	[sflag:s12] =	ssyncadd.s32 $0xFFFFF000  }
0x96: {  	_ =	swait.ge [sflag:s17], $0x200  }
0x97: {  	[sflag:s17] =	ssyncset.done $0x0  }
0x98: {  	s11 =	simm.s32 $0x160;
	[sflag:s17] =	ssyncadd.s32 $0xFFFFFE00  }
0x99: {  	[tilespmem:s15], [sflag:$0x4] =	stream.indirect.gather [hbm4b:s1+s21], $0x80, s11, s21, $0xb8;
	[tilespmem:$0x1FA00] =	vst v63  }
0x9a: {  	_ =	swait.ge [sflag:s22], $0x1000  }
0x9b: {  	[sflag:s22] =	ssyncset.done $0x0  }
0x9c: {  	[sflag:s22] =	ssyncadd.s32 $0xFFFFF000  }
0x9d: {  	_ =	swait.ge [sflag:s23], $0x200  }
0x9e: {  	[sflag:s23] =	ssyncset.done $0x0  }
0x9f: {  	s15 =	simm.s32 $0x180;
	[sflag:s23] =	ssyncadd.s32 $0xFFFFFE00  }
0xa0: {  	[tilespmem:s16], [sflag:$0x5] =	stream.indirect.gather [hbm4b:s1+s21], $0x80, s15, s21, $0xb8;
	[tilespmem:$0x1FA00] =	vst v63  }
0xa1: {  	_ =	swait.ge [sflag:s25], $0x1000  }
0xa2: {  	[sflag:s25] =	ssyncset.done $0x0  }
0xa3: {  	[sflag:s25] =	ssyncadd.s32 $0xFFFFF000  }
0xa4: {  	_ =	swait.ge [sflag:s28], $0x200  }
0xa5: {  	[sflag:s28] =	ssyncset.done $0x0  }
0xa6: {  	s20 =	simm.s32 $0x1A0;
	[sflag:s28] =	ssyncadd.s32 $0xFFFFFE00  }
0xa7: {  	[tilespmem:s18], [sflag:$0x6] =	stream.indirect.gather [hbm4b:s1+s21], $0x80, s20, s21, $0xb8;
	[tilespmem:$0x1FA00] =	vst v63  }
0xa8: {  	_ =	swait.ge [sflag:s30], $0x1000  }
0xa9: {  	[sflag:s30] =	ssyncset.done $0x0  }
0xaa: {  	[sflag:s30] =	ssyncadd.s32 $0xFFFFF000  }
0xab: {  	_ =	swait.ge [sflag:s0], $0x200  }
0xac: {  	[sflag:s0] =	ssyncset.done $0x0  }
0xad: {  	s26 =	simm.s32 $0x1C0;
	[sflag:s0] =	ssyncadd.s32 $0xFFFFFE00  }
0xae: {  	[tilespmem:s24], [sflag:$0x7] =	stream.indirect.gather [hbm4b:s1+s21], $0x80, s26, s21, $0xb8;
	[tilespmem:$0x1FA00] =	vst v63  }
0xaf: {  	_ =	swait.ge [sflag:s13], $0x1000  }
0xb0: {  	[sflag:s13] =	ssyncset.done $0x0  }
0xb1: {  	[sflag:s13] =	ssyncadd.s32 $0xFFFFF000  }
0xb2: {  	_ =	swait.ge [sflag:s14], $0x200  }
0xb3: {  	[sflag:s14] =	ssyncset.done $0x0  }
0xb4: {  	s5 =	simm.s32 $0x400;
	s9 =	simm.s32 $0x1E0;
	[sflag:s14] =	ssyncadd.s32 $0xFFFFFE00  }
.LBB2_3:
0xb5: {  	s15 =	simm.s32 $0x8000  }
0xb6: {  	[tilespmem:s15], [sflag:$0x8] =	stream.indirect.gather [hbm4b:s1+s21], $0x80, s9, s21, $0xb8;
	[tilespmem:$0x1FA00] =	vst v63  }
0xb7: {  	s10 =	simm.s32 $0x1;
	s9 =	smov.u32 s5  }
0xb8: {  	p0 =	sne.s32 s5, $0x1800;
	s5 =	sadd.s32 $0x400, s5;
	_ =	swait.ge [sflag:s10], $0x1000  }
0xb9: {  	s13 =	simm.s32 $0x7000;
	s9 =	sshra.s32 s9, $0x2;
	[sflag:s10] =	ssyncset.done $0x0  }
0xba: {  	s16 =	simm.s32 $0x1000;
	s11 =	sadd.s32 $0x800, s9;
	[sflag:s10] =	ssyncadd.s32 $0xFFFFF000  }
0xbb: {  	[spmem:s3] =	stream.indirect.scatter.add.f32 [tilespmem:s16], [sflag:$0x9], $0x80, s11, s21, $0xb8;
	[tilespmem:$0x1FA00] =	vst v63  }
0xbc: {  	s10 =	simm.s32 $0x2  }
0xbd: {  	[spmem:s4] =	stream.indirect.scatter.add.f32 [tilespmem:s19], [sflag:$0x11], $0x10, s11, s21, $0xb8;
	[tilespmem:$0x1FA00] =	vst v63  }
0xbe: {  	_ =	swait.ge [sflag:s10], $0x1000  }
0xbf: {  	[sflag:s10] =	ssyncset.done $0x0  }
0xc0: {  	s18 =	simm.s32 $0x2000;
	s11 =	sadd.s32 $0x820, s9;
	[sflag:s10] =	ssyncadd.s32 $0xFFFFF000  }
0xc1: {  	[spmem:s3] =	stream.indirect.scatter.add.f32 [tilespmem:s18], [sflag:$0xA], $0x80, s11, s21, $0xb8;
	[tilespmem:$0x1FA00] =	vst v63  }
0xc2: {  	s10 =	simm.s32 $0x3  }
0xc3: {  	[spmem:s4] =	stream.indirect.scatter.add.f32 [tilespmem:s19], [sflag:$0x12], $0x10, s11, s21, $0xb8;
	[tilespmem:$0x1FA00] =	vst v63  }
0xc4: {  	_ =	swait.ge [sflag:s10], $0x1000  }
0xc5: {  	[sflag:s10] =	ssyncset.done $0x0  }
0xc6: {  	s11 =	sadd.s32 $0x840, s9;
	[sflag:s10] =	ssyncadd.s32 $0xFFFFF000;
	s10 =	simm.s32 $0x3000  }
0xc7: {  	[spmem:s3] =	stream.indirect.scatter.add.f32 [tilespmem:s10], [sflag:$0xB], $0x80, s11, s21, $0xb8;
	[tilespmem:$0x1FA00] =	vst v63  }
0xc8: {  	_ = 	snop  }
0xc9: {  	[spmem:s4] =	stream.indirect.scatter.add.f32 [tilespmem:s19], [sflag:$0x13], $0x10, s11, s21, $0xb8;
	[tilespmem:$0x1FA00] =	vst v63  }
0xca: {  	s11 =	simm.s32 $0x4  }
0xcb: {  	_ =	swait.ge [sflag:s11], $0x1000  }
0xcc: {  	[sflag:s11] =	ssyncset.done $0x0  }
0xcd: {  	s20 =	simm.s32 $0x4000;
	[sflag:s11] =	ssyncadd.s32 $0xFFFFF000;
	s11 =	sadd.s32 $0x860, s9  }
0xce: {  	[spmem:s3] =	stream.indirect.scatter.add.f32 [tilespmem:s20], [sflag:$0xC], $0x80, s11, s21, $0xb8;
	[tilespmem:$0x1FA00] =	vst v63  }
0xcf: {  	_ = 	snop  }
0xd0: {  	[spmem:s4] =	stream.indirect.scatter.add.f32 [tilespmem:s19], [sflag:$0x14], $0x10, s11, s21, $0xb8;
	[tilespmem:$0x1FA00] =	vst v63  }
0xd1: {  	s11 =	simm.s32 $0x5  }
0xd2: {  	_ =	swait.ge [sflag:s11], $0x1000  }
0xd3: {  	[sflag:s11] =	ssyncset.done $0x0  }
0xd4: {  	s24 =	simm.s32 $0x5000;
	[sflag:s11] =	ssyncadd.s32 $0xFFFFF000;
	s11 =	sadd.s32 $0x880, s9  }
0xd5: {  	[spmem:s3] =	stream.indirect.scatter.add.f32 [tilespmem:s24], [sflag:$0xD], $0x80, s11, s21, $0xb8;
	[tilespmem:$0x1FA00] =	vst v63  }
0xd6: {  	_ = 	snop  }
0xd7: {  	[spmem:s4] =	stream.indirect.scatter.add.f32 [tilespmem:s19], [sflag:$0x15], $0x10, s11, s21, $0xb8;
	[tilespmem:$0x1FA00] =	vst v63  }
0xd8: {  	s11 =	simm.s32 $0x6  }
0xd9: {  	_ =	swait.ge [sflag:s11], $0x1000  }
0xda: {  	[sflag:s11] =	ssyncset.done $0x0  }
0xdb: {  	s26 =	simm.s32 $0x6000;
	[sflag:s11] =	ssyncadd.s32 $0xFFFFF000;
	s11 =	sadd.s32 $0x8A0, s9  }
0xdc: {  	[spmem:s3] =	stream.indirect.scatter.add.f32 [tilespmem:s26], [sflag:$0xE], $0x80, s11, s21, $0xb8;
	[tilespmem:$0x1FA00] =	vst v63  }
0xdd: {  	_ = 	snop  }
0xde: {  	[spmem:s4] =	stream.indirect.scatter.add.f32 [tilespmem:s19], [sflag:$0x16], $0x10, s11, s21, $0xb8;
	[tilespmem:$0x1FA00] =	vst v63  }
0xdf: {  	s11 =	simm.s32 $0x7  }
0xe0: {  	_ =	swait.ge [sflag:s11], $0x1000  }
0xe1: {  	[sflag:s11] =	ssyncset.done $0x0  }
0xe2: {  	[sflag:s11] =	ssyncadd.s32 $0xFFFFF000;
	s11 =	sadd.s32 $0x8C0, s9  }
0xe3: {  	[spmem:s3] =	stream.indirect.scatter.add.f32 [tilespmem:s13], [sflag:$0xF], $0x80, s11, s21, $0xb8;
	[tilespmem:$0x1FA00] =	vst v63  }
0xe4: {  	_ = 	snop  }
0xe5: {  	[spmem:s4] =	stream.indirect.scatter.add.f32 [tilespmem:s19], [sflag:$0x17], $0x10, s11, s21, $0xb8;
	[tilespmem:$0x1FA00] =	vst v63  }
0xe6: {  	s11 =	simm.s32 $0x8  }
0xe7: {  	_ =	swait.ge [sflag:s11], $0x1000  }
0xe8: {  	[sflag:s11] =	ssyncset.done $0x0  }
0xe9: {  	[sflag:s11] =	ssyncadd.s32 $0xFFFFF000;
	s11 =	sadd.s32 $0x8E0, s9  }
0xea: {  	[spmem:s3] =	stream.indirect.scatter.add.f32 [tilespmem:s15], [sflag:$0x10], $0x80, s11, s21, $0xb8;
	[tilespmem:$0x1FA00] =	vst v63  }
0xeb: {  	_ = 	snop  }
0xec: {  	[spmem:s4] =	stream.indirect.scatter.add.f32 [tilespmem:s19], [sflag:$0x18], $0x10, s11, s21, $0xb8;
	[tilespmem:$0x1FA00] =	vst v63  }
0xed: {  	_ =	swait.ge [sflag:s29], $0x1000  }
0xee: {  	[sflag:s29] =	ssyncset.done $0x0  }
0xef: {  	[sflag:s29] =	ssyncadd.s32 $0xFFFFF000  }
0xf0: {  	_ =	swait.ge [sflag:s31], $0x200  }
0xf1: {  	[sflag:s31] =	ssyncset.done $0x0  }
0xf2: {  	s15 =	simm.s32 $0x1000;
	s11 =	sadd.s32 $0x100, s9;
	[sflag:s31] =	ssyncadd.s32 $0xFFFFFE00  }
0xf3: {  	[tilespmem:s16], [sflag:$0x1] =	stream.indirect.gather [hbm4b:s1+s21], $0x80, s11, s21, $0xb8;
	[tilespmem:$0x1FA00] =	vst v63  }
0xf4: {  	_ =	swait.ge [sflag:s2], $0x1000  }
0xf5: {  	[sflag:s2] =	ssyncset.done $0x0  }
0xf6: {  	[sflag:s2] =	ssyncadd.s32 $0xFFFFF000  }
0xf7: {  	_ =	swait.ge [sflag:s8], $0x200  }
0xf8: {  	[sflag:s8] =	ssyncset.done $0x0  }
0xf9: {  	s11 =	sadd.s32 $0x120, s9;
	s16 =	simm.s32 $0x2000;
	[sflag:s8] =	ssyncadd.s32 $0xFFFFFE00  }
0xfa: {  	[tilespmem:s18], [sflag:$0x2] =	stream.indirect.gather [hbm4b:s1+s21], $0x80, s11, s21, $0xb8;
	[tilespmem:$0x1FA00] =	vst v63  }
0xfb: {  	_ =	swait.ge [sflag:s6], $0x1000  }
0xfc: {  	[sflag:s6] =	ssyncset.done $0x0  }
0xfd: {  	[sflag:s6] =	ssyncadd.s32 $0xFFFFF000  }
0xfe: {  	_ =	swait.ge [sflag:s7], $0x200  }
0xff: {  	[sflag:s7] =	ssyncset.done $0x0  }
0x100: {  	s11 =	sadd.s32 $0x140, s9;
	s18 =	simm.s32 $0x3000;
	[sflag:s7] =	ssyncadd.s32 $0xFFFFFE00  }
0x101: {  	[tilespmem:s10], [sflag:$0x3] =	stream.indirect.gather [hbm4b:s1+s21], $0x80, s11, s21, $0xb8;
	[tilespmem:$0x1FA00] =	vst v63  }
0x102: {  	_ =	swait.ge [sflag:s12], $0x1000  }
0x103: {  	[sflag:s12] =	ssyncset.done $0x0  }
0x104: {  	[sflag:s12] =	ssyncadd.s32 $0xFFFFF000  }
0x105: {  	_ =	swait.ge [sflag:s17], $0x200  }
0x106: {  	[sflag:s17] =	ssyncset.done $0x0  }
0x107: {  	s11 =	sadd.s32 $0x160, s9;
	s10 =	simm.s32 $0x4000;
	[sflag:s17] =	ssyncadd.s32 $0xFFFFFE00  }
0x108: {  	[tilespmem:s20], [sflag:$0x4] =	stream.indirect.gather [hbm4b:s1+s21], $0x80, s11, s21, $0xb8;
	[tilespmem:$0x1FA00] =	vst v63  }
0x109: {  	_ =	swait.ge [sflag:s22], $0x1000  }
0x10a: {  	[sflag:s22] =	ssyncset.done $0x0  }
0x10b: {  	[sflag:s22] =	ssyncadd.s32 $0xFFFFF000  }
0x10c: {  	_ =	swait.ge [sflag:s23], $0x200  }
0x10d: {  	[sflag:s23] =	ssyncset.done $0x0  }
0x10e: {  	s11 =	sadd.s32 $0x180, s9;
	s20 =	simm.s32 $0x5000;
	[sflag:s23] =	ssyncadd.s32 $0xFFFFFE00  }
0x10f: {  	[tilespmem:s24], [sflag:$0x5] =	stream.indirect.gather [hbm4b:s1+s21], $0x80, s11, s21, $0xb8;
	[tilespmem:$0x1FA00] =	vst v63  }
0x110: {  	_ =	swait.ge [sflag:s25], $0x1000  }
0x111: {  	[sflag:s25] =	ssyncset.done $0x0  }
0x112: {  	[sflag:s25] =	ssyncadd.s32 $0xFFFFF000  }
0x113: {  	_ =	swait.ge [sflag:s28], $0x200  }
0x114: {  	[sflag:s28] =	ssyncset.done $0x0  }
0x115: {  	s11 =	sadd.s32 $0x1A0, s9;
	s24 =	simm.s32 $0x6000;
	[sflag:s28] =	ssyncadd.s32 $0xFFFFFE00  }
0x116: {  	[tilespmem:s26], [sflag:$0x6] =	stream.indirect.gather [hbm4b:s1+s21], $0x80, s11, s21, $0xb8;
	[tilespmem:$0x1FA00] =	vst v63  }
0x117: {  	_ =	swait.ge [sflag:s30], $0x1000  }
0x118: {  	[sflag:s30] =	ssyncset.done $0x0  }
0x119: {  	[sflag:s30] =	ssyncadd.s32 $0xFFFFF000  }
0x11a: {  	_ =	swait.ge [sflag:s0], $0x200  }
0x11b: {  	[sflag:s0] =	ssyncset.done $0x0  }
0x11c: {  	s11 =	sadd.s32 $0x1C0, s9;
	[sflag:s0] =	ssyncadd.s32 $0xFFFFFE00  }
0x11d: {  	[tilespmem:s13], [sflag:$0x7] =	stream.indirect.gather [hbm4b:s1+s21], $0x80, s11, s21, $0xb8;
	[tilespmem:$0x1FA00] =	vst v63  }
0x11e: {  	s13 =	simm.s32 $0x10;
	s11 =	simm.s32 $0x7000  }
0x11f: {  	_ =	swait.ge [sflag:s13], $0x1000  }
.Ltmp0:
0x120: {  	[sflag:s13] =	ssyncset.done $0x0;
	(pc) =	sbr.rel @p0 .LBB2_3-.Ltmp0, $4  }
0x121: {  	[sflag:s13] =	ssyncadd.s32 $0xFFFFF000  }
0x122: {  	_ =	swait.ge [sflag:s14], $0x200  }
0x123: {  	[sflag:s14] =	ssyncset.done $0x0  }
0x124: {  	s9 =	sadd.s32 $0x1E0, s9;
	[sflag:s14] =	ssyncadd.s32 $0xFFFFFE00  }
0x125: {  	s26 =	simm.s32 $0x8000;
	s5 =	simm.s32 $0x1  }
0x126: {  	[tilespmem:s26], [sflag:$0x8] =	stream.indirect.gather [hbm4b:s1+s21], $0x80, s9, s21, $0xb8;
	[tilespmem:$0x1FA00] =	vst v63  }
0x127: {  	_ =	swait.ge [sflag:s5], $0x1000  }
0x128: {  	[sflag:s5] =	ssyncset.done $0x0  }
0x129: {  	s9 =	simm.s32 $0xF00;
	[sflag:s5] =	ssyncadd.s32 $0xFFFFF000  }
0x12a: {  	[spmem:s3] =	stream.indirect.scatter.add.f32 [tilespmem:s15], [sflag:$0x9], $0x80, s9, s21, $0xb8;
	[tilespmem:$0x1FA00] =	vst v63  }
0x12b: {  	_ = 	snop  }
0x12c: {  	[spmem:s4] =	stream.indirect.scatter.add.f32 [tilespmem:s19], [sflag:$0x11], $0x10, s9, s21, $0xb8;
	[tilespmem:$0x1FA00] =	vst v63  }
0x12d: {  	s9 =	simm.s32 $0x2  }
0x12e: {  	_ =	swait.ge [sflag:s9], $0x1000  }
0x12f: {  	[sflag:s9] =	ssyncset.done $0x0  }
0x130: {  	s15 =	simm.s32 $0xF20;
	[sflag:s9] =	ssyncadd.s32 $0xFFFFF000  }
0x131: {  	[spmem:s3] =	stream.indirect.scatter.add.f32 [tilespmem:s16], [sflag:$0xA], $0x80, s15, s21, $0xb8;
	[tilespmem:$0x1FA00] =	vst v63  }
0x132: {  	s16 =	simm.s32 $0x3  }
0x133: {  	[spmem:s4] =	stream.indirect.scatter.add.f32 [tilespmem:s19], [sflag:$0x12], $0x10, s15, s21, $0xb8;
	[tilespmem:$0x1FA00] =	vst v63  }
0x134: {  	_ =	swait.ge [sflag:s16], $0x1000  }
0x135: {  	[sflag:s16] =	ssyncset.done $0x0  }
0x136: {  	s9 =	simm.s32 $0xF40;
	[sflag:s16] =	ssyncadd.s32 $0xFFFFF000  }
0x137: {  	[spmem:s3] =	stream.indirect.scatter.add.f32 [tilespmem:s18], [sflag:$0xB], $0x80, s9, s21, $0xb8;
	[tilespmem:$0x1FA00] =	vst v63  }
0x138: {  	s15 =	simm.s32 $0x4  }
0x139: {  	[spmem:s4] =	stream.indirect.scatter.add.f32 [tilespmem:s19], [sflag:$0x13], $0x10, s9, s21, $0xb8;
	[tilespmem:$0x1FA00] =	vst v63  }
0x13a: {  	_ =	swait.ge [sflag:s15], $0x1000  }
0x13b: {  	[sflag:s15] =	ssyncset.done $0x0  }
0x13c: {  	s16 =	simm.s32 $0xF60;
	[sflag:s15] =	ssyncadd.s32 $0xFFFFF000  }
0x13d: {  	[spmem:s3] =	stream.indirect.scatter.add.f32 [tilespmem:s10], [sflag:$0xC], $0x80, s16, s21, $0xb8;
	[tilespmem:$0x1FA00] =	vst v63  }
0x13e: {  	s18 =	simm.s32 $0x5  }
0x13f: {  	[spmem:s4] =	stream.indirect.scatter.add.f32 [tilespmem:s19], [sflag:$0x14], $0x10, s16, s21, $0xb8;
	[tilespmem:$0x1FA00] =	vst v63  }
0x140: {  	_ =	swait.ge [sflag:s18], $0x1000  }
0x141: {  	[sflag:s18] =	ssyncset.done $0x0  }
0x142: {  	s9 =	simm.s32 $0xF80;
	[sflag:s18] =	ssyncadd.s32 $0xFFFFF000  }
0x143: {  	[spmem:s3] =	stream.indirect.scatter.add.f32 [tilespmem:s20], [sflag:$0xD], $0x80, s9, s21, $0xb8;
	[tilespmem:$0x1FA00] =	vst v63  }
0x144: {  	s10 =	simm.s32 $0x6  }
0x145: {  	[spmem:s4] =	stream.indirect.scatter.add.f32 [tilespmem:s19], [sflag:$0x15], $0x10, s9, s21, $0xb8;
	[tilespmem:$0x1FA00] =	vst v63  }
0x146: {  	_ =	swait.ge [sflag:s10], $0x1000  }
0x147: {  	[sflag:s10] =	ssyncset.done $0x0  }
0x148: {  	s15 =	simm.s32 $0xFA0;
	[sflag:s10] =	ssyncadd.s32 $0xFFFFF000  }
0x149: {  	[spmem:s3] =	stream.indirect.scatter.add.f32 [tilespmem:s24], [sflag:$0xE], $0x80, s15, s21, $0xb8;
	[tilespmem:$0x1FA00] =	vst v63  }
0x14a: {  	s16 =	simm.s32 $0x7  }
0x14b: {  	[spmem:s4] =	stream.indirect.scatter.add.f32 [tilespmem:s19], [sflag:$0x16], $0x10, s15, s21, $0xb8;
	[tilespmem:$0x1FA00] =	vst v63  }
0x14c: {  	_ =	swait.ge [sflag:s16], $0x1000  }
0x14d: {  	[sflag:s16] =	ssyncset.done $0x0  }
0x14e: {  	s18 =	simm.s32 $0xFC0;
	[sflag:s16] =	ssyncadd.s32 $0xFFFFF000  }
0x14f: {  	[spmem:s3] =	stream.indirect.scatter.add.f32 [tilespmem:s11], [sflag:$0xF], $0x80, s18, s21, $0xb8;
	[tilespmem:$0x1FA00] =	vst v63  }
0x150: {  	s20 =	simm.s32 $0x8  }
0x151: {  	[spmem:s4] =	stream.indirect.scatter.add.f32 [tilespmem:s19], [sflag:$0x17], $0x10, s18, s21, $0xb8;
	[tilespmem:$0x1FA00] =	vst v63  }
0x152: {  	_ =	swait.ge [sflag:s20], $0x1000  }
0x153: {  	[sflag:s20] =	ssyncset.done $0x0  }
0x154: {  	s24 =	simm.s32 $0xFE0;
	[sflag:s20] =	ssyncadd.s32 $0xFFFFF000  }
0x155: {  	[spmem:s3] =	stream.indirect.scatter.add.f32 [tilespmem:s26], [sflag:$0x10], $0x80, s24, s21, $0xb8;
	[tilespmem:$0x1FA00] =	vst v63  }
0x156: {  	_ = 	snop  }
0x157: {  	[spmem:s4] =	stream.indirect.scatter.add.f32 [tilespmem:s19], [sflag:$0x18], $0x10, s24, s21, $0xb8;
	[tilespmem:$0x1FA00] =	vst v63  }
0x158: {  	_ =	swait.ge [sflag:s29], $0x1000  }
0x159: {  	[sflag:s29] =	ssyncset.done $0x0  }
0x15a: {  	[sflag:s29] =	ssyncadd.s32 $0xFFFFF000  }
0x15b: {  	_ =	swait.ge [sflag:s31], $0x200  }
0x15c: {  	[sflag:s31] =	ssyncset.done $0x0  }
0x15d: {  	[sflag:s31] =	ssyncadd.s32 $0xFFFFFE00  }
0x15e: {  	_ =	swait.ge [sflag:s2], $0x1000  }
0x15f: {  	[sflag:s2] =	ssyncset.done $0x0  }
0x160: {  	[sflag:s2] =	ssyncadd.s32 $0xFFFFF000  }
0x161: {  	_ =	swait.ge [sflag:s8], $0x200  }
0x162: {  	[sflag:s8] =	ssyncset.done $0x0  }
0x163: {  	[sflag:s8] =	ssyncadd.s32 $0xFFFFFE00  }
0x164: {  	_ =	swait.ge [sflag:s6], $0x1000  }
0x165: {  	[sflag:s6] =	ssyncset.done $0x0  }
0x166: {  	[sflag:s6] =	ssyncadd.s32 $0xFFFFF000  }
0x167: {  	_ =	swait.ge [sflag:s7], $0x200  }
0x168: {  	[sflag:s7] =	ssyncset.done $0x0  }
0x169: {  	[sflag:s7] =	ssyncadd.s32 $0xFFFFFE00  }
0x16a: {  	_ =	swait.ge [sflag:s12], $0x1000  }
0x16b: {  	[sflag:s12] =	ssyncset.done $0x0  }
0x16c: {  	[sflag:s12] =	ssyncadd.s32 $0xFFFFF000  }
0x16d: {  	_ =	swait.ge [sflag:s17], $0x200  }
0x16e: {  	[sflag:s17] =	ssyncset.done $0x0  }
0x16f: {  	[sflag:s17] =	ssyncadd.s32 $0xFFFFFE00  }
0x170: {  	_ =	swait.ge [sflag:s22], $0x1000  }
0x171: {  	[sflag:s22] =	ssyncset.done $0x0  }
0x172: {  	[sflag:s22] =	ssyncadd.s32 $0xFFFFF000  }
0x173: {  	_ =	swait.ge [sflag:s23], $0x200  }
0x174: {  	[sflag:s23] =	ssyncset.done $0x0  }
0x175: {  	[sflag:s23] =	ssyncadd.s32 $0xFFFFFE00  }
0x176: {  	_ =	swait.ge [sflag:s25], $0x1000  }
0x177: {  	[sflag:s25] =	ssyncset.done $0x0  }
0x178: {  	[sflag:s25] =	ssyncadd.s32 $0xFFFFF000  }
0x179: {  	_ =	swait.ge [sflag:s28], $0x200  }
0x17a: {  	[sflag:s28] =	ssyncset.done $0x0  }
0x17b: {  	[sflag:s28] =	ssyncadd.s32 $0xFFFFFE00  }
0x17c: {  	_ =	swait.ge [sflag:s30], $0x1000  }
0x17d: {  	[sflag:s30] =	ssyncset.done $0x0  }
0x17e: {  	[sflag:s30] =	ssyncadd.s32 $0xFFFFF000  }
0x17f: {  	_ =	swait.ge [sflag:s0], $0x200  }
0x180: {  	[sflag:s0] =	ssyncset.done $0x0  }
0x181: {  	[sflag:s0] =	ssyncadd.s32 $0xFFFFFE00  }
0x182: {  	_ =	swait.ge [sflag:s13], $0x1000  }
0x183: {  	[sflag:s13] =	ssyncset.done $0x0  }
0x184: {  	[sflag:s13] =	ssyncadd.s32 $0xFFFFF000  }
0x185: {  	_ =	swait.ge [sflag:s14], $0x200  }
0x186: {  	s26 =	rddreg [dreg:$0x13]  }
0x187: {  	s5 =	sadd.s32 $0x1, s26  }
0x188: {  	p0 =	sne.s32 s5, $0x5  }
.Ltmp1:
0x189: {  	_ = 	snop;
	(pc) =	sbr.rel @p0 .LBB2_2-.Ltmp1, $3  }
0x18a: {  	_ =	sdelay $0x1  }
0x18b: {  	[sflag:s14] =	ssyncset.done $0x0  }
0x18c: {  	s24 =	simm.s32 $0x7000;
	s13 =	simm.s32 $0x10;
	[sflag:s14] =	ssyncadd.s32 $0xFFFFFE00  }
0x18d: {  	[bflag:$0x0] =	sbarrier.arrive $0xFFFF  }
0x18e: {  	s9 =	rddreg [dreg:$0xa]  }
0x18f: {  	s5 =	rddreg [dreg:$0xd]  }
0x190: {  	s11 =	simm.s32 $0x19;
	s6 =	rddreg [dreg:$0x10]  }
0x191: {  	[hbm:s5], [sflag:s9] =	dma.local [spmem:s6], $0x2800  }
0x192: {  	_ =	swait.ge [sflag:s11], $0x2800  }
0x193: {  	[sflag:s11] =	ssyncset.done $0x0;
	s20 =	rddreg [dreg:$0xe]  }
0x194: {  	s2 =	rddreg [dreg:$0x11];
	[sflag:s11] =	ssyncadd.s32 $0xFFFFD800  }
0x195: {  	[hbm:s20], [sflag:s9] =	dma.local [spmem:s2], $0x500  }
0x196: {  	_ =	swait.ge [sflag:s11], $0x500  }
0x197: {  	s0 =	rddreg [dreg:$0x12]  }
0x198: {  	s24 =	rddreg [dreg:$0xf];
	s0 =	sadd.s32 $0x1, s0  }
0x199: {  	p0 =	sne.s32 s0, s24  }
.Ltmp2:
0x19a: {  	_ = 	snop;
	(pc) =	sbr.rel @p0 .LBB2_1-.Ltmp2, $3  }
0x19b: {  	_ =	sdelay $0x1  }
0x19c: {  	s26 =	simm.s32 $0x19;
	[sflag:s11] =	ssyncset.done $0x0  }
0x19d: {  	[sflag:s26] =	ssyncadd.s32 $0xFFFFFB00  }
0x19e: {  	_ =	sfence.sel $0x180000  }
0x19f: {  	[bflag:$0x0] =	sbarrier.arrive $0xFFFF  }
0x1a0: {  	_ =	strace $0x90000047  }
0x1a1: {  	s0 =	stileid.u32;
	[bflag:$0x2] =	sbarrier.arrive $0xFFFF  }
0x1a2: {  	p0 =	sne.s32 s0, $0x0;
	s0 =	rddreg [dreg:$0x5]  }
0x1a3: {  	s0 =	sadd.s32 @!p0 $0x100000, s0  }
0x1a4: {  	[sflag:s0] =	ssyncadd.tile.s32 @!p0 $0x1;
	_ =	shalt  }
.Lfunc_end2:
_tile_overlayer_lowered:
.L_overlay_start_2:
0x1a5: {  	(tag) =	ssettag $0x2  }
0x1a6: {  	s0 =	rddreg [dreg:$0x0];
	s2 =	stileid.u32  }
0x1a7: {  	s1 =	rddreg [dreg:$0x1];
	p0 =	sne.s32 s2, $0x0  }
0x1a8: {  	s3 =	rddreg [dreg:$0x2];
	[bflag:$0x3] =	sbarrier.arrive $0xFFFF;
	s2 =	simm.s32 @!p0 $0x1C19  }
0x1a9: {  	[timem:s3], [sflag:s2] =	dma.local @!p0 [hbm:s0], s1  }
0x1aa: {  	s0 =	simm.s32 @!p0 $0x19  }
0x1ab: {  	_ =	swait.ge @!p0 [sflag:s0], s1  }
0x1ac: {  	s1 =	ssub.s32 @!p0 $0x0, s1;
	[sflag:s0] =	ssyncset.done @!p0 $0x0  }
0x1ad: {  	[sflag:s0] =	ssyncadd.s32 @!p0 s1  }
0x1ae: {  	[bflag:$0x3] =	sbarrier.arrive $0xFFFF  }
0x1af: {  	_ =	shalt  }

</sc_bundles>
